<compile_context>
chip_gen: v7x
topology: tpu7x:2x2x1
jax: 0.10.2.dev20260603
libtpu: 0.0.44.dev20260713+nightly
codegen_flags: <defaults>
</compile_context>

<pallas_src>
import functools

import jax
import jax.numpy as jnp
from jax import lax
from jax.experimental import pallas as pl
from jax.experimental.pallas import tpu as pltpu
from jax.experimental.pallas import tpu_sc as plsc



def _s1_body(x_ref, w1_ref, o_ref):
    o_ref[...] = jnp.dot(x_ref[...], w1_ref[...],
                         preferred_element_type=jnp.float32)


def _layer1_body(adj_ref, s1_ref, b1_ref, w2_ref, t_ref):
    h = jnp.dot(adj_ref[...], s1_ref[...], preferred_element_type=jnp.float32)
    h = jnp.maximum(h + b1_ref[...], 0.0)
    t_ref[...] = jnp.dot(h, w2_ref[...], preferred_element_type=jnp.float32)


def _layer2_body(adj_ref, t_ref, b2_ref, dm_ref, e_ref):
    e = jnp.dot(adj_ref[...], t_ref[...], preferred_element_type=jnp.float32)
    e_ref[...] = (e + b2_ref[...]) * jnp.sqrt(dm_ref[...])


def _pick_bm(n):
    for bm in (400, 256, 200, 128, 80, 40, 16, 8):
        if n % bm == 0:
            return bm
    return n


def _gcn_embeds(x, adj, w1, b1, w2, b2, distmult):
    n, feat = x.shape
    hid = w1.shape[1]
    out = w2.shape[1]
    bm = _pick_bm(n)

    s1 = pl.pallas_call(
        _s1_body,
        out_shape=jax.ShapeDtypeStruct((n, hid), jnp.float32),
        grid=(n // bm,),
        in_specs=[pl.BlockSpec((bm, feat), lambda i: (i, 0)),
                  pl.BlockSpec((feat, hid), lambda i: (0, 0))],
        out_specs=pl.BlockSpec((bm, hid), lambda i: (i, 0)),
    )(x, w1)

    t = pl.pallas_call(
        _layer1_body,
        out_shape=jax.ShapeDtypeStruct((n, out), jnp.float32),
        grid=(n // bm,),
        in_specs=[pl.BlockSpec((bm, n), lambda i: (i, 0)),
                  pl.BlockSpec((n, hid), lambda i: (0, 0)),
                  pl.BlockSpec((hid,), lambda i: (0,)),
                  pl.BlockSpec((hid, out), lambda i: (0, 0))],
        out_specs=pl.BlockSpec((bm, out), lambda i: (i, 0)),
    )(adj, s1, b1, w2)

    e = pl.pallas_call(
        _layer2_body,
        out_shape=jax.ShapeDtypeStruct((n, out), jnp.float32),
        grid=(n // bm,),
        in_specs=[pl.BlockSpec((bm, n), lambda i: (i, 0)),
                  pl.BlockSpec((n, out), lambda i: (0, 0)),
                  pl.BlockSpec((out,), lambda i: (0,)),
                  pl.BlockSpec((out,), lambda i: (0,))],
        out_specs=pl.BlockSpec((bm, out), lambda i: (i, 0)),
    )(adj, t, b2, distmult)

    return e



_CHUNK = 400


def _lane_take(x, idx):
    dnums = lax.GatherDimensionNumbers(
        offset_dims=(), collapsed_slice_dims=(0,), start_index_map=(0,))
    return lax.gather(x, idx[:, None], dnums, slice_sizes=(1,),
                      mode=lax.GatherScatterMode.PROMISE_IN_BOUNDS)


@functools.lru_cache(maxsize=None)
def _make_score_kernel(n, out, p_pad):
    info = plsc.get_sparse_core_info()
    nw = info.num_cores * info.num_subcores
    per_w = p_pad // nw
    chunk = _CHUNK
    n_chunks = per_w // chunk
    nlan = info.num_lanes

    mesh = plsc.VectorSubcoreMesh(core_axis_name="c", subcore_axis_name="s")

    @functools.partial(
        pl.kernel,
        out_type=jax.ShapeDtypeStruct((p_pad,), jnp.float32),
        mesh=mesh,
        scratch_types=[
            pltpu.VMEM((chunk,), jnp.int32),
            pltpu.VMEM((chunk,), jnp.int32),
            pltpu.VMEM((chunk, out), jnp.float32),
            pltpu.VMEM((chunk, out), jnp.float32),
            pltpu.VMEM((chunk,), jnp.float32),
            pltpu.SemaphoreType.DMA,
            pltpu.SemaphoreType.DMA,
        ],
    )
    def score(table, src, dst, o_hbm, sidx, didx, srows, drows, ovec,
              sem_s, sem_d):
        wid = lax.axis_index("s") * info.num_cores + lax.axis_index("c")
        base_w = wid * per_w
        lanes = lax.iota(jnp.int32, nlan)
        perms = [lanes ^ sh for sh in (8, 4, 2, 1)]
        for ci in range(n_chunks):
            base = base_w + ci * chunk
            pltpu.sync_copy(src.at[pl.ds(base, chunk)], sidx)
            pltpu.sync_copy(dst.at[pl.ds(base, chunk)], didx)
            cps = pltpu.async_copy(table.at[sidx], srows, sem_s)
            cpd = pltpu.async_copy(table.at[didx], drows, sem_d)
            cps.wait()
            cpd.wait()

            def group(g, carry):
                unroll = 4

                def pairs(i4, res):
                    accs = []
                    for u in range(unroll):
                        pr = g * nlan + i4 * unroll + u
                        acc = (srows[pr, pl.ds(0, nlan)]
                               * drows[pr, pl.ds(0, nlan)])
                        for j in range(1, out // nlan):
                            acc = acc + (srows[pr, pl.ds(j * nlan, nlan)]
                                         * drows[pr, pl.ds(j * nlan, nlan)])
                        for perm in perms:
                            acc = acc + _lane_take(acc, perm)
                        accs.append(acc)
                    for u in range(unroll):
                        res = jnp.where(lanes == i4 * unroll + u,
                                        accs[u], res)
                    return res

                res = lax.fori_loop(0, nlan // unroll, pairs,
                                    jnp.zeros((nlan,), jnp.float32))
                ovec[pl.ds(g * nlan, nlan)] = res
                return carry

            lax.fori_loop(0, chunk // nlan, group, 0)
            pltpu.sync_copy(ovec, o_hbm.at[pl.ds(base, chunk)])

    return score



def kernel(x, adj, to_pred, W1, b1, W2, b2, distmult):
    n = x.shape[0]
    out = W2.shape[1]
    p = to_pred.shape[0]

    e = _gcn_embeds(x, adj, W1, b1, W2, b2, distmult)

    info = plsc.get_sparse_core_info()
    nw = info.num_cores * info.num_subcores
    unit = nw * _CHUNK
    p_pad = ((p + unit - 1) // unit) * unit

    src = to_pred[:, 0]
    dst = to_pred[:, 1]
    if p_pad != p:
        zpad = jnp.zeros((p_pad - p,), jnp.int32)
        src = jnp.concatenate([src, zpad])
        dst = jnp.concatenate([dst, zpad])

    scores = _make_score_kernel(n, out, p_pad)(e, src, dst)
    return scores[:p]

# --- scband reference (transcript-rebuilt; emitter-appended) ---
"""Pipeline reference for scband-gcnlink-16303695856288 (READ-ONLY COPY).

The authoritative reference and input builder live on the scoring server;
editing this copy changes nothing except your own understanding.
"""

import jax, jax.numpy as jnp
import numpy as np

N, FEAT, HID, OUT, P = 10000, 256, 256, 128, 100000

def setup_inputs(seed: int = 0) -> dict:
    key = jax.random.key(seed)
    ks = jax.random.split(key, 8)
    x = jax.random.normal(ks[0], (N, FEAT), dtype=jnp.float32)
    adj = jax.random.uniform(ks[1], (N, N), dtype=jnp.float32)
    to_pred = jax.random.randint(ks[2], (P, 2), 0, N, dtype=jnp.int32)
    W1 = jax.random.normal(ks[3], (FEAT, HID), dtype=jnp.float32) * 0.05
    b1 = jnp.zeros((HID,), dtype=jnp.float32)
    W2 = jax.random.normal(ks[4], (HID, OUT), dtype=jnp.float32) * 0.05
    b2 = jnp.zeros((OUT,), dtype=jnp.float32)
    distmult = jax.random.uniform(ks[5], (OUT,), dtype=jnp.float32)
    return {"x": x, "adj": adj, "to_pred": to_pred, "W1": W1, "b1": b1, "W2": W2, "b2": b2, "distmult": distmult}

def reference(x, adj, to_pred, W1, b1, W2, b2, distmult):
    # GraphConvolution layer 1: support = x @ W; out = adj @ support + b
    h = adj @ (x @ W1) + b1
    h = jnp.maximum(h, 0.0)
    # dropout is identity in eval mode
    # GraphConvolution layer 2
    embeds = adj @ (h @ W2) + b2
    # DistMult link scoring
    src = jnp.take(embeds, to_pred[:, 0], axis=0)
    dst = jnp.take(embeds, to_pred[:, 1], axis=0)
    dot = jnp.sum(src * distmult[None, :] * dst, axis=1)
    return dot

if __name__ == "__main__":
    import jax
    _d = setup_inputs()
    print(jax.jit(kernel)(*tuple(_d.values())))

</pallas_src>

<mosaic_0001>
#map = affine_map<(d0, d1) -> (0, 0)>
#map1 = affine_map<(d0, d1) -> (0)>
module attributes {stable_mosaic.version = 14 : i64} {
  func.func @score(%arg0: i32, %arg1: i32, %arg2: memref<10000x128xf32, #tpu.memory_space<hbm>>, %arg3: memref<102400xi32, #tpu.memory_space<hbm>>, %arg4: memref<102400xi32, #tpu.memory_space<hbm>>, %arg5: memref<102400xf32, #tpu.memory_space<hbm>>, %arg6: memref<400xi32, #tpu.memory_space<vmem>>, %arg7: memref<400xi32, #tpu.memory_space<vmem>>, %arg8: memref<400x128xf32, #tpu.memory_space<vmem>>, %arg9: memref<400x128xf32, #tpu.memory_space<vmem>>, %arg10: memref<400xf32, #tpu.memory_space<vmem>>, %arg11: memref<!tpu.dma_semaphore, #tpu.memory_space<semaphore_mem>>, %arg12: memref<!tpu.dma_semaphore, #tpu.memory_space<semaphore_mem>>) attributes {dimension_semantics = [#tpu.dimension_semantics<core_parallel>, #tpu.dimension_semantics<subcore_parallel>], iteration_bounds = array<i64: 2, 16>, scalar_prefetch = 0 : i64, scratch_operands = 7 : i64, tpu.core_type = #tpu.core_type<sc_vector_subcore>, window_params = [{transform_indices = #map}, {transform_indices = #map1}, {transform_indices = #map1}, {transform_indices = #map1}]} {
    %mul3A = arith.constant 2 : i32
    %mul3A_0 = arith.muli %arg1, %mul3A : i32
    %add3A = arith.addi %mul3A_0, %arg0 : i32
    %mul3A_1 = arith.constant 3200 : i32
    %mul3A_2 = arith.muli %add3A, %mul3A_1 : i32
    %iota3A = tpu.iota {dimensions = array<i32: 0>} : vector<16xi32>
    %xor3A = arith.constant 8 : i32
    %xor3A_3 = vector.broadcast %xor3A : i32 to vector<16xi32>
    %xor3A_4 = arith.xori %iota3A, %xor3A_3 : vector<16xi32>
    %xor3A_5 = arith.constant 4 : i32
    %xor3A_6 = vector.broadcast %xor3A_5 : i32 to vector<16xi32>
    %xor3A_7 = arith.xori %iota3A, %xor3A_6 : vector<16xi32>
    %xor3A_8 = arith.constant 2 : i32
    %xor3A_9 = vector.broadcast %xor3A_8 : i32 to vector<16xi32>
    %xor3A_10 = arith.xori %iota3A, %xor3A_9 : vector<16xi32>
    %xor3A_11 = arith.constant 1 : i32
    %xor3A_12 = vector.broadcast %xor3A_11 : i32 to vector<16xi32>
    %xor3A_13 = arith.xori %iota3A, %xor3A_12 : vector<16xi32>
    %add3A_14 = arith.constant 0 : i32
    %add3A_15 = arith.addi %mul3A_2, %add3A_14 : i32
    "tpu.region"() ({
      %run_scoped3A = tpu.sem_alloc : memref<!tpu.dma_semaphore, #tpu.memory_space<semaphore_mem>>
      %dma_start3A_171 = tpu.memref_slice %arg3[%add3A_15] : memref<102400xi32, #tpu.memory_space<hbm>> -> memref<400xi32, #tpu.memory_space<hbm>>
      %dma_start3A_172 = tpu.memref_slice %arg3[%add3A_15] : memref<102400xi32, #tpu.memory_space<hbm>> -> memref<400xi32, #tpu.memory_space<hbm>>
      tpu.enqueue_dma source(%dma_start3A_172 : memref<400xi32, #tpu.memory_space<hbm>>) target(%arg6 : memref<400xi32, #tpu.memory_space<vmem>>) target_semaphore(%run_scoped3A : memref<!tpu.dma_semaphore, #tpu.memory_space<semaphore_mem>>)
      %dma_wait3A_173 = tpu.memref_slice %arg3[%add3A_15] : memref<102400xi32, #tpu.memory_space<hbm>> -> memref<400xi32, #tpu.memory_space<hbm>>
      %dma_wait3A_174 = tpu.memref_slice %arg3[%add3A_15] : memref<102400xi32, #tpu.memory_space<hbm>> -> memref<400xi32, #tpu.memory_space<hbm>>
      tpu.wait_dma2 semaphore(%run_scoped3A : memref<!tpu.dma_semaphore, #tpu.memory_space<semaphore_mem>>) src(%dma_wait3A_174 : memref<400xi32, #tpu.memory_space<hbm>>) dst(%arg6 : memref<400xi32, #tpu.memory_space<vmem>>)
      tpu.yield
    }) : () -> ()
    "tpu.region"() ({
      %run_scoped3A = tpu.sem_alloc : memref<!tpu.dma_semaphore, #tpu.memory_space<semaphore_mem>>
      %dma_start3A_171 = tpu.memref_slice %arg4[%add3A_15] : memref<102400xi32, #tpu.memory_space<hbm>> -> memref<400xi32, #tpu.memory_space<hbm>>
      %dma_start3A_172 = tpu.memref_slice %arg4[%add3A_15] : memref<102400xi32, #tpu.memory_space<hbm>> -> memref<400xi32, #tpu.memory_space<hbm>>
      tpu.enqueue_dma source(%dma_start3A_172 : memref<400xi32, #tpu.memory_space<hbm>>) target(%arg7 : memref<400xi32, #tpu.memory_space<vmem>>) target_semaphore(%run_scoped3A : memref<!tpu.dma_semaphore, #tpu.memory_space<semaphore_mem>>)
      %dma_wait3A_173 = tpu.memref_slice %arg4[%add3A_15] : memref<102400xi32, #tpu.memory_space<hbm>> -> memref<400xi32, #tpu.memory_space<hbm>>
      %dma_wait3A_174 = tpu.memref_slice %arg4[%add3A_15] : memref<102400xi32, #tpu.memory_space<hbm>> -> memref<400xi32, #tpu.memory_space<hbm>>
      tpu.wait_dma2 semaphore(%run_scoped3A : memref<!tpu.dma_semaphore, #tpu.memory_space<semaphore_mem>>) src(%dma_wait3A_174 : memref<400xi32, #tpu.memory_space<hbm>>) dst(%arg7 : memref<400xi32, #tpu.memory_space<vmem>>)
      tpu.yield
    }) : () -> ()
    %dma_start3A = arith.constant 0 : i32
    %dma_start3A_16 = arith.constant 0 : i32
    %dma_start3A_17 = tpu.memref_slice %arg2[%dma_start3A, %dma_start3A_16] : memref<10000x128xf32, #tpu.memory_space<hbm>> -> memref<10000x128xf32, #tpu.memory_space<hbm>>
    tpu.enqueue_indirect_dma source(%dma_start3A_17 : memref<10000x128xf32, #tpu.memory_space<hbm>>) target(%arg8 : memref<400x128xf32, #tpu.memory_space<vmem>>) offsets(%arg6 : memref<400xi32, #tpu.memory_space<vmem>>) semaphore(%arg11 : memref<!tpu.dma_semaphore, #tpu.memory_space<semaphore_mem>>)
    %dma_start3A_18 = arith.constant 0 : i32
    %dma_start3A_19 = arith.constant 0 : i32
    %dma_start3A_20 = tpu.memref_slice %arg2[%dma_start3A_18, %dma_start3A_19] : memref<10000x128xf32, #tpu.memory_space<hbm>> -> memref<10000x128xf32, #tpu.memory_space<hbm>>
    tpu.enqueue_indirect_dma source(%dma_start3A_20 : memref<10000x128xf32, #tpu.memory_space<hbm>>) target(%arg9 : memref<400x128xf32, #tpu.memory_space<vmem>>) offsets(%arg7 : memref<400xi32, #tpu.memory_space<vmem>>) semaphore(%arg12 : memref<!tpu.dma_semaphore, #tpu.memory_space<semaphore_mem>>)
    %dma_wait3A = arith.constant 0 : i32
    %dma_wait3A_21 = arith.constant 0 : i32
    %dma_wait3A_22 = tpu.memref_slice %arg2[%dma_wait3A, %dma_wait3A_21] : memref<10000x128xf32, #tpu.memory_space<hbm>> -> memref<10000x128xf32, #tpu.memory_space<hbm>>
    tpu.wait_indirect_dma semaphore(%arg11 : memref<!tpu.dma_semaphore, #tpu.memory_space<semaphore_mem>>) src(%dma_wait3A_22 : memref<10000x128xf32, #tpu.memory_space<hbm>>) dst(%arg8 : memref<400x128xf32, #tpu.memory_space<vmem>>)
    %dma_wait3A_23 = arith.constant 0 : i32
    %dma_wait3A_24 = arith.constant 0 : i32
    %dma_wait3A_25 = tpu.memref_slice %arg2[%dma_wait3A_23, %dma_wait3A_24] : memref<10000x128xf32, #tpu.memory_space<hbm>> -> memref<10000x128xf32, #tpu.memory_space<hbm>>
    tpu.wait_indirect_dma semaphore(%arg12 : memref<!tpu.dma_semaphore, #tpu.memory_space<semaphore_mem>>) src(%dma_wait3A_25 : memref<10000x128xf32, #tpu.memory_space<hbm>>) dst(%arg9 : memref<400x128xf32, #tpu.memory_space<vmem>>)
    %scan3A = arith.constant 0 : i32
    %scan3A_26 = arith.constant 0 : i32
    %scan3A_27 = arith.constant 25 : i32
    %scan3A_28 = arith.addi %scan3A_26, %scan3A_27 : i32
    %scan3A_29 = arith.constant 1 : i32
    scf.for %scan3A_171 = %scan3A_26 to %scan3A_28 step %scan3A_29  : i32 {
      %broadcast_in_dim3A = arith.constant 0.000000e+00 : f32
      %broadcast_in_dim3A_172 = vector.broadcast %broadcast_in_dim3A : f32 to vector<16xf32>
      %scan3A_173 = arith.constant 0 : i32
      %scan3A_174 = arith.constant 4 : i32
      %scan3A_175 = arith.addi %scan3A_173, %scan3A_174 : i32
      %scan3A_176 = arith.constant 1 : i32
      %scan3A_177 = scf.for %scan3A_184 = %scan3A_173 to %scan3A_175 step %scan3A_176 iter_args(%scan3A_185 = %broadcast_in_dim3A_172) -> (vector<16xf32>)  : i32 {
        %mul3A_186 = arith.constant 16 : i32
        %mul3A_187 = arith.muli %scan3A_171, %mul3A_186 : i32
        %mul3A_188 = arith.constant 4 : i32
        %mul3A_189 = arith.muli %scan3A_184, %mul3A_188 : i32
        %add3A_190 = arith.addi %mul3A_187, %mul3A_189 : i32
        %add3A_191 = arith.constant 0 : i32
        %add3A_192 = arith.addi %add3A_190, %add3A_191 : i32
        %get3A = arith.index_cast %add3A_192 : i32 to index
        %get3A_193 = arith.constant 0 : index
        %get3A_194 = tpu.vector_load %arg8[%get3A, %get3A_193] {strides = array<i32>} : memref<400x128xf32, #tpu.memory_space<vmem>>, vector<1x16xf32>,
        %get3A_195 = vector.shape_cast %get3A_194 : vector<1x16xf32> to vector<16xf32>
        %get3A_196 = arith.index_cast %add3A_192 : i32 to index
        %get3A_197 = arith.constant 0 : index
        %get3A_198 = tpu.vector_load %arg9[%get3A_196, %get3A_197] {strides = array<i32>} : memref<400x128xf32, #tpu.memory_space<vmem>>, vector<1x16xf32>,
        %get3A_199 = vector.shape_cast %get3A_198 : vector<1x16xf32> to vector<16xf32>
        %mul3A_200 = arith.mulf %get3A_195, %get3A_199 : vector<16xf32>
        %get3A_201 = arith.index_cast %add3A_192 : i32 to index
        %get3A_202 = arith.constant 16 : index
        %get3A_203 = tpu.vector_load %arg8[%get3A_201, %get3A_202] {strides = array<i32>} : memref<400x128xf32, #tpu.memory_space<vmem>>, vector<1x16xf32>,
        %get3A_204 = vector.shape_cast %get3A_203 : vector<1x16xf32> to vector<16xf32>
        %get3A_205 = arith.index_cast %add3A_192 : i32 to index
        %get3A_206 = arith.constant 16 : index
        %get3A_207 = tpu.vector_load %arg9[%get3A_205, %get3A_206] {strides = array<i32>} : memref<400x128xf32, #tpu.memory_space<vmem>>, vector<1x16xf32>,
        %get3A_208 = vector.shape_cast %get3A_207 : vector<1x16xf32> to vector<16xf32>
        %mul3A_209 = arith.mulf %get3A_204, %get3A_208 : vector<16xf32>
        %add3A_210 = arith.addf %mul3A_200, %mul3A_209 : vector<16xf32>
        %get3A_211 = arith.index_cast %add3A_192 : i32 to index
        %get3A_212 = arith.constant 32 : index
        %get3A_213 = tpu.vector_load %arg8[%get3A_211, %get3A_212] {strides = array<i32>} : memref<400x128xf32, #tpu.memory_space<vmem>>, vector<1x16xf32>,
        %get3A_214 = vector.shape_cast %get3A_213 : vector<1x16xf32> to vector<16xf32>
        %get3A_215 = arith.index_cast %add3A_192 : i32 to index
        %get3A_216 = arith.constant 32 : index
        %get3A_217 = tpu.vector_load %arg9[%get3A_215, %get3A_216] {strides = array<i32>} : memref<400x128xf32, #tpu.memory_space<vmem>>, vector<1x16xf32>,
        %get3A_218 = vector.shape_cast %get3A_217 : vector<1x16xf32> to vector<16xf32>
        %mul3A_219 = arith.mulf %get3A_214, %get3A_218 : vector<16xf32>
        %add3A_220 = arith.addf %add3A_210, %mul3A_219 : vector<16xf32>
        %get3A_221 = arith.index_cast %add3A_192 : i32 to index
        %get3A_222 = arith.constant 48 : index
        %get3A_223 = tpu.vector_load %arg8[%get3A_221, %get3A_222] {strides = array<i32>} : memref<400x128xf32, #tpu.memory_space<vmem>>, vector<1x16xf32>,
        %get3A_224 = vector.shape_cast %get3A_223 : vector<1x16xf32> to vector<16xf32>
        %get3A_225 = arith.index_cast %add3A_192 : i32 to index
        %get3A_226 = arith.constant 48 : index
        %get3A_227 = tpu.vector_load %arg9[%get3A_225, %get3A_226] {strides = array<i32>} : memref<400x128xf32, #tpu.memory_space<vmem>>, vector<1x16xf32>,
        %get3A_228 = vector.shape_cast %get3A_227 : vector<1x16xf32> to vector<16xf32>
        %mul3A_229 = arith.mulf %get3A_224, %get3A_228 : vector<16xf32>
        %add3A_230 = arith.addf %add3A_220, %mul3A_229 : vector<16xf32>
        %get3A_231 = arith.index_cast %add3A_192 : i32 to index
        %get3A_232 = arith.constant 64 : index
        %get3A_233 = tpu.vector_load %arg8[%get3A_231, %get3A_232] {strides = array<i32>} : memref<400x128xf32, #tpu.memory_space<vmem>>, vector<1x16xf32>,
        %get3A_234 = vector.shape_cast %get3A_233 : vector<1x16xf32> to vector<16xf32>
        %get3A_235 = arith.index_cast %add3A_192 : i32 to index
        %get3A_236 = arith.constant 64 : index
        %get3A_237 = tpu.vector_load %arg9[%get3A_235, %get3A_236] {strides = array<i32>} : memref<400x128xf32, #tpu.memory_space<vmem>>, vector<1x16xf32>,
        %get3A_238 = vector.shape_cast %get3A_237 : vector<1x16xf32> to vector<16xf32>
        %mul3A_239 = arith.mulf %get3A_234, %get3A_238 : vector<16xf32>
        %add3A_240 = arith.addf %add3A_230, %mul3A_239 : vector<16xf32>
        %get3A_241 = arith.index_cast %add3A_192 : i32 to index
        %get3A_242 = arith.constant 80 : index
        %get3A_243 = tpu.vector_load %arg8[%get3A_241, %get3A_242] {strides = array<i32>} : memref<400x128xf32, #tpu.memory_space<vmem>>, vector<1x16xf32>,
        %get3A_244 = vector.shape_cast %get3A_243 : vector<1x16xf32> to vector<16xf32>
        %get3A_245 = arith.index_cast %add3A_192 : i32 to index
        %get3A_246 = arith.constant 80 : index
        %get3A_247 = tpu.vector_load %arg9[%get3A_245, %get3A_246] {strides = array<i32>} : memref<400x128xf32, #tpu.memory_space<vmem>>, vector<1x16xf32>,
        %get3A_248 = vector.shape_cast %get3A_247 : vector<1x16xf32> to vector<16xf32>
        %mul3A_249 = arith.mulf %get3A_244, %get3A_248 : vector<16xf32>
        %add3A_250 = arith.addf %add3A_240, %mul3A_249 : vector<16xf32>
        %get3A_251 = arith.index_cast %add3A_192 : i32 to index
        %get3A_252 = arith.constant 96 : index
        %get3A_253 = tpu.vector_load %arg8[%get3A_251, %get3A_252] {strides = array<i32>} : memref<400x128xf32, #tpu.memory_space<vmem>>, vector<1x16xf32>,
        %get3A_254 = vector.shape_cast %get3A_253 : vector<1x16xf32> to vector<16xf32>
        %get3A_255 = arith.index_cast %add3A_192 : i32 to index
        %get3A_256 = arith.constant 96 : index
        %get3A_257 = tpu.vector_load %arg9[%get3A_255, %get3A_256] {strides = array<i32>} : memref<400x128xf32, #tpu.memory_space<vmem>>, vector<1x16xf32>,
        %get3A_258 = vector.shape_cast %get3A_257 : vector<1x16xf32> to vector<16xf32>
        %mul3A_259 = arith.mulf %get3A_254, %get3A_258 : vector<16xf32>
        %add3A_260 = arith.addf %add3A_250, %mul3A_259 : vector<16xf32>
        %get3A_261 = arith.index_cast %add3A_192 : i32 to index
        %get3A_262 = arith.constant 112 : index
        %get3A_263 = tpu.vector_load %arg8[%get3A_261, %get3A_262] {strides = array<i32>} : memref<400x128xf32, #tpu.memory_space<vmem>>, vector<1x16xf32>,
        %get3A_264 = vector.shape_cast %get3A_263 : vector<1x16xf32> to vector<16xf32>
        %get3A_265 = arith.index_cast %add3A_192 : i32 to index
        %get3A_266 = arith.constant 112 : index
        %get3A_267 = tpu.vector_load %arg9[%get3A_265, %get3A_266] {strides = array<i32>} : memref<400x128xf32, #tpu.memory_space<vmem>>, vector<1x16xf32>,
        %get3A_268 = vector.shape_cast %get3A_267 : vector<1x16xf32> to vector<16xf32>
        %mul3A_269 = arith.mulf %get3A_264, %get3A_268 : vector<16xf32>
        %add3A_270 = arith.addf %add3A_260, %mul3A_269 : vector<16xf32>
        %broadcast_in_dim3A_271 = vector.shape_cast %xor3A_4 : vector<16xi32> to vector<16x1xi32>
        %gather3A = vector.shape_cast %broadcast_in_dim3A_271 : vector<16x1xi32> to vector<16xi32>
        %gather3A_272 = tpu.dynamic_gather %add3A_270[%gather3A] in [0] : vector<16xf32>, vector<16xi32> -> vector<16xf32>
        %add3A_273 = arith.addf %add3A_270, %gather3A_272 : vector<16xf32>
        %broadcast_in_dim3A_274 = vector.shape_cast %xor3A_7 : vector<16xi32> to vector<16x1xi32>
        %gather3A_275 = vector.shape_cast %broadcast_in_dim3A_274 : vector<16x1xi32> to vector<16xi32>
        %gather3A_276 = tpu.dynamic_gather %add3A_273[%gather3A_275] in [0] : vector<16xf32>, vector<16xi32> -> vector<16xf32>
        %add3A_277 = arith.addf %add3A_273, %gather3A_276 : vector<16xf32>
        %broadcast_in_dim3A_278 = vector.shape_cast %xor3A_10 : vector<16xi32> to vector<16x1xi32>
        %gather3A_279 = vector.shape_cast %broadcast_in_dim3A_278 : vector<16x1xi32> to vector<16xi32>
        %gather3A_280 = tpu.dynamic_gather %add3A_277[%gather3A_279] in [0] : vector<16xf32>, vector<16xi32> -> vector<16xf32>
        %add3A_281 = arith.addf %add3A_277, %gather3A_280 : vector<16xf32>
        %broadcast_in_dim3A_282 = vector.shape_cast %xor3A_13 : vector<16xi32> to vector<16x1xi32>
        %gather3A_283 = vector.shape_cast %broadcast_in_dim3A_282 : vector<16x1xi32> to vector<16xi32>
        %gather3A_284 = tpu.dynamic_gather %add3A_281[%gather3A_283] in [0] : vector<16xf32>, vector<16xi32> -> vector<16xf32>
        %add3A_285 = arith.addf %add3A_281, %gather3A_284 : vector<16xf32>
        %mul3A_286 = arith.constant 16 : i32
        %mul3A_287 = arith.muli %scan3A_171, %mul3A_286 : i32
        %mul3A_288 = arith.constant 4 : i32
        %mul3A_289 = arith.muli %scan3A_184, %mul3A_288 : i32
        %add3A_290 = arith.addi %mul3A_287, %mul3A_289 : i32
        %add3A_291 = arith.constant 1 : i32
        %add3A_292 = arith.addi %add3A_290, %add3A_291 : i32
        %get3A_293 = arith.index_cast %add3A_292 : i32 to index
        %get3A_294 = arith.constant 0 : index
        %get3A_295 = tpu.vector_load %arg8[%get3A_293, %get3A_294] {strides = array<i32>} : memref<400x128xf32, #tpu.memory_space<vmem>>, vector<1x16xf32>,
        %get3A_296 = vector.shape_cast %get3A_295 : vector<1x16xf32> to vector<16xf32>
        %get3A_297 = arith.index_cast %add3A_292 : i32 to index
        %get3A_298 = arith.constant 0 : index
        %get3A_299 = tpu.vector_load %arg9[%get3A_297, %get3A_298] {strides = array<i32>} : memref<400x128xf32, #tpu.memory_space<vmem>>, vector<1x16xf32>,
        %get3A_300 = vector.shape_cast %get3A_299 : vector<1x16xf32> to vector<16xf32>
        %mul3A_301 = arith.mulf %get3A_296, %get3A_300 : vector<16xf32>
        %get3A_302 = arith.index_cast %add3A_292 : i32 to index
        %get3A_303 = arith.constant 16 : index
        %get3A_304 = tpu.vector_load %arg8[%get3A_302, %get3A_303] {strides = array<i32>} : memref<400x128xf32, #tpu.memory_space<vmem>>, vector<1x16xf32>,
        %get3A_305 = vector.shape_cast %get3A_304 : vector<1x16xf32> to vector<16xf32>
        %get3A_306 = arith.index_cast %add3A_292 : i32 to index
        %get3A_307 = arith.constant 16 : index
        %get3A_308 = tpu.vector_load %arg9[%get3A_306, %get3A_307] {strides = array<i32>} : memref<400x128xf32, #tpu.memory_space<vmem>>, vector<1x16xf32>,
        %get3A_309 = vector.shape_cast %get3A_308 : vector<1x16xf32> to vector<16xf32>
        %mul3A_310 = arith.mulf %get3A_305, %get3A_309 : vector<16xf32>
        %add3A_311 = arith.addf %mul3A_301, %mul3A_310 : vector<16xf32>
        %get3A_312 = arith.index_cast %add3A_292 : i32 to index
        %get3A_313 = arith.constant 32 : index
        %get3A_314 = tpu.vector_load %arg8[%get3A_312, %get3A_313] {strides = array<i32>} : memref<400x128xf32, #tpu.memory_space<vmem>>, vector<1x16xf32>,
        %get3A_315 = vector.shape_cast %get3A_314 : vector<1x16xf32> to vector<16xf32>
        %get3A_316 = arith.index_cast %add3A_292 : i32 to index
        %get3A_317 = arith.constant 32 : index
        %get3A_318 = tpu.vector_load %arg9[%get3A_316, %get3A_317] {strides = array<i32>} : memref<400x128xf32, #tpu.memory_space<vmem>>, vector<1x16xf32>,
        %get3A_319 = vector.shape_cast %get3A_318 : vector<1x16xf32> to vector<16xf32>
        %mul3A_320 = arith.mulf %get3A_315, %get3A_319 : vector<16xf32>
        %add3A_321 = arith.addf %add3A_311, %mul3A_320 : vector<16xf32>
        %get3A_322 = arith.index_cast %add3A_292 : i32 to index
        %get3A_323 = arith.constant 48 : index
        %get3A_324 = tpu.vector_load %arg8[%get3A_322, %get3A_323] {strides = array<i32>} : memref<400x128xf32, #tpu.memory_space<vmem>>, vector<1x16xf32>,
        %get3A_325 = vector.shape_cast %get3A_324 : vector<1x16xf32> to vector<16xf32>
        %get3A_326 = arith.index_cast %add3A_292 : i32 to index
        %get3A_327 = arith.constant 48 : index
        %get3A_328 = tpu.vector_load %arg9[%get3A_326, %get3A_327] {strides = array<i32>} : memref<400x128xf32, #tpu.memory_space<vmem>>, vector<1x16xf32>,
        %get3A_329 = vector.shape_cast %get3A_328 : vector<1x16xf32> to vector<16xf32>
        %mul3A_330 = arith.mulf %get3A_325, %get3A_329 : vector<16xf32>
        %add3A_331 = arith.addf %add3A_321, %mul3A_330 : vector<16xf32>
        %get3A_332 = arith.index_cast %add3A_292 : i32 to index
        %get3A_333 = arith.constant 64 : index
        %get3A_334 = tpu.vector_load %arg8[%get3A_332, %get3A_333] {strides = array<i32>} : memref<400x128xf32, #tpu.memory_space<vmem>>, vector<1x16xf32>,
        %get3A_335 = vector.shape_cast %get3A_334 : vector<1x16xf32> to vector<16xf32>
        %get3A_336 = arith.index_cast %add3A_292 : i32 to index
        %get3A_337 = arith.constant 64 : index
        %get3A_338 = tpu.vector_load %arg9[%get3A_336, %get3A_337] {strides = array<i32>} : memref<400x128xf32, #tpu.memory_space<vmem>>, vector<1x16xf32>,
        %get3A_339 = vector.shape_cast %get3A_338 : vector<1x16xf32> to vector<16xf32>
        %mul3A_340 = arith.mulf %get3A_335, %get3A_339 : vector<16xf32>
        %add3A_341 = arith.addf %add3A_331, %mul3A_340 : vector<16xf32>
        %get3A_342 = arith.index_cast %add3A_292 : i32 to index
        %get3A_343 = arith.constant 80 : index
        %get3A_344 = tpu.vector_load %arg8[%get3A_342, %get3A_343] {strides = array<i32>} : memref<400x128xf32, #tpu.memory_space<vmem>>, vector<1x16xf32>,
        %get3A_345 = vector.shape_cast %get3A_344 : vector<1x16xf32> to vector<16xf32>
        %get3A_346 = arith.index_cast %add3A_292 : i32 to index
        %get3A_347 = arith.constant 80 : index
        %get3A_348 = tpu.vector_load %arg9[%get3A_346, %get3A_347] {strides = array<i32>} : memref<400x128xf32, #tpu.memory_space<vmem>>, vector<1x16xf32>,
        %get3A_349 = vector.shape_cast %get3A_348 : vector<1x16xf32> to vector<16xf32>
        %mul3A_350 = arith.mulf %get3A_345, %get3A_349 : vector<16xf32>
        %add3A_351 = arith.addf %add3A_341, %mul3A_350 : vector<16xf32>
        %get3A_352 = arith.index_cast %add3A_292 : i32 to index
        %get3A_353 = arith.constant 96 : index
        %get3A_354 = tpu.vector_load %arg8[%get3A_352, %get3A_353] {strides = array<i32>} : memref<400x128xf32, #tpu.memory_space<vmem>>, vector<1x16xf32>,
        %get3A_355 = vector.shape_cast %get3A_354 : vector<1x16xf32> to vector<16xf32>
        %get3A_356 = arith.index_cast %add3A_292 : i32 to index
        %get3A_357 = arith.constant 96 : index
        %get3A_358 = tpu.vector_load %arg9[%get3A_356, %get3A_357] {strides = array<i32>} : memref<400x128xf32, #tpu.memory_space<vmem>>, vector<1x16xf32>,
        %get3A_359 = vector.shape_cast %get3A_358 : vector<1x16xf32> to vector<16xf32>
        %mul3A_360 = arith.mulf %get3A_355, %get3A_359 : vector<16xf32>
        %add3A_361 = arith.addf %add3A_351, %mul3A_360 : vector<16xf32>
        %get3A_362 = arith.index_cast %add3A_292 : i32 to index
        %get3A_363 = arith.constant 112 : index
        %get3A_364 = tpu.vector_load %arg8[%get3A_362, %get3A_363] {strides = array<i32>} : memref<400x128xf32, #tpu.memory_space<vmem>>, vector<1x16xf32>,
        %get3A_365 = vector.shape_cast %get3A_364 : vector<1x16xf32> to vector<16xf32>
        %get3A_366 = arith.index_cast %add3A_292 : i32 to index
        %get3A_367 = arith.constant 112 : index
        %get3A_368 = tpu.vector_load %arg9[%get3A_366, %get3A_367] {strides = array<i32>} : memref<400x128xf32, #tpu.memory_space<vmem>>, vector<1x16xf32>,
        %get3A_369 = vector.shape_cast %get3A_368 : vector<1x16xf32> to vector<16xf32>
        %mul3A_370 = arith.mulf %get3A_365, %get3A_369 : vector<16xf32>
        %add3A_371 = arith.addf %add3A_361, %mul3A_370 : vector<16xf32>
        %broadcast_in_dim3A_372 = vector.shape_cast %xor3A_4 : vector<16xi32> to vector<16x1xi32>
        %gather3A_373 = vector.shape_cast %broadcast_in_dim3A_372 : vector<16x1xi32> to vector<16xi32>
        %gather3A_374 = tpu.dynamic_gather %add3A_371[%gather3A_373] in [0] : vector<16xf32>, vector<16xi32> -> vector<16xf32>
        %add3A_375 = arith.addf %add3A_371, %gather3A_374 : vector<16xf32>
        %broadcast_in_dim3A_376 = vector.shape_cast %xor3A_7 : vector<16xi32> to vector<16x1xi32>
        %gather3A_377 = vector.shape_cast %broadcast_in_dim3A_376 : vector<16x1xi32> to vector<16xi32>
        %gather3A_378 = tpu.dynamic_gather %add3A_375[%gather3A_377] in [0] : vector<16xf32>, vector<16xi32> -> vector<16xf32>
        %add3A_379 = arith.addf %add3A_375, %gather3A_378 : vector<16xf32>
        %broadcast_in_dim3A_380 = vector.shape_cast %xor3A_10 : vector<16xi32> to vector<16x1xi32>
        %gather3A_381 = vector.shape_cast %broadcast_in_dim3A_380 : vector<16x1xi32> to vector<16xi32>
        %gather3A_382 = tpu.dynamic_gather %add3A_379[%gather3A_381] in [0] : vector<16xf32>, vector<16xi32> -> vector<16xf32>
        %add3A_383 = arith.addf %add3A_379, %gather3A_382 : vector<16xf32>
        %broadcast_in_dim3A_384 = vector.shape_cast %xor3A_13 : vector<16xi32> to vector<16x1xi32>
        %gather3A_385 = vector.shape_cast %broadcast_in_dim3A_384 : vector<16x1xi32> to vector<16xi32>
        %gather3A_386 = tpu.dynamic_gather %add3A_383[%gather3A_385] in [0] : vector<16xf32>, vector<16xi32> -> vector<16xf32>
        %add3A_387 = arith.addf %add3A_383, %gather3A_386 : vector<16xf32>
        %mul3A_388 = arith.constant 16 : i32
        %mul3A_389 = arith.muli %scan3A_171, %mul3A_388 : i32
        %mul3A_390 = arith.constant 4 : i32
        %mul3A_391 = arith.muli %scan3A_184, %mul3A_390 : i32
        %add3A_392 = arith.addi %mul3A_389, %mul3A_391 : i32
        %add3A_393 = arith.constant 2 : i32
        %add3A_394 = arith.addi %add3A_392, %add3A_393 : i32
        %get3A_395 = arith.index_cast %add3A_394 : i32 to index
        %get3A_396 = arith.constant 0 : index
        %get3A_397 = tpu.vector_load %arg8[%get3A_395, %get3A_396] {strides = array<i32>} : memref<400x128xf32, #tpu.memory_space<vmem>>, vector<1x16xf32>,
        %get3A_398 = vector.shape_cast %get3A_397 : vector<1x16xf32> to vector<16xf32>
        %get3A_399 = arith.index_cast %add3A_394 : i32 to index
        %get3A_400 = arith.constant 0 : index
        %get3A_401 = tpu.vector_load %arg9[%get3A_399, %get3A_400] {strides = array<i32>} : memref<400x128xf32, #tpu.memory_space<vmem>>, vector<1x16xf32>,
        %get3A_402 = vector.shape_cast %get3A_401 : vector<1x16xf32> to vector<16xf32>
        %mul3A_403 = arith.mulf %get3A_398, %get3A_402 : vector<16xf32>
        %get3A_404 = arith.index_cast %add3A_394 : i32 to index
        %get3A_405 = arith.constant 16 : index
        %get3A_406 = tpu.vector_load %arg8[%get3A_404, %get3A_405] {strides = array<i32>} : memref<400x128xf32, #tpu.memory_space<vmem>>, vector<1x16xf32>,
        %get3A_407 = vector.shape_cast %get3A_406 : vector<1x16xf32> to vector<16xf32>
        %get3A_408 = arith.index_cast %add3A_394 : i32 to index
        %get3A_409 = arith.constant 16 : index
        %get3A_410 = tpu.vector_load %arg9[%get3A_408, %get3A_409] {strides = array<i32>} : memref<400x128xf32, #tpu.memory_space<vmem>>, vector<1x16xf32>,
        %get3A_411 = vector.shape_cast %get3A_410 : vector<1x16xf32> to vector<16xf32>
        %mul3A_412 = arith.mulf %get3A_407, %get3A_411 : vector<16xf32>
        %add3A_413 = arith.addf %mul3A_403, %mul3A_412 : vector<16xf32>
        %get3A_414 = arith.index_cast %add3A_394 : i32 to index
        %get3A_415 = arith.constant 32 : index
        %get3A_416 = tpu.vector_load %arg8[%get3A_414, %get3A_415] {strides = array<i32>} : memref<400x128xf32, #tpu.memory_space<vmem>>, vector<1x16xf32>,
        %get3A_417 = vector.shape_cast %get3A_416 : vector<1x16xf32> to vector<16xf32>
        %get3A_418 = arith.index_cast %add3A_394 : i32 to index
        %get3A_419 = arith.constant 32 : index
        %get3A_420 = tpu.vector_load %arg9[%get3A_418, %get3A_419] {strides = array<i32>} : memref<400x128xf32, #tpu.memory_space<vmem>>, vector<1x16xf32>,
        %get3A_421 = vector.shape_cast %get3A_420 : vector<1x16xf32> to vector<16xf32>
        %mul3A_422 = arith.mulf %get3A_417, %get3A_421 : vector<16xf32>
        %add3A_423 = arith.addf %add3A_413, %mul3A_422 : vector<16xf32>
        %get3A_424 = arith.index_cast %add3A_394 : i32 to index
        %get3A_425 = arith.constant 48 : index
        %get3A_426 = tpu.vector_load %arg8[%get3A_424, %get3A_425] {strides = array<i32>} : memref<400x128xf32, #tpu.memory_space<vmem>>, vector<1x16xf32>,
        %get3A_427 = vector.shape_cast %get3A_426 : vector<1x16xf32> to vector<16xf32>
        %get3A_428 = arith.index_cast %add3A_394 : i32 to index
        %get3A_429 = arith.constant 48 : index
        %get3A_430 = tpu.vector_load %arg9[%get3A_428, %get3A_429] {strides = array<i32>} : memref<400x128xf32, #tpu.memory_space<vmem>>, vector<1x16xf32>,
        %get3A_431 = vector.shape_cast %get3A_430 : vector<1x16xf32> to vector<16xf32>
        %mul3A_432 = arith.mulf %get3A_427, %get3A_431 : vector<16xf32>
        %add3A_433 = arith.addf %add3A_423, %mul3A_432 : vector<16xf32>
        %get3A_434 = arith.index_cast %add3A_394 : i32 to index
        %get3A_435 = arith.constant 64 : index
        %get3A_436 = tpu.vector_load %arg8[%get3A_434, %get3A_435] {strides = array<i32>} : memref<400x128xf32, #tpu.memory_space<vmem>>, vector<1x16xf32>,
        %get3A_437 = vector.shape_cast %get3A_436 : vector<1x16xf32> to vector<16xf32>
        %get3A_438 = arith.index_cast %add3A_394 : i32 to index
        %get3A_439 = arith.constant 64 : index
        %get3A_440 = tpu.vector_load %arg9[%get3A_438, %get3A_439] {strides = array<i32>} : memref<400x128xf32, #tpu.memory_space<vmem>>, vector<1x16xf32>,
        %get3A_441 = vector.shape_cast %get3A_440 : vector<1x16xf32> to vector<16xf32>
        %mul3A_442 = arith.mulf %get3A_437, %get3A_441 : vector<16xf32>
        %add3A_443 = arith.addf %add3A_433, %mul3A_442 : vector<16xf32>
        %get3A_444 = arith.index_cast %add3A_394 : i32 to index
        %get3A_445 = arith.constant 80 : index
        %get3A_446 = tpu.vector_load %arg8[%get3A_444, %get3A_445] {strides = array<i32>} : memref<400x128xf32, #tpu.memory_space<vmem>>, vector<1x16xf32>,
        %get3A_447 = vector.shape_cast %get3A_446 : vector<1x16xf32> to vector<16xf32>
        %get3A_448 = arith.index_cast %add3A_394 : i32 to index
        %get3A_449 = arith.constant 80 : index
        %get3A_450 = tpu.vector_load %arg9[%get3A_448, %get3A_449] {strides = array<i32>} : memref<400x128xf32, #tpu.memory_space<vmem>>, vector<1x16xf32>,
        %get3A_451 = vector.shape_cast %get3A_450 : vector<1x16xf32> to vector<16xf32>
        %mul3A_452 = arith.mulf %get3A_447, %get3A_451 : vector<16xf32>
        %add3A_453 = arith.addf %add3A_443, %mul3A_452 : vector<16xf32>
        %get3A_454 = arith.index_cast %add3A_394 : i32 to index
        %get3A_455 = arith.constant 96 : index
        %get3A_456 = tpu.vector_load %arg8[%get3A_454, %get3A_455] {strides = array<i32>} : memref<400x128xf32, #tpu.memory_space<vmem>>, vector<1x16xf32>,
        %get3A_457 = vector.shape_cast %get3A_456 : vector<1x16xf32> to vector<16xf32>
        %get3A_458 = arith.index_cast %add3A_394 : i32 to index
        %get3A_459 = arith.constant 96 : index
        %get3A_460 = tpu.vector_load %arg9[%get3A_458, %get3A_459] {strides = array<i32>} : memref<400x128xf32, #tpu.memory_space<vmem>>, vector<1x16xf32>,
        %get3A_461 = vector.shape_cast %get3A_460 : vector<1x16xf32> to vector<16xf32>
        %mul3A_462 = arith.mulf %get3A_457, %get3A_461 : vector<16xf32>
        %add3A_463 = arith.addf %add3A_453, %mul3A_462 : vector<16xf32>
        %get3A_464 = arith.index_cast %add3A_394 : i32 to index
        %get3A_465 = arith.constant 112 : index
        %get3A_466 = tpu.vector_load %arg8[%get3A_464, %get3A_465] {strides = array<i32>} : memref<400x128xf32, #tpu.memory_space<vmem>>, vector<1x16xf32>,
        %get3A_467 = vector.shape_cast %get3A_466 : vector<1x16xf32> to vector<16xf32>
        %get3A_468 = arith.index_cast %add3A_394 : i32 to index
        %get3A_469 = arith.constant 112 : index
        %get3A_470 = tpu.vector_load %arg9[%get3A_468, %get3A_469] {strides = array<i32>} : memref<400x128xf32, #tpu.memory_space<vmem>>, vector<1x16xf32>,
        %get3A_471 = vector.shape_cast %get3A_470 : vector<1x16xf32> to vector<16xf32>
        %mul3A_472 = arith.mulf %get3A_467, %get3A_471 : vector<16xf32>
        %add3A_473 = arith.addf %add3A_463, %mul3A_472 : vector<16xf32>
        %broadcast_in_dim3A_474 = vector.shape_cast %xor3A_4 : vector<16xi32> to vector<16x1xi32>
        %gather3A_475 = vector.shape_cast %broadcast_in_dim3A_474 : vector<16x1xi32> to vector<16xi32>
        %gather3A_476 = tpu.dynamic_gather %add3A_473[%gather3A_475] in [0] : vector<16xf32>, vector<16xi32> -> vector<16xf32>
        %add3A_477 = arith.addf %add3A_473, %gather3A_476 : vector<16xf32>
        %broadcast_in_dim3A_478 = vector.shape_cast %xor3A_7 : vector<16xi32> to vector<16x1xi32>
        %gather3A_479 = vector.shape_cast %broadcast_in_dim3A_478 : vector<16x1xi32> to vector<16xi32>
        %gather3A_480 = tpu.dynamic_gather %add3A_477[%gather3A_479] in [0] : vector<16xf32>, vector<16xi32> -> vector<16xf32>
        %add3A_481 = arith.addf %add3A_477, %gather3A_480 : vector<16xf32>
        %broadcast_in_dim3A_482 = vector.shape_cast %xor3A_10 : vector<16xi32> to vector<16x1xi32>
        %gather3A_483 = vector.shape_cast %broadcast_in_dim3A_482 : vector<16x1xi32> to vector<16xi32>
        %gather3A_484 = tpu.dynamic_gather %add3A_481[%gather3A_483] in [0] : vector<16xf32>, vector<16xi32> -> vector<16xf32>
        %add3A_485 = arith.addf %add3A_481, %gather3A_484 : vector<16xf32>
        %broadcast_in_dim3A_486 = vector.shape_cast %xor3A_13 : vector<16xi32> to vector<16x1xi32>
        %gather3A_487 = vector.shape_cast %broadcast_in_dim3A_486 : vector<16x1xi32> to vector<16xi32>
        %gather3A_488 = tpu.dynamic_gather %add3A_485[%gather3A_487] in [0] : vector<16xf32>, vector<16xi32> -> vector<16xf32>
        %add3A_489 = arith.addf %add3A_485, %gather3A_488 : vector<16xf32>
        %mul3A_490 = arith.constant 16 : i32
        %mul3A_491 = arith.muli %scan3A_171, %mul3A_490 : i32
        %mul3A_492 = arith.constant 4 : i32
        %mul3A_493 = arith.muli %scan3A_184, %mul3A_492 : i32
        %add3A_494 = arith.addi %mul3A_491, %mul3A_493 : i32
        %add3A_495 = arith.constant 3 : i32
        %add3A_496 = arith.addi %add3A_494, %add3A_495 : i32
        %get3A_497 = arith.index_cast %add3A_496 : i32 to index
        %get3A_498 = arith.constant 0 : index
        %get3A_499 = tpu.vector_load %arg8[%get3A_497, %get3A_498] {strides = array<i32>} : memref<400x128xf32, #tpu.memory_space<vmem>>, vector<1x16xf32>,
        %get3A_500 = vector.shape_cast %get3A_499 : vector<1x16xf32> to vector<16xf32>
        %get3A_501 = arith.index_cast %add3A_496 : i32 to index
        %get3A_502 = arith.constant 0 : index
        %get3A_503 = tpu.vector_load %arg9[%get3A_501, %get3A_502] {strides = array<i32>} : memref<400x128xf32, #tpu.memory_space<vmem>>, vector<1x16xf32>,
        %get3A_504 = vector.shape_cast %get3A_503 : vector<1x16xf32> to vector<16xf32>
        %mul3A_505 = arith.mulf %get3A_500, %get3A_504 : vector<16xf32>
        %get3A_506 = arith.index_cast %add3A_496 : i32 to index
        %get3A_507 = arith.constant 16 : index
        %get3A_508 = tpu.vector_load %arg8[%get3A_506, %get3A_507] {strides = array<i32>} : memref<400x128xf32, #tpu.memory_space<vmem>>, vector<1x16xf32>,
        %get3A_509 = vector.shape_cast %get3A_508 : vector<1x16xf32> to vector<16xf32>
        %get3A_510 = arith.index_cast %add3A_496 : i32 to index
        %get3A_511 = arith.constant 16 : index
        %get3A_512 = tpu.vector_load %arg9[%get3A_510, %get3A_511] {strides = array<i32>} : memref<400x128xf32, #tpu.memory_space<vmem>>, vector<1x16xf32>,
        %get3A_513 = vector.shape_cast %get3A_512 : vector<1x16xf32> to vector<16xf32>
        %mul3A_514 = arith.mulf %get3A_509, %get3A_513 : vector<16xf32>
        %add3A_515 = arith.addf %mul3A_505, %mul3A_514 : vector<16xf32>
        %get3A_516 = arith.index_cast %add3A_496 : i32 to index
        %get3A_517 = arith.constant 32 : index
        %get3A_518 = tpu.vector_load %arg8[%get3A_516, %get3A_517] {strides = array<i32>} : memref<400x128xf32, #tpu.memory_space<vmem>>, vector<1x16xf32>,
        %get3A_519 = vector.shape_cast %get3A_518 : vector<1x16xf32> to vector<16xf32>
        %get3A_520 = arith.index_cast %add3A_496 : i32 to index
        %get3A_521 = arith.constant 32 : index
        %get3A_522 = tpu.vector_load %arg9[%get3A_520, %get3A_521] {strides = array<i32>} : memref<400x128xf32, #tpu.memory_space<vmem>>, vector<1x16xf32>,
        %get3A_523 = vector.shape_cast %get3A_522 : vector<1x16xf32> to vector<16xf32>
        %mul3A_524 = arith.mulf %get3A_519, %get3A_523 : vector<16xf32>
        %add3A_525 = arith.addf %add3A_515, %mul3A_524 : vector<16xf32>
        %get3A_526 = arith.index_cast %add3A_496 : i32 to index
        %get3A_527 = arith.constant 48 : index
        %get3A_528 = tpu.vector_load %arg8[%get3A_526, %get3A_527] {strides = array<i32>} : memref<400x128xf32, #tpu.memory_space<vmem>>, vector<1x16xf32>,
        %get3A_529 = vector.shape_cast %get3A_528 : vector<1x16xf32> to vector<16xf32>
        %get3A_530 = arith.index_cast %add3A_496 : i32 to index
        %get3A_531 = arith.constant 48 : index
        %get3A_532 = tpu.vector_load %arg9[%get3A_530, %get3A_531] {strides = array<i32>} : memref<400x128xf32, #tpu.memory_space<vmem>>, vector<1x16xf32>,
        %get3A_533 = vector.shape_cast %get3A_532 : vector<1x16xf32> to vector<16xf32>
        %mul3A_534 = arith.mulf %get3A_529, %get3A_533 : vector<16xf32>
        %add3A_535 = arith.addf %add3A_525, %mul3A_534 : vector<16xf32>
        %get3A_536 = arith.index_cast %add3A_496 : i32 to index
        %get3A_537 = arith.constant 64 : index
        %get3A_538 = tpu.vector_load %arg8[%get3A_536, %get3A_537] {strides = array<i32>} : memref<400x128xf32, #tpu.memory_space<vmem>>, vector<1x16xf32>,
        %get3A_539 = vector.shape_cast %get3A_538 : vector<1x16xf32> to vector<16xf32>
        %get3A_540 = arith.index_cast %add3A_496 : i32 to index
        %get3A_541 = arith.constant 64 : index
        %get3A_542 = tpu.vector_load %arg9[%get3A_540, %get3A_541] {strides = array<i32>} : memref<400x128xf32, #tpu.memory_space<vmem>>, vector<1x16xf32>,
        %get3A_543 = vector.shape_cast %get3A_542 : vector<1x16xf32> to vector<16xf32>
        %mul3A_544 = arith.mulf %get3A_539, %get3A_543 : vector<16xf32>
        %add3A_545 = arith.addf %add3A_535, %mul3A_544 : vector<16xf32>
        %get3A_546 = arith.index_cast %add3A_496 : i32 to index
        %get3A_547 = arith.constant 80 : index
        %get3A_548 = tpu.vector_load %arg8[%get3A_546, %get3A_547] {strides = array<i32>} : memref<400x128xf32, #tpu.memory_space<vmem>>, vector<1x16xf32>,
        %get3A_549 = vector.shape_cast %get3A_548 : vector<1x16xf32> to vector<16xf32>
        %get3A_550 = arith.index_cast %add3A_496 : i32 to index
        %get3A_551 = arith.constant 80 : index
        %get3A_552 = tpu.vector_load %arg9[%get3A_550, %get3A_551] {strides = array<i32>} : memref<400x128xf32, #tpu.memory_space<vmem>>, vector<1x16xf32>,
        %get3A_553 = vector.shape_cast %get3A_552 : vector<1x16xf32> to vector<16xf32>
        %mul3A_554 = arith.mulf %get3A_549, %get3A_553 : vector<16xf32>
        %add3A_555 = arith.addf %add3A_545, %mul3A_554 : vector<16xf32>
        %get3A_556 = arith.index_cast %add3A_496 : i32 to index
        %get3A_557 = arith.constant 96 : index
        %get3A_558 = tpu.vector_load %arg8[%get3A_556, %get3A_557] {strides = array<i32>} : memref<400x128xf32, #tpu.memory_space<vmem>>, vector<1x16xf32>,
        %get3A_559 = vector.shape_cast %get3A_558 : vector<1x16xf32> to vector<16xf32>
        %get3A_560 = arith.index_cast %add3A_496 : i32 to index
        %get3A_561 = arith.constant 96 : index
        %get3A_562 = tpu.vector_load %arg9[%get3A_560, %get3A_561] {strides = array<i32>} : memref<400x128xf32, #tpu.memory_space<vmem>>, vector<1x16xf32>,
        %get3A_563 = vector.shape_cast %get3A_562 : vector<1x16xf32> to vector<16xf32>
        %mul3A_564 = arith.mulf %get3A_559, %get3A_563 : vector<16xf32>
        %add3A_565 = arith.addf %add3A_555, %mul3A_564 : vector<16xf32>
        %get3A_566 = arith.index_cast %add3A_496 : i32 to index
        %get3A_567 = arith.constant 112 : index
        %get3A_568 = tpu.vector_load %arg8[%get3A_566, %get3A_567] {strides = array<i32>} : memref<400x128xf32, #tpu.memory_space<vmem>>, vector<1x16xf32>,
        %get3A_569 = vector.shape_cast %get3A_568 : vector<1x16xf32> to vector<16xf32>
        %get3A_570 = arith.index_cast %add3A_496 : i32 to index
        %get3A_571 = arith.constant 112 : index
        %get3A_572 = tpu.vector_load %arg9[%get3A_570, %get3A_571] {strides = array<i32>} : memref<400x128xf32, #tpu.memory_space<vmem>>, vector<1x16xf32>,
        %get3A_573 = vector.shape_cast %get3A_572 : vector<1x16xf32> to vector<16xf32>
        %mul3A_574 = arith.mulf %get3A_569, %get3A_573 : vector<16xf32>
        %add3A_575 = arith.addf %add3A_565, %mul3A_574 : vector<16xf32>
        %broadcast_in_dim3A_576 = vector.shape_cast %xor3A_4 : vector<16xi32> to vector<16x1xi32>
        %gather3A_577 = vector.shape_cast %broadcast_in_dim3A_576 : vector<16x1xi32> to vector<16xi32>
        %gather3A_578 = tpu.dynamic_gather %add3A_575[%gather3A_577] in [0] : vector<16xf32>, vector<16xi32> -> vector<16xf32>
        %add3A_579 = arith.addf %add3A_575, %gather3A_578 : vector<16xf32>
        %broadcast_in_dim3A_580 = vector.shape_cast %xor3A_7 : vector<16xi32> to vector<16x1xi32>
        %gather3A_581 = vector.shape_cast %broadcast_in_dim3A_580 : vector<16x1xi32> to vector<16xi32>
        %gather3A_582 = tpu.dynamic_gather %add3A_579[%gather3A_581] in [0] : vector<16xf32>, vector<16xi32> -> vector<16xf32>
        %add3A_583 = arith.addf %add3A_579, %gather3A_582 : vector<16xf32>
        %broadcast_in_dim3A_584 = vector.shape_cast %xor3A_10 : vector<16xi32> to vector<16x1xi32>
        %gather3A_585 = vector.shape_cast %broadcast_in_dim3A_584 : vector<16x1xi32> to vector<16xi32>
        %gather3A_586 = tpu.dynamic_gather %add3A_583[%gather3A_585] in [0] : vector<16xf32>, vector<16xi32> -> vector<16xf32>
        %add3A_587 = arith.addf %add3A_583, %gather3A_586 : vector<16xf32>
        %broadcast_in_dim3A_588 = vector.shape_cast %xor3A_13 : vector<16xi32> to vector<16x1xi32>
        %gather3A_589 = vector.shape_cast %broadcast_in_dim3A_588 : vector<16x1xi32> to vector<16xi32>
        %gather3A_590 = tpu.dynamic_gather %add3A_587[%gather3A_589] in [0] : vector<16xf32>, vector<16xi32> -> vector<16xf32>
        %add3A_591 = arith.addf %add3A_587, %gather3A_590 : vector<16xf32>
        %mul3A_592 = arith.constant 4 : i32
        %mul3A_593 = arith.muli %scan3A_184, %mul3A_592 : i32
        %add3A_594 = arith.constant 0 : i32
        %add3A_595 = arith.addi %mul3A_593, %add3A_594 : i32
        %eq3A = vector.broadcast %add3A_595 : i32 to vector<16xi32>
        %eq3A_596 = arith.cmpi eq, %iota3A, %eq3A : vector<16xi32>
        %select_n3A = arith.select %eq3A_596, %add3A_285, %scan3A_185 : vector<16xi1>, vector<16xf32>
        %mul3A_597 = arith.constant 4 : i32
        %mul3A_598 = arith.muli %scan3A_184, %mul3A_597 : i32
        %add3A_599 = arith.constant 1 : i32
        %add3A_600 = arith.addi %mul3A_598, %add3A_599 : i32
        %eq3A_601 = vector.broadcast %add3A_600 : i32 to vector<16xi32>
        %eq3A_602 = arith.cmpi eq, %iota3A, %eq3A_601 : vector<16xi32>
        %select_n3A_603 = arith.select %eq3A_602, %add3A_387, %select_n3A : vector<16xi1>, vector<16xf32>
        %mul3A_604 = arith.constant 4 : i32
        %mul3A_605 = arith.muli %scan3A_184, %mul3A_604 : i32
        %add3A_606 = arith.constant 2 : i32
        %add3A_607 = arith.addi %mul3A_605, %add3A_606 : i32
        %eq3A_608 = vector.broadcast %add3A_607 : i32 to vector<16xi32>
        %eq3A_609 = arith.cmpi eq, %iota3A, %eq3A_608 : vector<16xi32>
        %select_n3A_610 = arith.select %eq3A_609, %add3A_489, %select_n3A_603 : vector<16xi1>, vector<16xf32>
        %mul3A_611 = arith.constant 4 : i32
        %mul3A_612 = arith.muli %scan3A_184, %mul3A_611 : i32
        %add3A_613 = arith.constant 3 : i32
        %add3A_614 = arith.addi %mul3A_612, %add3A_613 : i32
        %eq3A_615 = vector.broadcast %add3A_614 : i32 to vector<16xi32>
        %eq3A_616 = arith.cmpi eq, %iota3A, %eq3A_615 : vector<16xi32>
        %select_n3A_617 = arith.select %eq3A_616, %add3A_591, %select_n3A_610 : vector<16xi1>, vector<16xf32>
        scf.yield %select_n3A_617 : vector<16xf32>
      }
      %scan3A_178 = arith.constant 4 : i32
      %mul3A_179 = arith.constant 16 : i32
      %mul3A_180 = arith.muli %scan3A_171, %mul3A_179 : i32
      %swap3A = arith.index_cast %mul3A_180 : i32 to index
      %swap3A_181 = tpu.vector_load %arg10[%swap3A] {strides = array<i32>} : memref<400xf32, #tpu.memory_space<vmem>>, vector<16xf32>,
      %swap3A_182 = vector.shape_cast %swap3A_181 : vector<16xf32> to vector<16xf32>
      %swap3A_183 = vector.shape_cast %scan3A_177 : vector<16xf32> to vector<16xf32>
      tpu.vector_store %arg10[%swap3A], %swap3A_183 {strides = array<i32>} : memref<400xf32, #tpu.memory_space<vmem>>, vector<16xf32>,
    }
    %scan3A_30 = arith.constant 25 : i32
    "tpu.region"() ({
      %run_scoped3A = tpu.sem_alloc : memref<!tpu.dma_semaphore, #tpu.memory_space<semaphore_mem>>
      %dma_start3A_171 = tpu.memref_slice %arg5[%add3A_15] : memref<102400xf32, #tpu.memory_space<hbm>> -> memref<400xf32, #tpu.memory_space<hbm>>
      %dma_start3A_172 = tpu.memref_slice %arg5[%add3A_15] : memref<102400xf32, #tpu.memory_space<hbm>> -> memref<400xf32, #tpu.memory_space<hbm>>
      tpu.enqueue_dma source(%arg10 : memref<400xf32, #tpu.memory_space<vmem>>) target(%dma_start3A_172 : memref<400xf32, #tpu.memory_space<hbm>>) target_semaphore(%run_scoped3A : memref<!tpu.dma_semaphore, #tpu.memory_space<semaphore_mem>>)
      %dma_wait3A_173 = tpu.memref_slice %arg5[%add3A_15] : memref<102400xf32, #tpu.memory_space<hbm>> -> memref<400xf32, #tpu.memory_space<hbm>>
      %dma_wait3A_174 = tpu.memref_slice %arg5[%add3A_15] : memref<102400xf32, #tpu.memory_space<hbm>> -> memref<400xf32, #tpu.memory_space<hbm>>
      tpu.wait_dma2 semaphore(%run_scoped3A : memref<!tpu.dma_semaphore, #tpu.memory_space<semaphore_mem>>) src(%arg10 : memref<400xf32, #tpu.memory_space<vmem>>) dst(%dma_wait3A_174 : memref<400xf32, #tpu.memory_space<hbm>>)
      tpu.yield
    }) : () -> ()
    %add3A_31 = arith.constant 400 : i32
    %add3A_32 = arith.addi %mul3A_2, %add3A_31 : i32
    "tpu.region"() ({
      %run_scoped3A = tpu.sem_alloc : memref<!tpu.dma_semaphore, #tpu.memory_space<semaphore_mem>>
      %dma_start3A_171 = tpu.memref_slice %arg3[%add3A_32] : memref<102400xi32, #tpu.memory_space<hbm>> -> memref<400xi32, #tpu.memory_space<hbm>>
      %dma_start3A_172 = tpu.memref_slice %arg3[%add3A_32] : memref<102400xi32, #tpu.memory_space<hbm>> -> memref<400xi32, #tpu.memory_space<hbm>>
      tpu.enqueue_dma source(%dma_start3A_172 : memref<400xi32, #tpu.memory_space<hbm>>) target(%arg6 : memref<400xi32, #tpu.memory_space<vmem>>) target_semaphore(%run_scoped3A : memref<!tpu.dma_semaphore, #tpu.memory_space<semaphore_mem>>)
      %dma_wait3A_173 = tpu.memref_slice %arg3[%add3A_32] : memref<102400xi32, #tpu.memory_space<hbm>> -> memref<400xi32, #tpu.memory_space<hbm>>
      %dma_wait3A_174 = tpu.memref_slice %arg3[%add3A_32] : memref<102400xi32, #tpu.memory_space<hbm>> -> memref<400xi32, #tpu.memory_space<hbm>>
      tpu.wait_dma2 semaphore(%run_scoped3A : memref<!tpu.dma_semaphore, #tpu.memory_space<semaphore_mem>>) src(%dma_wait3A_174 : memref<400xi32, #tpu.memory_space<hbm>>) dst(%arg6 : memref<400xi32, #tpu.memory_space<vmem>>)
      tpu.yield
    }) : () -> ()
    "tpu.region"() ({
      %run_scoped3A = tpu.sem_alloc : memref<!tpu.dma_semaphore, #tpu.memory_space<semaphore_mem>>
      %dma_start3A_171 = tpu.memref_slice %arg4[%add3A_32] : memref<102400xi32, #tpu.memory_space<hbm>> -> memref<400xi32, #tpu.memory_space<hbm>>
      %dma_start3A_172 = tpu.memref_slice %arg4[%add3A_32] : memref<102400xi32, #tpu.memory_space<hbm>> -> memref<400xi32, #tpu.memory_space<hbm>>
      tpu.enqueue_dma source(%dma_start3A_172 : memref<400xi32, #tpu.memory_space<hbm>>) target(%arg7 : memref<400xi32, #tpu.memory_space<vmem>>) target_semaphore(%run_scoped3A : memref<!tpu.dma_semaphore, #tpu.memory_space<semaphore_mem>>)
      %dma_wait3A_173 = tpu.memref_slice %arg4[%add3A_32] : memref<102400xi32, #tpu.memory_space<hbm>> -> memref<400xi32, #tpu.memory_space<hbm>>
      %dma_wait3A_174 = tpu.memref_slice %arg4[%add3A_32] : memref<102400xi32, #tpu.memory_space<hbm>> -> memref<400xi32, #tpu.memory_space<hbm>>
      tpu.wait_dma2 semaphore(%run_scoped3A : memref<!tpu.dma_semaphore, #tpu.memory_space<semaphore_mem>>) src(%dma_wait3A_174 : memref<400xi32, #tpu.memory_space<hbm>>) dst(%arg7 : memref<400xi32, #tpu.memory_space<vmem>>)
      tpu.yield
    }) : () -> ()
    %dma_start3A_33 = arith.constant 0 : i32
    %dma_start3A_34 = arith.constant 0 : i32
    %dma_start3A_35 = tpu.memref_slice %arg2[%dma_start3A_33, %dma_start3A_34] : memref<10000x128xf32, #tpu.memory_space<hbm>> -> memref<10000x128xf32, #tpu.memory_space<hbm>>
    tpu.enqueue_indirect_dma source(%dma_start3A_35 : memref<10000x128xf32, #tpu.memory_space<hbm>>) target(%arg8 : memref<400x128xf32, #tpu.memory_space<vmem>>) offsets(%arg6 : memref<400xi32, #tpu.memory_space<vmem>>) semaphore(%arg11 : memref<!tpu.dma_semaphore, #tpu.memory_space<semaphore_mem>>)
    %dma_start3A_36 = arith.constant 0 : i32
    %dma_start3A_37 = arith.constant 0 : i32
    %dma_start3A_38 = tpu.memref_slice %arg2[%dma_start3A_36, %dma_start3A_37] : memref<10000x128xf32, #tpu.memory_space<hbm>> -> memref<10000x128xf32, #tpu.memory_space<hbm>>
    tpu.enqueue_indirect_dma source(%dma_start3A_38 : memref<10000x128xf32, #tpu.memory_space<hbm>>) target(%arg9 : memref<400x128xf32, #tpu.memory_space<vmem>>) offsets(%arg7 : memref<400xi32, #tpu.memory_space<vmem>>) semaphore(%arg12 : memref<!tpu.dma_semaphore, #tpu.memory_space<semaphore_mem>>)
    %dma_wait3A_39 = arith.constant 0 : i32
    %dma_wait3A_40 = arith.constant 0 : i32
    %dma_wait3A_41 = tpu.memref_slice %arg2[%dma_wait3A_39, %dma_wait3A_40] : memref<10000x128xf32, #tpu.memory_space<hbm>> -> memref<10000x128xf32, #tpu.memory_space<hbm>>
    tpu.wait_indirect_dma semaphore(%arg11 : memref<!tpu.dma_semaphore, #tpu.memory_space<semaphore_mem>>) src(%dma_wait3A_41 : memref<10000x128xf32, #tpu.memory_space<hbm>>) dst(%arg8 : memref<400x128xf32, #tpu.memory_space<vmem>>)
    %dma_wait3A_42 = arith.constant 0 : i32
    %dma_wait3A_43 = arith.constant 0 : i32
    %dma_wait3A_44 = tpu.memref_slice %arg2[%dma_wait3A_42, %dma_wait3A_43] : memref<10000x128xf32, #tpu.memory_space<hbm>> -> memref<10000x128xf32, #tpu.memory_space<hbm>>
    tpu.wait_indirect_dma semaphore(%arg12 : memref<!tpu.dma_semaphore, #tpu.memory_space<semaphore_mem>>) src(%dma_wait3A_44 : memref<10000x128xf32, #tpu.memory_space<hbm>>) dst(%arg9 : memref<400x128xf32, #tpu.memory_space<vmem>>)
    %scan3A_45 = arith.constant 0 : i32
    %scan3A_46 = arith.constant 0 : i32
    %scan3A_47 = arith.constant 25 : i32
    %scan3A_48 = arith.addi %scan3A_46, %scan3A_47 : i32
    %scan3A_49 = arith.constant 1 : i32
    scf.for %scan3A_171 = %scan3A_46 to %scan3A_48 step %scan3A_49  : i32 {
      %broadcast_in_dim3A = arith.constant 0.000000e+00 : f32
      %broadcast_in_dim3A_172 = vector.broadcast %broadcast_in_dim3A : f32 to vector<16xf32>
      %scan3A_173 = arith.constant 0 : i32
      %scan3A_174 = arith.constant 4 : i32
      %scan3A_175 = arith.addi %scan3A_173, %scan3A_174 : i32
      %scan3A_176 = arith.constant 1 : i32
      %scan3A_177 = scf.for %scan3A_184 = %scan3A_173 to %scan3A_175 step %scan3A_176 iter_args(%scan3A_185 = %broadcast_in_dim3A_172) -> (vector<16xf32>)  : i32 {
        %mul3A_186 = arith.constant 16 : i32
        %mul3A_187 = arith.muli %scan3A_171, %mul3A_186 : i32
        %mul3A_188 = arith.constant 4 : i32
        %mul3A_189 = arith.muli %scan3A_184, %mul3A_188 : i32
        %add3A_190 = arith.addi %mul3A_187, %mul3A_189 : i32
        %add3A_191 = arith.constant 0 : i32
        %add3A_192 = arith.addi %add3A_190, %add3A_191 : i32
        %get3A = arith.index_cast %add3A_192 : i32 to index
        %get3A_193 = arith.constant 0 : index
        %get3A_194 = tpu.vector_load %arg8[%get3A, %get3A_193] {strides = array<i32>} : memref<400x128xf32, #tpu.memory_space<vmem>>, vector<1x16xf32>,
        %get3A_195 = vector.shape_cast %get3A_194 : vector<1x16xf32> to vector<16xf32>
        %get3A_196 = arith.index_cast %add3A_192 : i32 to index
        %get3A_197 = arith.constant 0 : index
        %get3A_198 = tpu.vector_load %arg9[%get3A_196, %get3A_197] {strides = array<i32>} : memref<400x128xf32, #tpu.memory_space<vmem>>, vector<1x16xf32>,
        %get3A_199 = vector.shape_cast %get3A_198 : vector<1x16xf32> to vector<16xf32>
        %mul3A_200 = arith.mulf %get3A_195, %get3A_199 : vector<16xf32>
        %get3A_201 = arith.index_cast %add3A_192 : i32 to index
        %get3A_202 = arith.constant 16 : index
        %get3A_203 = tpu.vector_load %arg8[%get3A_201, %get3A_202] {strides = array<i32>} : memref<400x128xf32, #tpu.memory_space<vmem>>, vector<1x16xf32>,
        %get3A_204 = vector.shape_cast %get3A_203 : vector<1x16xf32> to vector<16xf32>
        %get3A_205 = arith.index_cast %add3A_192 : i32 to index
        %get3A_206 = arith.constant 16 : index
        %get3A_207 = tpu.vector_load %arg9[%get3A_205, %get3A_206] {strides = array<i32>} : memref<400x128xf32, #tpu.memory_space<vmem>>, vector<1x16xf32>,
        %get3A_208 = vector.shape_cast %get3A_207 : vector<1x16xf32> to vector<16xf32>
        %mul3A_209 = arith.mulf %get3A_204, %get3A_208 : vector<16xf32>
        %add3A_210 = arith.addf %mul3A_200, %mul3A_209 : vector<16xf32>
        %get3A_211 = arith.index_cast %add3A_192 : i32 to index
        %get3A_212 = arith.constant 32 : index
        %get3A_213 = tpu.vector_load %arg8[%get3A_211, %get3A_212] {strides = array<i32>} : memref<400x128xf32, #tpu.memory_space<vmem>>, vector<1x16xf32>,
        %get3A_214 = vector.shape_cast %get3A_213 : vector<1x16xf32> to vector<16xf32>
        %get3A_215 = arith.index_cast %add3A_192 : i32 to index
        %get3A_216 = arith.constant 32 : index
        %get3A_217 = tpu.vector_load %arg9[%get3A_215, %get3A_216] {strides = array<i32>} : memref<400x128xf32, #tpu.memory_space<vmem>>, vector<1x16xf32>,
        %get3A_218 = vector.shape_cast %get3A_217 : vector<1x16xf32> to vector<16xf32>
        %mul3A_219 = arith.mulf %get3A_214, %get3A_218 : vector<16xf32>
        %add3A_220 = arith.addf %add3A_210, %mul3A_219 : vector<16xf32>
        %get3A_221 = arith.index_cast %add3A_192 : i32 to index
        %get3A_222 = arith.constant 48 : index
        %get3A_223 = tpu.vector_load %arg8[%get3A_221, %get3A_222] {strides = array<i32>} : memref<400x128xf32, #tpu.memory_space<vmem>>, vector<1x16xf32>,
        %get3A_224 = vector.shape_cast %get3A_223 : vector<1x16xf32> to vector<16xf32>
        %get3A_225 = arith.index_cast %add3A_192 : i32 to index
        %get3A_226 = arith.constant 48 : index
        %get3A_227 = tpu.vector_load %arg9[%get3A_225, %get3A_226] {strides = array<i32>} : memref<400x128xf32, #tpu.memory_space<vmem>>, vector<1x16xf32>,
        %get3A_228 = vector.shape_cast %get3A_227 : vector<1x16xf32> to vector<16xf32>
        %mul3A_229 = arith.mulf %get3A_224, %get3A_228 : vector<16xf32>
        %add3A_230 = arith.addf %add3A_220, %mul3A_229 : vector<16xf32>
        %get3A_231 = arith.index_cast %add3A_192 : i32 to index
        %get3A_232 = arith.constant 64 : index
        %get3A_233 = tpu.vector_load %arg8[%get3A_231, %get3A_232] {strides = array<i32>} : memref<400x128xf32, #tpu.memory_space<vmem>>, vector<1x16xf32>,
        %get3A_234 = vector.shape_cast %get3A_233 : vector<1x16xf32> to vector<16xf32>
        %get3A_235 = arith.index_cast %add3A_192 : i32 to index
        %get3A_236 = arith.constant 64 : index
        %get3A_237 = tpu.vector_load %arg9[%get3A_235, %get3A_236] {strides = array<i32>} : memref<400x128xf32, #tpu.memory_space<vmem>>, vector<1x16xf32>,
        %get3A_238 = vector.shape_cast %get3A_237 : vector<1x16xf32> to vector<16xf32>
        %mul3A_239 = arith.mulf %get3A_234, %get3A_238 : vector<16xf32>
        %add3A_240 = arith.addf %add3A_230, %mul3A_239 : vector<16xf32>
        %get3A_241 = arith.index_cast %add3A_192 : i32 to index
        %get3A_242 = arith.constant 80 : index
        %get3A_243 = tpu.vector_load %arg8[%get3A_241, %get3A_242] {strides = array<i32>} : memref<400x128xf32, #tpu.memory_space<vmem>>, vector<1x16xf32>,
        %get3A_244 = vector.shape_cast %get3A_243 : vector<1x16xf32> to vector<16xf32>
        %get3A_245 = arith.index_cast %add3A_192 : i32 to index
        %get3A_246 = arith.constant 80 : index
        %get3A_247 = tpu.vector_load %arg9[%get3A_245, %get3A_246] {strides = array<i32>} : memref<400x128xf32, #tpu.memory_space<vmem>>, vector<1x16xf32>,
        %get3A_248 = vector.shape_cast %get3A_247 : vector<1x16xf32> to vector<16xf32>
        %mul3A_249 = arith.mulf %get3A_244, %get3A_248 : vector<16xf32>
        %add3A_250 = arith.addf %add3A_240, %mul3A_249 : vector<16xf32>
        %get3A_251 = arith.index_cast %add3A_192 : i32 to index
        %get3A_252 = arith.constant 96 : index
        %get3A_253 = tpu.vector_load %arg8[%get3A_251, %get3A_252] {strides = array<i32>} : memref<400x128xf32, #tpu.memory_space<vmem>>, vector<1x16xf32>,
        %get3A_254 = vector.shape_cast %get3A_253 : vector<1x16xf32> to vector<16xf32>
        %get3A_255 = arith.index_cast %add3A_192 : i32 to index
        %get3A_256 = arith.constant 96 : index
        %get3A_257 = tpu.vector_load %arg9[%get3A_255, %get3A_256] {strides = array<i32>} : memref<400x128xf32, #tpu.memory_space<vmem>>, vector<1x16xf32>,
        %get3A_258 = vector.shape_cast %get3A_257 : vector<1x16xf32> to vector<16xf32>
        %mul3A_259 = arith.mulf %get3A_254, %get3A_258 : vector<16xf32>
        %add3A_260 = arith.addf %add3A_250, %mul3A_259 : vector<16xf32>
        %get3A_261 = arith.index_cast %add3A_192 : i32 to index
        %get3A_262 = arith.constant 112 : index
        %get3A_263 = tpu.vector_load %arg8[%get3A_261, %get3A_262] {strides = array<i32>} : memref<400x128xf32, #tpu.memory_space<vmem>>, vector<1x16xf32>,
        %get3A_264 = vector.shape_cast %get3A_263 : vector<1x16xf32> to vector<16xf32>
        %get3A_265 = arith.index_cast %add3A_192 : i32 to index
        %get3A_266 = arith.constant 112 : index
        %get3A_267 = tpu.vector_load %arg9[%get3A_265, %get3A_266] {strides = array<i32>} : memref<400x128xf32, #tpu.memory_space<vmem>>, vector<1x16xf32>,
        %get3A_268 = vector.shape_cast %get3A_267 : vector<1x16xf32> to vector<16xf32>
        %mul3A_269 = arith.mulf %get3A_264, %get3A_268 : vector<16xf32>
        %add3A_270 = arith.addf %add3A_260, %mul3A_269 : vector<16xf32>
        %broadcast_in_dim3A_271 = vector.shape_cast %xor3A_4 : vector<16xi32> to vector<16x1xi32>
        %gather3A = vector.shape_cast %broadcast_in_dim3A_271 : vector<16x1xi32> to vector<16xi32>
        %gather3A_272 = tpu.dynamic_gather %add3A_270[%gather3A] in [0] : vector<16xf32>, vector<16xi32> -> vector<16xf32>
        %add3A_273 = arith.addf %add3A_270, %gather3A_272 : vector<16xf32>
        %broadcast_in_dim3A_274 = vector.shape_cast %xor3A_7 : vector<16xi32> to vector<16x1xi32>
        %gather3A_275 = vector.shape_cast %broadcast_in_dim3A_274 : vector<16x1xi32> to vector<16xi32>
        %gather3A_276 = tpu.dynamic_gather %add3A_273[%gather3A_275] in [0] : vector<16xf32>, vector<16xi32> -> vector<16xf32>
        %add3A_277 = arith.addf %add3A_273, %gather3A_276 : vector<16xf32>
        %broadcast_in_dim3A_278 = vector.shape_cast %xor3A_10 : vector<16xi32> to vector<16x1xi32>
        %gather3A_279 = vector.shape_cast %broadcast_in_dim3A_278 : vector<16x1xi32> to vector<16xi32>
        %gather3A_280 = tpu.dynamic_gather %add3A_277[%gather3A_279] in [0] : vector<16xf32>, vector<16xi32> -> vector<16xf32>
        %add3A_281 = arith.addf %add3A_277, %gather3A_280 : vector<16xf32>
        %broadcast_in_dim3A_282 = vector.shape_cast %xor3A_13 : vector<16xi32> to vector<16x1xi32>
        %gather3A_283 = vector.shape_cast %broadcast_in_dim3A_282 : vector<16x1xi32> to vector<16xi32>
        %gather3A_284 = tpu.dynamic_gather %add3A_281[%gather3A_283] in [0] : vector<16xf32>, vector<16xi32> -> vector<16xf32>
        %add3A_285 = arith.addf %add3A_281, %gather3A_284 : vector<16xf32>
        %mul3A_286 = arith.constant 16 : i32
        %mul3A_287 = arith.muli %scan3A_171, %mul3A_286 : i32
        %mul3A_288 = arith.constant 4 : i32
        %mul3A_289 = arith.muli %scan3A_184, %mul3A_288 : i32
        %add3A_290 = arith.addi %mul3A_287, %mul3A_289 : i32
        %add3A_291 = arith.constant 1 : i32
        %add3A_292 = arith.addi %add3A_290, %add3A_291 : i32
        %get3A_293 = arith.index_cast %add3A_292 : i32 to index
        %get3A_294 = arith.constant 0 : index
        %get3A_295 = tpu.vector_load %arg8[%get3A_293, %get3A_294] {strides = array<i32>} : memref<400x128xf32, #tpu.memory_space<vmem>>, vector<1x16xf32>,
        %get3A_296 = vector.shape_cast %get3A_295 : vector<1x16xf32> to vector<16xf32>
        %get3A_297 = arith.index_cast %add3A_292 : i32 to index
        %get3A_298 = arith.constant 0 : index
        %get3A_299 = tpu.vector_load %arg9[%get3A_297, %get3A_298] {strides = array<i32>} : memref<400x128xf32, #tpu.memory_space<vmem>>, vector<1x16xf32>,
        %get3A_300 = vector.shape_cast %get3A_299 : vector<1x16xf32> to vector<16xf32>
        %mul3A_301 = arith.mulf %get3A_296, %get3A_300 : vector<16xf32>
        %get3A_302 = arith.index_cast %add3A_292 : i32 to index
        %get3A_303 = arith.constant 16 : index
        %get3A_304 = tpu.vector_load %arg8[%get3A_302, %get3A_303] {strides = array<i32>} : memref<400x128xf32, #tpu.memory_space<vmem>>, vector<1x16xf32>,
        %get3A_305 = vector.shape_cast %get3A_304 : vector<1x16xf32> to vector<16xf32>
        %get3A_306 = arith.index_cast %add3A_292 : i32 to index
        %get3A_307 = arith.constant 16 : index
        %get3A_308 = tpu.vector_load %arg9[%get3A_306, %get3A_307] {strides = array<i32>} : memref<400x128xf32, #tpu.memory_space<vmem>>, vector<1x16xf32>,
        %get3A_309 = vector.shape_cast %get3A_308 : vector<1x16xf32> to vector<16xf32>
        %mul3A_310 = arith.mulf %get3A_305, %get3A_309 : vector<16xf32>
        %add3A_311 = arith.addf %mul3A_301, %mul3A_310 : vector<16xf32>
        %get3A_312 = arith.index_cast %add3A_292 : i32 to index
        %get3A_313 = arith.constant 32 : index
        %get3A_314 = tpu.vector_load %arg8[%get3A_312, %get3A_313] {strides = array<i32>} : memref<400x128xf32, #tpu.memory_space<vmem>>, vector<1x16xf32>,
        %get3A_315 = vector.shape_cast %get3A_314 : vector<1x16xf32> to vector<16xf32>
        %get3A_316 = arith.index_cast %add3A_292 : i32 to index
        %get3A_317 = arith.constant 32 : index
        %get3A_318 = tpu.vector_load %arg9[%get3A_316, %get3A_317] {strides = array<i32>} : memref<400x128xf32, #tpu.memory_space<vmem>>, vector<1x16xf32>,
        %get3A_319 = vector.shape_cast %get3A_318 : vector<1x16xf32> to vector<16xf32>
        %mul3A_320 = arith.mulf %get3A_315, %get3A_319 : vector<16xf32>
        %add3A_321 = arith.addf %add3A_311, %mul3A_320 : vector<16xf32>
        %get3A_322 = arith.index_cast %add3A_292 : i32 to index
        %get3A_323 = arith.constant 48 : index
        %get3A_324 = tpu.vector_load %arg8[%get3A_322, %get3A_323] {strides = array<i32>} : memref<400x128xf32, #tpu.memory_space<vmem>>, vector<1x16xf32>,
        %get3A_325 = vector.shape_cast %get3A_324 : vector<1x16xf32> to vector<16xf32>
        %get3A_326 = arith.index_cast %add3A_292 : i32 to index
        %get3A_327 = arith.constant 48 : index
        %get3A_328 = tpu.vector_load %arg9[%get3A_326, %get3A_327] {strides = array<i32>} : memref<400x128xf32, #tpu.memory_space<vmem>>, vector<1x16xf32>,
        %get3A_329 = vector.shape_cast %get3A_328 : vector<1x16xf32> to vector<16xf32>
        %mul3A_330 = arith.mulf %get3A_325, %get3A_329 : vector<16xf32>
        %add3A_331 = arith.addf %add3A_321, %mul3A_330 : vector<16xf32>
        %get3A_332 = arith.index_cast %add3A_292 : i32 to index
        %get3A_333 = arith.constant 64 : index
        %get3A_334 = tpu.vector_load %arg8[%get3A_332, %get3A_333] {strides = array<i32>} : memref<400x128xf32, #tpu.memory_space<vmem>>, vector<1x16xf32>,
        %get3A_335 = vector.shape_cast %get3A_334 : vector<1x16xf32> to vector<16xf32>
        %get3A_336 = arith.index_cast %add3A_292 : i32 to index
        %get3A_337 = arith.constant 64 : index
        %get3A_338 = tpu.vector_load %arg9[%get3A_336, %get3A_337] {strides = array<i32>} : memref<400x128xf32, #tpu.memory_space<vmem>>, vector<1x16xf32>,
        %get3A_339 = vector.shape_cast %get3A_338 : vector<1x16xf32> to vector<16xf32>
        %mul3A_340 = arith.mulf %get3A_335, %get3A_339 : vector<16xf32>
        %add3A_341 = arith.addf %add3A_331, %mul3A_340 : vector<16xf32>
        %get3A_342 = arith.index_cast %add3A_292 : i32 to index
        %get3A_343 = arith.constant 80 : index
        %get3A_344 = tpu.vector_load %arg8[%get3A_342, %get3A_343] {strides = array<i32>} : memref<400x128xf32, #tpu.memory_space<vmem>>, vector<1x16xf32>,
        %get3A_345 = vector.shape_cast %get3A_344 : vector<1x16xf32> to vector<16xf32>
        %get3A_346 = arith.index_cast %add3A_292 : i32 to index
        %get3A_347 = arith.constant 80 : index
        %get3A_348 = tpu.vector_load %arg9[%get3A_346, %get3A_347] {strides = array<i32>} : memref<400x128xf32, #tpu.memory_space<vmem>>, vector<1x16xf32>,
        %get3A_349 = vector.shape_cast %get3A_348 : vector<1x16xf32> to vector<16xf32>
        %mul3A_350 = arith.mulf %get3A_345, %get3A_349 : vector<16xf32>
        %add3A_351 = arith.addf %add3A_341, %mul3A_350 : vector<16xf32>
        %get3A_352 = arith.index_cast %add3A_292 : i32 to index
        %get3A_353 = arith.constant 96 : index
        %get3A_354 = tpu.vector_load %arg8[%get3A_352, %get3A_353] {strides = array<i32>} : memref<400x128xf32, #tpu.memory_space<vmem>>, vector<1x16xf32>,
        %get3A_355 = vector.shape_cast %get3A_354 : vector<1x16xf32> to vector<16xf32>
        %get3A_356 = arith.index_cast %add3A_292 : i32 to index
        %get3A_357 = arith.constant 96 : index
        %get3A_358 = tpu.vector_load %arg9[%get3A_356, %get3A_357] {strides = array<i32>} : memref<400x128xf32, #tpu.memory_space<vmem>>, vector<1x16xf32>,
        %get3A_359 = vector.shape_cast %get3A_358 : vector<1x16xf32> to vector<16xf32>
        %mul3A_360 = arith.mulf %get3A_355, %get3A_359 : vector<16xf32>
        %add3A_361 = arith.addf %add3A_351, %mul3A_360 : vector<16xf32>
        %get3A_362 = arith.index_cast %add3A_292 : i32 to index
        %get3A_363 = arith.constant 112 : index
        %get3A_364 = tpu.vector_load %arg8[%get3A_362, %get3A_363] {strides = array<i32>} : memref<400x128xf32, #tpu.memory_space<vmem>>, vector<1x16xf32>,
        %get3A_365 = vector.shape_cast %get3A_364 : vector<1x16xf32> to vector<16xf32>
        %get3A_366 = arith.index_cast %add3A_292 : i32 to index
        %get3A_367 = arith.constant 112 : index
        %get3A_368 = tpu.vector_load %arg9[%get3A_366, %get3A_367] {strides = array<i32>} : memref<400x128xf32, #tpu.memory_space<vmem>>, vector<1x16xf32>,
        %get3A_369 = vector.shape_cast %get3A_368 : vector<1x16xf32> to vector<16xf32>
        %mul3A_370 = arith.mulf %get3A_365, %get3A_369 : vector<16xf32>
        %add3A_371 = arith.addf %add3A_361, %mul3A_370 : vector<16xf32>
        %broadcast_in_dim3A_372 = vector.shape_cast %xor3A_4 : vector<16xi32> to vector<16x1xi32>
        %gather3A_373 = vector.shape_cast %broadcast_in_dim3A_372 : vector<16x1xi32> to vector<16xi32>
        %gather3A_374 = tpu.dynamic_gather %add3A_371[%gather3A_373] in [0] : vector<16xf32>, vector<16xi32> -> vector<16xf32>
        %add3A_375 = arith.addf %add3A_371, %gather3A_374 : vector<16xf32>
        %broadcast_in_dim3A_376 = vector.shape_cast %xor3A_7 : vector<16xi32> to vector<16x1xi32>
        %gather3A_377 = vector.shape_cast %broadcast_in_dim3A_376 : vector<16x1xi32> to vector<16xi32>
        %gather3A_378 = tpu.dynamic_gather %add3A_375[%gather3A_377] in [0] : vector<16xf32>, vector<16xi32> -> vector<16xf32>
        %add3A_379 = arith.addf %add3A_375, %gather3A_378 : vector<16xf32>
        %broadcast_in_dim3A_380 = vector.shape_cast %xor3A_10 : vector<16xi32> to vector<16x1xi32>
        %gather3A_381 = vector.shape_cast %broadcast_in_dim3A_380 : vector<16x1xi32> to vector<16xi32>
        %gather3A_382 = tpu.dynamic_gather %add3A_379[%gather3A_381] in [0] : vector<16xf32>, vector<16xi32> -> vector<16xf32>
        %add3A_383 = arith.addf %add3A_379, %gather3A_382 : vector<16xf32>
        %broadcast_in_dim3A_384 = vector.shape_cast %xor3A_13 : vector<16xi32> to vector<16x1xi32>
        %gather3A_385 = vector.shape_cast %broadcast_in_dim3A_384 : vector<16x1xi32> to vector<16xi32>
        %gather3A_386 = tpu.dynamic_gather %add3A_383[%gather3A_385] in [0] : vector<16xf32>, vector<16xi32> -> vector<16xf32>
        %add3A_387 = arith.addf %add3A_383, %gather3A_386 : vector<16xf32>
        %mul3A_388 = arith.constant 16 : i32
        %mul3A_389 = arith.muli %scan3A_171, %mul3A_388 : i32
        %mul3A_390 = arith.constant 4 : i32
        %mul3A_391 = arith.muli %scan3A_184, %mul3A_390 : i32
        %add3A_392 = arith.addi %mul3A_389, %mul3A_391 : i32
        %add3A_393 = arith.constant 2 : i32
        %add3A_394 = arith.addi %add3A_392, %add3A_393 : i32
        %get3A_395 = arith.index_cast %add3A_394 : i32 to index
        %get3A_396 = arith.constant 0 : index
        %get3A_397 = tpu.vector_load %arg8[%get3A_395, %get3A_396] {strides = array<i32>} : memref<400x128xf32, #tpu.memory_space<vmem>>, vector<1x16xf32>,
        %get3A_398 = vector.shape_cast %get3A_397 : vector<1x16xf32> to vector<16xf32>
        %get3A_399 = arith.index_cast %add3A_394 : i32 to index
        %get3A_400 = arith.constant 0 : index
        %get3A_401 = tpu.vector_load %arg9[%get3A_399, %get3A_400] {strides = array<i32>} : memref<400x128xf32, #tpu.memory_space<vmem>>, vector<1x16xf32>,
        %get3A_402 = vector.shape_cast %get3A_401 : vector<1x16xf32> to vector<16xf32>
        %mul3A_403 = arith.mulf %get3A_398, %get3A_402 : vector<16xf32>
        %get3A_404 = arith.index_cast %add3A_394 : i32 to index
        %get3A_405 = arith.constant 16 : index
        %get3A_406 = tpu.vector_load %arg8[%get3A_404, %get3A_405] {strides = array<i32>} : memref<400x128xf32, #tpu.memory_space<vmem>>, vector<1x16xf32>,
        %get3A_407 = vector.shape_cast %get3A_406 : vector<1x16xf32> to vector<16xf32>
        %get3A_408 = arith.index_cast %add3A_394 : i32 to index
        %get3A_409 = arith.constant 16 : index
        %get3A_410 = tpu.vector_load %arg9[%get3A_408, %get3A_409] {strides = array<i32>} : memref<400x128xf32, #tpu.memory_space<vmem>>, vector<1x16xf32>,
        %get3A_411 = vector.shape_cast %get3A_410 : vector<1x16xf32> to vector<16xf32>
        %mul3A_412 = arith.mulf %get3A_407, %get3A_411 : vector<16xf32>
        %add3A_413 = arith.addf %mul3A_403, %mul3A_412 : vector<16xf32>
        %get3A_414 = arith.index_cast %add3A_394 : i32 to index
        %get3A_415 = arith.constant 32 : index
        %get3A_416 = tpu.vector_load %arg8[%get3A_414, %get3A_415] {strides = array<i32>} : memref<400x128xf32, #tpu.memory_space<vmem>>, vector<1x16xf32>,
        %get3A_417 = vector.shape_cast %get3A_416 : vector<1x16xf32> to vector<16xf32>
        %get3A_418 = arith.index_cast %add3A_394 : i32 to index
        %get3A_419 = arith.constant 32 : index
        %get3A_420 = tpu.vector_load %arg9[%get3A_418, %get3A_419] {strides = array<i32>} : memref<400x128xf32, #tpu.memory_space<vmem>>, vector<1x16xf32>,
        %get3A_421 = vector.shape_cast %get3A_420 : vector<1x16xf32> to vector<16xf32>
        %mul3A_422 = arith.mulf %get3A_417, %get3A_421 : vector<16xf32>
        %add3A_423 = arith.addf %add3A_413, %mul3A_422 : vector<16xf32>
        %get3A_424 = arith.index_cast %add3A_394 : i32 to index
        %get3A_425 = arith.constant 48 : index
        %get3A_426 = tpu.vector_load %arg8[%get3A_424, %get3A_425] {strides = array<i32>} : memref<400x128xf32, #tpu.memory_space<vmem>>, vector<1x16xf32>,
        %get3A_427 = vector.shape_cast %get3A_426 : vector<1x16xf32> to vector<16xf32>
        %get3A_428 = arith.index_cast %add3A_394 : i32 to index
        %get3A_429 = arith.constant 48 : index
        %get3A_430 = tpu.vector_load %arg9[%get3A_428, %get3A_429] {strides = array<i32>} : memref<400x128xf32, #tpu.memory_space<vmem>>, vector<1x16xf32>,
        %get3A_431 = vector.shape_cast %get3A_430 : vector<1x16xf32> to vector<16xf32>
        %mul3A_432 = arith.mulf %get3A_427, %get3A_431 : vector<16xf32>
        %add3A_433 = arith.addf %add3A_423, %mul3A_432 : vector<16xf32>
        %get3A_434 = arith.index_cast %add3A_394 : i32 to index
        %get3A_435 = arith.constant 64 : index
        %get3A_436 = tpu.vector_load %arg8[%get3A_434, %get3A_435] {strides = array<i32>} : memref<400x128xf32, #tpu.memory_space<vmem>>, vector<1x16xf32>,
        %get3A_437 = vector.shape_cast %get3A_436 : vector<1x16xf32> to vector<16xf32>
        %get3A_438 = arith.index_cast %add3A_394 : i32 to index
        %get3A_439 = arith.constant 64 : index
        %get3A_440 = tpu.vector_load %arg9[%get3A_438, %get3A_439] {strides = array<i32>} : memref<400x128xf32, #tpu.memory_space<vmem>>, vector<1x16xf32>,
        %get3A_441 = vector.shape_cast %get3A_440 : vector<1x16xf32> to vector<16xf32>
        %mul3A_442 = arith.mulf %get3A_437, %get3A_441 : vector<16xf32>
        %add3A_443 = arith.addf %add3A_433, %mul3A_442 : vector<16xf32>
        %get3A_444 = arith.index_cast %add3A_394 : i32 to index
        %get3A_445 = arith.constant 80 : index
        %get3A_446 = tpu.vector_load %arg8[%get3A_444, %get3A_445] {strides = array<i32>} : memref<400x128xf32, #tpu.memory_space<vmem>>, vector<1x16xf32>,
        %get3A_447 = vector.shape_cast %get3A_446 : vector<1x16xf32> to vector<16xf32>
        %get3A_448 = arith.index_cast %add3A_394 : i32 to index
        %get3A_449 = arith.constant 80 : index
        %get3A_450 = tpu.vector_load %arg9[%get3A_448, %get3A_449] {strides = array<i32>} : memref<400x128xf32, #tpu.memory_space<vmem>>, vector<1x16xf32>,
        %get3A_451 = vector.shape_cast %get3A_450 : vector<1x16xf32> to vector<16xf32>
        %mul3A_452 = arith.mulf %get3A_447, %get3A_451 : vector<16xf32>
        %add3A_453 = arith.addf %add3A_443, %mul3A_452 : vector<16xf32>
        %get3A_454 = arith.index_cast %add3A_394 : i32 to index
        %get3A_455 = arith.constant 96 : index
        %get3A_456 = tpu.vector_load %arg8[%get3A_454, %get3A_455] {strides = array<i32>} : memref<400x128xf32, #tpu.memory_space<vmem>>, vector<1x16xf32>,
        %get3A_457 = vector.shape_cast %get3A_456 : vector<1x16xf32> to vector<16xf32>
        %get3A_458 = arith.index_cast %add3A_394 : i32 to index
        %get3A_459 = arith.constant 96 : index
        %get3A_460 = tpu.vector_load %arg9[%get3A_458, %get3A_459] {strides = array<i32>} : memref<400x128xf32, #tpu.memory_space<vmem>>, vector<1x16xf32>,
        %get3A_461 = vector.shape_cast %get3A_460 : vector<1x16xf32> to vector<16xf32>
        %mul3A_462 = arith.mulf %get3A_457, %get3A_461 : vector<16xf32>
        %add3A_463 = arith.addf %add3A_453, %mul3A_462 : vector<16xf32>
        %get3A_464 = arith.index_cast %add3A_394 : i32 to index
        %get3A_465 = arith.constant 112 : index
        %get3A_466 = tpu.vector_load %arg8[%get3A_464, %get3A_465] {strides = array<i32>} : memref<400x128xf32, #tpu.memory_space<vmem>>, vector<1x16xf32>,
        %get3A_467 = vector.shape_cast %get3A_466 : vector<1x16xf32> to vector<16xf32>
        %get3A_468 = arith.index_cast %add3A_394 : i32 to index
        %get3A_469 = arith.constant 112 : index
        %get3A_470 = tpu.vector_load %arg9[%get3A_468, %get3A_469] {strides = array<i32>} : memref<400x128xf32, #tpu.memory_space<vmem>>, vector<1x16xf32>,
        %get3A_471 = vector.shape_cast %get3A_470 : vector<1x16xf32> to vector<16xf32>
        %mul3A_472 = arith.mulf %get3A_467, %get3A_471 : vector<16xf32>
        %add3A_473 = arith.addf %add3A_463, %mul3A_472 : vector<16xf32>
        %broadcast_in_dim3A_474 = vector.shape_cast %xor3A_4 : vector<16xi32> to vector<16x1xi32>
        %gather3A_475 = vector.shape_cast %broadcast_in_dim3A_474 : vector<16x1xi32> to vector<16xi32>
        %gather3A_476 = tpu.dynamic_gather %add3A_473[%gather3A_475] in [0] : vector<16xf32>, vector<16xi32> -> vector<16xf32>
        %add3A_477 = arith.addf %add3A_473, %gather3A_476 : vector<16xf32>
        %broadcast_in_dim3A_478 = vector.shape_cast %xor3A_7 : vector<16xi32> to vector<16x1xi32>
        %gather3A_479 = vector.shape_cast %broadcast_in_dim3A_478 : vector<16x1xi32> to vector<16xi32>
        %gather3A_480 = tpu.dynamic_gather %add3A_477[%gather3A_479] in [0] : vector<16xf32>, vector<16xi32> -> vector<16xf32>
        %add3A_481 = arith.addf %add3A_477, %gather3A_480 : vector<16xf32>
        %broadcast_in_dim3A_482 = vector.shape_cast %xor3A_10 : vector<16xi32> to vector<16x1xi32>
        %gather3A_483 = vector.shape_cast %broadcast_in_dim3A_482 : vector<16x1xi32> to vector<16xi32>
        %gather3A_484 = tpu.dynamic_gather %add3A_481[%gather3A_483] in [0] : vector<16xf32>, vector<16xi32> -> vector<16xf32>
        %add3A_485 = arith.addf %add3A_481, %gather3A_484 : vector<16xf32>
        %broadcast_in_dim3A_486 = vector.shape_cast %xor3A_13 : vector<16xi32> to vector<16x1xi32>
        %gather3A_487 = vector.shape_cast %broadcast_in_dim3A_486 : vector<16x1xi32> to vector<16xi32>
        %gather3A_488 = tpu.dynamic_gather %add3A_485[%gather3A_487] in [0] : vector<16xf32>, vector<16xi32> -> vector<16xf32>
        %add3A_489 = arith.addf %add3A_485, %gather3A_488 : vector<16xf32>
        %mul3A_490 = arith.constant 16 : i32
        %mul3A_491 = arith.muli %scan3A_171, %mul3A_490 : i32
        %mul3A_492 = arith.constant 4 : i32
        %mul3A_493 = arith.muli %scan3A_184, %mul3A_492 : i32
        %add3A_494 = arith.addi %mul3A_491, %mul3A_493 : i32
        %add3A_495 = arith.constant 3 : i32
        %add3A_496 = arith.addi %add3A_494, %add3A_495 : i32
        %get3A_497 = arith.index_cast %add3A_496 : i32 to index
        %get3A_498 = arith.constant 0 : index
        %get3A_499 = tpu.vector_load %arg8[%get3A_497, %get3A_498] {strides = array<i32>} : memref<400x128xf32, #tpu.memory_space<vmem>>, vector<1x16xf32>,
        %get3A_500 = vector.shape_cast %get3A_499 : vector<1x16xf32> to vector<16xf32>
        %get3A_501 = arith.index_cast %add3A_496 : i32 to index
        %get3A_502 = arith.constant 0 : index
        %get3A_503 = tpu.vector_load %arg9[%get3A_501, %get3A_502] {strides = array<i32>} : memref<400x128xf32, #tpu.memory_space<vmem>>, vector<1x16xf32>,
        %get3A_504 = vector.shape_cast %get3A_503 : vector<1x16xf32> to vector<16xf32>
        %mul3A_505 = arith.mulf %get3A_500, %get3A_504 : vector<16xf32>
        %get3A_506 = arith.index_cast %add3A_496 : i32 to index
        %get3A_507 = arith.constant 16 : index
        %get3A_508 = tpu.vector_load %arg8[%get3A_506, %get3A_507] {strides = array<i32>} : memref<400x128xf32, #tpu.memory_space<vmem>>, vector<1x16xf32>,
        %get3A_509 = vector.shape_cast %get3A_508 : vector<1x16xf32> to vector<16xf32>
        %get3A_510 = arith.index_cast %add3A_496 : i32 to index
        %get3A_511 = arith.constant 16 : index
        %get3A_512 = tpu.vector_load %arg9[%get3A_510, %get3A_511] {strides = array<i32>} : memref<400x128xf32, #tpu.memory_space<vmem>>, vector<1x16xf32>,
        %get3A_513 = vector.shape_cast %get3A_512 : vector<1x16xf32> to vector<16xf32>
        %mul3A_514 = arith.mulf %get3A_509, %get3A_513 : vector<16xf32>
        %add3A_515 = arith.addf %mul3A_505, %mul3A_514 : vector<16xf32>
        %get3A_516 = arith.index_cast %add3A_496 : i32 to index
        %get3A_517 = arith.constant 32 : index
        %get3A_518 = tpu.vector_load %arg8[%get3A_516, %get3A_517] {strides = array<i32>} : memref<400x128xf32, #tpu.memory_space<vmem>>, vector<1x16xf32>,
        %get3A_519 = vector.shape_cast %get3A_518 : vector<1x16xf32> to vector<16xf32>
        %get3A_520 = arith.index_cast %add3A_496 : i32 to index
        %get3A_521 = arith.constant 32 : index
        %get3A_522 = tpu.vector_load %arg9[%get3A_520, %get3A_521] {strides = array<i32>} : memref<400x128xf32, #tpu.memory_space<vmem>>, vector<1x16xf32>,
        %get3A_523 = vector.shape_cast %get3A_522 : vector<1x16xf32> to vector<16xf32>
        %mul3A_524 = arith.mulf %get3A_519, %get3A_523 : vector<16xf32>
        %add3A_525 = arith.addf %add3A_515, %mul3A_524 : vector<16xf32>
        %get3A_526 = arith.index_cast %add3A_496 : i32 to index
        %get3A_527 = arith.constant 48 : index
        %get3A_528 = tpu.vector_load %arg8[%get3A_526, %get3A_527] {strides = array<i32>} : memref<400x128xf32, #tpu.memory_space<vmem>>, vector<1x16xf32>,
        %get3A_529 = vector.shape_cast %get3A_528 : vector<1x16xf32> to vector<16xf32>
        %get3A_530 = arith.index_cast %add3A_496 : i32 to index
        %get3A_531 = arith.constant 48 : index
        %get3A_532 = tpu.vector_load %arg9[%get3A_530, %get3A_531] {strides = array<i32>} : memref<400x128xf32, #tpu.memory_space<vmem>>, vector<1x16xf32>,
        %get3A_533 = vector.shape_cast %get3A_532 : vector<1x16xf32> to vector<16xf32>
        %mul3A_534 = arith.mulf %get3A_529, %get3A_533 : vector<16xf32>
        %add3A_535 = arith.addf %add3A_525, %mul3A_534 : vector<16xf32>
        %get3A_536 = arith.index_cast %add3A_496 : i32 to index
        %get3A_537 = arith.constant 64 : index
        %get3A_538 = tpu.vector_load %arg8[%get3A_536, %get3A_537] {strides = array<i32>} : memref<400x128xf32, #tpu.memory_space<vmem>>, vector<1x16xf32>,
        %get3A_539 = vector.shape_cast %get3A_538 : vector<1x16xf32> to vector<16xf32>
        %get3A_540 = arith.index_cast %add3A_496 : i32 to index
        %get3A_541 = arith.constant 64 : index
        %get3A_542 = tpu.vector_load %arg9[%get3A_540, %get3A_541] {strides = array<i32>} : memref<400x128xf32, #tpu.memory_space<vmem>>, vector<1x16xf32>,
        %get3A_543 = vector.shape_cast %get3A_542 : vector<1x16xf32> to vector<16xf32>
        %mul3A_544 = arith.mulf %get3A_539, %get3A_543 : vector<16xf32>
        %add3A_545 = arith.addf %add3A_535, %mul3A_544 : vector<16xf32>
        %get3A_546 = arith.index_cast %add3A_496 : i32 to index
        %get3A_547 = arith.constant 80 : index
        %get3A_548 = tpu.vector_load %arg8[%get3A_546, %get3A_547] {strides = array<i32>} : memref<400x128xf32, #tpu.memory_space<vmem>>, vector<1x16xf32>,
        %get3A_549 = vector.shape_cast %get3A_548 : vector<1x16xf32> to vector<16xf32>
        %get3A_550 = arith.index_cast %add3A_496 : i32 to index
        %get3A_551 = arith.constant 80 : index
        %get3A_552 = tpu.vector_load %arg9[%get3A_550, %get3A_551] {strides = array<i32>} : memref<400x128xf32, #tpu.memory_space<vmem>>, vector<1x16xf32>,
        %get3A_553 = vector.shape_cast %get3A_552 : vector<1x16xf32> to vector<16xf32>
        %mul3A_554 = arith.mulf %get3A_549, %get3A_553 : vector<16xf32>
        %add3A_555 = arith.addf %add3A_545, %mul3A_554 : vector<16xf32>
        %get3A_556 = arith.index_cast %add3A_496 : i32 to index
        %get3A_557 = arith.constant 96 : index
        %get3A_558 = tpu.vector_load %arg8[%get3A_556, %get3A_557] {strides = array<i32>} : memref<400x128xf32, #tpu.memory_space<vmem>>, vector<1x16xf32>,
        %get3A_559 = vector.shape_cast %get3A_558 : vector<1x16xf32> to vector<16xf32>
        %get3A_560 = arith.index_cast %add3A_496 : i32 to index
        %get3A_561 = arith.constant 96 : index
        %get3A_562 = tpu.vector_load %arg9[%get3A_560, %get3A_561] {strides = array<i32>} : memref<400x128xf32, #tpu.memory_space<vmem>>, vector<1x16xf32>,
        %get3A_563 = vector.shape_cast %get3A_562 : vector<1x16xf32> to vector<16xf32>
        %mul3A_564 = arith.mulf %get3A_559, %get3A_563 : vector<16xf32>
        %add3A_565 = arith.addf %add3A_555, %mul3A_564 : vector<16xf32>
        %get3A_566 = arith.index_cast %add3A_496 : i32 to index
        %get3A_567 = arith.constant 112 : index
        %get3A_568 = tpu.vector_load %arg8[%get3A_566, %get3A_567] {strides = array<i32>} : memref<400x128xf32, #tpu.memory_space<vmem>>, vector<1x16xf32>,
        %get3A_569 = vector.shape_cast %get3A_568 : vector<1x16xf32> to vector<16xf32>
        %get3A_570 = arith.index_cast %add3A_496 : i32 to index
        %get3A_571 = arith.constant 112 : index
        %get3A_572 = tpu.vector_load %arg9[%get3A_570, %get3A_571] {strides = array<i32>} : memref<400x128xf32, #tpu.memory_space<vmem>>, vector<1x16xf32>,
        %get3A_573 = vector.shape_cast %get3A_572 : vector<1x16xf32> to vector<16xf32>
        %mul3A_574 = arith.mulf %get3A_569, %get3A_573 : vector<16xf32>
        %add3A_575 = arith.addf %add3A_565, %mul3A_574 : vector<16xf32>
        %broadcast_in_dim3A_576 = vector.shape_cast %xor3A_4 : vector<16xi32> to vector<16x1xi32>
        %gather3A_577 = vector.shape_cast %broadcast_in_dim3A_576 : vector<16x1xi32> to vector<16xi32>
        %gather3A_578 = tpu.dynamic_gather %add3A_575[%gather3A_577] in [0] : vector<16xf32>, vector<16xi32> -> vector<16xf32>
        %add3A_579 = arith.addf %add3A_575, %gather3A_578 : vector<16xf32>
        %broadcast_in_dim3A_580 = vector.shape_cast %xor3A_7 : vector<16xi32> to vector<16x1xi32>
        %gather3A_581 = vector.shape_cast %broadcast_in_dim3A_580 : vector<16x1xi32> to vector<16xi32>
        %gather3A_582 = tpu.dynamic_gather %add3A_579[%gather3A_581] in [0] : vector<16xf32>, vector<16xi32> -> vector<16xf32>
        %add3A_583 = arith.addf %add3A_579, %gather3A_582 : vector<16xf32>
        %broadcast_in_dim3A_584 = vector.shape_cast %xor3A_10 : vector<16xi32> to vector<16x1xi32>
        %gather3A_585 = vector.shape_cast %broadcast_in_dim3A_584 : vector<16x1xi32> to vector<16xi32>
        %gather3A_586 = tpu.dynamic_gather %add3A_583[%gather3A_585] in [0] : vector<16xf32>, vector<16xi32> -> vector<16xf32>
        %add3A_587 = arith.addf %add3A_583, %gather3A_586 : vector<16xf32>
        %broadcast_in_dim3A_588 = vector.shape_cast %xor3A_13 : vector<16xi32> to vector<16x1xi32>
        %gather3A_589 = vector.shape_cast %broadcast_in_dim3A_588 : vector<16x1xi32> to vector<16xi32>
        %gather3A_590 = tpu.dynamic_gather %add3A_587[%gather3A_589] in [0] : vector<16xf32>, vector<16xi32> -> vector<16xf32>
        %add3A_591 = arith.addf %add3A_587, %gather3A_590 : vector<16xf32>
        %mul3A_592 = arith.constant 4 : i32
        %mul3A_593 = arith.muli %scan3A_184, %mul3A_592 : i32
        %add3A_594 = arith.constant 0 : i32
        %add3A_595 = arith.addi %mul3A_593, %add3A_594 : i32
        %eq3A = vector.broadcast %add3A_595 : i32 to vector<16xi32>
        %eq3A_596 = arith.cmpi eq, %iota3A, %eq3A : vector<16xi32>
        %select_n3A = arith.select %eq3A_596, %add3A_285, %scan3A_185 : vector<16xi1>, vector<16xf32>
        %mul3A_597 = arith.constant 4 : i32
        %mul3A_598 = arith.muli %scan3A_184, %mul3A_597 : i32
        %add3A_599 = arith.constant 1 : i32
        %add3A_600 = arith.addi %mul3A_598, %add3A_599 : i32
        %eq3A_601 = vector.broadcast %add3A_600 : i32 to vector<16xi32>
        %eq3A_602 = arith.cmpi eq, %iota3A, %eq3A_601 : vector<16xi32>
        %select_n3A_603 = arith.select %eq3A_602, %add3A_387, %select_n3A : vector<16xi1>, vector<16xf32>
        %mul3A_604 = arith.constant 4 : i32
        %mul3A_605 = arith.muli %scan3A_184, %mul3A_604 : i32
        %add3A_606 = arith.constant 2 : i32
        %add3A_607 = arith.addi %mul3A_605, %add3A_606 : i32
        %eq3A_608 = vector.broadcast %add3A_607 : i32 to vector<16xi32>
        %eq3A_609 = arith.cmpi eq, %iota3A, %eq3A_608 : vector<16xi32>
        %select_n3A_610 = arith.select %eq3A_609, %add3A_489, %select_n3A_603 : vector<16xi1>, vector<16xf32>
        %mul3A_611 = arith.constant 4 : i32
        %mul3A_612 = arith.muli %scan3A_184, %mul3A_611 : i32
        %add3A_613 = arith.constant 3 : i32
        %add3A_614 = arith.addi %mul3A_612, %add3A_613 : i32
        %eq3A_615 = vector.broadcast %add3A_614 : i32 to vector<16xi32>
        %eq3A_616 = arith.cmpi eq, %iota3A, %eq3A_615 : vector<16xi32>
        %select_n3A_617 = arith.select %eq3A_616, %add3A_591, %select_n3A_610 : vector<16xi1>, vector<16xf32>
        scf.yield %select_n3A_617 : vector<16xf32>
      }
      %scan3A_178 = arith.constant 4 : i32
      %mul3A_179 = arith.constant 16 : i32
      %mul3A_180 = arith.muli %scan3A_171, %mul3A_179 : i32
      %swap3A = arith.index_cast %mul3A_180 : i32 to index
      %swap3A_181 = tpu.vector_load %arg10[%swap3A] {strides = array<i32>} : memref<400xf32, #tpu.memory_space<vmem>>, vector<16xf32>,
      %swap3A_182 = vector.shape_cast %swap3A_181 : vector<16xf32> to vector<16xf32>
      %swap3A_183 = vector.shape_cast %scan3A_177 : vector<16xf32> to vector<16xf32>
      tpu.vector_store %arg10[%swap3A], %swap3A_183 {strides = array<i32>} : memref<400xf32, #tpu.memory_space<vmem>>, vector<16xf32>,
    }
    %scan3A_50 = arith.constant 25 : i32
    "tpu.region"() ({
      %run_scoped3A = tpu.sem_alloc : memref<!tpu.dma_semaphore, #tpu.memory_space<semaphore_mem>>
      %dma_start3A_171 = tpu.memref_slice %arg5[%add3A_32] : memref<102400xf32, #tpu.memory_space<hbm>> -> memref<400xf32, #tpu.memory_space<hbm>>
      %dma_start3A_172 = tpu.memref_slice %arg5[%add3A_32] : memref<102400xf32, #tpu.memory_space<hbm>> -> memref<400xf32, #tpu.memory_space<hbm>>
      tpu.enqueue_dma source(%arg10 : memref<400xf32, #tpu.memory_space<vmem>>) target(%dma_start3A_172 : memref<400xf32, #tpu.memory_space<hbm>>) target_semaphore(%run_scoped3A : memref<!tpu.dma_semaphore, #tpu.memory_space<semaphore_mem>>)
      %dma_wait3A_173 = tpu.memref_slice %arg5[%add3A_32] : memref<102400xf32, #tpu.memory_space<hbm>> -> memref<400xf32, #tpu.memory_space<hbm>>
      %dma_wait3A_174 = tpu.memref_slice %arg5[%add3A_32] : memref<102400xf32, #tpu.memory_space<hbm>> -> memref<400xf32, #tpu.memory_space<hbm>>
      tpu.wait_dma2 semaphore(%run_scoped3A : memref<!tpu.dma_semaphore, #tpu.memory_space<semaphore_mem>>) src(%arg10 : memref<400xf32, #tpu.memory_space<vmem>>) dst(%dma_wait3A_174 : memref<400xf32, #tpu.memory_space<hbm>>)
      tpu.yield
    }) : () -> ()
    %add3A_51 = arith.constant 800 : i32
    %add3A_52 = arith.addi %mul3A_2, %add3A_51 : i32
    "tpu.region"() ({
      %run_scoped3A = tpu.sem_alloc : memref<!tpu.dma_semaphore, #tpu.memory_space<semaphore_mem>>
      %dma_start3A_171 = tpu.memref_slice %arg3[%add3A_52] : memref<102400xi32, #tpu.memory_space<hbm>> -> memref<400xi32, #tpu.memory_space<hbm>>
      %dma_start3A_172 = tpu.memref_slice %arg3[%add3A_52] : memref<102400xi32, #tpu.memory_space<hbm>> -> memref<400xi32, #tpu.memory_space<hbm>>
      tpu.enqueue_dma source(%dma_start3A_172 : memref<400xi32, #tpu.memory_space<hbm>>) target(%arg6 : memref<400xi32, #tpu.memory_space<vmem>>) target_semaphore(%run_scoped3A : memref<!tpu.dma_semaphore, #tpu.memory_space<semaphore_mem>>)
      %dma_wait3A_173 = tpu.memref_slice %arg3[%add3A_52] : memref<102400xi32, #tpu.memory_space<hbm>> -> memref<400xi32, #tpu.memory_space<hbm>>
      %dma_wait3A_174 = tpu.memref_slice %arg3[%add3A_52] : memref<102400xi32, #tpu.memory_space<hbm>> -> memref<400xi32, #tpu.memory_space<hbm>>
      tpu.wait_dma2 semaphore(%run_scoped3A : memref<!tpu.dma_semaphore, #tpu.memory_space<semaphore_mem>>) src(%dma_wait3A_174 : memref<400xi32, #tpu.memory_space<hbm>>) dst(%arg6 : memref<400xi32, #tpu.memory_space<vmem>>)
      tpu.yield
    }) : () -> ()
    "tpu.region"() ({
      %run_scoped3A = tpu.sem_alloc : memref<!tpu.dma_semaphore, #tpu.memory_space<semaphore_mem>>
      %dma_start3A_171 = tpu.memref_slice %arg4[%add3A_52] : memref<102400xi32, #tpu.memory_space<hbm>> -> memref<400xi32, #tpu.memory_space<hbm>>
      %dma_start3A_172 = tpu.memref_slice %arg4[%add3A_52] : memref<102400xi32, #tpu.memory_space<hbm>> -> memref<400xi32, #tpu.memory_space<hbm>>
      tpu.enqueue_dma source(%dma_start3A_172 : memref<400xi32, #tpu.memory_space<hbm>>) target(%arg7 : memref<400xi32, #tpu.memory_space<vmem>>) target_semaphore(%run_scoped3A : memref<!tpu.dma_semaphore, #tpu.memory_space<semaphore_mem>>)
      %dma_wait3A_173 = tpu.memref_slice %arg4[%add3A_52] : memref<102400xi32, #tpu.memory_space<hbm>> -> memref<400xi32, #tpu.memory_space<hbm>>
      %dma_wait3A_174 = tpu.memref_slice %arg4[%add3A_52] : memref<102400xi32, #tpu.memory_space<hbm>> -> memref<400xi32, #tpu.memory_space<hbm>>
      tpu.wait_dma2 semaphore(%run_scoped3A : memref<!tpu.dma_semaphore, #tpu.memory_space<semaphore_mem>>) src(%dma_wait3A_174 : memref<400xi32, #tpu.memory_space<hbm>>) dst(%arg7 : memref<400xi32, #tpu.memory_space<vmem>>)
      tpu.yield
    }) : () -> ()
    %dma_start3A_53 = arith.constant 0 : i32
    %dma_start3A_54 = arith.constant 0 : i32
    %dma_start3A_55 = tpu.memref_slice %arg2[%dma_start3A_53, %dma_start3A_54] : memref<10000x128xf32, #tpu.memory_space<hbm>> -> memref<10000x128xf32, #tpu.memory_space<hbm>>
    tpu.enqueue_indirect_dma source(%dma_start3A_55 : memref<10000x128xf32, #tpu.memory_space<hbm>>) target(%arg8 : memref<400x128xf32, #tpu.memory_space<vmem>>) offsets(%arg6 : memref<400xi32, #tpu.memory_space<vmem>>) semaphore(%arg11 : memref<!tpu.dma_semaphore, #tpu.memory_space<semaphore_mem>>)
    %dma_start3A_56 = arith.constant 0 : i32
    %dma_start3A_57 = arith.constant 0 : i32
    %dma_start3A_58 = tpu.memref_slice %arg2[%dma_start3A_56, %dma_start3A_57] : memref<10000x128xf32, #tpu.memory_space<hbm>> -> memref<10000x128xf32, #tpu.memory_space<hbm>>
    tpu.enqueue_indirect_dma source(%dma_start3A_58 : memref<10000x128xf32, #tpu.memory_space<hbm>>) target(%arg9 : memref<400x128xf32, #tpu.memory_space<vmem>>) offsets(%arg7 : memref<400xi32, #tpu.memory_space<vmem>>) semaphore(%arg12 : memref<!tpu.dma_semaphore, #tpu.memory_space<semaphore_mem>>)
    %dma_wait3A_59 = arith.constant 0 : i32
    %dma_wait3A_60 = arith.constant 0 : i32
    %dma_wait3A_61 = tpu.memref_slice %arg2[%dma_wait3A_59, %dma_wait3A_60] : memref<10000x128xf32, #tpu.memory_space<hbm>> -> memref<10000x128xf32, #tpu.memory_space<hbm>>
    tpu.wait_indirect_dma semaphore(%arg11 : memref<!tpu.dma_semaphore, #tpu.memory_space<semaphore_mem>>) src(%dma_wait3A_61 : memref<10000x128xf32, #tpu.memory_space<hbm>>) dst(%arg8 : memref<400x128xf32, #tpu.memory_space<vmem>>)
    %dma_wait3A_62 = arith.constant 0 : i32
    %dma_wait3A_63 = arith.constant 0 : i32
    %dma_wait3A_64 = tpu.memref_slice %arg2[%dma_wait3A_62, %dma_wait3A_63] : memref<10000x128xf32, #tpu.memory_space<hbm>> -> memref<10000x128xf32, #tpu.memory_space<hbm>>
    tpu.wait_indirect_dma semaphore(%arg12 : memref<!tpu.dma_semaphore, #tpu.memory_space<semaphore_mem>>) src(%dma_wait3A_64 : memref<10000x128xf32, #tpu.memory_space<hbm>>) dst(%arg9 : memref<400x128xf32, #tpu.memory_space<vmem>>)
    %scan3A_65 = arith.constant 0 : i32
    %scan3A_66 = arith.constant 0 : i32
    %scan3A_67 = arith.constant 25 : i32
    %scan3A_68 = arith.addi %scan3A_66, %scan3A_67 : i32
    %scan3A_69 = arith.constant 1 : i32
    scf.for %scan3A_171 = %scan3A_66 to %scan3A_68 step %scan3A_69  : i32 {
      %broadcast_in_dim3A = arith.constant 0.000000e+00 : f32
      %broadcast_in_dim3A_172 = vector.broadcast %broadcast_in_dim3A : f32 to vector<16xf32>
      %scan3A_173 = arith.constant 0 : i32
      %scan3A_174 = arith.constant 4 : i32
      %scan3A_175 = arith.addi %scan3A_173, %scan3A_174 : i32
      %scan3A_176 = arith.constant 1 : i32
      %scan3A_177 = scf.for %scan3A_184 = %scan3A_173 to %scan3A_175 step %scan3A_176 iter_args(%scan3A_185 = %broadcast_in_dim3A_172) -> (vector<16xf32>)  : i32 {
        %mul3A_186 = arith.constant 16 : i32
        %mul3A_187 = arith.muli %scan3A_171, %mul3A_186 : i32
        %mul3A_188 = arith.constant 4 : i32
        %mul3A_189 = arith.muli %scan3A_184, %mul3A_188 : i32
        %add3A_190 = arith.addi %mul3A_187, %mul3A_189 : i32
        %add3A_191 = arith.constant 0 : i32
        %add3A_192 = arith.addi %add3A_190, %add3A_191 : i32
        %get3A = arith.index_cast %add3A_192 : i32 to index
        %get3A_193 = arith.constant 0 : index
        %get3A_194 = tpu.vector_load %arg8[%get3A, %get3A_193] {strides = array<i32>} : memref<400x128xf32, #tpu.memory_space<vmem>>, vector<1x16xf32>,
        %get3A_195 = vector.shape_cast %get3A_194 : vector<1x16xf32> to vector<16xf32>
        %get3A_196 = arith.index_cast %add3A_192 : i32 to index
        %get3A_197 = arith.constant 0 : index
        %get3A_198 = tpu.vector_load %arg9[%get3A_196, %get3A_197] {strides = array<i32>} : memref<400x128xf32, #tpu.memory_space<vmem>>, vector<1x16xf32>,
        %get3A_199 = vector.shape_cast %get3A_198 : vector<1x16xf32> to vector<16xf32>
        %mul3A_200 = arith.mulf %get3A_195, %get3A_199 : vector<16xf32>
        %get3A_201 = arith.index_cast %add3A_192 : i32 to index
        %get3A_202 = arith.constant 16 : index
        %get3A_203 = tpu.vector_load %arg8[%get3A_201, %get3A_202] {strides = array<i32>} : memref<400x128xf32, #tpu.memory_space<vmem>>, vector<1x16xf32>,
        %get3A_204 = vector.shape_cast %get3A_203 : vector<1x16xf32> to vector<16xf32>
        %get3A_205 = arith.index_cast %add3A_192 : i32 to index
        %get3A_206 = arith.constant 16 : index
        %get3A_207 = tpu.vector_load %arg9[%get3A_205, %get3A_206] {strides = array<i32>} : memref<400x128xf32, #tpu.memory_space<vmem>>, vector<1x16xf32>,
        %get3A_208 = vector.shape_cast %get3A_207 : vector<1x16xf32> to vector<16xf32>
        %mul3A_209 = arith.mulf %get3A_204, %get3A_208 : vector<16xf32>
        %add3A_210 = arith.addf %mul3A_200, %mul3A_209 : vector<16xf32>
        %get3A_211 = arith.index_cast %add3A_192 : i32 to index
        %get3A_212 = arith.constant 32 : index
        %get3A_213 = tpu.vector_load %arg8[%get3A_211, %get3A_212] {strides = array<i32>} : memref<400x128xf32, #tpu.memory_space<vmem>>, vector<1x16xf32>,
        %get3A_214 = vector.shape_cast %get3A_213 : vector<1x16xf32> to vector<16xf32>
        %get3A_215 = arith.index_cast %add3A_192 : i32 to index
        %get3A_216 = arith.constant 32 : index
        %get3A_217 = tpu.vector_load %arg9[%get3A_215, %get3A_216] {strides = array<i32>} : memref<400x128xf32, #tpu.memory_space<vmem>>, vector<1x16xf32>,
        %get3A_218 = vector.shape_cast %get3A_217 : vector<1x16xf32> to vector<16xf32>
        %mul3A_219 = arith.mulf %get3A_214, %get3A_218 : vector<16xf32>
        %add3A_220 = arith.addf %add3A_210, %mul3A_219 : vector<16xf32>
        %get3A_221 = arith.index_cast %add3A_192 : i32 to index
        %get3A_222 = arith.constant 48 : index
        %get3A_223 = tpu.vector_load %arg8[%get3A_221, %get3A_222] {strides = array<i32>} : memref<400x128xf32, #tpu.memory_space<vmem>>, vector<1x16xf32>,
        %get3A_224 = vector.shape_cast %get3A_223 : vector<1x16xf32> to vector<16xf32>
        %get3A_225 = arith.index_cast %add3A_192 : i32 to index
        %get3A_226 = arith.constant 48 : index
        %get3A_227 = tpu.vector_load %arg9[%get3A_225, %get3A_226] {strides = array<i32>} : memref<400x128xf32, #tpu.memory_space<vmem>>, vector<1x16xf32>,
        %get3A_228 = vector.shape_cast %get3A_227 : vector<1x16xf32> to vector<16xf32>
        %mul3A_229 = arith.mulf %get3A_224, %get3A_228 : vector<16xf32>
        %add3A_230 = arith.addf %add3A_220, %mul3A_229 : vector<16xf32>
        %get3A_231 = arith.index_cast %add3A_192 : i32 to index
        %get3A_232 = arith.constant 64 : index
        %get3A_233 = tpu.vector_load %arg8[%get3A_231, %get3A_232] {strides = array<i32>} : memref<400x128xf32, #tpu.memory_space<vmem>>, vector<1x16xf32>,
        %get3A_234 = vector.shape_cast %get3A_233 : vector<1x16xf32> to vector<16xf32>
        %get3A_235 = arith.index_cast %add3A_192 : i32 to index
        %get3A_236 = arith.constant 64 : index
        %get3A_237 = tpu.vector_load %arg9[%get3A_235, %get3A_236] {strides = array<i32>} : memref<400x128xf32, #tpu.memory_space<vmem>>, vector<1x16xf32>,
        %get3A_238 = vector.shape_cast %get3A_237 : vector<1x16xf32> to vector<16xf32>
        %mul3A_239 = arith.mulf %get3A_234, %get3A_238 : vector<16xf32>
        %add3A_240 = arith.addf %add3A_230, %mul3A_239 : vector<16xf32>
        %get3A_241 = arith.index_cast %add3A_192 : i32 to index
        %get3A_242 = arith.constant 80 : index
        %get3A_243 = tpu.vector_load %arg8[%get3A_241, %get3A_242] {strides = array<i32>} : memref<400x128xf32, #tpu.memory_space<vmem>>, vector<1x16xf32>,
        %get3A_244 = vector.shape_cast %get3A_243 : vector<1x16xf32> to vector<16xf32>
        %get3A_245 = arith.index_cast %add3A_192 : i32 to index
        %get3A_246 = arith.constant 80 : index
        %get3A_247 = tpu.vector_load %arg9[%get3A_245, %get3A_246] {strides = array<i32>} : memref<400x128xf32, #tpu.memory_space<vmem>>, vector<1x16xf32>,
        %get3A_248 = vector.shape_cast %get3A_247 : vector<1x16xf32> to vector<16xf32>
        %mul3A_249 = arith.mulf %get3A_244, %get3A_248 : vector<16xf32>
        %add3A_250 = arith.addf %add3A_240, %mul3A_249 : vector<16xf32>
        %get3A_251 = arith.index_cast %add3A_192 : i32 to index
        %get3A_252 = arith.constant 96 : index
        %get3A_253 = tpu.vector_load %arg8[%get3A_251, %get3A_252] {strides = array<i32>} : memref<400x128xf32, #tpu.memory_space<vmem>>, vector<1x16xf32>,
        %get3A_254 = vector.shape_cast %get3A_253 : vector<1x16xf32> to vector<16xf32>
        %get3A_255 = arith.index_cast %add3A_192 : i32 to index
        %get3A_256 = arith.constant 96 : index
        %get3A_257 = tpu.vector_load %arg9[%get3A_255, %get3A_256] {strides = array<i32>} : memref<400x128xf32, #tpu.memory_space<vmem>>, vector<1x16xf32>,
        %get3A_258 = vector.shape_cast %get3A_257 : vector<1x16xf32> to vector<16xf32>
        %mul3A_259 = arith.mulf %get3A_254, %get3A_258 : vector<16xf32>
        %add3A_260 = arith.addf %add3A_250, %mul3A_259 : vector<16xf32>
        %get3A_261 = arith.index_cast %add3A_192 : i32 to index
        %get3A_262 = arith.constant 112 : index
        %get3A_263 = tpu.vector_load %arg8[%get3A_261, %get3A_262] {strides = array<i32>} : memref<400x128xf32, #tpu.memory_space<vmem>>, vector<1x16xf32>,
        %get3A_264 = vector.shape_cast %get3A_263 : vector<1x16xf32> to vector<16xf32>
        %get3A_265 = arith.index_cast %add3A_192 : i32 to index
        %get3A_266 = arith.constant 112 : index
        %get3A_267 = tpu.vector_load %arg9[%get3A_265, %get3A_266] {strides = array<i32>} : memref<400x128xf32, #tpu.memory_space<vmem>>, vector<1x16xf32>,
        %get3A_268 = vector.shape_cast %get3A_267 : vector<1x16xf32> to vector<16xf32>
        %mul3A_269 = arith.mulf %get3A_264, %get3A_268 : vector<16xf32>
        %add3A_270 = arith.addf %add3A_260, %mul3A_269 : vector<16xf32>
        %broadcast_in_dim3A_271 = vector.shape_cast %xor3A_4 : vector<16xi32> to vector<16x1xi32>
        %gather3A = vector.shape_cast %broadcast_in_dim3A_271 : vector<16x1xi32> to vector<16xi32>
        %gather3A_272 = tpu.dynamic_gather %add3A_270[%gather3A] in [0] : vector<16xf32>, vector<16xi32> -> vector<16xf32>
        %add3A_273 = arith.addf %add3A_270, %gather3A_272 : vector<16xf32>
        %broadcast_in_dim3A_274 = vector.shape_cast %xor3A_7 : vector<16xi32> to vector<16x1xi32>
        %gather3A_275 = vector.shape_cast %broadcast_in_dim3A_274 : vector<16x1xi32> to vector<16xi32>
        %gather3A_276 = tpu.dynamic_gather %add3A_273[%gather3A_275] in [0] : vector<16xf32>, vector<16xi32> -> vector<16xf32>
        %add3A_277 = arith.addf %add3A_273, %gather3A_276 : vector<16xf32>
        %broadcast_in_dim3A_278 = vector.shape_cast %xor3A_10 : vector<16xi32> to vector<16x1xi32>
        %gather3A_279 = vector.shape_cast %broadcast_in_dim3A_278 : vector<16x1xi32> to vector<16xi32>
        %gather3A_280 = tpu.dynamic_gather %add3A_277[%gather3A_279] in [0] : vector<16xf32>, vector<16xi32> -> vector<16xf32>
        %add3A_281 = arith.addf %add3A_277, %gather3A_280 : vector<16xf32>
        %broadcast_in_dim3A_282 = vector.shape_cast %xor3A_13 : vector<16xi32> to vector<16x1xi32>
        %gather3A_283 = vector.shape_cast %broadcast_in_dim3A_282 : vector<16x1xi32> to vector<16xi32>
        %gather3A_284 = tpu.dynamic_gather %add3A_281[%gather3A_283] in [0] : vector<16xf32>, vector<16xi32> -> vector<16xf32>
        %add3A_285 = arith.addf %add3A_281, %gather3A_284 : vector<16xf32>
        %mul3A_286 = arith.constant 16 : i32
        %mul3A_287 = arith.muli %scan3A_171, %mul3A_286 : i32
        %mul3A_288 = arith.constant 4 : i32
        %mul3A_289 = arith.muli %scan3A_184, %mul3A_288 : i32
        %add3A_290 = arith.addi %mul3A_287, %mul3A_289 : i32
        %add3A_291 = arith.constant 1 : i32
        %add3A_292 = arith.addi %add3A_290, %add3A_291 : i32
        %get3A_293 = arith.index_cast %add3A_292 : i32 to index
        %get3A_294 = arith.constant 0 : index
        %get3A_295 = tpu.vector_load %arg8[%get3A_293, %get3A_294] {strides = array<i32>} : memref<400x128xf32, #tpu.memory_space<vmem>>, vector<1x16xf32>,
        %get3A_296 = vector.shape_cast %get3A_295 : vector<1x16xf32> to vector<16xf32>
        %get3A_297 = arith.index_cast %add3A_292 : i32 to index
        %get3A_298 = arith.constant 0 : index
        %get3A_299 = tpu.vector_load %arg9[%get3A_297, %get3A_298] {strides = array<i32>} : memref<400x128xf32, #tpu.memory_space<vmem>>, vector<1x16xf32>,
        %get3A_300 = vector.shape_cast %get3A_299 : vector<1x16xf32> to vector<16xf32>
        %mul3A_301 = arith.mulf %get3A_296, %get3A_300 : vector<16xf32>
        %get3A_302 = arith.index_cast %add3A_292 : i32 to index
        %get3A_303 = arith.constant 16 : index
        %get3A_304 = tpu.vector_load %arg8[%get3A_302, %get3A_303] {strides = array<i32>} : memref<400x128xf32, #tpu.memory_space<vmem>>, vector<1x16xf32>,
        %get3A_305 = vector.shape_cast %get3A_304 : vector<1x16xf32> to vector<16xf32>
        %get3A_306 = arith.index_cast %add3A_292 : i32 to index
        %get3A_307 = arith.constant 16 : index
        %get3A_308 = tpu.vector_load %arg9[%get3A_306, %get3A_307] {strides = array<i32>} : memref<400x128xf32, #tpu.memory_space<vmem>>, vector<1x16xf32>,
        %get3A_309 = vector.shape_cast %get3A_308 : vector<1x16xf32> to vector<16xf32>
        %mul3A_310 = arith.mulf %get3A_305, %get3A_309 : vector<16xf32>
        %add3A_311 = arith.addf %mul3A_301, %mul3A_310 : vector<16xf32>
        %get3A_312 = arith.index_cast %add3A_292 : i32 to index
        %get3A_313 = arith.constant 32 : index
        %get3A_314 = tpu.vector_load %arg8[%get3A_312, %get3A_313] {strides = array<i32>} : memref<400x128xf32, #tpu.memory_space<vmem>>, vector<1x16xf32>,
        %get3A_315 = vector.shape_cast %get3A_314 : vector<1x16xf32> to vector<16xf32>
        %get3A_316 = arith.index_cast %add3A_292 : i32 to index
        %get3A_317 = arith.constant 32 : index
        %get3A_318 = tpu.vector_load %arg9[%get3A_316, %get3A_317] {strides = array<i32>} : memref<400x128xf32, #tpu.memory_space<vmem>>, vector<1x16xf32>,
        %get3A_319 = vector.shape_cast %get3A_318 : vector<1x16xf32> to vector<16xf32>
        %mul3A_320 = arith.mulf %get3A_315, %get3A_319 : vector<16xf32>
        %add3A_321 = arith.addf %add3A_311, %mul3A_320 : vector<16xf32>
        %get3A_322 = arith.index_cast %add3A_292 : i32 to index
        %get3A_323 = arith.constant 48 : index
        %get3A_324 = tpu.vector_load %arg8[%get3A_322, %get3A_323] {strides = array<i32>} : memref<400x128xf32, #tpu.memory_space<vmem>>, vector<1x16xf32>,
        %get3A_325 = vector.shape_cast %get3A_324 : vector<1x16xf32> to vector<16xf32>
        %get3A_326 = arith.index_cast %add3A_292 : i32 to index
        %get3A_327 = arith.constant 48 : index
        %get3A_328 = tpu.vector_load %arg9[%get3A_326, %get3A_327] {strides = array<i32>} : memref<400x128xf32, #tpu.memory_space<vmem>>, vector<1x16xf32>,
        %get3A_329 = vector.shape_cast %get3A_328 : vector<1x16xf32> to vector<16xf32>
        %mul3A_330 = arith.mulf %get3A_325, %get3A_329 : vector<16xf32>
        %add3A_331 = arith.addf %add3A_321, %mul3A_330 : vector<16xf32>
        %get3A_332 = arith.index_cast %add3A_292 : i32 to index
        %get3A_333 = arith.constant 64 : index
        %get3A_334 = tpu.vector_load %arg8[%get3A_332, %get3A_333] {strides = array<i32>} : memref<400x128xf32, #tpu.memory_space<vmem>>, vector<1x16xf32>,
        %get3A_335 = vector.shape_cast %get3A_334 : vector<1x16xf32> to vector<16xf32>
        %get3A_336 = arith.index_cast %add3A_292 : i32 to index
        %get3A_337 = arith.constant 64 : index
        %get3A_338 = tpu.vector_load %arg9[%get3A_336, %get3A_337] {strides = array<i32>} : memref<400x128xf32, #tpu.memory_space<vmem>>, vector<1x16xf32>,
        %get3A_339 = vector.shape_cast %get3A_338 : vector<1x16xf32> to vector<16xf32>
        %mul3A_340 = arith.mulf %get3A_335, %get3A_339 : vector<16xf32>
        %add3A_341 = arith.addf %add3A_331, %mul3A_340 : vector<16xf32>
        %get3A_342 = arith.index_cast %add3A_292 : i32 to index
        %get3A_343 = arith.constant 80 : index
        %get3A_344 = tpu.vector_load %arg8[%get3A_342, %get3A_343] {strides = array<i32>} : memref<400x128xf32, #tpu.memory_space<vmem>>, vector<1x16xf32>,
        %get3A_345 = vector.shape_cast %get3A_344 : vector<1x16xf32> to vector<16xf32>
        %get3A_346 = arith.index_cast %add3A_292 : i32 to index
        %get3A_347 = arith.constant 80 : index
        %get3A_348 = tpu.vector_load %arg9[%get3A_346, %get3A_347] {strides = array<i32>} : memref<400x128xf32, #tpu.memory_space<vmem>>, vector<1x16xf32>,
        %get3A_349 = vector.shape_cast %get3A_348 : vector<1x16xf32> to vector<16xf32>
        %mul3A_350 = arith.mulf %get3A_345, %get3A_349 : vector<16xf32>
        %add3A_351 = arith.addf %add3A_341, %mul3A_350 : vector<16xf32>
        %get3A_352 = arith.index_cast %add3A_292 : i32 to index
        %get3A_353 = arith.constant 96 : index
        %get3A_354 = tpu.vector_load %arg8[%get3A_352, %get3A_353] {strides = array<i32>} : memref<400x128xf32, #tpu.memory_space<vmem>>, vector<1x16xf32>,
        %get3A_355 = vector.shape_cast %get3A_354 : vector<1x16xf32> to vector<16xf32>
        %get3A_356 = arith.index_cast %add3A_292 : i32 to index
        %get3A_357 = arith.constant 96 : index
        %get3A_358 = tpu.vector_load %arg9[%get3A_356, %get3A_357] {strides = array<i32>} : memref<400x128xf32, #tpu.memory_space<vmem>>, vector<1x16xf32>,
        %get3A_359 = vector.shape_cast %get3A_358 : vector<1x16xf32> to vector<16xf32>
        %mul3A_360 = arith.mulf %get3A_355, %get3A_359 : vector<16xf32>
        %add3A_361 = arith.addf %add3A_351, %mul3A_360 : vector<16xf32>
        %get3A_362 = arith.index_cast %add3A_292 : i32 to index
        %get3A_363 = arith.constant 112 : index
        %get3A_364 = tpu.vector_load %arg8[%get3A_362, %get3A_363] {strides = array<i32>} : memref<400x128xf32, #tpu.memory_space<vmem>>, vector<1x16xf32>,
        %get3A_365 = vector.shape_cast %get3A_364 : vector<1x16xf32> to vector<16xf32>
        %get3A_366 = arith.index_cast %add3A_292 : i32 to index
        %get3A_367 = arith.constant 112 : index
        %get3A_368 = tpu.vector_load %arg9[%get3A_366, %get3A_367] {strides = array<i32>} : memref<400x128xf32, #tpu.memory_space<vmem>>, vector<1x16xf32>,
        %get3A_369 = vector.shape_cast %get3A_368 : vector<1x16xf32> to vector<16xf32>
        %mul3A_370 = arith.mulf %get3A_365, %get3A_369 : vector<16xf32>
        %add3A_371 = arith.addf %add3A_361, %mul3A_370 : vector<16xf32>
        %broadcast_in_dim3A_372 = vector.shape_cast %xor3A_4 : vector<16xi32> to vector<16x1xi32>
        %gather3A_373 = vector.shape_cast %broadcast_in_dim3A_372 : vector<16x1xi32> to vector<16xi32>
        %gather3A_374 = tpu.dynamic_gather %add3A_371[%gather3A_373] in [0] : vector<16xf32>, vector<16xi32> -> vector<16xf32>
        %add3A_375 = arith.addf %add3A_371, %gather3A_374 : vector<16xf32>
        %broadcast_in_dim3A_376 = vector.shape_cast %xor3A_7 : vector<16xi32> to vector<16x1xi32>
        %gather3A_377 = vector.shape_cast %broadcast_in_dim3A_376 : vector<16x1xi32> to vector<16xi32>
        %gather3A_378 = tpu.dynamic_gather %add3A_375[%gather3A_377] in [0] : vector<16xf32>, vector<16xi32> -> vector<16xf32>
        %add3A_379 = arith.addf %add3A_375, %gather3A_378 : vector<16xf32>
        %broadcast_in_dim3A_380 = vector.shape_cast %xor3A_10 : vector<16xi32> to vector<16x1xi32>
        %gather3A_381 = vector.shape_cast %broadcast_in_dim3A_380 : vector<16x1xi32> to vector<16xi32>
        %gather3A_382 = tpu.dynamic_gather %add3A_379[%gather3A_381] in [0] : vector<16xf32>, vector<16xi32> -> vector<16xf32>
        %add3A_383 = arith.addf %add3A_379, %gather3A_382 : vector<16xf32>
        %broadcast_in_dim3A_384 = vector.shape_cast %xor3A_13 : vector<16xi32> to vector<16x1xi32>
        %gather3A_385 = vector.shape_cast %broadcast_in_dim3A_384 : vector<16x1xi32> to vector<16xi32>
        %gather3A_386 = tpu.dynamic_gather %add3A_383[%gather3A_385] in [0] : vector<16xf32>, vector<16xi32> -> vector<16xf32>
        %add3A_387 = arith.addf %add3A_383, %gather3A_386 : vector<16xf32>
        %mul3A_388 = arith.constant 16 : i32
        %mul3A_389 = arith.muli %scan3A_171, %mul3A_388 : i32
        %mul3A_390 = arith.constant 4 : i32
        %mul3A_391 = arith.muli %scan3A_184, %mul3A_390 : i32
        %add3A_392 = arith.addi %mul3A_389, %mul3A_391 : i32
        %add3A_393 = arith.constant 2 : i32
        %add3A_394 = arith.addi %add3A_392, %add3A_393 : i32
        %get3A_395 = arith.index_cast %add3A_394 : i32 to index
        %get3A_396 = arith.constant 0 : index
        %get3A_397 = tpu.vector_load %arg8[%get3A_395, %get3A_396] {strides = array<i32>} : memref<400x128xf32, #tpu.memory_space<vmem>>, vector<1x16xf32>,
        %get3A_398 = vector.shape_cast %get3A_397 : vector<1x16xf32> to vector<16xf32>
        %get3A_399 = arith.index_cast %add3A_394 : i32 to index
        %get3A_400 = arith.constant 0 : index
        %get3A_401 = tpu.vector_load %arg9[%get3A_399, %get3A_400] {strides = array<i32>} : memref<400x128xf32, #tpu.memory_space<vmem>>, vector<1x16xf32>,
        %get3A_402 = vector.shape_cast %get3A_401 : vector<1x16xf32> to vector<16xf32>
        %mul3A_403 = arith.mulf %get3A_398, %get3A_402 : vector<16xf32>
        %get3A_404 = arith.index_cast %add3A_394 : i32 to index
        %get3A_405 = arith.constant 16 : index
        %get3A_406 = tpu.vector_load %arg8[%get3A_404, %get3A_405] {strides = array<i32>} : memref<400x128xf32, #tpu.memory_space<vmem>>, vector<1x16xf32>,
        %get3A_407 = vector.shape_cast %get3A_406 : vector<1x16xf32> to vector<16xf32>
        %get3A_408 = arith.index_cast %add3A_394 : i32 to index
        %get3A_409 = arith.constant 16 : index
        %get3A_410 = tpu.vector_load %arg9[%get3A_408, %get3A_409] {strides = array<i32>} : memref<400x128xf32, #tpu.memory_space<vmem>>, vector<1x16xf32>,
        %get3A_411 = vector.shape_cast %get3A_410 : vector<1x16xf32> to vector<16xf32>
        %mul3A_412 = arith.mulf %get3A_407, %get3A_411 : vector<16xf32>
        %add3A_413 = arith.addf %mul3A_403, %mul3A_412 : vector<16xf32>
        %get3A_414 = arith.index_cast %add3A_394 : i32 to index
        %get3A_415 = arith.constant 32 : index
        %get3A_416 = tpu.vector_load %arg8[%get3A_414, %get3A_415] {strides = array<i32>} : memref<400x128xf32, #tpu.memory_space<vmem>>, vector<1x16xf32>,
        %get3A_417 = vector.shape_cast %get3A_416 : vector<1x16xf32> to vector<16xf32>
        %get3A_418 = arith.index_cast %add3A_394 : i32 to index
        %get3A_419 = arith.constant 32 : index
        %get3A_420 = tpu.vector_load %arg9[%get3A_418, %get3A_419] {strides = array<i32>} : memref<400x128xf32, #tpu.memory_space<vmem>>, vector<1x16xf32>,
        %get3A_421 = vector.shape_cast %get3A_420 : vector<1x16xf32> to vector<16xf32>
        %mul3A_422 = arith.mulf %get3A_417, %get3A_421 : vector<16xf32>
        %add3A_423 = arith.addf %add3A_413, %mul3A_422 : vector<16xf32>
        %get3A_424 = arith.index_cast %add3A_394 : i32 to index
        %get3A_425 = arith.constant 48 : index
        %get3A_426 = tpu.vector_load %arg8[%get3A_424, %get3A_425] {strides = array<i32>} : memref<400x128xf32, #tpu.memory_space<vmem>>, vector<1x16xf32>,
        %get3A_427 = vector.shape_cast %get3A_426 : vector<1x16xf32> to vector<16xf32>
        %get3A_428 = arith.index_cast %add3A_394 : i32 to index
        %get3A_429 = arith.constant 48 : index
        %get3A_430 = tpu.vector_load %arg9[%get3A_428, %get3A_429] {strides = array<i32>} : memref<400x128xf32, #tpu.memory_space<vmem>>, vector<1x16xf32>,
        %get3A_431 = vector.shape_cast %get3A_430 : vector<1x16xf32> to vector<16xf32>
        %mul3A_432 = arith.mulf %get3A_427, %get3A_431 : vector<16xf32>
        %add3A_433 = arith.addf %add3A_423, %mul3A_432 : vector<16xf32>
        %get3A_434 = arith.index_cast %add3A_394 : i32 to index
        %get3A_435 = arith.constant 64 : index
        %get3A_436 = tpu.vector_load %arg8[%get3A_434, %get3A_435] {strides = array<i32>} : memref<400x128xf32, #tpu.memory_space<vmem>>, vector<1x16xf32>,
        %get3A_437 = vector.shape_cast %get3A_436 : vector<1x16xf32> to vector<16xf32>
        %get3A_438 = arith.index_cast %add3A_394 : i32 to index
        %get3A_439 = arith.constant 64 : index
        %get3A_440 = tpu.vector_load %arg9[%get3A_438, %get3A_439] {strides = array<i32>} : memref<400x128xf32, #tpu.memory_space<vmem>>, vector<1x16xf32>,
        %get3A_441 = vector.shape_cast %get3A_440 : vector<1x16xf32> to vector<16xf32>
        %mul3A_442 = arith.mulf %get3A_437, %get3A_441 : vector<16xf32>
        %add3A_443 = arith.addf %add3A_433, %mul3A_442 : vector<16xf32>
        %get3A_444 = arith.index_cast %add3A_394 : i32 to index
        %get3A_445 = arith.constant 80 : index
        %get3A_446 = tpu.vector_load %arg8[%get3A_444, %get3A_445] {strides = array<i32>} : memref<400x128xf32, #tpu.memory_space<vmem>>, vector<1x16xf32>,
        %get3A_447 = vector.shape_cast %get3A_446 : vector<1x16xf32> to vector<16xf32>
        %get3A_448 = arith.index_cast %add3A_394 : i32 to index
        %get3A_449 = arith.constant 80 : index
        %get3A_450 = tpu.vector_load %arg9[%get3A_448, %get3A_449] {strides = array<i32>} : memref<400x128xf32, #tpu.memory_space<vmem>>, vector<1x16xf32>,
        %get3A_451 = vector.shape_cast %get3A_450 : vector<1x16xf32> to vector<16xf32>
        %mul3A_452 = arith.mulf %get3A_447, %get3A_451 : vector<16xf32>
        %add3A_453 = arith.addf %add3A_443, %mul3A_452 : vector<16xf32>
        %get3A_454 = arith.index_cast %add3A_394 : i32 to index
        %get3A_455 = arith.constant 96 : index
        %get3A_456 = tpu.vector_load %arg8[%get3A_454, %get3A_455] {strides = array<i32>} : memref<400x128xf32, #tpu.memory_space<vmem>>, vector<1x16xf32>,
        %get3A_457 = vector.shape_cast %get3A_456 : vector<1x16xf32> to vector<16xf32>
        %get3A_458 = arith.index_cast %add3A_394 : i32 to index
        %get3A_459 = arith.constant 96 : index
        %get3A_460 = tpu.vector_load %arg9[%get3A_458, %get3A_459] {strides = array<i32>} : memref<400x128xf32, #tpu.memory_space<vmem>>, vector<1x16xf32>,
        %get3A_461 = vector.shape_cast %get3A_460 : vector<1x16xf32> to vector<16xf32>
        %mul3A_462 = arith.mulf %get3A_457, %get3A_461 : vector<16xf32>
        %add3A_463 = arith.addf %add3A_453, %mul3A_462 : vector<16xf32>
        %get3A_464 = arith.index_cast %add3A_394 : i32 to index
        %get3A_465 = arith.constant 112 : index
        %get3A_466 = tpu.vector_load %arg8[%get3A_464, %get3A_465] {strides = array<i32>} : memref<400x128xf32, #tpu.memory_space<vmem>>, vector<1x16xf32>,
        %get3A_467 = vector.shape_cast %get3A_466 : vector<1x16xf32> to vector<16xf32>
        %get3A_468 = arith.index_cast %add3A_394 : i32 to index
        %get3A_469 = arith.constant 112 : index
        %get3A_470 = tpu.vector_load %arg9[%get3A_468, %get3A_469] {strides = array<i32>} : memref<400x128xf32, #tpu.memory_space<vmem>>, vector<1x16xf32>,
        %get3A_471 = vector.shape_cast %get3A_470 : vector<1x16xf32> to vector<16xf32>
        %mul3A_472 = arith.mulf %get3A_467, %get3A_471 : vector<16xf32>
        %add3A_473 = arith.addf %add3A_463, %mul3A_472 : vector<16xf32>
        %broadcast_in_dim3A_474 = vector.shape_cast %xor3A_4 : vector<16xi32> to vector<16x1xi32>
        %gather3A_475 = vector.shape_cast %broadcast_in_dim3A_474 : vector<16x1xi32> to vector<16xi32>
        %gather3A_476 = tpu.dynamic_gather %add3A_473[%gather3A_475] in [0] : vector<16xf32>, vector<16xi32> -> vector<16xf32>
        %add3A_477 = arith.addf %add3A_473, %gather3A_476 : vector<16xf32>
        %broadcast_in_dim3A_478 = vector.shape_cast %xor3A_7 : vector<16xi32> to vector<16x1xi32>
        %gather3A_479 = vector.shape_cast %broadcast_in_dim3A_478 : vector<16x1xi32> to vector<16xi32>
        %gather3A_480 = tpu.dynamic_gather %add3A_477[%gather3A_479] in [0] : vector<16xf32>, vector<16xi32> -> vector<16xf32>
        %add3A_481 = arith.addf %add3A_477, %gather3A_480 : vector<16xf32>
        %broadcast_in_dim3A_482 = vector.shape_cast %xor3A_10 : vector<16xi32> to vector<16x1xi32>
        %gather3A_483 = vector.shape_cast %broadcast_in_dim3A_482 : vector<16x1xi32> to vector<16xi32>
        %gather3A_484 = tpu.dynamic_gather %add3A_481[%gather3A_483] in [0] : vector<16xf32>, vector<16xi32> -> vector<16xf32>
        %add3A_485 = arith.addf %add3A_481, %gather3A_484 : vector<16xf32>
        %broadcast_in_dim3A_486 = vector.shape_cast %xor3A_13 : vector<16xi32> to vector<16x1xi32>
        %gather3A_487 = vector.shape_cast %broadcast_in_dim3A_486 : vector<16x1xi32> to vector<16xi32>
        %gather3A_488 = tpu.dynamic_gather %add3A_485[%gather3A_487] in [0] : vector<16xf32>, vector<16xi32> -> vector<16xf32>
        %add3A_489 = arith.addf %add3A_485, %gather3A_488 : vector<16xf32>
        %mul3A_490 = arith.constant 16 : i32
        %mul3A_491 = arith.muli %scan3A_171, %mul3A_490 : i32
        %mul3A_492 = arith.constant 4 : i32
        %mul3A_493 = arith.muli %scan3A_184, %mul3A_492 : i32
        %add3A_494 = arith.addi %mul3A_491, %mul3A_493 : i32
        %add3A_495 = arith.constant 3 : i32
        %add3A_496 = arith.addi %add3A_494, %add3A_495 : i32
        %get3A_497 = arith.index_cast %add3A_496 : i32 to index
        %get3A_498 = arith.constant 0 : index
        %get3A_499 = tpu.vector_load %arg8[%get3A_497, %get3A_498] {strides = array<i32>} : memref<400x128xf32, #tpu.memory_space<vmem>>, vector<1x16xf32>,
        %get3A_500 = vector.shape_cast %get3A_499 : vector<1x16xf32> to vector<16xf32>
        %get3A_501 = arith.index_cast %add3A_496 : i32 to index
        %get3A_502 = arith.constant 0 : index
        %get3A_503 = tpu.vector_load %arg9[%get3A_501, %get3A_502] {strides = array<i32>} : memref<400x128xf32, #tpu.memory_space<vmem>>, vector<1x16xf32>,
        %get3A_504 = vector.shape_cast %get3A_503 : vector<1x16xf32> to vector<16xf32>
        %mul3A_505 = arith.mulf %get3A_500, %get3A_504 : vector<16xf32>
        %get3A_506 = arith.index_cast %add3A_496 : i32 to index
        %get3A_507 = arith.constant 16 : index
        %get3A_508 = tpu.vector_load %arg8[%get3A_506, %get3A_507] {strides = array<i32>} : memref<400x128xf32, #tpu.memory_space<vmem>>, vector<1x16xf32>,
        %get3A_509 = vector.shape_cast %get3A_508 : vector<1x16xf32> to vector<16xf32>
        %get3A_510 = arith.index_cast %add3A_496 : i32 to index
        %get3A_511 = arith.constant 16 : index
        %get3A_512 = tpu.vector_load %arg9[%get3A_510, %get3A_511] {strides = array<i32>} : memref<400x128xf32, #tpu.memory_space<vmem>>, vector<1x16xf32>,
        %get3A_513 = vector.shape_cast %get3A_512 : vector<1x16xf32> to vector<16xf32>
        %mul3A_514 = arith.mulf %get3A_509, %get3A_513 : vector<16xf32>
        %add3A_515 = arith.addf %mul3A_505, %mul3A_514 : vector<16xf32>
        %get3A_516 = arith.index_cast %add3A_496 : i32 to index
        %get3A_517 = arith.constant 32 : index
        %get3A_518 = tpu.vector_load %arg8[%get3A_516, %get3A_517] {strides = array<i32>} : memref<400x128xf32, #tpu.memory_space<vmem>>, vector<1x16xf32>,
        %get3A_519 = vector.shape_cast %get3A_518 : vector<1x16xf32> to vector<16xf32>
        %get3A_520 = arith.index_cast %add3A_496 : i32 to index
        %get3A_521 = arith.constant 32 : index
        %get3A_522 = tpu.vector_load %arg9[%get3A_520, %get3A_521] {strides = array<i32>} : memref<400x128xf32, #tpu.memory_space<vmem>>, vector<1x16xf32>,
        %get3A_523 = vector.shape_cast %get3A_522 : vector<1x16xf32> to vector<16xf32>
        %mul3A_524 = arith.mulf %get3A_519, %get3A_523 : vector<16xf32>
        %add3A_525 = arith.addf %add3A_515, %mul3A_524 : vector<16xf32>
        %get3A_526 = arith.index_cast %add3A_496 : i32 to index
        %get3A_527 = arith.constant 48 : index
        %get3A_528 = tpu.vector_load %arg8[%get3A_526, %get3A_527] {strides = array<i32>} : memref<400x128xf32, #tpu.memory_space<vmem>>, vector<1x16xf32>,
        %get3A_529 = vector.shape_cast %get3A_528 : vector<1x16xf32> to vector<16xf32>
        %get3A_530 = arith.index_cast %add3A_496 : i32 to index
        %get3A_531 = arith.constant 48 : index
        %get3A_532 = tpu.vector_load %arg9[%get3A_530, %get3A_531] {strides = array<i32>} : memref<400x128xf32, #tpu.memory_space<vmem>>, vector<1x16xf32>,
        %get3A_533 = vector.shape_cast %get3A_532 : vector<1x16xf32> to vector<16xf32>
        %mul3A_534 = arith.mulf %get3A_529, %get3A_533 : vector<16xf32>
        %add3A_535 = arith.addf %add3A_525, %mul3A_534 : vector<16xf32>
        %get3A_536 = arith.index_cast %add3A_496 : i32 to index
        %get3A_537 = arith.constant 64 : index
        %get3A_538 = tpu.vector_load %arg8[%get3A_536, %get3A_537] {strides = array<i32>} : memref<400x128xf32, #tpu.memory_space<vmem>>, vector<1x16xf32>,
        %get3A_539 = vector.shape_cast %get3A_538 : vector<1x16xf32> to vector<16xf32>
        %get3A_540 = arith.index_cast %add3A_496 : i32 to index
        %get3A_541 = arith.constant 64 : index
        %get3A_542 = tpu.vector_load %arg9[%get3A_540, %get3A_541] {strides = array<i32>} : memref<400x128xf32, #tpu.memory_space<vmem>>, vector<1x16xf32>,
        %get3A_543 = vector.shape_cast %get3A_542 : vector<1x16xf32> to vector<16xf32>
        %mul3A_544 = arith.mulf %get3A_539, %get3A_543 : vector<16xf32>
        %add3A_545 = arith.addf %add3A_535, %mul3A_544 : vector<16xf32>
        %get3A_546 = arith.index_cast %add3A_496 : i32 to index
        %get3A_547 = arith.constant 80 : index
        %get3A_548 = tpu.vector_load %arg8[%get3A_546, %get3A_547] {strides = array<i32>} : memref<400x128xf32, #tpu.memory_space<vmem>>, vector<1x16xf32>,
        %get3A_549 = vector.shape_cast %get3A_548 : vector<1x16xf32> to vector<16xf32>
        %get3A_550 = arith.index_cast %add3A_496 : i32 to index
        %get3A_551 = arith.constant 80 : index
        %get3A_552 = tpu.vector_load %arg9[%get3A_550, %get3A_551] {strides = array<i32>} : memref<400x128xf32, #tpu.memory_space<vmem>>, vector<1x16xf32>,
        %get3A_553 = vector.shape_cast %get3A_552 : vector<1x16xf32> to vector<16xf32>
        %mul3A_554 = arith.mulf %get3A_549, %get3A_553 : vector<16xf32>
        %add3A_555 = arith.addf %add3A_545, %mul3A_554 : vector<16xf32>
        %get3A_556 = arith.index_cast %add3A_496 : i32 to index
        %get3A_557 = arith.constant 96 : index
        %get3A_558 = tpu.vector_load %arg8[%get3A_556, %get3A_557] {strides = array<i32>} : memref<400x128xf32, #tpu.memory_space<vmem>>, vector<1x16xf32>,
        %get3A_559 = vector.shape_cast %get3A_558 : vector<1x16xf32> to vector<16xf32>
        %get3A_560 = arith.index_cast %add3A_496 : i32 to index
        %get3A_561 = arith.constant 96 : index
        %get3A_562 = tpu.vector_load %arg9[%get3A_560, %get3A_561] {strides = array<i32>} : memref<400x128xf32, #tpu.memory_space<vmem>>, vector<1x16xf32>,
        %get3A_563 = vector.shape_cast %get3A_562 : vector<1x16xf32> to vector<16xf32>
        %mul3A_564 = arith.mulf %get3A_559, %get3A_563 : vector<16xf32>
        %add3A_565 = arith.addf %add3A_555, %mul3A_564 : vector<16xf32>
        %get3A_566 = arith.index_cast %add3A_496 : i32 to index
        %get3A_567 = arith.constant 112 : index
        %get3A_568 = tpu.vector_load %arg8[%get3A_566, %get3A_567] {strides = array<i32>} : memref<400x128xf32, #tpu.memory_space<vmem>>, vector<1x16xf32>,
        %get3A_569 = vector.shape_cast %get3A_568 : vector<1x16xf32> to vector<16xf32>
        %get3A_570 = arith.index_cast %add3A_496 : i32 to index
        %get3A_571 = arith.constant 112 : index
        %get3A_572 = tpu.vector_load %arg9[%get3A_570, %get3A_571] {strides = array<i32>} : memref<400x128xf32, #tpu.memory_space<vmem>>, vector<1x16xf32>,
        %get3A_573 = vector.shape_cast %get3A_572 : vector<1x16xf32> to vector<16xf32>
        %mul3A_574 = arith.mulf %get3A_569, %get3A_573 : vector<16xf32>
        %add3A_575 = arith.addf %add3A_565, %mul3A_574 : vector<16xf32>
        %broadcast_in_dim3A_576 = vector.shape_cast %xor3A_4 : vector<16xi32> to vector<16x1xi32>
        %gather3A_577 = vector.shape_cast %broadcast_in_dim3A_576 : vector<16x1xi32> to vector<16xi32>
        %gather3A_578 = tpu.dynamic_gather %add3A_575[%gather3A_577] in [0] : vector<16xf32>, vector<16xi32> -> vector<16xf32>
        %add3A_579 = arith.addf %add3A_575, %gather3A_578 : vector<16xf32>
        %broadcast_in_dim3A_580 = vector.shape_cast %xor3A_7 : vector<16xi32> to vector<16x1xi32>
        %gather3A_581 = vector.shape_cast %broadcast_in_dim3A_580 : vector<16x1xi32> to vector<16xi32>
        %gather3A_582 = tpu.dynamic_gather %add3A_579[%gather3A_581] in [0] : vector<16xf32>, vector<16xi32> -> vector<16xf32>
        %add3A_583 = arith.addf %add3A_579, %gather3A_582 : vector<16xf32>
        %broadcast_in_dim3A_584 = vector.shape_cast %xor3A_10 : vector<16xi32> to vector<16x1xi32>
        %gather3A_585 = vector.shape_cast %broadcast_in_dim3A_584 : vector<16x1xi32> to vector<16xi32>
        %gather3A_586 = tpu.dynamic_gather %add3A_583[%gather3A_585] in [0] : vector<16xf32>, vector<16xi32> -> vector<16xf32>
        %add3A_587 = arith.addf %add3A_583, %gather3A_586 : vector<16xf32>
        %broadcast_in_dim3A_588 = vector.shape_cast %xor3A_13 : vector<16xi32> to vector<16x1xi32>
        %gather3A_589 = vector.shape_cast %broadcast_in_dim3A_588 : vector<16x1xi32> to vector<16xi32>
        %gather3A_590 = tpu.dynamic_gather %add3A_587[%gather3A_589] in [0] : vector<16xf32>, vector<16xi32> -> vector<16xf32>
        %add3A_591 = arith.addf %add3A_587, %gather3A_590 : vector<16xf32>
        %mul3A_592 = arith.constant 4 : i32
        %mul3A_593 = arith.muli %scan3A_184, %mul3A_592 : i32
        %add3A_594 = arith.constant 0 : i32
        %add3A_595 = arith.addi %mul3A_593, %add3A_594 : i32
        %eq3A = vector.broadcast %add3A_595 : i32 to vector<16xi32>
        %eq3A_596 = arith.cmpi eq, %iota3A, %eq3A : vector<16xi32>
        %select_n3A = arith.select %eq3A_596, %add3A_285, %scan3A_185 : vector<16xi1>, vector<16xf32>
        %mul3A_597 = arith.constant 4 : i32
        %mul3A_598 = arith.muli %scan3A_184, %mul3A_597 : i32
        %add3A_599 = arith.constant 1 : i32
        %add3A_600 = arith.addi %mul3A_598, %add3A_599 : i32
        %eq3A_601 = vector.broadcast %add3A_600 : i32 to vector<16xi32>
        %eq3A_602 = arith.cmpi eq, %iota3A, %eq3A_601 : vector<16xi32>
        %select_n3A_603 = arith.select %eq3A_602, %add3A_387, %select_n3A : vector<16xi1>, vector<16xf32>
        %mul3A_604 = arith.constant 4 : i32
        %mul3A_605 = arith.muli %scan3A_184, %mul3A_604 : i32
        %add3A_606 = arith.constant 2 : i32
        %add3A_607 = arith.addi %mul3A_605, %add3A_606 : i32
        %eq3A_608 = vector.broadcast %add3A_607 : i32 to vector<16xi32>
        %eq3A_609 = arith.cmpi eq, %iota3A, %eq3A_608 : vector<16xi32>
        %select_n3A_610 = arith.select %eq3A_609, %add3A_489, %select_n3A_603 : vector<16xi1>, vector<16xf32>
        %mul3A_611 = arith.constant 4 : i32
        %mul3A_612 = arith.muli %scan3A_184, %mul3A_611 : i32
        %add3A_613 = arith.constant 3 : i32
        %add3A_614 = arith.addi %mul3A_612, %add3A_613 : i32
        %eq3A_615 = vector.broadcast %add3A_614 : i32 to vector<16xi32>
        %eq3A_616 = arith.cmpi eq, %iota3A, %eq3A_615 : vector<16xi32>
        %select_n3A_617 = arith.select %eq3A_616, %add3A_591, %select_n3A_610 : vector<16xi1>, vector<16xf32>
        scf.yield %select_n3A_617 : vector<16xf32>
      }
      %scan3A_178 = arith.constant 4 : i32
      %mul3A_179 = arith.constant 16 : i32
      %mul3A_180 = arith.muli %scan3A_171, %mul3A_179 : i32
      %swap3A = arith.index_cast %mul3A_180 : i32 to index
      %swap3A_181 = tpu.vector_load %arg10[%swap3A] {strides = array<i32>} : memref<400xf32, #tpu.memory_space<vmem>>, vector<16xf32>,
      %swap3A_182 = vector.shape_cast %swap3A_181 : vector<16xf32> to vector<16xf32>
      %swap3A_183 = vector.shape_cast %scan3A_177 : vector<16xf32> to vector<16xf32>
      tpu.vector_store %arg10[%swap3A], %swap3A_183 {strides = array<i32>} : memref<400xf32, #tpu.memory_space<vmem>>, vector<16xf32>,
    }
    %scan3A_70 = arith.constant 25 : i32
    "tpu.region"() ({
      %run_scoped3A = tpu.sem_alloc : memref<!tpu.dma_semaphore, #tpu.memory_space<semaphore_mem>>
      %dma_start3A_171 = tpu.memref_slice %arg5[%add3A_52] : memref<102400xf32, #tpu.memory_space<hbm>> -> memref<400xf32, #tpu.memory_space<hbm>>
      %dma_start3A_172 = tpu.memref_slice %arg5[%add3A_52] : memref<102400xf32, #tpu.memory_space<hbm>> -> memref<400xf32, #tpu.memory_space<hbm>>
      tpu.enqueue_dma source(%arg10 : memref<400xf32, #tpu.memory_space<vmem>>) target(%dma_start3A_172 : memref<400xf32, #tpu.memory_space<hbm>>) target_semaphore(%run_scoped3A : memref<!tpu.dma_semaphore, #tpu.memory_space<semaphore_mem>>)
      %dma_wait3A_173 = tpu.memref_slice %arg5[%add3A_52] : memref<102400xf32, #tpu.memory_space<hbm>> -> memref<400xf32, #tpu.memory_space<hbm>>
      %dma_wait3A_174 = tpu.memref_slice %arg5[%add3A_52] : memref<102400xf32, #tpu.memory_space<hbm>> -> memref<400xf32, #tpu.memory_space<hbm>>
      tpu.wait_dma2 semaphore(%run_scoped3A : memref<!tpu.dma_semaphore, #tpu.memory_space<semaphore_mem>>) src(%arg10 : memref<400xf32, #tpu.memory_space<vmem>>) dst(%dma_wait3A_174 : memref<400xf32, #tpu.memory_space<hbm>>)
      tpu.yield
    }) : () -> ()
    %add3A_71 = arith.constant 1200 : i32
    %add3A_72 = arith.addi %mul3A_2, %add3A_71 : i32
    "tpu.region"() ({
      %run_scoped3A = tpu.sem_alloc : memref<!tpu.dma_semaphore, #tpu.memory_space<semaphore_mem>>
      %dma_start3A_171 = tpu.memref_slice %arg3[%add3A_72] : memref<102400xi32, #tpu.memory_space<hbm>> -> memref<400xi32, #tpu.memory_space<hbm>>
      %dma_start3A_172 = tpu.memref_slice %arg3[%add3A_72] : memref<102400xi32, #tpu.memory_space<hbm>> -> memref<400xi32, #tpu.memory_space<hbm>>
      tpu.enqueue_dma source(%dma_start3A_172 : memref<400xi32, #tpu.memory_space<hbm>>) target(%arg6 : memref<400xi32, #tpu.memory_space<vmem>>) target_semaphore(%run_scoped3A : memref<!tpu.dma_semaphore, #tpu.memory_space<semaphore_mem>>)
      %dma_wait3A_173 = tpu.memref_slice %arg3[%add3A_72] : memref<102400xi32, #tpu.memory_space<hbm>> -> memref<400xi32, #tpu.memory_space<hbm>>
      %dma_wait3A_174 = tpu.memref_slice %arg3[%add3A_72] : memref<102400xi32, #tpu.memory_space<hbm>> -> memref<400xi32, #tpu.memory_space<hbm>>
      tpu.wait_dma2 semaphore(%run_scoped3A : memref<!tpu.dma_semaphore, #tpu.memory_space<semaphore_mem>>) src(%dma_wait3A_174 : memref<400xi32, #tpu.memory_space<hbm>>) dst(%arg6 : memref<400xi32, #tpu.memory_space<vmem>>)
      tpu.yield
    }) : () -> ()
    "tpu.region"() ({
      %run_scoped3A = tpu.sem_alloc : memref<!tpu.dma_semaphore, #tpu.memory_space<semaphore_mem>>
      %dma_start3A_171 = tpu.memref_slice %arg4[%add3A_72] : memref<102400xi32, #tpu.memory_space<hbm>> -> memref<400xi32, #tpu.memory_space<hbm>>
      %dma_start3A_172 = tpu.memref_slice %arg4[%add3A_72] : memref<102400xi32, #tpu.memory_space<hbm>> -> memref<400xi32, #tpu.memory_space<hbm>>
      tpu.enqueue_dma source(%dma_start3A_172 : memref<400xi32, #tpu.memory_space<hbm>>) target(%arg7 : memref<400xi32, #tpu.memory_space<vmem>>) target_semaphore(%run_scoped3A : memref<!tpu.dma_semaphore, #tpu.memory_space<semaphore_mem>>)
      %dma_wait3A_173 = tpu.memref_slice %arg4[%add3A_72] : memref<102400xi32, #tpu.memory_space<hbm>> -> memref<400xi32, #tpu.memory_space<hbm>>
      %dma_wait3A_174 = tpu.memref_slice %arg4[%add3A_72] : memref<102400xi32, #tpu.memory_space<hbm>> -> memref<400xi32, #tpu.memory_space<hbm>>
      tpu.wait_dma2 semaphore(%run_scoped3A : memref<!tpu.dma_semaphore, #tpu.memory_space<semaphore_mem>>) src(%dma_wait3A_174 : memref<400xi32, #tpu.memory_space<hbm>>) dst(%arg7 : memref<400xi32, #tpu.memory_space<vmem>>)
      tpu.yield
    }) : () -> ()
    %dma_start3A_73 = arith.constant 0 : i32
    %dma_start3A_74 = arith.constant 0 : i32
    %dma_start3A_75 = tpu.memref_slice %arg2[%dma_start3A_73, %dma_start3A_74] : memref<10000x128xf32, #tpu.memory_space<hbm>> -> memref<10000x128xf32, #tpu.memory_space<hbm>>
    tpu.enqueue_indirect_dma source(%dma_start3A_75 : memref<10000x128xf32, #tpu.memory_space<hbm>>) target(%arg8 : memref<400x128xf32, #tpu.memory_space<vmem>>) offsets(%arg6 : memref<400xi32, #tpu.memory_space<vmem>>) semaphore(%arg11 : memref<!tpu.dma_semaphore, #tpu.memory_space<semaphore_mem>>)
    %dma_start3A_76 = arith.constant 0 : i32
    %dma_start3A_77 = arith.constant 0 : i32
    %dma_start3A_78 = tpu.memref_slice %arg2[%dma_start3A_76, %dma_start3A_77] : memref<10000x128xf32, #tpu.memory_space<hbm>> -> memref<10000x128xf32, #tpu.memory_space<hbm>>
    tpu.enqueue_indirect_dma source(%dma_start3A_78 : memref<10000x128xf32, #tpu.memory_space<hbm>>) target(%arg9 : memref<400x128xf32, #tpu.memory_space<vmem>>) offsets(%arg7 : memref<400xi32, #tpu.memory_space<vmem>>) semaphore(%arg12 : memref<!tpu.dma_semaphore, #tpu.memory_space<semaphore_mem>>)
    %dma_wait3A_79 = arith.constant 0 : i32
    %dma_wait3A_80 = arith.constant 0 : i32
    %dma_wait3A_81 = tpu.memref_slice %arg2[%dma_wait3A_79, %dma_wait3A_80] : memref<10000x128xf32, #tpu.memory_space<hbm>> -> memref<10000x128xf32, #tpu.memory_space<hbm>>
    tpu.wait_indirect_dma semaphore(%arg11 : memref<!tpu.dma_semaphore, #tpu.memory_space<semaphore_mem>>) src(%dma_wait3A_81 : memref<10000x128xf32, #tpu.memory_space<hbm>>) dst(%arg8 : memref<400x128xf32, #tpu.memory_space<vmem>>)
    %dma_wait3A_82 = arith.constant 0 : i32
    %dma_wait3A_83 = arith.constant 0 : i32
    %dma_wait3A_84 = tpu.memref_slice %arg2[%dma_wait3A_82, %dma_wait3A_83] : memref<10000x128xf32, #tpu.memory_space<hbm>> -> memref<10000x128xf32, #tpu.memory_space<hbm>>
    tpu.wait_indirect_dma semaphore(%arg12 : memref<!tpu.dma_semaphore, #tpu.memory_space<semaphore_mem>>) src(%dma_wait3A_84 : memref<10000x128xf32, #tpu.memory_space<hbm>>) dst(%arg9 : memref<400x128xf32, #tpu.memory_space<vmem>>)
    %scan3A_85 = arith.constant 0 : i32
    %scan3A_86 = arith.constant 0 : i32
    %scan3A_87 = arith.constant 25 : i32
    %scan3A_88 = arith.addi %scan3A_86, %scan3A_87 : i32
    %scan3A_89 = arith.constant 1 : i32
    scf.for %scan3A_171 = %scan3A_86 to %scan3A_88 step %scan3A_89  : i32 {
      %broadcast_in_dim3A = arith.constant 0.000000e+00 : f32
      %broadcast_in_dim3A_172 = vector.broadcast %broadcast_in_dim3A : f32 to vector<16xf32>
      %scan3A_173 = arith.constant 0 : i32
      %scan3A_174 = arith.constant 4 : i32
      %scan3A_175 = arith.addi %scan3A_173, %scan3A_174 : i32
      %scan3A_176 = arith.constant 1 : i32
      %scan3A_177 = scf.for %scan3A_184 = %scan3A_173 to %scan3A_175 step %scan3A_176 iter_args(%scan3A_185 = %broadcast_in_dim3A_172) -> (vector<16xf32>)  : i32 {
        %mul3A_186 = arith.constant 16 : i32
        %mul3A_187 = arith.muli %scan3A_171, %mul3A_186 : i32
        %mul3A_188 = arith.constant 4 : i32
        %mul3A_189 = arith.muli %scan3A_184, %mul3A_188 : i32
        %add3A_190 = arith.addi %mul3A_187, %mul3A_189 : i32
        %add3A_191 = arith.constant 0 : i32
        %add3A_192 = arith.addi %add3A_190, %add3A_191 : i32
        %get3A = arith.index_cast %add3A_192 : i32 to index
        %get3A_193 = arith.constant 0 : index
        %get3A_194 = tpu.vector_load %arg8[%get3A, %get3A_193] {strides = array<i32>} : memref<400x128xf32, #tpu.memory_space<vmem>>, vector<1x16xf32>,
        %get3A_195 = vector.shape_cast %get3A_194 : vector<1x16xf32> to vector<16xf32>
        %get3A_196 = arith.index_cast %add3A_192 : i32 to index
        %get3A_197 = arith.constant 0 : index
        %get3A_198 = tpu.vector_load %arg9[%get3A_196, %get3A_197] {strides = array<i32>} : memref<400x128xf32, #tpu.memory_space<vmem>>, vector<1x16xf32>,
        %get3A_199 = vector.shape_cast %get3A_198 : vector<1x16xf32> to vector<16xf32>
        %mul3A_200 = arith.mulf %get3A_195, %get3A_199 : vector<16xf32>
        %get3A_201 = arith.index_cast %add3A_192 : i32 to index
        %get3A_202 = arith.constant 16 : index
        %get3A_203 = tpu.vector_load %arg8[%get3A_201, %get3A_202] {strides = array<i32>} : memref<400x128xf32, #tpu.memory_space<vmem>>, vector<1x16xf32>,
        %get3A_204 = vector.shape_cast %get3A_203 : vector<1x16xf32> to vector<16xf32>
        %get3A_205 = arith.index_cast %add3A_192 : i32 to index
        %get3A_206 = arith.constant 16 : index
        %get3A_207 = tpu.vector_load %arg9[%get3A_205, %get3A_206] {strides = array<i32>} : memref<400x128xf32, #tpu.memory_space<vmem>>, vector<1x16xf32>,
        %get3A_208 = vector.shape_cast %get3A_207 : vector<1x16xf32> to vector<16xf32>
        %mul3A_209 = arith.mulf %get3A_204, %get3A_208 : vector<16xf32>
        %add3A_210 = arith.addf %mul3A_200, %mul3A_209 : vector<16xf32>
        %get3A_211 = arith.index_cast %add3A_192 : i32 to index
        %get3A_212 = arith.constant 32 : index
        %get3A_213 = tpu.vector_load %arg8[%get3A_211, %get3A_212] {strides = array<i32>} : memref<400x128xf32, #tpu.memory_space<vmem>>, vector<1x16xf32>,
        %get3A_214 = vector.shape_cast %get3A_213 : vector<1x16xf32> to vector<16xf32>
        %get3A_215 = arith.index_cast %add3A_192 : i32 to index
        %get3A_216 = arith.constant 32 : index
        %get3A_217 = tpu.vector_load %arg9[%get3A_215, %get3A_216] {strides = array<i32>} : memref<400x128xf32, #tpu.memory_space<vmem>>, vector<1x16xf32>,
        %get3A_218 = vector.shape_cast %get3A_217 : vector<1x16xf32> to vector<16xf32>
        %mul3A_219 = arith.mulf %get3A_214, %get3A_218 : vector<16xf32>
        %add3A_220 = arith.addf %add3A_210, %mul3A_219 : vector<16xf32>
        %get3A_221 = arith.index_cast %add3A_192 : i32 to index
        %get3A_222 = arith.constant 48 : index
        %get3A_223 = tpu.vector_load %arg8[%get3A_221, %get3A_222] {strides = array<i32>} : memref<400x128xf32, #tpu.memory_space<vmem>>, vector<1x16xf32>,
        %get3A_224 = vector.shape_cast %get3A_223 : vector<1x16xf32> to vector<16xf32>
        %get3A_225 = arith.index_cast %add3A_192 : i32 to index
        %get3A_226 = arith.constant 48 : index
        %get3A_227 = tpu.vector_load %arg9[%get3A_225, %get3A_226] {strides = array<i32>} : memref<400x128xf32, #tpu.memory_space<vmem>>, vector<1x16xf32>,
        %get3A_228 = vector.shape_cast %get3A_227 : vector<1x16xf32> to vector<16xf32>
        %mul3A_229 = arith.mulf %get3A_224, %get3A_228 : vector<16xf32>
        %add3A_230 = arith.addf %add3A_220, %mul3A_229 : vector<16xf32>
        %get3A_231 = arith.index_cast %add3A_192 : i32 to index
        %get3A_232 = arith.constant 64 : index
        %get3A_233 = tpu.vector_load %arg8[%get3A_231, %get3A_232] {strides = array<i32>} : memref<400x128xf32, #tpu.memory_space<vmem>>, vector<1x16xf32>,
        %get3A_234 = vector.shape_cast %get3A_233 : vector<1x16xf32> to vector<16xf32>
        %get3A_235 = arith.index_cast %add3A_192 : i32 to index
        %get3A_236 = arith.constant 64 : index
        %get3A_237 = tpu.vector_load %arg9[%get3A_235, %get3A_236] {strides = array<i32>} : memref<400x128xf32, #tpu.memory_space<vmem>>, vector<1x16xf32>,
        %get3A_238 = vector.shape_cast %get3A_237 : vector<1x16xf32> to vector<16xf32>
        %mul3A_239 = arith.mulf %get3A_234, %get3A_238 : vector<16xf32>
        %add3A_240 = arith.addf %add3A_230, %mul3A_239 : vector<16xf32>
        %get3A_241 = arith.index_cast %add3A_192 : i32 to index
        %get3A_242 = arith.constant 80 : index
        %get3A_243 = tpu.vector_load %arg8[%get3A_241, %get3A_242] {strides = array<i32>} : memref<400x128xf32, #tpu.memory_space<vmem>>, vector<1x16xf32>,
        %get3A_244 = vector.shape_cast %get3A_243 : vector<1x16xf32> to vector<16xf32>
        %get3A_245 = arith.index_cast %add3A_192 : i32 to index
        %get3A_246 = arith.constant 80 : index
        %get3A_247 = tpu.vector_load %arg9[%get3A_245, %get3A_246] {strides = array<i32>} : memref<400x128xf32, #tpu.memory_space<vmem>>, vector<1x16xf32>,
        %get3A_248 = vector.shape_cast %get3A_247 : vector<1x16xf32> to vector<16xf32>
        %mul3A_249 = arith.mulf %get3A_244, %get3A_248 : vector<16xf32>
        %add3A_250 = arith.addf %add3A_240, %mul3A_249 : vector<16xf32>
        %get3A_251 = arith.index_cast %add3A_192 : i32 to index
        %get3A_252 = arith.constant 96 : index
        %get3A_253 = tpu.vector_load %arg8[%get3A_251, %get3A_252] {strides = array<i32>} : memref<400x128xf32, #tpu.memory_space<vmem>>, vector<1x16xf32>,
        %get3A_254 = vector.shape_cast %get3A_253 : vector<1x16xf32> to vector<16xf32>
        %get3A_255 = arith.index_cast %add3A_192 : i32 to index
        %get3A_256 = arith.constant 96 : index
        %get3A_257 = tpu.vector_load %arg9[%get3A_255, %get3A_256] {strides = array<i32>} : memref<400x128xf32, #tpu.memory_space<vmem>>, vector<1x16xf32>,
        %get3A_258 = vector.shape_cast %get3A_257 : vector<1x16xf32> to vector<16xf32>
        %mul3A_259 = arith.mulf %get3A_254, %get3A_258 : vector<16xf32>
        %add3A_260 = arith.addf %add3A_250, %mul3A_259 : vector<16xf32>
        %get3A_261 = arith.index_cast %add3A_192 : i32 to index
        %get3A_262 = arith.constant 112 : index
        %get3A_263 = tpu.vector_load %arg8[%get3A_261, %get3A_262] {strides = array<i32>} : memref<400x128xf32, #tpu.memory_space<vmem>>, vector<1x16xf32>,
        %get3A_264 = vector.shape_cast %get3A_263 : vector<1x16xf32> to vector<16xf32>
        %get3A_265 = arith.index_cast %add3A_192 : i32 to index
        %get3A_266 = arith.constant 112 : index
        %get3A_267 = tpu.vector_load %arg9[%get3A_265, %get3A_266] {strides = array<i32>} : memref<400x128xf32, #tpu.memory_space<vmem>>, vector<1x16xf32>,
        %get3A_268 = vector.shape_cast %get3A_267 : vector<1x16xf32> to vector<16xf32>
        %mul3A_269 = arith.mulf %get3A_264, %get3A_268 : vector<16xf32>
        %add3A_270 = arith.addf %add3A_260, %mul3A_269 : vector<16xf32>
        %broadcast_in_dim3A_271 = vector.shape_cast %xor3A_4 : vector<16xi32> to vector<16x1xi32>
        %gather3A = vector.shape_cast %broadcast_in_dim3A_271 : vector<16x1xi32> to vector<16xi32>
        %gather3A_272 = tpu.dynamic_gather %add3A_270[%gather3A] in [0] : vector<16xf32>, vector<16xi32> -> vector<16xf32>
        %add3A_273 = arith.addf %add3A_270, %gather3A_272 : vector<16xf32>
        %broadcast_in_dim3A_274 = vector.shape_cast %xor3A_7 : vector<16xi32> to vector<16x1xi32>
        %gather3A_275 = vector.shape_cast %broadcast_in_dim3A_274 : vector<16x1xi32> to vector<16xi32>
        %gather3A_276 = tpu.dynamic_gather %add3A_273[%gather3A_275] in [0] : vector<16xf32>, vector<16xi32> -> vector<16xf32>
        %add3A_277 = arith.addf %add3A_273, %gather3A_276 : vector<16xf32>
        %broadcast_in_dim3A_278 = vector.shape_cast %xor3A_10 : vector<16xi32> to vector<16x1xi32>
        %gather3A_279 = vector.shape_cast %broadcast_in_dim3A_278 : vector<16x1xi32> to vector<16xi32>
        %gather3A_280 = tpu.dynamic_gather %add3A_277[%gather3A_279] in [0] : vector<16xf32>, vector<16xi32> -> vector<16xf32>
        %add3A_281 = arith.addf %add3A_277, %gather3A_280 : vector<16xf32>
        %broadcast_in_dim3A_282 = vector.shape_cast %xor3A_13 : vector<16xi32> to vector<16x1xi32>
        %gather3A_283 = vector.shape_cast %broadcast_in_dim3A_282 : vector<16x1xi32> to vector<16xi32>
        %gather3A_284 = tpu.dynamic_gather %add3A_281[%gather3A_283] in [0] : vector<16xf32>, vector<16xi32> -> vector<16xf32>
        %add3A_285 = arith.addf %add3A_281, %gather3A_284 : vector<16xf32>
        %mul3A_286 = arith.constant 16 : i32
        %mul3A_287 = arith.muli %scan3A_171, %mul3A_286 : i32
        %mul3A_288 = arith.constant 4 : i32
        %mul3A_289 = arith.muli %scan3A_184, %mul3A_288 : i32
        %add3A_290 = arith.addi %mul3A_287, %mul3A_289 : i32
        %add3A_291 = arith.constant 1 : i32
        %add3A_292 = arith.addi %add3A_290, %add3A_291 : i32
        %get3A_293 = arith.index_cast %add3A_292 : i32 to index
        %get3A_294 = arith.constant 0 : index
        %get3A_295 = tpu.vector_load %arg8[%get3A_293, %get3A_294] {strides = array<i32>} : memref<400x128xf32, #tpu.memory_space<vmem>>, vector<1x16xf32>,
        %get3A_296 = vector.shape_cast %get3A_295 : vector<1x16xf32> to vector<16xf32>
        %get3A_297 = arith.index_cast %add3A_292 : i32 to index
        %get3A_298 = arith.constant 0 : index
        %get3A_299 = tpu.vector_load %arg9[%get3A_297, %get3A_298] {strides = array<i32>} : memref<400x128xf32, #tpu.memory_space<vmem>>, vector<1x16xf32>,
        %get3A_300 = vector.shape_cast %get3A_299 : vector<1x16xf32> to vector<16xf32>
        %mul3A_301 = arith.mulf %get3A_296, %get3A_300 : vector<16xf32>
        %get3A_302 = arith.index_cast %add3A_292 : i32 to index
        %get3A_303 = arith.constant 16 : index
        %get3A_304 = tpu.vector_load %arg8[%get3A_302, %get3A_303] {strides = array<i32>} : memref<400x128xf32, #tpu.memory_space<vmem>>, vector<1x16xf32>,
        %get3A_305 = vector.shape_cast %get3A_304 : vector<1x16xf32> to vector<16xf32>
        %get3A_306 = arith.index_cast %add3A_292 : i32 to index
        %get3A_307 = arith.constant 16 : index
        %get3A_308 = tpu.vector_load %arg9[%get3A_306, %get3A_307] {strides = array<i32>} : memref<400x128xf32, #tpu.memory_space<vmem>>, vector<1x16xf32>,
        %get3A_309 = vector.shape_cast %get3A_308 : vector<1x16xf32> to vector<16xf32>
        %mul3A_310 = arith.mulf %get3A_305, %get3A_309 : vector<16xf32>
        %add3A_311 = arith.addf %mul3A_301, %mul3A_310 : vector<16xf32>
        %get3A_312 = arith.index_cast %add3A_292 : i32 to index
        %get3A_313 = arith.constant 32 : index
        %get3A_314 = tpu.vector_load %arg8[%get3A_312, %get3A_313] {strides = array<i32>} : memref<400x128xf32, #tpu.memory_space<vmem>>, vector<1x16xf32>,
        %get3A_315 = vector.shape_cast %get3A_314 : vector<1x16xf32> to vector<16xf32>
        %get3A_316 = arith.index_cast %add3A_292 : i32 to index
        %get3A_317 = arith.constant 32 : index
        %get3A_318 = tpu.vector_load %arg9[%get3A_316, %get3A_317] {strides = array<i32>} : memref<400x128xf32, #tpu.memory_space<vmem>>, vector<1x16xf32>,
        %get3A_319 = vector.shape_cast %get3A_318 : vector<1x16xf32> to vector<16xf32>
        %mul3A_320 = arith.mulf %get3A_315, %get3A_319 : vector<16xf32>
        %add3A_321 = arith.addf %add3A_311, %mul3A_320 : vector<16xf32>
        %get3A_322 = arith.index_cast %add3A_292 : i32 to index
        %get3A_323 = arith.constant 48 : index
        %get3A_324 = tpu.vector_load %arg8[%get3A_322, %get3A_323] {strides = array<i32>} : memref<400x128xf32, #tpu.memory_space<vmem>>, vector<1x16xf32>,
        %get3A_325 = vector.shape_cast %get3A_324 : vector<1x16xf32> to vector<16xf32>
        %get3A_326 = arith.index_cast %add3A_292 : i32 to index
        %get3A_327 = arith.constant 48 : index
        %get3A_328 = tpu.vector_load %arg9[%get3A_326, %get3A_327] {strides = array<i32>} : memref<400x128xf32, #tpu.memory_space<vmem>>, vector<1x16xf32>,
        %get3A_329 = vector.shape_cast %get3A_328 : vector<1x16xf32> to vector<16xf32>
        %mul3A_330 = arith.mulf %get3A_325, %get3A_329 : vector<16xf32>
        %add3A_331 = arith.addf %add3A_321, %mul3A_330 : vector<16xf32>
        %get3A_332 = arith.index_cast %add3A_292 : i32 to index
        %get3A_333 = arith.constant 64 : index
        %get3A_334 = tpu.vector_load %arg8[%get3A_332, %get3A_333] {strides = array<i32>} : memref<400x128xf32, #tpu.memory_space<vmem>>, vector<1x16xf32>,
        %get3A_335 = vector.shape_cast %get3A_334 : vector<1x16xf32> to vector<16xf32>
        %get3A_336 = arith.index_cast %add3A_292 : i32 to index
        %get3A_337 = arith.constant 64 : index
        %get3A_338 = tpu.vector_load %arg9[%get3A_336, %get3A_337] {strides = array<i32>} : memref<400x128xf32, #tpu.memory_space<vmem>>, vector<1x16xf32>,
        %get3A_339 = vector.shape_cast %get3A_338 : vector<1x16xf32> to vector<16xf32>
        %mul3A_340 = arith.mulf %get3A_335, %get3A_339 : vector<16xf32>
        %add3A_341 = arith.addf %add3A_331, %mul3A_340 : vector<16xf32>
        %get3A_342 = arith.index_cast %add3A_292 : i32 to index
        %get3A_343 = arith.constant 80 : index
        %get3A_344 = tpu.vector_load %arg8[%get3A_342, %get3A_343] {strides = array<i32>} : memref<400x128xf32, #tpu.memory_space<vmem>>, vector<1x16xf32>,
        %get3A_345 = vector.shape_cast %get3A_344 : vector<1x16xf32> to vector<16xf32>
        %get3A_346 = arith.index_cast %add3A_292 : i32 to index
        %get3A_347 = arith.constant 80 : index
        %get3A_348 = tpu.vector_load %arg9[%get3A_346, %get3A_347] {strides = array<i32>} : memref<400x128xf32, #tpu.memory_space<vmem>>, vector<1x16xf32>,
        %get3A_349 = vector.shape_cast %get3A_348 : vector<1x16xf32> to vector<16xf32>
        %mul3A_350 = arith.mulf %get3A_345, %get3A_349 : vector<16xf32>
        %add3A_351 = arith.addf %add3A_341, %mul3A_350 : vector<16xf32>
        %get3A_352 = arith.index_cast %add3A_292 : i32 to index
        %get3A_353 = arith.constant 96 : index
        %get3A_354 = tpu.vector_load %arg8[%get3A_352, %get3A_353] {strides = array<i32>} : memref<400x128xf32, #tpu.memory_space<vmem>>, vector<1x16xf32>,
        %get3A_355 = vector.shape_cast %get3A_354 : vector<1x16xf32> to vector<16xf32>
        %get3A_356 = arith.index_cast %add3A_292 : i32 to index
        %get3A_357 = arith.constant 96 : index
        %get3A_358 = tpu.vector_load %arg9[%get3A_356, %get3A_357] {strides = array<i32>} : memref<400x128xf32, #tpu.memory_space<vmem>>, vector<1x16xf32>,
        %get3A_359 = vector.shape_cast %get3A_358 : vector<1x16xf32> to vector<16xf32>
        %mul3A_360 = arith.mulf %get3A_355, %get3A_359 : vector<16xf32>
        %add3A_361 = arith.addf %add3A_351, %mul3A_360 : vector<16xf32>
        %get3A_362 = arith.index_cast %add3A_292 : i32 to index
        %get3A_363 = arith.constant 112 : index
        %get3A_364 = tpu.vector_load %arg8[%get3A_362, %get3A_363] {strides = array<i32>} : memref<400x128xf32, #tpu.memory_space<vmem>>, vector<1x16xf32>,
        %get3A_365 = vector.shape_cast %get3A_364 : vector<1x16xf32> to vector<16xf32>
        %get3A_366 = arith.index_cast %add3A_292 : i32 to index
        %get3A_367 = arith.constant 112 : index
        %get3A_368 = tpu.vector_load %arg9[%get3A_366, %get3A_367] {strides = array<i32>} : memref<400x128xf32, #tpu.memory_space<vmem>>, vector<1x16xf32>,
        %get3A_369 = vector.shape_cast %get3A_368 : vector<1x16xf32> to vector<16xf32>
        %mul3A_370 = arith.mulf %get3A_365, %get3A_369 : vector<16xf32>
        %add3A_371 = arith.addf %add3A_361, %mul3A_370 : vector<16xf32>
        %broadcast_in_dim3A_372 = vector.shape_cast %xor3A_4 : vector<16xi32> to vector<16x1xi32>
        %gather3A_373 = vector.shape_cast %broadcast_in_dim3A_372 : vector<16x1xi32> to vector<16xi32>
        %gather3A_374 = tpu.dynamic_gather %add3A_371[%gather3A_373] in [0] : vector<16xf32>, vector<16xi32> -> vector<16xf32>
        %add3A_375 = arith.addf %add3A_371, %gather3A_374 : vector<16xf32>
        %broadcast_in_dim3A_376 = vector.shape_cast %xor3A_7 : vector<16xi32> to vector<16x1xi32>
        %gather3A_377 = vector.shape_cast %broadcast_in_dim3A_376 : vector<16x1xi32> to vector<16xi32>
        %gather3A_378 = tpu.dynamic_gather %add3A_375[%gather3A_377] in [0] : vector<16xf32>, vector<16xi32> -> vector<16xf32>
        %add3A_379 = arith.addf %add3A_375, %gather3A_378 : vector<16xf32>
        %broadcast_in_dim3A_380 = vector.shape_cast %xor3A_10 : vector<16xi32> to vector<16x1xi32>
        %gather3A_381 = vector.shape_cast %broadcast_in_dim3A_380 : vector<16x1xi32> to vector<16xi32>
        %gather3A_382 = tpu.dynamic_gather %add3A_379[%gather3A_381] in [0] : vector<16xf32>, vector<16xi32> -> vector<16xf32>
        %add3A_383 = arith.addf %add3A_379, %gather3A_382 : vector<16xf32>
        %broadcast_in_dim3A_384 = vector.shape_cast %xor3A_13 : vector<16xi32> to vector<16x1xi32>
        %gather3A_385 = vector.shape_cast %broadcast_in_dim3A_384 : vector<16x1xi32> to vector<16xi32>
        %gather3A_386 = tpu.dynamic_gather %add3A_383[%gather3A_385] in [0] : vector<16xf32>, vector<16xi32> -> vector<16xf32>
        %add3A_387 = arith.addf %add3A_383, %gather3A_386 : vector<16xf32>
        %mul3A_388 = arith.constant 16 : i32
        %mul3A_389 = arith.muli %scan3A_171, %mul3A_388 : i32
        %mul3A_390 = arith.constant 4 : i32
        %mul3A_391 = arith.muli %scan3A_184, %mul3A_390 : i32
        %add3A_392 = arith.addi %mul3A_389, %mul3A_391 : i32
        %add3A_393 = arith.constant 2 : i32
        %add3A_394 = arith.addi %add3A_392, %add3A_393 : i32
        %get3A_395 = arith.index_cast %add3A_394 : i32 to index
        %get3A_396 = arith.constant 0 : index
        %get3A_397 = tpu.vector_load %arg8[%get3A_395, %get3A_396] {strides = array<i32>} : memref<400x128xf32, #tpu.memory_space<vmem>>, vector<1x16xf32>,
        %get3A_398 = vector.shape_cast %get3A_397 : vector<1x16xf32> to vector<16xf32>
        %get3A_399 = arith.index_cast %add3A_394 : i32 to index
        %get3A_400 = arith.constant 0 : index
        %get3A_401 = tpu.vector_load %arg9[%get3A_399, %get3A_400] {strides = array<i32>} : memref<400x128xf32, #tpu.memory_space<vmem>>, vector<1x16xf32>,
        %get3A_402 = vector.shape_cast %get3A_401 : vector<1x16xf32> to vector<16xf32>
        %mul3A_403 = arith.mulf %get3A_398, %get3A_402 : vector<16xf32>
        %get3A_404 = arith.index_cast %add3A_394 : i32 to index
        %get3A_405 = arith.constant 16 : index
        %get3A_406 = tpu.vector_load %arg8[%get3A_404, %get3A_405] {strides = array<i32>} : memref<400x128xf32, #tpu.memory_space<vmem>>, vector<1x16xf32>,
        %get3A_407 = vector.shape_cast %get3A_406 : vector<1x16xf32> to vector<16xf32>
        %get3A_408 = arith.index_cast %add3A_394 : i32 to index
        %get3A_409 = arith.constant 16 : index
        %get3A_410 = tpu.vector_load %arg9[%get3A_408, %get3A_409] {strides = array<i32>} : memref<400x128xf32, #tpu.memory_space<vmem>>, vector<1x16xf32>,
        %get3A_411 = vector.shape_cast %get3A_410 : vector<1x16xf32> to vector<16xf32>
        %mul3A_412 = arith.mulf %get3A_407, %get3A_411 : vector<16xf32>
        %add3A_413 = arith.addf %mul3A_403, %mul3A_412 : vector<16xf32>
        %get3A_414 = arith.index_cast %add3A_394 : i32 to index
        %get3A_415 = arith.constant 32 : index
        %get3A_416 = tpu.vector_load %arg8[%get3A_414, %get3A_415] {strides = array<i32>} : memref<400x128xf32, #tpu.memory_space<vmem>>, vector<1x16xf32>,
        %get3A_417 = vector.shape_cast %get3A_416 : vector<1x16xf32> to vector<16xf32>
        %get3A_418 = arith.index_cast %add3A_394 : i32 to index
        %get3A_419 = arith.constant 32 : index
        %get3A_420 = tpu.vector_load %arg9[%get3A_418, %get3A_419] {strides = array<i32>} : memref<400x128xf32, #tpu.memory_space<vmem>>, vector<1x16xf32>,
        %get3A_421 = vector.shape_cast %get3A_420 : vector<1x16xf32> to vector<16xf32>
        %mul3A_422 = arith.mulf %get3A_417, %get3A_421 : vector<16xf32>
        %add3A_423 = arith.addf %add3A_413, %mul3A_422 : vector<16xf32>
        %get3A_424 = arith.index_cast %add3A_394 : i32 to index
        %get3A_425 = arith.constant 48 : index
        %get3A_426 = tpu.vector_load %arg8[%get3A_424, %get3A_425] {strides = array<i32>} : memref<400x128xf32, #tpu.memory_space<vmem>>, vector<1x16xf32>,
        %get3A_427 = vector.shape_cast %get3A_426 : vector<1x16xf32> to vector<16xf32>
        %get3A_428 = arith.index_cast %add3A_394 : i32 to index
        %get3A_429 = arith.constant 48 : index
        %get3A_430 = tpu.vector_load %arg9[%get3A_428, %get3A_429] {strides = array<i32>} : memref<400x128xf32, #tpu.memory_space<vmem>>, vector<1x16xf32>,
        %get3A_431 = vector.shape_cast %get3A_430 : vector<1x16xf32> to vector<16xf32>
        %mul3A_432 = arith.mulf %get3A_427, %get3A_431 : vector<16xf32>
        %add3A_433 = arith.addf %add3A_423, %mul3A_432 : vector<16xf32>
        %get3A_434 = arith.index_cast %add3A_394 : i32 to index
        %get3A_435 = arith.constant 64 : index
        %get3A_436 = tpu.vector_load %arg8[%get3A_434, %get3A_435] {strides = array<i32>} : memref<400x128xf32, #tpu.memory_space<vmem>>, vector<1x16xf32>,
        %get3A_437 = vector.shape_cast %get3A_436 : vector<1x16xf32> to vector<16xf32>
        %get3A_438 = arith.index_cast %add3A_394 : i32 to index
        %get3A_439 = arith.constant 64 : index
        %get3A_440 = tpu.vector_load %arg9[%get3A_438, %get3A_439] {strides = array<i32>} : memref<400x128xf32, #tpu.memory_space<vmem>>, vector<1x16xf32>,
        %get3A_441 = vector.shape_cast %get3A_440 : vector<1x16xf32> to vector<16xf32>
        %mul3A_442 = arith.mulf %get3A_437, %get3A_441 : vector<16xf32>
        %add3A_443 = arith.addf %add3A_433, %mul3A_442 : vector<16xf32>
        %get3A_444 = arith.index_cast %add3A_394 : i32 to index
        %get3A_445 = arith.constant 80 : index
        %get3A_446 = tpu.vector_load %arg8[%get3A_444, %get3A_445] {strides = array<i32>} : memref<400x128xf32, #tpu.memory_space<vmem>>, vector<1x16xf32>,
        %get3A_447 = vector.shape_cast %get3A_446 : vector<1x16xf32> to vector<16xf32>
        %get3A_448 = arith.index_cast %add3A_394 : i32 to index
        %get3A_449 = arith.constant 80 : index
        %get3A_450 = tpu.vector_load %arg9[%get3A_448, %get3A_449] {strides = array<i32>} : memref<400x128xf32, #tpu.memory_space<vmem>>, vector<1x16xf32>,
        %get3A_451 = vector.shape_cast %get3A_450 : vector<1x16xf32> to vector<16xf32>
        %mul3A_452 = arith.mulf %get3A_447, %get3A_451 : vector<16xf32>
        %add3A_453 = arith.addf %add3A_443, %mul3A_452 : vector<16xf32>
        %get3A_454 = arith.index_cast %add3A_394 : i32 to index
        %get3A_455 = arith.constant 96 : index
        %get3A_456 = tpu.vector_load %arg8[%get3A_454, %get3A_455] {strides = array<i32>} : memref<400x128xf32, #tpu.memory_space<vmem>>, vector<1x16xf32>,
        %get3A_457 = vector.shape_cast %get3A_456 : vector<1x16xf32> to vector<16xf32>
        %get3A_458 = arith.index_cast %add3A_394 : i32 to index
        %get3A_459 = arith.constant 96 : index
        %get3A_460 = tpu.vector_load %arg9[%get3A_458, %get3A_459] {strides = array<i32>} : memref<400x128xf32, #tpu.memory_space<vmem>>, vector<1x16xf32>,
        %get3A_461 = vector.shape_cast %get3A_460 : vector<1x16xf32> to vector<16xf32>
        %mul3A_462 = arith.mulf %get3A_457, %get3A_461 : vector<16xf32>
        %add3A_463 = arith.addf %add3A_453, %mul3A_462 : vector<16xf32>
        %get3A_464 = arith.index_cast %add3A_394 : i32 to index
        %get3A_465 = arith.constant 112 : index
        %get3A_466 = tpu.vector_load %arg8[%get3A_464, %get3A_465] {strides = array<i32>} : memref<400x128xf32, #tpu.memory_space<vmem>>, vector<1x16xf32>,
        %get3A_467 = vector.shape_cast %get3A_466 : vector<1x16xf32> to vector<16xf32>
        %get3A_468 = arith.index_cast %add3A_394 : i32 to index
        %get3A_469 = arith.constant 112 : index
        %get3A_470 = tpu.vector_load %arg9[%get3A_468, %get3A_469] {strides = array<i32>} : memref<400x128xf32, #tpu.memory_space<vmem>>, vector<1x16xf32>,
        %get3A_471 = vector.shape_cast %get3A_470 : vector<1x16xf32> to vector<16xf32>
        %mul3A_472 = arith.mulf %get3A_467, %get3A_471 : vector<16xf32>
        %add3A_473 = arith.addf %add3A_463, %mul3A_472 : vector<16xf32>
        %broadcast_in_dim3A_474 = vector.shape_cast %xor3A_4 : vector<16xi32> to vector<16x1xi32>
        %gather3A_475 = vector.shape_cast %broadcast_in_dim3A_474 : vector<16x1xi32> to vector<16xi32>
        %gather3A_476 = tpu.dynamic_gather %add3A_473[%gather3A_475] in [0] : vector<16xf32>, vector<16xi32> -> vector<16xf32>
        %add3A_477 = arith.addf %add3A_473, %gather3A_476 : vector<16xf32>
        %broadcast_in_dim3A_478 = vector.shape_cast %xor3A_7 : vector<16xi32> to vector<16x1xi32>
        %gather3A_479 = vector.shape_cast %broadcast_in_dim3A_478 : vector<16x1xi32> to vector<16xi32>
        %gather3A_480 = tpu.dynamic_gather %add3A_477[%gather3A_479] in [0] : vector<16xf32>, vector<16xi32> -> vector<16xf32>
        %add3A_481 = arith.addf %add3A_477, %gather3A_480 : vector<16xf32>
        %broadcast_in_dim3A_482 = vector.shape_cast %xor3A_10 : vector<16xi32> to vector<16x1xi32>
        %gather3A_483 = vector.shape_cast %broadcast_in_dim3A_482 : vector<16x1xi32> to vector<16xi32>
        %gather3A_484 = tpu.dynamic_gather %add3A_481[%gather3A_483] in [0] : vector<16xf32>, vector<16xi32> -> vector<16xf32>
        %add3A_485 = arith.addf %add3A_481, %gather3A_484 : vector<16xf32>
        %broadcast_in_dim3A_486 = vector.shape_cast %xor3A_13 : vector<16xi32> to vector<16x1xi32>
        %gather3A_487 = vector.shape_cast %broadcast_in_dim3A_486 : vector<16x1xi32> to vector<16xi32>
        %gather3A_488 = tpu.dynamic_gather %add3A_485[%gather3A_487] in [0] : vector<16xf32>, vector<16xi32> -> vector<16xf32>
        %add3A_489 = arith.addf %add3A_485, %gather3A_488 : vector<16xf32>
        %mul3A_490 = arith.constant 16 : i32
        %mul3A_491 = arith.muli %scan3A_171, %mul3A_490 : i32
        %mul3A_492 = arith.constant 4 : i32
        %mul3A_493 = arith.muli %scan3A_184, %mul3A_492 : i32
        %add3A_494 = arith.addi %mul3A_491, %mul3A_493 : i32
        %add3A_495 = arith.constant 3 : i32
        %add3A_496 = arith.addi %add3A_494, %add3A_495 : i32
        %get3A_497 = arith.index_cast %add3A_496 : i32 to index
        %get3A_498 = arith.constant 0 : index
        %get3A_499 = tpu.vector_load %arg8[%get3A_497, %get3A_498] {strides = array<i32>} : memref<400x128xf32, #tpu.memory_space<vmem>>, vector<1x16xf32>,
        %get3A_500 = vector.shape_cast %get3A_499 : vector<1x16xf32> to vector<16xf32>
        %get3A_501 = arith.index_cast %add3A_496 : i32 to index
        %get3A_502 = arith.constant 0 : index
        %get3A_503 = tpu.vector_load %arg9[%get3A_501, %get3A_502] {strides = array<i32>} : memref<400x128xf32, #tpu.memory_space<vmem>>, vector<1x16xf32>,
        %get3A_504 = vector.shape_cast %get3A_503 : vector<1x16xf32> to vector<16xf32>
        %mul3A_505 = arith.mulf %get3A_500, %get3A_504 : vector<16xf32>
        %get3A_506 = arith.index_cast %add3A_496 : i32 to index
        %get3A_507 = arith.constant 16 : index
        %get3A_508 = tpu.vector_load %arg8[%get3A_506, %get3A_507] {strides = array<i32>} : memref<400x128xf32, #tpu.memory_space<vmem>>, vector<1x16xf32>,
        %get3A_509 = vector.shape_cast %get3A_508 : vector<1x16xf32> to vector<16xf32>
        %get3A_510 = arith.index_cast %add3A_496 : i32 to index
        %get3A_511 = arith.constant 16 : index
        %get3A_512 = tpu.vector_load %arg9[%get3A_510, %get3A_511] {strides = array<i32>} : memref<400x128xf32, #tpu.memory_space<vmem>>, vector<1x16xf32>,
        %get3A_513 = vector.shape_cast %get3A_512 : vector<1x16xf32> to vector<16xf32>
        %mul3A_514 = arith.mulf %get3A_509, %get3A_513 : vector<16xf32>
        %add3A_515 = arith.addf %mul3A_505, %mul3A_514 : vector<16xf32>
        %get3A_516 = arith.index_cast %add3A_496 : i32 to index
        %get3A_517 = arith.constant 32 : index
        %get3A_518 = tpu.vector_load %arg8[%get3A_516, %get3A_517] {strides = array<i32>} : memref<400x128xf32, #tpu.memory_space<vmem>>, vector<1x16xf32>,
        %get3A_519 = vector.shape_cast %get3A_518 : vector<1x16xf32> to vector<16xf32>
        %get3A_520 = arith.index_cast %add3A_496 : i32 to index
        %get3A_521 = arith.constant 32 : index
        %get3A_522 = tpu.vector_load %arg9[%get3A_520, %get3A_521] {strides = array<i32>} : memref<400x128xf32, #tpu.memory_space<vmem>>, vector<1x16xf32>,
        %get3A_523 = vector.shape_cast %get3A_522 : vector<1x16xf32> to vector<16xf32>
        %mul3A_524 = arith.mulf %get3A_519, %get3A_523 : vector<16xf32>
        %add3A_525 = arith.addf %add3A_515, %mul3A_524 : vector<16xf32>
        %get3A_526 = arith.index_cast %add3A_496 : i32 to index
        %get3A_527 = arith.constant 48 : index
        %get3A_528 = tpu.vector_load %arg8[%get3A_526, %get3A_527] {strides = array<i32>} : memref<400x128xf32, #tpu.memory_space<vmem>>, vector<1x16xf32>,
        %get3A_529 = vector.shape_cast %get3A_528 : vector<1x16xf32> to vector<16xf32>
        %get3A_530 = arith.index_cast %add3A_496 : i32 to index
        %get3A_531 = arith.constant 48 : index
        %get3A_532 = tpu.vector_load %arg9[%get3A_530, %get3A_531] {strides = array<i32>} : memref<400x128xf32, #tpu.memory_space<vmem>>, vector<1x16xf32>,
        %get3A_533 = vector.shape_cast %get3A_532 : vector<1x16xf32> to vector<16xf32>
        %mul3A_534 = arith.mulf %get3A_529, %get3A_533 : vector<16xf32>
        %add3A_535 = arith.addf %add3A_525, %mul3A_534 : vector<16xf32>
        %get3A_536 = arith.index_cast %add3A_496 : i32 to index
        %get3A_537 = arith.constant 64 : index
        %get3A_538 = tpu.vector_load %arg8[%get3A_536, %get3A_537] {strides = array<i32>} : memref<400x128xf32, #tpu.memory_space<vmem>>, vector<1x16xf32>,
        %get3A_539 = vector.shape_cast %get3A_538 : vector<1x16xf32> to vector<16xf32>
        %get3A_540 = arith.index_cast %add3A_496 : i32 to index
        %get3A_541 = arith.constant 64 : index
        %get3A_542 = tpu.vector_load %arg9[%get3A_540, %get3A_541] {strides = array<i32>} : memref<400x128xf32, #tpu.memory_space<vmem>>, vector<1x16xf32>,
        %get3A_543 = vector.shape_cast %get3A_542 : vector<1x16xf32> to vector<16xf32>
        %mul3A_544 = arith.mulf %get3A_539, %get3A_543 : vector<16xf32>
        %add3A_545 = arith.addf %add3A_535, %mul3A_544 : vector<16xf32>
        %get3A_546 = arith.index_cast %add3A_496 : i32 to index
        %get3A_547 = arith.constant 80 : index
        %get3A_548 = tpu.vector_load %arg8[%get3A_546, %get3A_547] {strides = array<i32>} : memref<400x128xf32, #tpu.memory_space<vmem>>, vector<1x16xf32>,
        %get3A_549 = vector.shape_cast %get3A_548 : vector<1x16xf32> to vector<16xf32>
        %get3A_550 = arith.index_cast %add3A_496 : i32 to index
        %get3A_551 = arith.constant 80 : index
        %get3A_552 = tpu.vector_load %arg9[%get3A_550, %get3A_551] {strides = array<i32>} : memref<400x128xf32, #tpu.memory_space<vmem>>, vector<1x16xf32>,
        %get3A_553 = vector.shape_cast %get3A_552 : vector<1x16xf32> to vector<16xf32>
        %mul3A_554 = arith.mulf %get3A_549, %get3A_553 : vector<16xf32>
        %add3A_555 = arith.addf %add3A_545, %mul3A_554 : vector<16xf32>
        %get3A_556 = arith.index_cast %add3A_496 : i32 to index
        %get3A_557 = arith.constant 96 : index
        %get3A_558 = tpu.vector_load %arg8[%get3A_556, %get3A_557] {strides = array<i32>} : memref<400x128xf32, #tpu.memory_space<vmem>>, vector<1x16xf32>,
        %get3A_559 = vector.shape_cast %get3A_558 : vector<1x16xf32> to vector<16xf32>
        %get3A_560 = arith.index_cast %add3A_496 : i32 to index
        %get3A_561 = arith.constant 96 : index
        %get3A_562 = tpu.vector_load %arg9[%get3A_560, %get3A_561] {strides = array<i32>} : memref<400x128xf32, #tpu.memory_space<vmem>>, vector<1x16xf32>,
        %get3A_563 = vector.shape_cast %get3A_562 : vector<1x16xf32> to vector<16xf32>
        %mul3A_564 = arith.mulf %get3A_559, %get3A_563 : vector<16xf32>
        %add3A_565 = arith.addf %add3A_555, %mul3A_564 : vector<16xf32>
        %get3A_566 = arith.index_cast %add3A_496 : i32 to index
        %get3A_567 = arith.constant 112 : index
        %get3A_568 = tpu.vector_load %arg8[%get3A_566, %get3A_567] {strides = array<i32>} : memref<400x128xf32, #tpu.memory_space<vmem>>, vector<1x16xf32>,
        %get3A_569 = vector.shape_cast %get3A_568 : vector<1x16xf32> to vector<16xf32>
        %get3A_570 = arith.index_cast %add3A_496 : i32 to index
        %get3A_571 = arith.constant 112 : index
        %get3A_572 = tpu.vector_load %arg9[%get3A_570, %get3A_571] {strides = array<i32>} : memref<400x128xf32, #tpu.memory_space<vmem>>, vector<1x16xf32>,
        %get3A_573 = vector.shape_cast %get3A_572 : vector<1x16xf32> to vector<16xf32>
        %mul3A_574 = arith.mulf %get3A_569, %get3A_573 : vector<16xf32>
        %add3A_575 = arith.addf %add3A_565, %mul3A_574 : vector<16xf32>
        %broadcast_in_dim3A_576 = vector.shape_cast %xor3A_4 : vector<16xi32> to vector<16x1xi32>
        %gather3A_577 = vector.shape_cast %broadcast_in_dim3A_576 : vector<16x1xi32> to vector<16xi32>
        %gather3A_578 = tpu.dynamic_gather %add3A_575[%gather3A_577] in [0] : vector<16xf32>, vector<16xi32> -> vector<16xf32>
        %add3A_579 = arith.addf %add3A_575, %gather3A_578 : vector<16xf32>
        %broadcast_in_dim3A_580 = vector.shape_cast %xor3A_7 : vector<16xi32> to vector<16x1xi32>
        %gather3A_581 = vector.shape_cast %broadcast_in_dim3A_580 : vector<16x1xi32> to vector<16xi32>
        %gather3A_582 = tpu.dynamic_gather %add3A_579[%gather3A_581] in [0] : vector<16xf32>, vector<16xi32> -> vector<16xf32>
        %add3A_583 = arith.addf %add3A_579, %gather3A_582 : vector<16xf32>
        %broadcast_in_dim3A_584 = vector.shape_cast %xor3A_10 : vector<16xi32> to vector<16x1xi32>
        %gather3A_585 = vector.shape_cast %broadcast_in_dim3A_584 : vector<16x1xi32> to vector<16xi32>
        %gather3A_586 = tpu.dynamic_gather %add3A_583[%gather3A_585] in [0] : vector<16xf32>, vector<16xi32> -> vector<16xf32>
        %add3A_587 = arith.addf %add3A_583, %gather3A_586 : vector<16xf32>
        %broadcast_in_dim3A_588 = vector.shape_cast %xor3A_13 : vector<16xi32> to vector<16x1xi32>
        %gather3A_589 = vector.shape_cast %broadcast_in_dim3A_588 : vector<16x1xi32> to vector<16xi32>
        %gather3A_590 = tpu.dynamic_gather %add3A_587[%gather3A_589] in [0] : vector<16xf32>, vector<16xi32> -> vector<16xf32>
        %add3A_591 = arith.addf %add3A_587, %gather3A_590 : vector<16xf32>
        %mul3A_592 = arith.constant 4 : i32
        %mul3A_593 = arith.muli %scan3A_184, %mul3A_592 : i32
        %add3A_594 = arith.constant 0 : i32
        %add3A_595 = arith.addi %mul3A_593, %add3A_594 : i32
        %eq3A = vector.broadcast %add3A_595 : i32 to vector<16xi32>
        %eq3A_596 = arith.cmpi eq, %iota3A, %eq3A : vector<16xi32>
        %select_n3A = arith.select %eq3A_596, %add3A_285, %scan3A_185 : vector<16xi1>, vector<16xf32>
        %mul3A_597 = arith.constant 4 : i32
        %mul3A_598 = arith.muli %scan3A_184, %mul3A_597 : i32
        %add3A_599 = arith.constant 1 : i32
        %add3A_600 = arith.addi %mul3A_598, %add3A_599 : i32
        %eq3A_601 = vector.broadcast %add3A_600 : i32 to vector<16xi32>
        %eq3A_602 = arith.cmpi eq, %iota3A, %eq3A_601 : vector<16xi32>
        %select_n3A_603 = arith.select %eq3A_602, %add3A_387, %select_n3A : vector<16xi1>, vector<16xf32>
        %mul3A_604 = arith.constant 4 : i32
        %mul3A_605 = arith.muli %scan3A_184, %mul3A_604 : i32
        %add3A_606 = arith.constant 2 : i32
        %add3A_607 = arith.addi %mul3A_605, %add3A_606 : i32
        %eq3A_608 = vector.broadcast %add3A_607 : i32 to vector<16xi32>
        %eq3A_609 = arith.cmpi eq, %iota3A, %eq3A_608 : vector<16xi32>
        %select_n3A_610 = arith.select %eq3A_609, %add3A_489, %select_n3A_603 : vector<16xi1>, vector<16xf32>
        %mul3A_611 = arith.constant 4 : i32
        %mul3A_612 = arith.muli %scan3A_184, %mul3A_611 : i32
        %add3A_613 = arith.constant 3 : i32
        %add3A_614 = arith.addi %mul3A_612, %add3A_613 : i32
        %eq3A_615 = vector.broadcast %add3A_614 : i32 to vector<16xi32>
        %eq3A_616 = arith.cmpi eq, %iota3A, %eq3A_615 : vector<16xi32>
        %select_n3A_617 = arith.select %eq3A_616, %add3A_591, %select_n3A_610 : vector<16xi1>, vector<16xf32>
        scf.yield %select_n3A_617 : vector<16xf32>
      }
      %scan3A_178 = arith.constant 4 : i32
      %mul3A_179 = arith.constant 16 : i32
      %mul3A_180 = arith.muli %scan3A_171, %mul3A_179 : i32
      %swap3A = arith.index_cast %mul3A_180 : i32 to index
      %swap3A_181 = tpu.vector_load %arg10[%swap3A] {strides = array<i32>} : memref<400xf32, #tpu.memory_space<vmem>>, vector<16xf32>,
      %swap3A_182 = vector.shape_cast %swap3A_181 : vector<16xf32> to vector<16xf32>
      %swap3A_183 = vector.shape_cast %scan3A_177 : vector<16xf32> to vector<16xf32>
      tpu.vector_store %arg10[%swap3A], %swap3A_183 {strides = array<i32>} : memref<400xf32, #tpu.memory_space<vmem>>, vector<16xf32>,
    }
    %scan3A_90 = arith.constant 25 : i32
    "tpu.region"() ({
      %run_scoped3A = tpu.sem_alloc : memref<!tpu.dma_semaphore, #tpu.memory_space<semaphore_mem>>
      %dma_start3A_171 = tpu.memref_slice %arg5[%add3A_72] : memref<102400xf32, #tpu.memory_space<hbm>> -> memref<400xf32, #tpu.memory_space<hbm>>
      %dma_start3A_172 = tpu.memref_slice %arg5[%add3A_72] : memref<102400xf32, #tpu.memory_space<hbm>> -> memref<400xf32, #tpu.memory_space<hbm>>
      tpu.enqueue_dma source(%arg10 : memref<400xf32, #tpu.memory_space<vmem>>) target(%dma_start3A_172 : memref<400xf32, #tpu.memory_space<hbm>>) target_semaphore(%run_scoped3A : memref<!tpu.dma_semaphore, #tpu.memory_space<semaphore_mem>>)
      %dma_wait3A_173 = tpu.memref_slice %arg5[%add3A_72] : memref<102400xf32, #tpu.memory_space<hbm>> -> memref<400xf32, #tpu.memory_space<hbm>>
      %dma_wait3A_174 = tpu.memref_slice %arg5[%add3A_72] : memref<102400xf32, #tpu.memory_space<hbm>> -> memref<400xf32, #tpu.memory_space<hbm>>
      tpu.wait_dma2 semaphore(%run_scoped3A : memref<!tpu.dma_semaphore, #tpu.memory_space<semaphore_mem>>) src(%arg10 : memref<400xf32, #tpu.memory_space<vmem>>) dst(%dma_wait3A_174 : memref<400xf32, #tpu.memory_space<hbm>>)
      tpu.yield
    }) : () -> ()
    %add3A_91 = arith.constant 1600 : i32
    %add3A_92 = arith.addi %mul3A_2, %add3A_91 : i32
    "tpu.region"() ({
      %run_scoped3A = tpu.sem_alloc : memref<!tpu.dma_semaphore, #tpu.memory_space<semaphore_mem>>
      %dma_start3A_171 = tpu.memref_slice %arg3[%add3A_92] : memref<102400xi32, #tpu.memory_space<hbm>> -> memref<400xi32, #tpu.memory_space<hbm>>
      %dma_start3A_172 = tpu.memref_slice %arg3[%add3A_92] : memref<102400xi32, #tpu.memory_space<hbm>> -> memref<400xi32, #tpu.memory_space<hbm>>
      tpu.enqueue_dma source(%dma_start3A_172 : memref<400xi32, #tpu.memory_space<hbm>>) target(%arg6 : memref<400xi32, #tpu.memory_space<vmem>>) target_semaphore(%run_scoped3A : memref<!tpu.dma_semaphore, #tpu.memory_space<semaphore_mem>>)
      %dma_wait3A_173 = tpu.memref_slice %arg3[%add3A_92] : memref<102400xi32, #tpu.memory_space<hbm>> -> memref<400xi32, #tpu.memory_space<hbm>>
      %dma_wait3A_174 = tpu.memref_slice %arg3[%add3A_92] : memref<102400xi32, #tpu.memory_space<hbm>> -> memref<400xi32, #tpu.memory_space<hbm>>
      tpu.wait_dma2 semaphore(%run_scoped3A : memref<!tpu.dma_semaphore, #tpu.memory_space<semaphore_mem>>) src(%dma_wait3A_174 : memref<400xi32, #tpu.memory_space<hbm>>) dst(%arg6 : memref<400xi32, #tpu.memory_space<vmem>>)
      tpu.yield
    }) : () -> ()
    "tpu.region"() ({
      %run_scoped3A = tpu.sem_alloc : memref<!tpu.dma_semaphore, #tpu.memory_space<semaphore_mem>>
      %dma_start3A_171 = tpu.memref_slice %arg4[%add3A_92] : memref<102400xi32, #tpu.memory_space<hbm>> -> memref<400xi32, #tpu.memory_space<hbm>>
      %dma_start3A_172 = tpu.memref_slice %arg4[%add3A_92] : memref<102400xi32, #tpu.memory_space<hbm>> -> memref<400xi32, #tpu.memory_space<hbm>>
      tpu.enqueue_dma source(%dma_start3A_172 : memref<400xi32, #tpu.memory_space<hbm>>) target(%arg7 : memref<400xi32, #tpu.memory_space<vmem>>) target_semaphore(%run_scoped3A : memref<!tpu.dma_semaphore, #tpu.memory_space<semaphore_mem>>)
      %dma_wait3A_173 = tpu.memref_slice %arg4[%add3A_92] : memref<102400xi32, #tpu.memory_space<hbm>> -> memref<400xi32, #tpu.memory_space<hbm>>
      %dma_wait3A_174 = tpu.memref_slice %arg4[%add3A_92] : memref<102400xi32, #tpu.memory_space<hbm>> -> memref<400xi32, #tpu.memory_space<hbm>>
      tpu.wait_dma2 semaphore(%run_scoped3A : memref<!tpu.dma_semaphore, #tpu.memory_space<semaphore_mem>>) src(%dma_wait3A_174 : memref<400xi32, #tpu.memory_space<hbm>>) dst(%arg7 : memref<400xi32, #tpu.memory_space<vmem>>)
      tpu.yield
    }) : () -> ()
    %dma_start3A_93 = arith.constant 0 : i32
    %dma_start3A_94 = arith.constant 0 : i32
    %dma_start3A_95 = tpu.memref_slice %arg2[%dma_start3A_93, %dma_start3A_94] : memref<10000x128xf32, #tpu.memory_space<hbm>> -> memref<10000x128xf32, #tpu.memory_space<hbm>>
    tpu.enqueue_indirect_dma source(%dma_start3A_95 : memref<10000x128xf32, #tpu.memory_space<hbm>>) target(%arg8 : memref<400x128xf32, #tpu.memory_space<vmem>>) offsets(%arg6 : memref<400xi32, #tpu.memory_space<vmem>>) semaphore(%arg11 : memref<!tpu.dma_semaphore, #tpu.memory_space<semaphore_mem>>)
    %dma_start3A_96 = arith.constant 0 : i32
    %dma_start3A_97 = arith.constant 0 : i32
    %dma_start3A_98 = tpu.memref_slice %arg2[%dma_start3A_96, %dma_start3A_97] : memref<10000x128xf32, #tpu.memory_space<hbm>> -> memref<10000x128xf32, #tpu.memory_space<hbm>>
    tpu.enqueue_indirect_dma source(%dma_start3A_98 : memref<10000x128xf32, #tpu.memory_space<hbm>>) target(%arg9 : memref<400x128xf32, #tpu.memory_space<vmem>>) offsets(%arg7 : memref<400xi32, #tpu.memory_space<vmem>>) semaphore(%arg12 : memref<!tpu.dma_semaphore, #tpu.memory_space<semaphore_mem>>)
    %dma_wait3A_99 = arith.constant 0 : i32
    %dma_wait3A_100 = arith.constant 0 : i32
    %dma_wait3A_101 = tpu.memref_slice %arg2[%dma_wait3A_99, %dma_wait3A_100] : memref<10000x128xf32, #tpu.memory_space<hbm>> -> memref<10000x128xf32, #tpu.memory_space<hbm>>
    tpu.wait_indirect_dma semaphore(%arg11 : memref<!tpu.dma_semaphore, #tpu.memory_space<semaphore_mem>>) src(%dma_wait3A_101 : memref<10000x128xf32, #tpu.memory_space<hbm>>) dst(%arg8 : memref<400x128xf32, #tpu.memory_space<vmem>>)
    %dma_wait3A_102 = arith.constant 0 : i32
    %dma_wait3A_103 = arith.constant 0 : i32
    %dma_wait3A_104 = tpu.memref_slice %arg2[%dma_wait3A_102, %dma_wait3A_103] : memref<10000x128xf32, #tpu.memory_space<hbm>> -> memref<10000x128xf32, #tpu.memory_space<hbm>>
    tpu.wait_indirect_dma semaphore(%arg12 : memref<!tpu.dma_semaphore, #tpu.memory_space<semaphore_mem>>) src(%dma_wait3A_104 : memref<10000x128xf32, #tpu.memory_space<hbm>>) dst(%arg9 : memref<400x128xf32, #tpu.memory_space<vmem>>)
    %scan3A_105 = arith.constant 0 : i32
    %scan3A_106 = arith.constant 0 : i32
    %scan3A_107 = arith.constant 25 : i32
    %scan3A_108 = arith.addi %scan3A_106, %scan3A_107 : i32
    %scan3A_109 = arith.constant 1 : i32
    scf.for %scan3A_171 = %scan3A_106 to %scan3A_108 step %scan3A_109  : i32 {
      %broadcast_in_dim3A = arith.constant 0.000000e+00 : f32
      %broadcast_in_dim3A_172 = vector.broadcast %broadcast_in_dim3A : f32 to vector<16xf32>
      %scan3A_173 = arith.constant 0 : i32
      %scan3A_174 = arith.constant 4 : i32
      %scan3A_175 = arith.addi %scan3A_173, %scan3A_174 : i32
      %scan3A_176 = arith.constant 1 : i32
      %scan3A_177 = scf.for %scan3A_184 = %scan3A_173 to %scan3A_175 step %scan3A_176 iter_args(%scan3A_185 = %broadcast_in_dim3A_172) -> (vector<16xf32>)  : i32 {
        %mul3A_186 = arith.constant 16 : i32
        %mul3A_187 = arith.muli %scan3A_171, %mul3A_186 : i32
        %mul3A_188 = arith.constant 4 : i32
        %mul3A_189 = arith.muli %scan3A_184, %mul3A_188 : i32
        %add3A_190 = arith.addi %mul3A_187, %mul3A_189 : i32
        %add3A_191 = arith.constant 0 : i32
        %add3A_192 = arith.addi %add3A_190, %add3A_191 : i32
        %get3A = arith.index_cast %add3A_192 : i32 to index
        %get3A_193 = arith.constant 0 : index
        %get3A_194 = tpu.vector_load %arg8[%get3A, %get3A_193] {strides = array<i32>} : memref<400x128xf32, #tpu.memory_space<vmem>>, vector<1x16xf32>,
        %get3A_195 = vector.shape_cast %get3A_194 : vector<1x16xf32> to vector<16xf32>
        %get3A_196 = arith.index_cast %add3A_192 : i32 to index
        %get3A_197 = arith.constant 0 : index
        %get3A_198 = tpu.vector_load %arg9[%get3A_196, %get3A_197] {strides = array<i32>} : memref<400x128xf32, #tpu.memory_space<vmem>>, vector<1x16xf32>,
        %get3A_199 = vector.shape_cast %get3A_198 : vector<1x16xf32> to vector<16xf32>
        %mul3A_200 = arith.mulf %get3A_195, %get3A_199 : vector<16xf32>
        %get3A_201 = arith.index_cast %add3A_192 : i32 to index
        %get3A_202 = arith.constant 16 : index
        %get3A_203 = tpu.vector_load %arg8[%get3A_201, %get3A_202] {strides = array<i32>} : memref<400x128xf32, #tpu.memory_space<vmem>>, vector<1x16xf32>,
        %get3A_204 = vector.shape_cast %get3A_203 : vector<1x16xf32> to vector<16xf32>
        %get3A_205 = arith.index_cast %add3A_192 : i32 to index
        %get3A_206 = arith.constant 16 : index
        %get3A_207 = tpu.vector_load %arg9[%get3A_205, %get3A_206] {strides = array<i32>} : memref<400x128xf32, #tpu.memory_space<vmem>>, vector<1x16xf32>,
        %get3A_208 = vector.shape_cast %get3A_207 : vector<1x16xf32> to vector<16xf32>
        %mul3A_209 = arith.mulf %get3A_204, %get3A_208 : vector<16xf32>
        %add3A_210 = arith.addf %mul3A_200, %mul3A_209 : vector<16xf32>
        %get3A_211 = arith.index_cast %add3A_192 : i32 to index
        %get3A_212 = arith.constant 32 : index
        %get3A_213 = tpu.vector_load %arg8[%get3A_211, %get3A_212] {strides = array<i32>} : memref<400x128xf32, #tpu.memory_space<vmem>>, vector<1x16xf32>,
        %get3A_214 = vector.shape_cast %get3A_213 : vector<1x16xf32> to vector<16xf32>
        %get3A_215 = arith.index_cast %add3A_192 : i32 to index
        %get3A_216 = arith.constant 32 : index
        %get3A_217 = tpu.vector_load %arg9[%get3A_215, %get3A_216] {strides = array<i32>} : memref<400x128xf32, #tpu.memory_space<vmem>>, vector<1x16xf32>,
        %get3A_218 = vector.shape_cast %get3A_217 : vector<1x16xf32> to vector<16xf32>
        %mul3A_219 = arith.mulf %get3A_214, %get3A_218 : vector<16xf32>
        %add3A_220 = arith.addf %add3A_210, %mul3A_219 : vector<16xf32>
        %get3A_221 = arith.index_cast %add3A_192 : i32 to index
        %get3A_222 = arith.constant 48 : index
        %get3A_223 = tpu.vector_load %arg8[%get3A_221, %get3A_222] {strides = array<i32>} : memref<400x128xf32, #tpu.memory_space<vmem>>, vector<1x16xf32>,
        %get3A_224 = vector.shape_cast %get3A_223 : vector<1x16xf32> to vector<16xf32>
        %get3A_225 = arith.index_cast %add3A_192 : i32 to index
        %get3A_226 = arith.constant 48 : index
        %get3A_227 = tpu.vector_load %arg9[%get3A_225, %get3A_226] {strides = array<i32>} : memref<400x128xf32, #tpu.memory_space<vmem>>, vector<1x16xf32>,
        %get3A_228 = vector.shape_cast %get3A_227 : vector<1x16xf32> to vector<16xf32>
        %mul3A_229 = arith.mulf %get3A_224, %get3A_228 : vector<16xf32>
        %add3A_230 = arith.addf %add3A_220, %mul3A_229 : vector<16xf32>
        %get3A_231 = arith.index_cast %add3A_192 : i32 to index
        %get3A_232 = arith.constant 64 : index
        %get3A_233 = tpu.vector_load %arg8[%get3A_231, %get3A_232] {strides = array<i32>} : memref<400x128xf32, #tpu.memory_space<vmem>>, vector<1x16xf32>,
        %get3A_234 = vector.shape_cast %get3A_233 : vector<1x16xf32> to vector<16xf32>
        %get3A_235 = arith.index_cast %add3A_192 : i32 to index
        %get3A_236 = arith.constant 64 : index
        %get3A_237 = tpu.vector_load %arg9[%get3A_235, %get3A_236] {strides = array<i32>} : memref<400x128xf32, #tpu.memory_space<vmem>>, vector<1x16xf32>,
        %get3A_238 = vector.shape_cast %get3A_237 : vector<1x16xf32> to vector<16xf32>
        %mul3A_239 = arith.mulf %get3A_234, %get3A_238 : vector<16xf32>
        %add3A_240 = arith.addf %add3A_230, %mul3A_239 : vector<16xf32>
        %get3A_241 = arith.index_cast %add3A_192 : i32 to index
        %get3A_242 = arith.constant 80 : index
        %get3A_243 = tpu.vector_load %arg8[%get3A_241, %get3A_242] {strides = array<i32>} : memref<400x128xf32, #tpu.memory_space<vmem>>, vector<1x16xf32>,
        %get3A_244 = vector.shape_cast %get3A_243 : vector<1x16xf32> to vector<16xf32>
        %get3A_245 = arith.index_cast %add3A_192 : i32 to index
        %get3A_246 = arith.constant 80 : index
        %get3A_247 = tpu.vector_load %arg9[%get3A_245, %get3A_246] {strides = array<i32>} : memref<400x128xf32, #tpu.memory_space<vmem>>, vector<1x16xf32>,
        %get3A_248 = vector.shape_cast %get3A_247 : vector<1x16xf32> to vector<16xf32>
        %mul3A_249 = arith.mulf %get3A_244, %get3A_248 : vector<16xf32>
        %add3A_250 = arith.addf %add3A_240, %mul3A_249 : vector<16xf32>
        %get3A_251 = arith.index_cast %add3A_192 : i32 to index
        %get3A_252 = arith.constant 96 : index
        %get3A_253 = tpu.vector_load %arg8[%get3A_251, %get3A_252] {strides = array<i32>} : memref<400x128xf32, #tpu.memory_space<vmem>>, vector<1x16xf32>,
        %get3A_254 = vector.shape_cast %get3A_253 : vector<1x16xf32> to vector<16xf32>
        %get3A_255 = arith.index_cast %add3A_192 : i32 to index
        %get3A_256 = arith.constant 96 : index
        %get3A_257 = tpu.vector_load %arg9[%get3A_255, %get3A_256] {strides = array<i32>} : memref<400x128xf32, #tpu.memory_space<vmem>>, vector<1x16xf32>,
        %get3A_258 = vector.shape_cast %get3A_257 : vector<1x16xf32> to vector<16xf32>
        %mul3A_259 = arith.mulf %get3A_254, %get3A_258 : vector<16xf32>
        %add3A_260 = arith.addf %add3A_250, %mul3A_259 : vector<16xf32>
        %get3A_261 = arith.index_cast %add3A_192 : i32 to index
        %get3A_262 = arith.constant 112 : index
        %get3A_263 = tpu.vector_load %arg8[%get3A_261, %get3A_262] {strides = array<i32>} : memref<400x128xf32, #tpu.memory_space<vmem>>, vector<1x16xf32>,
        %get3A_264 = vector.shape_cast %get3A_263 : vector<1x16xf32> to vector<16xf32>
        %get3A_265 = arith.index_cast %add3A_192 : i32 to index
        %get3A_266 = arith.constant 112 : index
        %get3A_267 = tpu.vector_load %arg9[%get3A_265, %get3A_266] {strides = array<i32>} : memref<400x128xf32, #tpu.memory_space<vmem>>, vector<1x16xf32>,
        %get3A_268 = vector.shape_cast %get3A_267 : vector<1x16xf32> to vector<16xf32>
        %mul3A_269 = arith.mulf %get3A_264, %get3A_268 : vector<16xf32>
        %add3A_270 = arith.addf %add3A_260, %mul3A_269 : vector<16xf32>
        %broadcast_in_dim3A_271 = vector.shape_cast %xor3A_4 : vector<16xi32> to vector<16x1xi32>
        %gather3A = vector.shape_cast %broadcast_in_dim3A_271 : vector<16x1xi32> to vector<16xi32>
        %gather3A_272 = tpu.dynamic_gather %add3A_270[%gather3A] in [0] : vector<16xf32>, vector<16xi32> -> vector<16xf32>
        %add3A_273 = arith.addf %add3A_270, %gather3A_272 : vector<16xf32>
        %broadcast_in_dim3A_274 = vector.shape_cast %xor3A_7 : vector<16xi32> to vector<16x1xi32>
        %gather3A_275 = vector.shape_cast %broadcast_in_dim3A_274 : vector<16x1xi32> to vector<16xi32>
        %gather3A_276 = tpu.dynamic_gather %add3A_273[%gather3A_275] in [0] : vector<16xf32>, vector<16xi32> -> vector<16xf32>
        %add3A_277 = arith.addf %add3A_273, %gather3A_276 : vector<16xf32>
        %broadcast_in_dim3A_278 = vector.shape_cast %xor3A_10 : vector<16xi32> to vector<16x1xi32>
        %gather3A_279 = vector.shape_cast %broadcast_in_dim3A_278 : vector<16x1xi32> to vector<16xi32>
        %gather3A_280 = tpu.dynamic_gather %add3A_277[%gather3A_279] in [0] : vector<16xf32>, vector<16xi32> -> vector<16xf32>
        %add3A_281 = arith.addf %add3A_277, %gather3A_280 : vector<16xf32>
        %broadcast_in_dim3A_282 = vector.shape_cast %xor3A_13 : vector<16xi32> to vector<16x1xi32>
        %gather3A_283 = vector.shape_cast %broadcast_in_dim3A_282 : vector<16x1xi32> to vector<16xi32>
        %gather3A_284 = tpu.dynamic_gather %add3A_281[%gather3A_283] in [0] : vector<16xf32>, vector<16xi32> -> vector<16xf32>
        %add3A_285 = arith.addf %add3A_281, %gather3A_284 : vector<16xf32>
        %mul3A_286 = arith.constant 16 : i32
        %mul3A_287 = arith.muli %scan3A_171, %mul3A_286 : i32
        %mul3A_288 = arith.constant 4 : i32
        %mul3A_289 = arith.muli %scan3A_184, %mul3A_288 : i32
        %add3A_290 = arith.addi %mul3A_287, %mul3A_289 : i32
        %add3A_291 = arith.constant 1 : i32
        %add3A_292 = arith.addi %add3A_290, %add3A_291 : i32
        %get3A_293 = arith.index_cast %add3A_292 : i32 to index
        %get3A_294 = arith.constant 0 : index
        %get3A_295 = tpu.vector_load %arg8[%get3A_293, %get3A_294] {strides = array<i32>} : memref<400x128xf32, #tpu.memory_space<vmem>>, vector<1x16xf32>,
        %get3A_296 = vector.shape_cast %get3A_295 : vector<1x16xf32> to vector<16xf32>
        %get3A_297 = arith.index_cast %add3A_292 : i32 to index
        %get3A_298 = arith.constant 0 : index
        %get3A_299 = tpu.vector_load %arg9[%get3A_297, %get3A_298] {strides = array<i32>} : memref<400x128xf32, #tpu.memory_space<vmem>>, vector<1x16xf32>,
        %get3A_300 = vector.shape_cast %get3A_299 : vector<1x16xf32> to vector<16xf32>
        %mul3A_301 = arith.mulf %get3A_296, %get3A_300 : vector<16xf32>
        %get3A_302 = arith.index_cast %add3A_292 : i32 to index
        %get3A_303 = arith.constant 16 : index
        %get3A_304 = tpu.vector_load %arg8[%get3A_302, %get3A_303] {strides = array<i32>} : memref<400x128xf32, #tpu.memory_space<vmem>>, vector<1x16xf32>,
        %get3A_305 = vector.shape_cast %get3A_304 : vector<1x16xf32> to vector<16xf32>
        %get3A_306 = arith.index_cast %add3A_292 : i32 to index
        %get3A_307 = arith.constant 16 : index
        %get3A_308 = tpu.vector_load %arg9[%get3A_306, %get3A_307] {strides = array<i32>} : memref<400x128xf32, #tpu.memory_space<vmem>>, vector<1x16xf32>,
        %get3A_309 = vector.shape_cast %get3A_308 : vector<1x16xf32> to vector<16xf32>
        %mul3A_310 = arith.mulf %get3A_305, %get3A_309 : vector<16xf32>
        %add3A_311 = arith.addf %mul3A_301, %mul3A_310 : vector<16xf32>
        %get3A_312 = arith.index_cast %add3A_292 : i32 to index
        %get3A_313 = arith.constant 32 : index
        %get3A_314 = tpu.vector_load %arg8[%get3A_312, %get3A_313] {strides = array<i32>} : memref<400x128xf32, #tpu.memory_space<vmem>>, vector<1x16xf32>,
        %get3A_315 = vector.shape_cast %get3A_314 : vector<1x16xf32> to vector<16xf32>
        %get3A_316 = arith.index_cast %add3A_292 : i32 to index
        %get3A_317 = arith.constant 32 : index
        %get3A_318 = tpu.vector_load %arg9[%get3A_316, %get3A_317] {strides = array<i32>} : memref<400x128xf32, #tpu.memory_space<vmem>>, vector<1x16xf32>,
        %get3A_319 = vector.shape_cast %get3A_318 : vector<1x16xf32> to vector<16xf32>
        %mul3A_320 = arith.mulf %get3A_315, %get3A_319 : vector<16xf32>
        %add3A_321 = arith.addf %add3A_311, %mul3A_320 : vector<16xf32>
        %get3A_322 = arith.index_cast %add3A_292 : i32 to index
        %get3A_323 = arith.constant 48 : index
        %get3A_324 = tpu.vector_load %arg8[%get3A_322, %get3A_323] {strides = array<i32>} : memref<400x128xf32, #tpu.memory_space<vmem>>, vector<1x16xf32>,
        %get3A_325 = vector.shape_cast %get3A_324 : vector<1x16xf32> to vector<16xf32>
        %get3A_326 = arith.index_cast %add3A_292 : i32 to index
        %get3A_327 = arith.constant 48 : index
        %get3A_328 = tpu.vector_load %arg9[%get3A_326, %get3A_327] {strides = array<i32>} : memref<400x128xf32, #tpu.memory_space<vmem>>, vector<1x16xf32>,
        %get3A_329 = vector.shape_cast %get3A_328 : vector<1x16xf32> to vector<16xf32>
        %mul3A_330 = arith.mulf %get3A_325, %get3A_329 : vector<16xf32>
        %add3A_331 = arith.addf %add3A_321, %mul3A_330 : vector<16xf32>
        %get3A_332 = arith.index_cast %add3A_292 : i32 to index
        %get3A_333 = arith.constant 64 : index
        %get3A_334 = tpu.vector_load %arg8[%get3A_332, %get3A_333] {strides = array<i32>} : memref<400x128xf32, #tpu.memory_space<vmem>>, vector<1x16xf32>,
        %get3A_335 = vector.shape_cast %get3A_334 : vector<1x16xf32> to vector<16xf32>
        %get3A_336 = arith.index_cast %add3A_292 : i32 to index
        %get3A_337 = arith.constant 64 : index
        %get3A_338 = tpu.vector_load %arg9[%get3A_336, %get3A_337] {strides = array<i32>} : memref<400x128xf32, #tpu.memory_space<vmem>>, vector<1x16xf32>,
        %get3A_339 = vector.shape_cast %get3A_338 : vector<1x16xf32> to vector<16xf32>
        %mul3A_340 = arith.mulf %get3A_335, %get3A_339 : vector<16xf32>
        %add3A_341 = arith.addf %add3A_331, %mul3A_340 : vector<16xf32>
        %get3A_342 = arith.index_cast %add3A_292 : i32 to index
        %get3A_343 = arith.constant 80 : index
        %get3A_344 = tpu.vector_load %arg8[%get3A_342, %get3A_343] {strides = array<i32>} : memref<400x128xf32, #tpu.memory_space<vmem>>, vector<1x16xf32>,
        %get3A_345 = vector.shape_cast %get3A_344 : vector<1x16xf32> to vector<16xf32>
        %get3A_346 = arith.index_cast %add3A_292 : i32 to index
        %get3A_347 = arith.constant 80 : index
        %get3A_348 = tpu.vector_load %arg9[%get3A_346, %get3A_347] {strides = array<i32>} : memref<400x128xf32, #tpu.memory_space<vmem>>, vector<1x16xf32>,
        %get3A_349 = vector.shape_cast %get3A_348 : vector<1x16xf32> to vector<16xf32>
        %mul3A_350 = arith.mulf %get3A_345, %get3A_349 : vector<16xf32>
        %add3A_351 = arith.addf %add3A_341, %mul3A_350 : vector<16xf32>
        %get3A_352 = arith.index_cast %add3A_292 : i32 to index
        %get3A_353 = arith.constant 96 : index
        %get3A_354 = tpu.vector_load %arg8[%get3A_352, %get3A_353] {strides = array<i32>} : memref<400x128xf32, #tpu.memory_space<vmem>>, vector<1x16xf32>,
        %get3A_355 = vector.shape_cast %get3A_354 : vector<1x16xf32> to vector<16xf32>
        %get3A_356 = arith.index_cast %add3A_292 : i32 to index
        %get3A_357 = arith.constant 96 : index
        %get3A_358 = tpu.vector_load %arg9[%get3A_356, %get3A_357] {strides = array<i32>} : memref<400x128xf32, #tpu.memory_space<vmem>>, vector<1x16xf32>,
        %get3A_359 = vector.shape_cast %get3A_358 : vector<1x16xf32> to vector<16xf32>
        %mul3A_360 = arith.mulf %get3A_355, %get3A_359 : vector<16xf32>
        %add3A_361 = arith.addf %add3A_351, %mul3A_360 : vector<16xf32>
        %get3A_362 = arith.index_cast %add3A_292 : i32 to index
        %get3A_363 = arith.constant 112 : index
        %get3A_364 = tpu.vector_load %arg8[%get3A_362, %get3A_363] {strides = array<i32>} : memref<400x128xf32, #tpu.memory_space<vmem>>, vector<1x16xf32>,
        %get3A_365 = vector.shape_cast %get3A_364 : vector<1x16xf32> to vector<16xf32>
        %get3A_366 = arith.index_cast %add3A_292 : i32 to index
        %get3A_367 = arith.constant 112 : index
        %get3A_368 = tpu.vector_load %arg9[%get3A_366, %get3A_367] {strides = array<i32>} : memref<400x128xf32, #tpu.memory_space<vmem>>, vector<1x16xf32>,
        %get3A_369 = vector.shape_cast %get3A_368 : vector<1x16xf32> to vector<16xf32>
        %mul3A_370 = arith.mulf %get3A_365, %get3A_369 : vector<16xf32>
        %add3A_371 = arith.addf %add3A_361, %mul3A_370 : vector<16xf32>
        %broadcast_in_dim3A_372 = vector.shape_cast %xor3A_4 : vector<16xi32> to vector<16x1xi32>
        %gather3A_373 = vector.shape_cast %broadcast_in_dim3A_372 : vector<16x1xi32> to vector<16xi32>
        %gather3A_374 = tpu.dynamic_gather %add3A_371[%gather3A_373] in [0] : vector<16xf32>, vector<16xi32> -> vector<16xf32>
        %add3A_375 = arith.addf %add3A_371, %gather3A_374 : vector<16xf32>
        %broadcast_in_dim3A_376 = vector.shape_cast %xor3A_7 : vector<16xi32> to vector<16x1xi32>
        %gather3A_377 = vector.shape_cast %broadcast_in_dim3A_376 : vector<16x1xi32> to vector<16xi32>
        %gather3A_378 = tpu.dynamic_gather %add3A_375[%gather3A_377] in [0] : vector<16xf32>, vector<16xi32> -> vector<16xf32>
        %add3A_379 = arith.addf %add3A_375, %gather3A_378 : vector<16xf32>
        %broadcast_in_dim3A_380 = vector.shape_cast %xor3A_10 : vector<16xi32> to vector<16x1xi32>
        %gather3A_381 = vector.shape_cast %broadcast_in_dim3A_380 : vector<16x1xi32> to vector<16xi32>
        %gather3A_382 = tpu.dynamic_gather %add3A_379[%gather3A_381] in [0] : vector<16xf32>, vector<16xi32> -> vector<16xf32>
        %add3A_383 = arith.addf %add3A_379, %gather3A_382 : vector<16xf32>
        %broadcast_in_dim3A_384 = vector.shape_cast %xor3A_13 : vector<16xi32> to vector<16x1xi32>
        %gather3A_385 = vector.shape_cast %broadcast_in_dim3A_384 : vector<16x1xi32> to vector<16xi32>
        %gather3A_386 = tpu.dynamic_gather %add3A_383[%gather3A_385] in [0] : vector<16xf32>, vector<16xi32> -> vector<16xf32>
        %add3A_387 = arith.addf %add3A_383, %gather3A_386 : vector<16xf32>
        %mul3A_388 = arith.constant 16 : i32
        %mul3A_389 = arith.muli %scan3A_171, %mul3A_388 : i32
        %mul3A_390 = arith.constant 4 : i32
        %mul3A_391 = arith.muli %scan3A_184, %mul3A_390 : i32
        %add3A_392 = arith.addi %mul3A_389, %mul3A_391 : i32
        %add3A_393 = arith.constant 2 : i32
        %add3A_394 = arith.addi %add3A_392, %add3A_393 : i32
        %get3A_395 = arith.index_cast %add3A_394 : i32 to index
        %get3A_396 = arith.constant 0 : index
        %get3A_397 = tpu.vector_load %arg8[%get3A_395, %get3A_396] {strides = array<i32>} : memref<400x128xf32, #tpu.memory_space<vmem>>, vector<1x16xf32>,
        %get3A_398 = vector.shape_cast %get3A_397 : vector<1x16xf32> to vector<16xf32>
        %get3A_399 = arith.index_cast %add3A_394 : i32 to index
        %get3A_400 = arith.constant 0 : index
        %get3A_401 = tpu.vector_load %arg9[%get3A_399, %get3A_400] {strides = array<i32>} : memref<400x128xf32, #tpu.memory_space<vmem>>, vector<1x16xf32>,
        %get3A_402 = vector.shape_cast %get3A_401 : vector<1x16xf32> to vector<16xf32>
        %mul3A_403 = arith.mulf %get3A_398, %get3A_402 : vector<16xf32>
        %get3A_404 = arith.index_cast %add3A_394 : i32 to index
        %get3A_405 = arith.constant 16 : index
        %get3A_406 = tpu.vector_load %arg8[%get3A_404, %get3A_405] {strides = array<i32>} : memref<400x128xf32, #tpu.memory_space<vmem>>, vector<1x16xf32>,
        %get3A_407 = vector.shape_cast %get3A_406 : vector<1x16xf32> to vector<16xf32>
        %get3A_408 = arith.index_cast %add3A_394 : i32 to index
        %get3A_409 = arith.constant 16 : index
        %get3A_410 = tpu.vector_load %arg9[%get3A_408, %get3A_409] {strides = array<i32>} : memref<400x128xf32, #tpu.memory_space<vmem>>, vector<1x16xf32>,
        %get3A_411 = vector.shape_cast %get3A_410 : vector<1x16xf32> to vector<16xf32>
        %mul3A_412 = arith.mulf %get3A_407, %get3A_411 : vector<16xf32>
        %add3A_413 = arith.addf %mul3A_403, %mul3A_412 : vector<16xf32>
        %get3A_414 = arith.index_cast %add3A_394 : i32 to index
        %get3A_415 = arith.constant 32 : index
        %get3A_416 = tpu.vector_load %arg8[%get3A_414, %get3A_415] {strides = array<i32>} : memref<400x128xf32, #tpu.memory_space<vmem>>, vector<1x16xf32>,
        %get3A_417 = vector.shape_cast %get3A_416 : vector<1x16xf32> to vector<16xf32>
        %get3A_418 = arith.index_cast %add3A_394 : i32 to index
        %get3A_419 = arith.constant 32 : index
        %get3A_420 = tpu.vector_load %arg9[%get3A_418, %get3A_419] {strides = array<i32>} : memref<400x128xf32, #tpu.memory_space<vmem>>, vector<1x16xf32>,
        %get3A_421 = vector.shape_cast %get3A_420 : vector<1x16xf32> to vector<16xf32>
        %mul3A_422 = arith.mulf %get3A_417, %get3A_421 : vector<16xf32>
        %add3A_423 = arith.addf %add3A_413, %mul3A_422 : vector<16xf32>
        %get3A_424 = arith.index_cast %add3A_394 : i32 to index
        %get3A_425 = arith.constant 48 : index
        %get3A_426 = tpu.vector_load %arg8[%get3A_424, %get3A_425] {strides = array<i32>} : memref<400x128xf32, #tpu.memory_space<vmem>>, vector<1x16xf32>,
        %get3A_427 = vector.shape_cast %get3A_426 : vector<1x16xf32> to vector<16xf32>
        %get3A_428 = arith.index_cast %add3A_394 : i32 to index
        %get3A_429 = arith.constant 48 : index
        %get3A_430 = tpu.vector_load %arg9[%get3A_428, %get3A_429] {strides = array<i32>} : memref<400x128xf32, #tpu.memory_space<vmem>>, vector<1x16xf32>,
        %get3A_431 = vector.shape_cast %get3A_430 : vector<1x16xf32> to vector<16xf32>
        %mul3A_432 = arith.mulf %get3A_427, %get3A_431 : vector<16xf32>
        %add3A_433 = arith.addf %add3A_423, %mul3A_432 : vector<16xf32>
        %get3A_434 = arith.index_cast %add3A_394 : i32 to index
        %get3A_435 = arith.constant 64 : index
        %get3A_436 = tpu.vector_load %arg8[%get3A_434, %get3A_435] {strides = array<i32>} : memref<400x128xf32, #tpu.memory_space<vmem>>, vector<1x16xf32>,
        %get3A_437 = vector.shape_cast %get3A_436 : vector<1x16xf32> to vector<16xf32>
        %get3A_438 = arith.index_cast %add3A_394 : i32 to index
        %get3A_439 = arith.constant 64 : index
        %get3A_440 = tpu.vector_load %arg9[%get3A_438, %get3A_439] {strides = array<i32>} : memref<400x128xf32, #tpu.memory_space<vmem>>, vector<1x16xf32>,
        %get3A_441 = vector.shape_cast %get3A_440 : vector<1x16xf32> to vector<16xf32>
        %mul3A_442 = arith.mulf %get3A_437, %get3A_441 : vector<16xf32>
        %add3A_443 = arith.addf %add3A_433, %mul3A_442 : vector<16xf32>
        %get3A_444 = arith.index_cast %add3A_394 : i32 to index
        %get3A_445 = arith.constant 80 : index
        %get3A_446 = tpu.vector_load %arg8[%get3A_444, %get3A_445] {strides = array<i32>} : memref<400x128xf32, #tpu.memory_space<vmem>>, vector<1x16xf32>,
        %get3A_447 = vector.shape_cast %get3A_446 : vector<1x16xf32> to vector<16xf32>
        %get3A_448 = arith.index_cast %add3A_394 : i32 to index
        %get3A_449 = arith.constant 80 : index
        %get3A_450 = tpu.vector_load %arg9[%get3A_448, %get3A_449] {strides = array<i32>} : memref<400x128xf32, #tpu.memory_space<vmem>>, vector<1x16xf32>,
        %get3A_451 = vector.shape_cast %get3A_450 : vector<1x16xf32> to vector<16xf32>
        %mul3A_452 = arith.mulf %get3A_447, %get3A_451 : vector<16xf32>
        %add3A_453 = arith.addf %add3A_443, %mul3A_452 : vector<16xf32>
        %get3A_454 = arith.index_cast %add3A_394 : i32 to index
        %get3A_455 = arith.constant 96 : index
        %get3A_456 = tpu.vector_load %arg8[%get3A_454, %get3A_455] {strides = array<i32>} : memref<400x128xf32, #tpu.memory_space<vmem>>, vector<1x16xf32>,
        %get3A_457 = vector.shape_cast %get3A_456 : vector<1x16xf32> to vector<16xf32>
        %get3A_458 = arith.index_cast %add3A_394 : i32 to index
        %get3A_459 = arith.constant 96 : index
        %get3A_460 = tpu.vector_load %arg9[%get3A_458, %get3A_459] {strides = array<i32>} : memref<400x128xf32, #tpu.memory_space<vmem>>, vector<1x16xf32>,
        %get3A_461 = vector.shape_cast %get3A_460 : vector<1x16xf32> to vector<16xf32>
        %mul3A_462 = arith.mulf %get3A_457, %get3A_461 : vector<16xf32>
        %add3A_463 = arith.addf %add3A_453, %mul3A_462 : vector<16xf32>
        %get3A_464 = arith.index_cast %add3A_394 : i32 to index
        %get3A_465 = arith.constant 112 : index
        %get3A_466 = tpu.vector_load %arg8[%get3A_464, %get3A_465] {strides = array<i32>} : memref<400x128xf32, #tpu.memory_space<vmem>>, vector<1x16xf32>,
        %get3A_467 = vector.shape_cast %get3A_466 : vector<1x16xf32> to vector<16xf32>
        %get3A_468 = arith.index_cast %add3A_394 : i32 to index
        %get3A_469 = arith.constant 112 : index
        %get3A_470 = tpu.vector_load %arg9[%get3A_468, %get3A_469] {strides = array<i32>} : memref<400x128xf32, #tpu.memory_space<vmem>>, vector<1x16xf32>,
        %get3A_471 = vector.shape_cast %get3A_470 : vector<1x16xf32> to vector<16xf32>
        %mul3A_472 = arith.mulf %get3A_467, %get3A_471 : vector<16xf32>
        %add3A_473 = arith.addf %add3A_463, %mul3A_472 : vector<16xf32>
        %broadcast_in_dim3A_474 = vector.shape_cast %xor3A_4 : vector<16xi32> to vector<16x1xi32>
        %gather3A_475 = vector.shape_cast %broadcast_in_dim3A_474 : vector<16x1xi32> to vector<16xi32>
        %gather3A_476 = tpu.dynamic_gather %add3A_473[%gather3A_475] in [0] : vector<16xf32>, vector<16xi32> -> vector<16xf32>
        %add3A_477 = arith.addf %add3A_473, %gather3A_476 : vector<16xf32>
        %broadcast_in_dim3A_478 = vector.shape_cast %xor3A_7 : vector<16xi32> to vector<16x1xi32>
        %gather3A_479 = vector.shape_cast %broadcast_in_dim3A_478 : vector<16x1xi32> to vector<16xi32>
        %gather3A_480 = tpu.dynamic_gather %add3A_477[%gather3A_479] in [0] : vector<16xf32>, vector<16xi32> -> vector<16xf32>
        %add3A_481 = arith.addf %add3A_477, %gather3A_480 : vector<16xf32>
        %broadcast_in_dim3A_482 = vector.shape_cast %xor3A_10 : vector<16xi32> to vector<16x1xi32>
        %gather3A_483 = vector.shape_cast %broadcast_in_dim3A_482 : vector<16x1xi32> to vector<16xi32>
        %gather3A_484 = tpu.dynamic_gather %add3A_481[%gather3A_483] in [0] : vector<16xf32>, vector<16xi32> -> vector<16xf32>
        %add3A_485 = arith.addf %add3A_481, %gather3A_484 : vector<16xf32>
        %broadcast_in_dim3A_486 = vector.shape_cast %xor3A_13 : vector<16xi32> to vector<16x1xi32>
        %gather3A_487 = vector.shape_cast %broadcast_in_dim3A_486 : vector<16x1xi32> to vector<16xi32>
        %gather3A_488 = tpu.dynamic_gather %add3A_485[%gather3A_487] in [0] : vector<16xf32>, vector<16xi32> -> vector<16xf32>
        %add3A_489 = arith.addf %add3A_485, %gather3A_488 : vector<16xf32>
        %mul3A_490 = arith.constant 16 : i32
        %mul3A_491 = arith.muli %scan3A_171, %mul3A_490 : i32
        %mul3A_492 = arith.constant 4 : i32
        %mul3A_493 = arith.muli %scan3A_184, %mul3A_492 : i32
        %add3A_494 = arith.addi %mul3A_491, %mul3A_493 : i32
        %add3A_495 = arith.constant 3 : i32
        %add3A_496 = arith.addi %add3A_494, %add3A_495 : i32
        %get3A_497 = arith.index_cast %add3A_496 : i32 to index
        %get3A_498 = arith.constant 0 : index
        %get3A_499 = tpu.vector_load %arg8[%get3A_497, %get3A_498] {strides = array<i32>} : memref<400x128xf32, #tpu.memory_space<vmem>>, vector<1x16xf32>,
        %get3A_500 = vector.shape_cast %get3A_499 : vector<1x16xf32> to vector<16xf32>
        %get3A_501 = arith.index_cast %add3A_496 : i32 to index
        %get3A_502 = arith.constant 0 : index
        %get3A_503 = tpu.vector_load %arg9[%get3A_501, %get3A_502] {strides = array<i32>} : memref<400x128xf32, #tpu.memory_space<vmem>>, vector<1x16xf32>,
        %get3A_504 = vector.shape_cast %get3A_503 : vector<1x16xf32> to vector<16xf32>
        %mul3A_505 = arith.mulf %get3A_500, %get3A_504 : vector<16xf32>
        %get3A_506 = arith.index_cast %add3A_496 : i32 to index
        %get3A_507 = arith.constant 16 : index
        %get3A_508 = tpu.vector_load %arg8[%get3A_506, %get3A_507] {strides = array<i32>} : memref<400x128xf32, #tpu.memory_space<vmem>>, vector<1x16xf32>,
        %get3A_509 = vector.shape_cast %get3A_508 : vector<1x16xf32> to vector<16xf32>
        %get3A_510 = arith.index_cast %add3A_496 : i32 to index
        %get3A_511 = arith.constant 16 : index
        %get3A_512 = tpu.vector_load %arg9[%get3A_510, %get3A_511] {strides = array<i32>} : memref<400x128xf32, #tpu.memory_space<vmem>>, vector<1x16xf32>,
        %get3A_513 = vector.shape_cast %get3A_512 : vector<1x16xf32> to vector<16xf32>
        %mul3A_514 = arith.mulf %get3A_509, %get3A_513 : vector<16xf32>
        %add3A_515 = arith.addf %mul3A_505, %mul3A_514 : vector<16xf32>
        %get3A_516 = arith.index_cast %add3A_496 : i32 to index
        %get3A_517 = arith.constant 32 : index
        %get3A_518 = tpu.vector_load %arg8[%get3A_516, %get3A_517] {strides = array<i32>} : memref<400x128xf32, #tpu.memory_space<vmem>>, vector<1x16xf32>,
        %get3A_519 = vector.shape_cast %get3A_518 : vector<1x16xf32> to vector<16xf32>
        %get3A_520 = arith.index_cast %add3A_496 : i32 to index
        %get3A_521 = arith.constant 32 : index
        %get3A_522 = tpu.vector_load %arg9[%get3A_520, %get3A_521] {strides = array<i32>} : memref<400x128xf32, #tpu.memory_space<vmem>>, vector<1x16xf32>,
        %get3A_523 = vector.shape_cast %get3A_522 : vector<1x16xf32> to vector<16xf32>
        %mul3A_524 = arith.mulf %get3A_519, %get3A_523 : vector<16xf32>
        %add3A_525 = arith.addf %add3A_515, %mul3A_524 : vector<16xf32>
        %get3A_526 = arith.index_cast %add3A_496 : i32 to index
        %get3A_527 = arith.constant 48 : index
        %get3A_528 = tpu.vector_load %arg8[%get3A_526, %get3A_527] {strides = array<i32>} : memref<400x128xf32, #tpu.memory_space<vmem>>, vector<1x16xf32>,
        %get3A_529 = vector.shape_cast %get3A_528 : vector<1x16xf32> to vector<16xf32>
        %get3A_530 = arith.index_cast %add3A_496 : i32 to index
        %get3A_531 = arith.constant 48 : index
        %get3A_532 = tpu.vector_load %arg9[%get3A_530, %get3A_531] {strides = array<i32>} : memref<400x128xf32, #tpu.memory_space<vmem>>, vector<1x16xf32>,
        %get3A_533 = vector.shape_cast %get3A_532 : vector<1x16xf32> to vector<16xf32>
        %mul3A_534 = arith.mulf %get3A_529, %get3A_533 : vector<16xf32>
        %add3A_535 = arith.addf %add3A_525, %mul3A_534 : vector<16xf32>
        %get3A_536 = arith.index_cast %add3A_496 : i32 to index
        %get3A_537 = arith.constant 64 : index
        %get3A_538 = tpu.vector_load %arg8[%get3A_536, %get3A_537] {strides = array<i32>} : memref<400x128xf32, #tpu.memory_space<vmem>>, vector<1x16xf32>,
        %get3A_539 = vector.shape_cast %get3A_538 : vector<1x16xf32> to vector<16xf32>
        %get3A_540 = arith.index_cast %add3A_496 : i32 to index
        %get3A_541 = arith.constant 64 : index
        %get3A_542 = tpu.vector_load %arg9[%get3A_540, %get3A_541] {strides = array<i32>} : memref<400x128xf32, #tpu.memory_space<vmem>>, vector<1x16xf32>,
        %get3A_543 = vector.shape_cast %get3A_542 : vector<1x16xf32> to vector<16xf32>
        %mul3A_544 = arith.mulf %get3A_539, %get3A_543 : vector<16xf32>
        %add3A_545 = arith.addf %add3A_535, %mul3A_544 : vector<16xf32>
        %get3A_546 = arith.index_cast %add3A_496 : i32 to index
        %get3A_547 = arith.constant 80 : index
        %get3A_548 = tpu.vector_load %arg8[%get3A_546, %get3A_547] {strides = array<i32>} : memref<400x128xf32, #tpu.memory_space<vmem>>, vector<1x16xf32>,
        %get3A_549 = vector.shape_cast %get3A_548 : vector<1x16xf32> to vector<16xf32>
        %get3A_550 = arith.index_cast %add3A_496 : i32 to index
        %get3A_551 = arith.constant 80 : index
        %get3A_552 = tpu.vector_load %arg9[%get3A_550, %get3A_551] {strides = array<i32>} : memref<400x128xf32, #tpu.memory_space<vmem>>, vector<1x16xf32>,
        %get3A_553 = vector.shape_cast %get3A_552 : vector<1x16xf32> to vector<16xf32>
        %mul3A_554 = arith.mulf %get3A_549, %get3A_553 : vector<16xf32>
        %add3A_555 = arith.addf %add3A_545, %mul3A_554 : vector<16xf32>
        %get3A_556 = arith.index_cast %add3A_496 : i32 to index
        %get3A_557 = arith.constant 96 : index
        %get3A_558 = tpu.vector_load %arg8[%get3A_556, %get3A_557] {strides = array<i32>} : memref<400x128xf32, #tpu.memory_space<vmem>>, vector<1x16xf32>,
        %get3A_559 = vector.shape_cast %get3A_558 : vector<1x16xf32> to vector<16xf32>
        %get3A_560 = arith.index_cast %add3A_496 : i32 to index
        %get3A_561 = arith.constant 96 : index
        %get3A_562 = tpu.vector_load %arg9[%get3A_560, %get3A_561] {strides = array<i32>} : memref<400x128xf32, #tpu.memory_space<vmem>>, vector<1x16xf32>,
        %get3A_563 = vector.shape_cast %get3A_562 : vector<1x16xf32> to vector<16xf32>
        %mul3A_564 = arith.mulf %get3A_559, %get3A_563 : vector<16xf32>
        %add3A_565 = arith.addf %add3A_555, %mul3A_564 : vector<16xf32>
        %get3A_566 = arith.index_cast %add3A_496 : i32 to index
        %get3A_567 = arith.constant 112 : index
        %get3A_568 = tpu.vector_load %arg8[%get3A_566, %get3A_567] {strides = array<i32>} : memref<400x128xf32, #tpu.memory_space<vmem>>, vector<1x16xf32>,
        %get3A_569 = vector.shape_cast %get3A_568 : vector<1x16xf32> to vector<16xf32>
        %get3A_570 = arith.index_cast %add3A_496 : i32 to index
        %get3A_571 = arith.constant 112 : index
        %get3A_572 = tpu.vector_load %arg9[%get3A_570, %get3A_571] {strides = array<i32>} : memref<400x128xf32, #tpu.memory_space<vmem>>, vector<1x16xf32>,
        %get3A_573 = vector.shape_cast %get3A_572 : vector<1x16xf32> to vector<16xf32>
        %mul3A_574 = arith.mulf %get3A_569, %get3A_573 : vector<16xf32>
        %add3A_575 = arith.addf %add3A_565, %mul3A_574 : vector<16xf32>
        %broadcast_in_dim3A_576 = vector.shape_cast %xor3A_4 : vector<16xi32> to vector<16x1xi32>
        %gather3A_577 = vector.shape_cast %broadcast_in_dim3A_576 : vector<16x1xi32> to vector<16xi32>
        %gather3A_578 = tpu.dynamic_gather %add3A_575[%gather3A_577] in [0] : vector<16xf32>, vector<16xi32> -> vector<16xf32>
        %add3A_579 = arith.addf %add3A_575, %gather3A_578 : vector<16xf32>
        %broadcast_in_dim3A_580 = vector.shape_cast %xor3A_7 : vector<16xi32> to vector<16x1xi32>
        %gather3A_581 = vector.shape_cast %broadcast_in_dim3A_580 : vector<16x1xi32> to vector<16xi32>
        %gather3A_582 = tpu.dynamic_gather %add3A_579[%gather3A_581] in [0] : vector<16xf32>, vector<16xi32> -> vector<16xf32>
        %add3A_583 = arith.addf %add3A_579, %gather3A_582 : vector<16xf32>
        %broadcast_in_dim3A_584 = vector.shape_cast %xor3A_10 : vector<16xi32> to vector<16x1xi32>
        %gather3A_585 = vector.shape_cast %broadcast_in_dim3A_584 : vector<16x1xi32> to vector<16xi32>
        %gather3A_586 = tpu.dynamic_gather %add3A_583[%gather3A_585] in [0] : vector<16xf32>, vector<16xi32> -> vector<16xf32>
        %add3A_587 = arith.addf %add3A_583, %gather3A_586 : vector<16xf32>
        %broadcast_in_dim3A_588 = vector.shape_cast %xor3A_13 : vector<16xi32> to vector<16x1xi32>
        %gather3A_589 = vector.shape_cast %broadcast_in_dim3A_588 : vector<16x1xi32> to vector<16xi32>
        %gather3A_590 = tpu.dynamic_gather %add3A_587[%gather3A_589] in [0] : vector<16xf32>, vector<16xi32> -> vector<16xf32>
        %add3A_591 = arith.addf %add3A_587, %gather3A_590 : vector<16xf32>
        %mul3A_592 = arith.constant 4 : i32
        %mul3A_593 = arith.muli %scan3A_184, %mul3A_592 : i32
        %add3A_594 = arith.constant 0 : i32
        %add3A_595 = arith.addi %mul3A_593, %add3A_594 : i32
        %eq3A = vector.broadcast %add3A_595 : i32 to vector<16xi32>
        %eq3A_596 = arith.cmpi eq, %iota3A, %eq3A : vector<16xi32>
        %select_n3A = arith.select %eq3A_596, %add3A_285, %scan3A_185 : vector<16xi1>, vector<16xf32>
        %mul3A_597 = arith.constant 4 : i32
        %mul3A_598 = arith.muli %scan3A_184, %mul3A_597 : i32
        %add3A_599 = arith.constant 1 : i32
        %add3A_600 = arith.addi %mul3A_598, %add3A_599 : i32
        %eq3A_601 = vector.broadcast %add3A_600 : i32 to vector<16xi32>
        %eq3A_602 = arith.cmpi eq, %iota3A, %eq3A_601 : vector<16xi32>
        %select_n3A_603 = arith.select %eq3A_602, %add3A_387, %select_n3A : vector<16xi1>, vector<16xf32>
        %mul3A_604 = arith.constant 4 : i32
        %mul3A_605 = arith.muli %scan3A_184, %mul3A_604 : i32
        %add3A_606 = arith.constant 2 : i32
        %add3A_607 = arith.addi %mul3A_605, %add3A_606 : i32
        %eq3A_608 = vector.broadcast %add3A_607 : i32 to vector<16xi32>
        %eq3A_609 = arith.cmpi eq, %iota3A, %eq3A_608 : vector<16xi32>
        %select_n3A_610 = arith.select %eq3A_609, %add3A_489, %select_n3A_603 : vector<16xi1>, vector<16xf32>
        %mul3A_611 = arith.constant 4 : i32
        %mul3A_612 = arith.muli %scan3A_184, %mul3A_611 : i32
        %add3A_613 = arith.constant 3 : i32
        %add3A_614 = arith.addi %mul3A_612, %add3A_613 : i32
        %eq3A_615 = vector.broadcast %add3A_614 : i32 to vector<16xi32>
        %eq3A_616 = arith.cmpi eq, %iota3A, %eq3A_615 : vector<16xi32>
        %select_n3A_617 = arith.select %eq3A_616, %add3A_591, %select_n3A_610 : vector<16xi1>, vector<16xf32>
        scf.yield %select_n3A_617 : vector<16xf32>
      }
      %scan3A_178 = arith.constant 4 : i32
      %mul3A_179 = arith.constant 16 : i32
      %mul3A_180 = arith.muli %scan3A_171, %mul3A_179 : i32
      %swap3A = arith.index_cast %mul3A_180 : i32 to index
      %swap3A_181 = tpu.vector_load %arg10[%swap3A] {strides = array<i32>} : memref<400xf32, #tpu.memory_space<vmem>>, vector<16xf32>,
      %swap3A_182 = vector.shape_cast %swap3A_181 : vector<16xf32> to vector<16xf32>
      %swap3A_183 = vector.shape_cast %scan3A_177 : vector<16xf32> to vector<16xf32>
      tpu.vector_store %arg10[%swap3A], %swap3A_183 {strides = array<i32>} : memref<400xf32, #tpu.memory_space<vmem>>, vector<16xf32>,
    }
    %scan3A_110 = arith.constant 25 : i32
    "tpu.region"() ({
      %run_scoped3A = tpu.sem_alloc : memref<!tpu.dma_semaphore, #tpu.memory_space<semaphore_mem>>
      %dma_start3A_171 = tpu.memref_slice %arg5[%add3A_92] : memref<102400xf32, #tpu.memory_space<hbm>> -> memref<400xf32, #tpu.memory_space<hbm>>
      %dma_start3A_172 = tpu.memref_slice %arg5[%add3A_92] : memref<102400xf32, #tpu.memory_space<hbm>> -> memref<400xf32, #tpu.memory_space<hbm>>
      tpu.enqueue_dma source(%arg10 : memref<400xf32, #tpu.memory_space<vmem>>) target(%dma_start3A_172 : memref<400xf32, #tpu.memory_space<hbm>>) target_semaphore(%run_scoped3A : memref<!tpu.dma_semaphore, #tpu.memory_space<semaphore_mem>>)
      %dma_wait3A_173 = tpu.memref_slice %arg5[%add3A_92] : memref<102400xf32, #tpu.memory_space<hbm>> -> memref<400xf32, #tpu.memory_space<hbm>>
      %dma_wait3A_174 = tpu.memref_slice %arg5[%add3A_92] : memref<102400xf32, #tpu.memory_space<hbm>> -> memref<400xf32, #tpu.memory_space<hbm>>
      tpu.wait_dma2 semaphore(%run_scoped3A : memref<!tpu.dma_semaphore, #tpu.memory_space<semaphore_mem>>) src(%arg10 : memref<400xf32, #tpu.memory_space<vmem>>) dst(%dma_wait3A_174 : memref<400xf32, #tpu.memory_space<hbm>>)
      tpu.yield
    }) : () -> ()
    %add3A_111 = arith.constant 2000 : i32
    %add3A_112 = arith.addi %mul3A_2, %add3A_111 : i32
    "tpu.region"() ({
      %run_scoped3A = tpu.sem_alloc : memref<!tpu.dma_semaphore, #tpu.memory_space<semaphore_mem>>
      %dma_start3A_171 = tpu.memref_slice %arg3[%add3A_112] : memref<102400xi32, #tpu.memory_space<hbm>> -> memref<400xi32, #tpu.memory_space<hbm>>
      %dma_start3A_172 = tpu.memref_slice %arg3[%add3A_112] : memref<102400xi32, #tpu.memory_space<hbm>> -> memref<400xi32, #tpu.memory_space<hbm>>
      tpu.enqueue_dma source(%dma_start3A_172 : memref<400xi32, #tpu.memory_space<hbm>>) target(%arg6 : memref<400xi32, #tpu.memory_space<vmem>>) target_semaphore(%run_scoped3A : memref<!tpu.dma_semaphore, #tpu.memory_space<semaphore_mem>>)
      %dma_wait3A_173 = tpu.memref_slice %arg3[%add3A_112] : memref<102400xi32, #tpu.memory_space<hbm>> -> memref<400xi32, #tpu.memory_space<hbm>>
      %dma_wait3A_174 = tpu.memref_slice %arg3[%add3A_112] : memref<102400xi32, #tpu.memory_space<hbm>> -> memref<400xi32, #tpu.memory_space<hbm>>
      tpu.wait_dma2 semaphore(%run_scoped3A : memref<!tpu.dma_semaphore, #tpu.memory_space<semaphore_mem>>) src(%dma_wait3A_174 : memref<400xi32, #tpu.memory_space<hbm>>) dst(%arg6 : memref<400xi32, #tpu.memory_space<vmem>>)
      tpu.yield
    }) : () -> ()
    "tpu.region"() ({
      %run_scoped3A = tpu.sem_alloc : memref<!tpu.dma_semaphore, #tpu.memory_space<semaphore_mem>>
      %dma_start3A_171 = tpu.memref_slice %arg4[%add3A_112] : memref<102400xi32, #tpu.memory_space<hbm>> -> memref<400xi32, #tpu.memory_space<hbm>>
      %dma_start3A_172 = tpu.memref_slice %arg4[%add3A_112] : memref<102400xi32, #tpu.memory_space<hbm>> -> memref<400xi32, #tpu.memory_space<hbm>>
      tpu.enqueue_dma source(%dma_start3A_172 : memref<400xi32, #tpu.memory_space<hbm>>) target(%arg7 : memref<400xi32, #tpu.memory_space<vmem>>) target_semaphore(%run_scoped3A : memref<!tpu.dma_semaphore, #tpu.memory_space<semaphore_mem>>)
      %dma_wait3A_173 = tpu.memref_slice %arg4[%add3A_112] : memref<102400xi32, #tpu.memory_space<hbm>> -> memref<400xi32, #tpu.memory_space<hbm>>
      %dma_wait3A_174 = tpu.memref_slice %arg4[%add3A_112] : memref<102400xi32, #tpu.memory_space<hbm>> -> memref<400xi32, #tpu.memory_space<hbm>>
      tpu.wait_dma2 semaphore(%run_scoped3A : memref<!tpu.dma_semaphore, #tpu.memory_space<semaphore_mem>>) src(%dma_wait3A_174 : memref<400xi32, #tpu.memory_space<hbm>>) dst(%arg7 : memref<400xi32, #tpu.memory_space<vmem>>)
      tpu.yield
    }) : () -> ()
    %dma_start3A_113 = arith.constant 0 : i32
    %dma_start3A_114 = arith.constant 0 : i32
    %dma_start3A_115 = tpu.memref_slice %arg2[%dma_start3A_113, %dma_start3A_114] : memref<10000x128xf32, #tpu.memory_space<hbm>> -> memref<10000x128xf32, #tpu.memory_space<hbm>>
    tpu.enqueue_indirect_dma source(%dma_start3A_115 : memref<10000x128xf32, #tpu.memory_space<hbm>>) target(%arg8 : memref<400x128xf32, #tpu.memory_space<vmem>>) offsets(%arg6 : memref<400xi32, #tpu.memory_space<vmem>>) semaphore(%arg11 : memref<!tpu.dma_semaphore, #tpu.memory_space<semaphore_mem>>)
    %dma_start3A_116 = arith.constant 0 : i32
    %dma_start3A_117 = arith.constant 0 : i32
    %dma_start3A_118 = tpu.memref_slice %arg2[%dma_start3A_116, %dma_start3A_117] : memref<10000x128xf32, #tpu.memory_space<hbm>> -> memref<10000x128xf32, #tpu.memory_space<hbm>>
    tpu.enqueue_indirect_dma source(%dma_start3A_118 : memref<10000x128xf32, #tpu.memory_space<hbm>>) target(%arg9 : memref<400x128xf32, #tpu.memory_space<vmem>>) offsets(%arg7 : memref<400xi32, #tpu.memory_space<vmem>>) semaphore(%arg12 : memref<!tpu.dma_semaphore, #tpu.memory_space<semaphore_mem>>)
    %dma_wait3A_119 = arith.constant 0 : i32
    %dma_wait3A_120 = arith.constant 0 : i32
    %dma_wait3A_121 = tpu.memref_slice %arg2[%dma_wait3A_119, %dma_wait3A_120] : memref<10000x128xf32, #tpu.memory_space<hbm>> -> memref<10000x128xf32, #tpu.memory_space<hbm>>
    tpu.wait_indirect_dma semaphore(%arg11 : memref<!tpu.dma_semaphore, #tpu.memory_space<semaphore_mem>>) src(%dma_wait3A_121 : memref<10000x128xf32, #tpu.memory_space<hbm>>) dst(%arg8 : memref<400x128xf32, #tpu.memory_space<vmem>>)
    %dma_wait3A_122 = arith.constant 0 : i32
    %dma_wait3A_123 = arith.constant 0 : i32
    %dma_wait3A_124 = tpu.memref_slice %arg2[%dma_wait3A_122, %dma_wait3A_123] : memref<10000x128xf32, #tpu.memory_space<hbm>> -> memref<10000x128xf32, #tpu.memory_space<hbm>>
    tpu.wait_indirect_dma semaphore(%arg12 : memref<!tpu.dma_semaphore, #tpu.memory_space<semaphore_mem>>) src(%dma_wait3A_124 : memref<10000x128xf32, #tpu.memory_space<hbm>>) dst(%arg9 : memref<400x128xf32, #tpu.memory_space<vmem>>)
    %scan3A_125 = arith.constant 0 : i32
    %scan3A_126 = arith.constant 0 : i32
    %scan3A_127 = arith.constant 25 : i32
    %scan3A_128 = arith.addi %scan3A_126, %scan3A_127 : i32
    %scan3A_129 = arith.constant 1 : i32
    scf.for %scan3A_171 = %scan3A_126 to %scan3A_128 step %scan3A_129  : i32 {
      %broadcast_in_dim3A = arith.constant 0.000000e+00 : f32
      %broadcast_in_dim3A_172 = vector.broadcast %broadcast_in_dim3A : f32 to vector<16xf32>
      %scan3A_173 = arith.constant 0 : i32
      %scan3A_174 = arith.constant 4 : i32
      %scan3A_175 = arith.addi %scan3A_173, %scan3A_174 : i32
      %scan3A_176 = arith.constant 1 : i32
      %scan3A_177 = scf.for %scan3A_184 = %scan3A_173 to %scan3A_175 step %scan3A_176 iter_args(%scan3A_185 = %broadcast_in_dim3A_172) -> (vector<16xf32>)  : i32 {
        %mul3A_186 = arith.constant 16 : i32
        %mul3A_187 = arith.muli %scan3A_171, %mul3A_186 : i32
        %mul3A_188 = arith.constant 4 : i32
        %mul3A_189 = arith.muli %scan3A_184, %mul3A_188 : i32
        %add3A_190 = arith.addi %mul3A_187, %mul3A_189 : i32
        %add3A_191 = arith.constant 0 : i32
        %add3A_192 = arith.addi %add3A_190, %add3A_191 : i32
        %get3A = arith.index_cast %add3A_192 : i32 to index
        %get3A_193 = arith.constant 0 : index
        %get3A_194 = tpu.vector_load %arg8[%get3A, %get3A_193] {strides = array<i32>} : memref<400x128xf32, #tpu.memory_space<vmem>>, vector<1x16xf32>,
        %get3A_195 = vector.shape_cast %get3A_194 : vector<1x16xf32> to vector<16xf32>
        %get3A_196 = arith.index_cast %add3A_192 : i32 to index
        %get3A_197 = arith.constant 0 : index
        %get3A_198 = tpu.vector_load %arg9[%get3A_196, %get3A_197] {strides = array<i32>} : memref<400x128xf32, #tpu.memory_space<vmem>>, vector<1x16xf32>,
        %get3A_199 = vector.shape_cast %get3A_198 : vector<1x16xf32> to vector<16xf32>
        %mul3A_200 = arith.mulf %get3A_195, %get3A_199 : vector<16xf32>
        %get3A_201 = arith.index_cast %add3A_192 : i32 to index
        %get3A_202 = arith.constant 16 : index
        %get3A_203 = tpu.vector_load %arg8[%get3A_201, %get3A_202] {strides = array<i32>} : memref<400x128xf32, #tpu.memory_space<vmem>>, vector<1x16xf32>,
        %get3A_204 = vector.shape_cast %get3A_203 : vector<1x16xf32> to vector<16xf32>
        %get3A_205 = arith.index_cast %add3A_192 : i32 to index
        %get3A_206 = arith.constant 16 : index
        %get3A_207 = tpu.vector_load %arg9[%get3A_205, %get3A_206] {strides = array<i32>} : memref<400x128xf32, #tpu.memory_space<vmem>>, vector<1x16xf32>,
        %get3A_208 = vector.shape_cast %get3A_207 : vector<1x16xf32> to vector<16xf32>
        %mul3A_209 = arith.mulf %get3A_204, %get3A_208 : vector<16xf32>
        %add3A_210 = arith.addf %mul3A_200, %mul3A_209 : vector<16xf32>
        %get3A_211 = arith.index_cast %add3A_192 : i32 to index
        %get3A_212 = arith.constant 32 : index
        %get3A_213 = tpu.vector_load %arg8[%get3A_211, %get3A_212] {strides = array<i32>} : memref<400x128xf32, #tpu.memory_space<vmem>>, vector<1x16xf32>,
        %get3A_214 = vector.shape_cast %get3A_213 : vector<1x16xf32> to vector<16xf32>
        %get3A_215 = arith.index_cast %add3A_192 : i32 to index
        %get3A_216 = arith.constant 32 : index
        %get3A_217 = tpu.vector_load %arg9[%get3A_215, %get3A_216] {strides = array<i32>} : memref<400x128xf32, #tpu.memory_space<vmem>>, vector<1x16xf32>,
        %get3A_218 = vector.shape_cast %get3A_217 : vector<1x16xf32> to vector<16xf32>
        %mul3A_219 = arith.mulf %get3A_214, %get3A_218 : vector<16xf32>
        %add3A_220 = arith.addf %add3A_210, %mul3A_219 : vector<16xf32>
        %get3A_221 = arith.index_cast %add3A_192 : i32 to index
        %get3A_222 = arith.constant 48 : index
        %get3A_223 = tpu.vector_load %arg8[%get3A_221, %get3A_222] {strides = array<i32>} : memref<400x128xf32, #tpu.memory_space<vmem>>, vector<1x16xf32>,
        %get3A_224 = vector.shape_cast %get3A_223 : vector<1x16xf32> to vector<16xf32>
        %get3A_225 = arith.index_cast %add3A_192 : i32 to index
        %get3A_226 = arith.constant 48 : index
        %get3A_227 = tpu.vector_load %arg9[%get3A_225, %get3A_226] {strides = array<i32>} : memref<400x128xf32, #tpu.memory_space<vmem>>, vector<1x16xf32>,
        %get3A_228 = vector.shape_cast %get3A_227 : vector<1x16xf32> to vector<16xf32>
        %mul3A_229 = arith.mulf %get3A_224, %get3A_228 : vector<16xf32>
        %add3A_230 = arith.addf %add3A_220, %mul3A_229 : vector<16xf32>
        %get3A_231 = arith.index_cast %add3A_192 : i32 to index
        %get3A_232 = arith.constant 64 : index
        %get3A_233 = tpu.vector_load %arg8[%get3A_231, %get3A_232] {strides = array<i32>} : memref<400x128xf32, #tpu.memory_space<vmem>>, vector<1x16xf32>,
        %get3A_234 = vector.shape_cast %get3A_233 : vector<1x16xf32> to vector<16xf32>
        %get3A_235 = arith.index_cast %add3A_192 : i32 to index
        %get3A_236 = arith.constant 64 : index
        %get3A_237 = tpu.vector_load %arg9[%get3A_235, %get3A_236] {strides = array<i32>} : memref<400x128xf32, #tpu.memory_space<vmem>>, vector<1x16xf32>,
        %get3A_238 = vector.shape_cast %get3A_237 : vector<1x16xf32> to vector<16xf32>
        %mul3A_239 = arith.mulf %get3A_234, %get3A_238 : vector<16xf32>
        %add3A_240 = arith.addf %add3A_230, %mul3A_239 : vector<16xf32>
        %get3A_241 = arith.index_cast %add3A_192 : i32 to index
        %get3A_242 = arith.constant 80 : index
        %get3A_243 = tpu.vector_load %arg8[%get3A_241, %get3A_242] {strides = array<i32>} : memref<400x128xf32, #tpu.memory_space<vmem>>, vector<1x16xf32>,
        %get3A_244 = vector.shape_cast %get3A_243 : vector<1x16xf32> to vector<16xf32>
        %get3A_245 = arith.index_cast %add3A_192 : i32 to index
        %get3A_246 = arith.constant 80 : index
        %get3A_247 = tpu.vector_load %arg9[%get3A_245, %get3A_246] {strides = array<i32>} : memref<400x128xf32, #tpu.memory_space<vmem>>, vector<1x16xf32>,
        %get3A_248 = vector.shape_cast %get3A_247 : vector<1x16xf32> to vector<16xf32>
        %mul3A_249 = arith.mulf %get3A_244, %get3A_248 : vector<16xf32>
        %add3A_250 = arith.addf %add3A_240, %mul3A_249 : vector<16xf32>
        %get3A_251 = arith.index_cast %add3A_192 : i32 to index
        %get3A_252 = arith.constant 96 : index
        %get3A_253 = tpu.vector_load %arg8[%get3A_251, %get3A_252] {strides = array<i32>} : memref<400x128xf32, #tpu.memory_space<vmem>>, vector<1x16xf32>,
        %get3A_254 = vector.shape_cast %get3A_253 : vector<1x16xf32> to vector<16xf32>
        %get3A_255 = arith.index_cast %add3A_192 : i32 to index
        %get3A_256 = arith.constant 96 : index
        %get3A_257 = tpu.vector_load %arg9[%get3A_255, %get3A_256] {strides = array<i32>} : memref<400x128xf32, #tpu.memory_space<vmem>>, vector<1x16xf32>,
        %get3A_258 = vector.shape_cast %get3A_257 : vector<1x16xf32> to vector<16xf32>
        %mul3A_259 = arith.mulf %get3A_254, %get3A_258 : vector<16xf32>
        %add3A_260 = arith.addf %add3A_250, %mul3A_259 : vector<16xf32>
        %get3A_261 = arith.index_cast %add3A_192 : i32 to index
        %get3A_262 = arith.constant 112 : index
        %get3A_263 = tpu.vector_load %arg8[%get3A_261, %get3A_262] {strides = array<i32>} : memref<400x128xf32, #tpu.memory_space<vmem>>, vector<1x16xf32>,
        %get3A_264 = vector.shape_cast %get3A_263 : vector<1x16xf32> to vector<16xf32>
        %get3A_265 = arith.index_cast %add3A_192 : i32 to index
        %get3A_266 = arith.constant 112 : index
        %get3A_267 = tpu.vector_load %arg9[%get3A_265, %get3A_266] {strides = array<i32>} : memref<400x128xf32, #tpu.memory_space<vmem>>, vector<1x16xf32>,
        %get3A_268 = vector.shape_cast %get3A_267 : vector<1x16xf32> to vector<16xf32>
        %mul3A_269 = arith.mulf %get3A_264, %get3A_268 : vector<16xf32>
        %add3A_270 = arith.addf %add3A_260, %mul3A_269 : vector<16xf32>
        %broadcast_in_dim3A_271 = vector.shape_cast %xor3A_4 : vector<16xi32> to vector<16x1xi32>
        %gather3A = vector.shape_cast %broadcast_in_dim3A_271 : vector<16x1xi32> to vector<16xi32>
        %gather3A_272 = tpu.dynamic_gather %add3A_270[%gather3A] in [0] : vector<16xf32>, vector<16xi32> -> vector<16xf32>
        %add3A_273 = arith.addf %add3A_270, %gather3A_272 : vector<16xf32>
        %broadcast_in_dim3A_274 = vector.shape_cast %xor3A_7 : vector<16xi32> to vector<16x1xi32>
        %gather3A_275 = vector.shape_cast %broadcast_in_dim3A_274 : vector<16x1xi32> to vector<16xi32>
        %gather3A_276 = tpu.dynamic_gather %add3A_273[%gather3A_275] in [0] : vector<16xf32>, vector<16xi32> -> vector<16xf32>
        %add3A_277 = arith.addf %add3A_273, %gather3A_276 : vector<16xf32>
        %broadcast_in_dim3A_278 = vector.shape_cast %xor3A_10 : vector<16xi32> to vector<16x1xi32>
        %gather3A_279 = vector.shape_cast %broadcast_in_dim3A_278 : vector<16x1xi32> to vector<16xi32>
        %gather3A_280 = tpu.dynamic_gather %add3A_277[%gather3A_279] in [0] : vector<16xf32>, vector<16xi32> -> vector<16xf32>
        %add3A_281 = arith.addf %add3A_277, %gather3A_280 : vector<16xf32>
        %broadcast_in_dim3A_282 = vector.shape_cast %xor3A_13 : vector<16xi32> to vector<16x1xi32>
        %gather3A_283 = vector.shape_cast %broadcast_in_dim3A_282 : vector<16x1xi32> to vector<16xi32>
        %gather3A_284 = tpu.dynamic_gather %add3A_281[%gather3A_283] in [0] : vector<16xf32>, vector<16xi32> -> vector<16xf32>
        %add3A_285 = arith.addf %add3A_281, %gather3A_284 : vector<16xf32>
        %mul3A_286 = arith.constant 16 : i32
        %mul3A_287 = arith.muli %scan3A_171, %mul3A_286 : i32
        %mul3A_288 = arith.constant 4 : i32
        %mul3A_289 = arith.muli %scan3A_184, %mul3A_288 : i32
        %add3A_290 = arith.addi %mul3A_287, %mul3A_289 : i32
        %add3A_291 = arith.constant 1 : i32
        %add3A_292 = arith.addi %add3A_290, %add3A_291 : i32
        %get3A_293 = arith.index_cast %add3A_292 : i32 to index
        %get3A_294 = arith.constant 0 : index
        %get3A_295 = tpu.vector_load %arg8[%get3A_293, %get3A_294] {strides = array<i32>} : memref<400x128xf32, #tpu.memory_space<vmem>>, vector<1x16xf32>,
        %get3A_296 = vector.shape_cast %get3A_295 : vector<1x16xf32> to vector<16xf32>
        %get3A_297 = arith.index_cast %add3A_292 : i32 to index
        %get3A_298 = arith.constant 0 : index
        %get3A_299 = tpu.vector_load %arg9[%get3A_297, %get3A_298] {strides = array<i32>} : memref<400x128xf32, #tpu.memory_space<vmem>>, vector<1x16xf32>,
        %get3A_300 = vector.shape_cast %get3A_299 : vector<1x16xf32> to vector<16xf32>
        %mul3A_301 = arith.mulf %get3A_296, %get3A_300 : vector<16xf32>
        %get3A_302 = arith.index_cast %add3A_292 : i32 to index
        %get3A_303 = arith.constant 16 : index
        %get3A_304 = tpu.vector_load %arg8[%get3A_302, %get3A_303] {strides = array<i32>} : memref<400x128xf32, #tpu.memory_space<vmem>>, vector<1x16xf32>,
        %get3A_305 = vector.shape_cast %get3A_304 : vector<1x16xf32> to vector<16xf32>
        %get3A_306 = arith.index_cast %add3A_292 : i32 to index
        %get3A_307 = arith.constant 16 : index
        %get3A_308 = tpu.vector_load %arg9[%get3A_306, %get3A_307] {strides = array<i32>} : memref<400x128xf32, #tpu.memory_space<vmem>>, vector<1x16xf32>,
        %get3A_309 = vector.shape_cast %get3A_308 : vector<1x16xf32> to vector<16xf32>
        %mul3A_310 = arith.mulf %get3A_305, %get3A_309 : vector<16xf32>
        %add3A_311 = arith.addf %mul3A_301, %mul3A_310 : vector<16xf32>
        %get3A_312 = arith.index_cast %add3A_292 : i32 to index
        %get3A_313 = arith.constant 32 : index
        %get3A_314 = tpu.vector_load %arg8[%get3A_312, %get3A_313] {strides = array<i32>} : memref<400x128xf32, #tpu.memory_space<vmem>>, vector<1x16xf32>,
        %get3A_315 = vector.shape_cast %get3A_314 : vector<1x16xf32> to vector<16xf32>
        %get3A_316 = arith.index_cast %add3A_292 : i32 to index
        %get3A_317 = arith.constant 32 : index
        %get3A_318 = tpu.vector_load %arg9[%get3A_316, %get3A_317] {strides = array<i32>} : memref<400x128xf32, #tpu.memory_space<vmem>>, vector<1x16xf32>,
        %get3A_319 = vector.shape_cast %get3A_318 : vector<1x16xf32> to vector<16xf32>
        %mul3A_320 = arith.mulf %get3A_315, %get3A_319 : vector<16xf32>
        %add3A_321 = arith.addf %add3A_311, %mul3A_320 : vector<16xf32>
        %get3A_322 = arith.index_cast %add3A_292 : i32 to index
        %get3A_323 = arith.constant 48 : index
        %get3A_324 = tpu.vector_load %arg8[%get3A_322, %get3A_323] {strides = array<i32>} : memref<400x128xf32, #tpu.memory_space<vmem>>, vector<1x16xf32>,
        %get3A_325 = vector.shape_cast %get3A_324 : vector<1x16xf32> to vector<16xf32>
        %get3A_326 = arith.index_cast %add3A_292 : i32 to index
        %get3A_327 = arith.constant 48 : index
        %get3A_328 = tpu.vector_load %arg9[%get3A_326, %get3A_327] {strides = array<i32>} : memref<400x128xf32, #tpu.memory_space<vmem>>, vector<1x16xf32>,
        %get3A_329 = vector.shape_cast %get3A_328 : vector<1x16xf32> to vector<16xf32>
        %mul3A_330 = arith.mulf %get3A_325, %get3A_329 : vector<16xf32>
        %add3A_331 = arith.addf %add3A_321, %mul3A_330 : vector<16xf32>
        %get3A_332 = arith.index_cast %add3A_292 : i32 to index
        %get3A_333 = arith.constant 64 : index
        %get3A_334 = tpu.vector_load %arg8[%get3A_332, %get3A_333] {strides = array<i32>} : memref<400x128xf32, #tpu.memory_space<vmem>>, vector<1x16xf32>,
        %get3A_335 = vector.shape_cast %get3A_334 : vector<1x16xf32> to vector<16xf32>
        %get3A_336 = arith.index_cast %add3A_292 : i32 to index
        %get3A_337 = arith.constant 64 : index
        %get3A_338 = tpu.vector_load %arg9[%get3A_336, %get3A_337] {strides = array<i32>} : memref<400x128xf32, #tpu.memory_space<vmem>>, vector<1x16xf32>,
        %get3A_339 = vector.shape_cast %get3A_338 : vector<1x16xf32> to vector<16xf32>
        %mul3A_340 = arith.mulf %get3A_335, %get3A_339 : vector<16xf32>
        %add3A_341 = arith.addf %add3A_331, %mul3A_340 : vector<16xf32>
        %get3A_342 = arith.index_cast %add3A_292 : i32 to index
        %get3A_343 = arith.constant 80 : index
        %get3A_344 = tpu.vector_load %arg8[%get3A_342, %get3A_343] {strides = array<i32>} : memref<400x128xf32, #tpu.memory_space<vmem>>, vector<1x16xf32>,
        %get3A_345 = vector.shape_cast %get3A_344 : vector<1x16xf32> to vector<16xf32>
        %get3A_346 = arith.index_cast %add3A_292 : i32 to index
        %get3A_347 = arith.constant 80 : index
        %get3A_348 = tpu.vector_load %arg9[%get3A_346, %get3A_347] {strides = array<i32>} : memref<400x128xf32, #tpu.memory_space<vmem>>, vector<1x16xf32>,
        %get3A_349 = vector.shape_cast %get3A_348 : vector<1x16xf32> to vector<16xf32>
        %mul3A_350 = arith.mulf %get3A_345, %get3A_349 : vector<16xf32>
        %add3A_351 = arith.addf %add3A_341, %mul3A_350 : vector<16xf32>
        %get3A_352 = arith.index_cast %add3A_292 : i32 to index
        %get3A_353 = arith.constant 96 : index
        %get3A_354 = tpu.vector_load %arg8[%get3A_352, %get3A_353] {strides = array<i32>} : memref<400x128xf32, #tpu.memory_space<vmem>>, vector<1x16xf32>,
        %get3A_355 = vector.shape_cast %get3A_354 : vector<1x16xf32> to vector<16xf32>
        %get3A_356 = arith.index_cast %add3A_292 : i32 to index
        %get3A_357 = arith.constant 96 : index
        %get3A_358 = tpu.vector_load %arg9[%get3A_356, %get3A_357] {strides = array<i32>} : memref<400x128xf32, #tpu.memory_space<vmem>>, vector<1x16xf32>,
        %get3A_359 = vector.shape_cast %get3A_358 : vector<1x16xf32> to vector<16xf32>
        %mul3A_360 = arith.mulf %get3A_355, %get3A_359 : vector<16xf32>
        %add3A_361 = arith.addf %add3A_351, %mul3A_360 : vector<16xf32>
        %get3A_362 = arith.index_cast %add3A_292 : i32 to index
        %get3A_363 = arith.constant 112 : index
        %get3A_364 = tpu.vector_load %arg8[%get3A_362, %get3A_363] {strides = array<i32>} : memref<400x128xf32, #tpu.memory_space<vmem>>, vector<1x16xf32>,
        %get3A_365 = vector.shape_cast %get3A_364 : vector<1x16xf32> to vector<16xf32>
        %get3A_366 = arith.index_cast %add3A_292 : i32 to index
        %get3A_367 = arith.constant 112 : index
        %get3A_368 = tpu.vector_load %arg9[%get3A_366, %get3A_367] {strides = array<i32>} : memref<400x128xf32, #tpu.memory_space<vmem>>, vector<1x16xf32>,
        %get3A_369 = vector.shape_cast %get3A_368 : vector<1x16xf32> to vector<16xf32>
        %mul3A_370 = arith.mulf %get3A_365, %get3A_369 : vector<16xf32>
        %add3A_371 = arith.addf %add3A_361, %mul3A_370 : vector<16xf32>
        %broadcast_in_dim3A_372 = vector.shape_cast %xor3A_4 : vector<16xi32> to vector<16x1xi32>
        %gather3A_373 = vector.shape_cast %broadcast_in_dim3A_372 : vector<16x1xi32> to vector<16xi32>
        %gather3A_374 = tpu.dynamic_gather %add3A_371[%gather3A_373] in [0] : vector<16xf32>, vector<16xi32> -> vector<16xf32>
        %add3A_375 = arith.addf %add3A_371, %gather3A_374 : vector<16xf32>
        %broadcast_in_dim3A_376 = vector.shape_cast %xor3A_7 : vector<16xi32> to vector<16x1xi32>
        %gather3A_377 = vector.shape_cast %broadcast_in_dim3A_376 : vector<16x1xi32> to vector<16xi32>
        %gather3A_378 = tpu.dynamic_gather %add3A_375[%gather3A_377] in [0] : vector<16xf32>, vector<16xi32> -> vector<16xf32>
        %add3A_379 = arith.addf %add3A_375, %gather3A_378 : vector<16xf32>
        %broadcast_in_dim3A_380 = vector.shape_cast %xor3A_10 : vector<16xi32> to vector<16x1xi32>
        %gather3A_381 = vector.shape_cast %broadcast_in_dim3A_380 : vector<16x1xi32> to vector<16xi32>
        %gather3A_382 = tpu.dynamic_gather %add3A_379[%gather3A_381] in [0] : vector<16xf32>, vector<16xi32> -> vector<16xf32>
        %add3A_383 = arith.addf %add3A_379, %gather3A_382 : vector<16xf32>
        %broadcast_in_dim3A_384 = vector.shape_cast %xor3A_13 : vector<16xi32> to vector<16x1xi32>
        %gather3A_385 = vector.shape_cast %broadcast_in_dim3A_384 : vector<16x1xi32> to vector<16xi32>
        %gather3A_386 = tpu.dynamic_gather %add3A_383[%gather3A_385] in [0] : vector<16xf32>, vector<16xi32> -> vector<16xf32>
        %add3A_387 = arith.addf %add3A_383, %gather3A_386 : vector<16xf32>
        %mul3A_388 = arith.constant 16 : i32
        %mul3A_389 = arith.muli %scan3A_171, %mul3A_388 : i32
        %mul3A_390 = arith.constant 4 : i32
        %mul3A_391 = arith.muli %scan3A_184, %mul3A_390 : i32
        %add3A_392 = arith.addi %mul3A_389, %mul3A_391 : i32
        %add3A_393 = arith.constant 2 : i32
        %add3A_394 = arith.addi %add3A_392, %add3A_393 : i32
        %get3A_395 = arith.index_cast %add3A_394 : i32 to index
        %get3A_396 = arith.constant 0 : index
        %get3A_397 = tpu.vector_load %arg8[%get3A_395, %get3A_396] {strides = array<i32>} : memref<400x128xf32, #tpu.memory_space<vmem>>, vector<1x16xf32>,
        %get3A_398 = vector.shape_cast %get3A_397 : vector<1x16xf32> to vector<16xf32>
        %get3A_399 = arith.index_cast %add3A_394 : i32 to index
        %get3A_400 = arith.constant 0 : index
        %get3A_401 = tpu.vector_load %arg9[%get3A_399, %get3A_400] {strides = array<i32>} : memref<400x128xf32, #tpu.memory_space<vmem>>, vector<1x16xf32>,
        %get3A_402 = vector.shape_cast %get3A_401 : vector<1x16xf32> to vector<16xf32>
        %mul3A_403 = arith.mulf %get3A_398, %get3A_402 : vector<16xf32>
        %get3A_404 = arith.index_cast %add3A_394 : i32 to index
        %get3A_405 = arith.constant 16 : index
        %get3A_406 = tpu.vector_load %arg8[%get3A_404, %get3A_405] {strides = array<i32>} : memref<400x128xf32, #tpu.memory_space<vmem>>, vector<1x16xf32>,
        %get3A_407 = vector.shape_cast %get3A_406 : vector<1x16xf32> to vector<16xf32>
        %get3A_408 = arith.index_cast %add3A_394 : i32 to index
        %get3A_409 = arith.constant 16 : index
        %get3A_410 = tpu.vector_load %arg9[%get3A_408, %get3A_409] {strides = array<i32>} : memref<400x128xf32, #tpu.memory_space<vmem>>, vector<1x16xf32>,
        %get3A_411 = vector.shape_cast %get3A_410 : vector<1x16xf32> to vector<16xf32>
        %mul3A_412 = arith.mulf %get3A_407, %get3A_411 : vector<16xf32>
        %add3A_413 = arith.addf %mul3A_403, %mul3A_412 : vector<16xf32>
        %get3A_414 = arith.index_cast %add3A_394 : i32 to index
        %get3A_415 = arith.constant 32 : index
        %get3A_416 = tpu.vector_load %arg8[%get3A_414, %get3A_415] {strides = array<i32>} : memref<400x128xf32, #tpu.memory_space<vmem>>, vector<1x16xf32>,
        %get3A_417 = vector.shape_cast %get3A_416 : vector<1x16xf32> to vector<16xf32>
        %get3A_418 = arith.index_cast %add3A_394 : i32 to index
        %get3A_419 = arith.constant 32 : index
        %get3A_420 = tpu.vector_load %arg9[%get3A_418, %get3A_419] {strides = array<i32>} : memref<400x128xf32, #tpu.memory_space<vmem>>, vector<1x16xf32>,
        %get3A_421 = vector.shape_cast %get3A_420 : vector<1x16xf32> to vector<16xf32>
        %mul3A_422 = arith.mulf %get3A_417, %get3A_421 : vector<16xf32>
        %add3A_423 = arith.addf %add3A_413, %mul3A_422 : vector<16xf32>
        %get3A_424 = arith.index_cast %add3A_394 : i32 to index
        %get3A_425 = arith.constant 48 : index
        %get3A_426 = tpu.vector_load %arg8[%get3A_424, %get3A_425] {strides = array<i32>} : memref<400x128xf32, #tpu.memory_space<vmem>>, vector<1x16xf32>,
        %get3A_427 = vector.shape_cast %get3A_426 : vector<1x16xf32> to vector<16xf32>
        %get3A_428 = arith.index_cast %add3A_394 : i32 to index
        %get3A_429 = arith.constant 48 : index
        %get3A_430 = tpu.vector_load %arg9[%get3A_428, %get3A_429] {strides = array<i32>} : memref<400x128xf32, #tpu.memory_space<vmem>>, vector<1x16xf32>,
        %get3A_431 = vector.shape_cast %get3A_430 : vector<1x16xf32> to vector<16xf32>
        %mul3A_432 = arith.mulf %get3A_427, %get3A_431 : vector<16xf32>
        %add3A_433 = arith.addf %add3A_423, %mul3A_432 : vector<16xf32>
        %get3A_434 = arith.index_cast %add3A_394 : i32 to index
        %get3A_435 = arith.constant 64 : index
        %get3A_436 = tpu.vector_load %arg8[%get3A_434, %get3A_435] {strides = array<i32>} : memref<400x128xf32, #tpu.memory_space<vmem>>, vector<1x16xf32>,
        %get3A_437 = vector.shape_cast %get3A_436 : vector<1x16xf32> to vector<16xf32>
        %get3A_438 = arith.index_cast %add3A_394 : i32 to index
        %get3A_439 = arith.constant 64 : index
        %get3A_440 = tpu.vector_load %arg9[%get3A_438, %get3A_439] {strides = array<i32>} : memref<400x128xf32, #tpu.memory_space<vmem>>, vector<1x16xf32>,
        %get3A_441 = vector.shape_cast %get3A_440 : vector<1x16xf32> to vector<16xf32>
        %mul3A_442 = arith.mulf %get3A_437, %get3A_441 : vector<16xf32>
        %add3A_443 = arith.addf %add3A_433, %mul3A_442 : vector<16xf32>
        %get3A_444 = arith.index_cast %add3A_394 : i32 to index
        %get3A_445 = arith.constant 80 : index
        %get3A_446 = tpu.vector_load %arg8[%get3A_444, %get3A_445] {strides = array<i32>} : memref<400x128xf32, #tpu.memory_space<vmem>>, vector<1x16xf32>,
        %get3A_447 = vector.shape_cast %get3A_446 : vector<1x16xf32> to vector<16xf32>
        %get3A_448 = arith.index_cast %add3A_394 : i32 to index
        %get3A_449 = arith.constant 80 : index
        %get3A_450 = tpu.vector_load %arg9[%get3A_448, %get3A_449] {strides = array<i32>} : memref<400x128xf32, #tpu.memory_space<vmem>>, vector<1x16xf32>,
        %get3A_451 = vector.shape_cast %get3A_450 : vector<1x16xf32> to vector<16xf32>
        %mul3A_452 = arith.mulf %get3A_447, %get3A_451 : vector<16xf32>
        %add3A_453 = arith.addf %add3A_443, %mul3A_452 : vector<16xf32>
        %get3A_454 = arith.index_cast %add3A_394 : i32 to index
        %get3A_455 = arith.constant 96 : index
        %get3A_456 = tpu.vector_load %arg8[%get3A_454, %get3A_455] {strides = array<i32>} : memref<400x128xf32, #tpu.memory_space<vmem>>, vector<1x16xf32>,
        %get3A_457 = vector.shape_cast %get3A_456 : vector<1x16xf32> to vector<16xf32>
        %get3A_458 = arith.index_cast %add3A_394 : i32 to index
        %get3A_459 = arith.constant 96 : index
        %get3A_460 = tpu.vector_load %arg9[%get3A_458, %get3A_459] {strides = array<i32>} : memref<400x128xf32, #tpu.memory_space<vmem>>, vector<1x16xf32>,
        %get3A_461 = vector.shape_cast %get3A_460 : vector<1x16xf32> to vector<16xf32>
        %mul3A_462 = arith.mulf %get3A_457, %get3A_461 : vector<16xf32>
        %add3A_463 = arith.addf %add3A_453, %mul3A_462 : vector<16xf32>
        %get3A_464 = arith.index_cast %add3A_394 : i32 to index
        %get3A_465 = arith.constant 112 : index
        %get3A_466 = tpu.vector_load %arg8[%get3A_464, %get3A_465] {strides = array<i32>} : memref<400x128xf32, #tpu.memory_space<vmem>>, vector<1x16xf32>,
        %get3A_467 = vector.shape_cast %get3A_466 : vector<1x16xf32> to vector<16xf32>
        %get3A_468 = arith.index_cast %add3A_394 : i32 to index
        %get3A_469 = arith.constant 112 : index
        %get3A_470 = tpu.vector_load %arg9[%get3A_468, %get3A_469] {strides = array<i32>} : memref<400x128xf32, #tpu.memory_space<vmem>>, vector<1x16xf32>,
        %get3A_471 = vector.shape_cast %get3A_470 : vector<1x16xf32> to vector<16xf32>
        %mul3A_472 = arith.mulf %get3A_467, %get3A_471 : vector<16xf32>
        %add3A_473 = arith.addf %add3A_463, %mul3A_472 : vector<16xf32>
        %broadcast_in_dim3A_474 = vector.shape_cast %xor3A_4 : vector<16xi32> to vector<16x1xi32>
        %gather3A_475 = vector.shape_cast %broadcast_in_dim3A_474 : vector<16x1xi32> to vector<16xi32>
        %gather3A_476 = tpu.dynamic_gather %add3A_473[%gather3A_475] in [0] : vector<16xf32>, vector<16xi32> -> vector<16xf32>
        %add3A_477 = arith.addf %add3A_473, %gather3A_476 : vector<16xf32>
        %broadcast_in_dim3A_478 = vector.shape_cast %xor3A_7 : vector<16xi32> to vector<16x1xi32>
        %gather3A_479 = vector.shape_cast %broadcast_in_dim3A_478 : vector<16x1xi32> to vector<16xi32>
        %gather3A_480 = tpu.dynamic_gather %add3A_477[%gather3A_479] in [0] : vector<16xf32>, vector<16xi32> -> vector<16xf32>
        %add3A_481 = arith.addf %add3A_477, %gather3A_480 : vector<16xf32>
        %broadcast_in_dim3A_482 = vector.shape_cast %xor3A_10 : vector<16xi32> to vector<16x1xi32>
        %gather3A_483 = vector.shape_cast %broadcast_in_dim3A_482 : vector<16x1xi32> to vector<16xi32>
        %gather3A_484 = tpu.dynamic_gather %add3A_481[%gather3A_483] in [0] : vector<16xf32>, vector<16xi32> -> vector<16xf32>
        %add3A_485 = arith.addf %add3A_481, %gather3A_484 : vector<16xf32>
        %broadcast_in_dim3A_486 = vector.shape_cast %xor3A_13 : vector<16xi32> to vector<16x1xi32>
        %gather3A_487 = vector.shape_cast %broadcast_in_dim3A_486 : vector<16x1xi32> to vector<16xi32>
        %gather3A_488 = tpu.dynamic_gather %add3A_485[%gather3A_487] in [0] : vector<16xf32>, vector<16xi32> -> vector<16xf32>
        %add3A_489 = arith.addf %add3A_485, %gather3A_488 : vector<16xf32>
        %mul3A_490 = arith.constant 16 : i32
        %mul3A_491 = arith.muli %scan3A_171, %mul3A_490 : i32
        %mul3A_492 = arith.constant 4 : i32
        %mul3A_493 = arith.muli %scan3A_184, %mul3A_492 : i32
        %add3A_494 = arith.addi %mul3A_491, %mul3A_493 : i32
        %add3A_495 = arith.constant 3 : i32
        %add3A_496 = arith.addi %add3A_494, %add3A_495 : i32
        %get3A_497 = arith.index_cast %add3A_496 : i32 to index
        %get3A_498 = arith.constant 0 : index
        %get3A_499 = tpu.vector_load %arg8[%get3A_497, %get3A_498] {strides = array<i32>} : memref<400x128xf32, #tpu.memory_space<vmem>>, vector<1x16xf32>,
        %get3A_500 = vector.shape_cast %get3A_499 : vector<1x16xf32> to vector<16xf32>
        %get3A_501 = arith.index_cast %add3A_496 : i32 to index
        %get3A_502 = arith.constant 0 : index
        %get3A_503 = tpu.vector_load %arg9[%get3A_501, %get3A_502] {strides = array<i32>} : memref<400x128xf32, #tpu.memory_space<vmem>>, vector<1x16xf32>,
        %get3A_504 = vector.shape_cast %get3A_503 : vector<1x16xf32> to vector<16xf32>
        %mul3A_505 = arith.mulf %get3A_500, %get3A_504 : vector<16xf32>
        %get3A_506 = arith.index_cast %add3A_496 : i32 to index
        %get3A_507 = arith.constant 16 : index
        %get3A_508 = tpu.vector_load %arg8[%get3A_506, %get3A_507] {strides = array<i32>} : memref<400x128xf32, #tpu.memory_space<vmem>>, vector<1x16xf32>,
        %get3A_509 = vector.shape_cast %get3A_508 : vector<1x16xf32> to vector<16xf32>
        %get3A_510 = arith.index_cast %add3A_496 : i32 to index
        %get3A_511 = arith.constant 16 : index
        %get3A_512 = tpu.vector_load %arg9[%get3A_510, %get3A_511] {strides = array<i32>} : memref<400x128xf32, #tpu.memory_space<vmem>>, vector<1x16xf32>,
        %get3A_513 = vector.shape_cast %get3A_512 : vector<1x16xf32> to vector<16xf32>
        %mul3A_514 = arith.mulf %get3A_509, %get3A_513 : vector<16xf32>
        %add3A_515 = arith.addf %mul3A_505, %mul3A_514 : vector<16xf32>
        %get3A_516 = arith.index_cast %add3A_496 : i32 to index
        %get3A_517 = arith.constant 32 : index
        %get3A_518 = tpu.vector_load %arg8[%get3A_516, %get3A_517] {strides = array<i32>} : memref<400x128xf32, #tpu.memory_space<vmem>>, vector<1x16xf32>,
        %get3A_519 = vector.shape_cast %get3A_518 : vector<1x16xf32> to vector<16xf32>
        %get3A_520 = arith.index_cast %add3A_496 : i32 to index
        %get3A_521 = arith.constant 32 : index
        %get3A_522 = tpu.vector_load %arg9[%get3A_520, %get3A_521] {strides = array<i32>} : memref<400x128xf32, #tpu.memory_space<vmem>>, vector<1x16xf32>,
        %get3A_523 = vector.shape_cast %get3A_522 : vector<1x16xf32> to vector<16xf32>
        %mul3A_524 = arith.mulf %get3A_519, %get3A_523 : vector<16xf32>
        %add3A_525 = arith.addf %add3A_515, %mul3A_524 : vector<16xf32>
        %get3A_526 = arith.index_cast %add3A_496 : i32 to index
        %get3A_527 = arith.constant 48 : index
        %get3A_528 = tpu.vector_load %arg8[%get3A_526, %get3A_527] {strides = array<i32>} : memref<400x128xf32, #tpu.memory_space<vmem>>, vector<1x16xf32>,
        %get3A_529 = vector.shape_cast %get3A_528 : vector<1x16xf32> to vector<16xf32>
        %get3A_530 = arith.index_cast %add3A_496 : i32 to index
        %get3A_531 = arith.constant 48 : index
        %get3A_532 = tpu.vector_load %arg9[%get3A_530, %get3A_531] {strides = array<i32>} : memref<400x128xf32, #tpu.memory_space<vmem>>, vector<1x16xf32>,
        %get3A_533 = vector.shape_cast %get3A_532 : vector<1x16xf32> to vector<16xf32>
        %mul3A_534 = arith.mulf %get3A_529, %get3A_533 : vector<16xf32>
        %add3A_535 = arith.addf %add3A_525, %mul3A_534 : vector<16xf32>
        %get3A_536 = arith.index_cast %add3A_496 : i32 to index
        %get3A_537 = arith.constant 64 : index
        %get3A_538 = tpu.vector_load %arg8[%get3A_536, %get3A_537] {strides = array<i32>} : memref<400x128xf32, #tpu.memory_space<vmem>>, vector<1x16xf32>,
        %get3A_539 = vector.shape_cast %get3A_538 : vector<1x16xf32> to vector<16xf32>
        %get3A_540 = arith.index_cast %add3A_496 : i32 to index
        %get3A_541 = arith.constant 64 : index
        %get3A_542 = tpu.vector_load %arg9[%get3A_540, %get3A_541] {strides = array<i32>} : memref<400x128xf32, #tpu.memory_space<vmem>>, vector<1x16xf32>,
        %get3A_543 = vector.shape_cast %get3A_542 : vector<1x16xf32> to vector<16xf32>
        %mul3A_544 = arith.mulf %get3A_539, %get3A_543 : vector<16xf32>
        %add3A_545 = arith.addf %add3A_535, %mul3A_544 : vector<16xf32>
        %get3A_546 = arith.index_cast %add3A_496 : i32 to index
        %get3A_547 = arith.constant 80 : index
        %get3A_548 = tpu.vector_load %arg8[%get3A_546, %get3A_547] {strides = array<i32>} : memref<400x128xf32, #tpu.memory_space<vmem>>, vector<1x16xf32>,
        %get3A_549 = vector.shape_cast %get3A_548 : vector<1x16xf32> to vector<16xf32>
        %get3A_550 = arith.index_cast %add3A_496 : i32 to index
        %get3A_551 = arith.constant 80 : index
        %get3A_552 = tpu.vector_load %arg9[%get3A_550, %get3A_551] {strides = array<i32>} : memref<400x128xf32, #tpu.memory_space<vmem>>, vector<1x16xf32>,
        %get3A_553 = vector.shape_cast %get3A_552 : vector<1x16xf32> to vector<16xf32>
        %mul3A_554 = arith.mulf %get3A_549, %get3A_553 : vector<16xf32>
        %add3A_555 = arith.addf %add3A_545, %mul3A_554 : vector<16xf32>
        %get3A_556 = arith.index_cast %add3A_496 : i32 to index
        %get3A_557 = arith.constant 96 : index
        %get3A_558 = tpu.vector_load %arg8[%get3A_556, %get3A_557] {strides = array<i32>} : memref<400x128xf32, #tpu.memory_space<vmem>>, vector<1x16xf32>,
        %get3A_559 = vector.shape_cast %get3A_558 : vector<1x16xf32> to vector<16xf32>
        %get3A_560 = arith.index_cast %add3A_496 : i32 to index
        %get3A_561 = arith.constant 96 : index
        %get3A_562 = tpu.vector_load %arg9[%get3A_560, %get3A_561] {strides = array<i32>} : memref<400x128xf32, #tpu.memory_space<vmem>>, vector<1x16xf32>,
        %get3A_563 = vector.shape_cast %get3A_562 : vector<1x16xf32> to vector<16xf32>
        %mul3A_564 = arith.mulf %get3A_559, %get3A_563 : vector<16xf32>
        %add3A_565 = arith.addf %add3A_555, %mul3A_564 : vector<16xf32>
        %get3A_566 = arith.index_cast %add3A_496 : i32 to index
        %get3A_567 = arith.constant 112 : index
        %get3A_568 = tpu.vector_load %arg8[%get3A_566, %get3A_567] {strides = array<i32>} : memref<400x128xf32, #tpu.memory_space<vmem>>, vector<1x16xf32>,
        %get3A_569 = vector.shape_cast %get3A_568 : vector<1x16xf32> to vector<16xf32>
        %get3A_570 = arith.index_cast %add3A_496 : i32 to index
        %get3A_571 = arith.constant 112 : index
        %get3A_572 = tpu.vector_load %arg9[%get3A_570, %get3A_571] {strides = array<i32>} : memref<400x128xf32, #tpu.memory_space<vmem>>, vector<1x16xf32>,
        %get3A_573 = vector.shape_cast %get3A_572 : vector<1x16xf32> to vector<16xf32>
        %mul3A_574 = arith.mulf %get3A_569, %get3A_573 : vector<16xf32>
        %add3A_575 = arith.addf %add3A_565, %mul3A_574 : vector<16xf32>
        %broadcast_in_dim3A_576 = vector.shape_cast %xor3A_4 : vector<16xi32> to vector<16x1xi32>
        %gather3A_577 = vector.shape_cast %broadcast_in_dim3A_576 : vector<16x1xi32> to vector<16xi32>
        %gather3A_578 = tpu.dynamic_gather %add3A_575[%gather3A_577] in [0] : vector<16xf32>, vector<16xi32> -> vector<16xf32>
        %add3A_579 = arith.addf %add3A_575, %gather3A_578 : vector<16xf32>
        %broadcast_in_dim3A_580 = vector.shape_cast %xor3A_7 : vector<16xi32> to vector<16x1xi32>
        %gather3A_581 = vector.shape_cast %broadcast_in_dim3A_580 : vector<16x1xi32> to vector<16xi32>
        %gather3A_582 = tpu.dynamic_gather %add3A_579[%gather3A_581] in [0] : vector<16xf32>, vector<16xi32> -> vector<16xf32>
        %add3A_583 = arith.addf %add3A_579, %gather3A_582 : vector<16xf32>
        %broadcast_in_dim3A_584 = vector.shape_cast %xor3A_10 : vector<16xi32> to vector<16x1xi32>
        %gather3A_585 = vector.shape_cast %broadcast_in_dim3A_584 : vector<16x1xi32> to vector<16xi32>
        %gather3A_586 = tpu.dynamic_gather %add3A_583[%gather3A_585] in [0] : vector<16xf32>, vector<16xi32> -> vector<16xf32>
        %add3A_587 = arith.addf %add3A_583, %gather3A_586 : vector<16xf32>
        %broadcast_in_dim3A_588 = vector.shape_cast %xor3A_13 : vector<16xi32> to vector<16x1xi32>
        %gather3A_589 = vector.shape_cast %broadcast_in_dim3A_588 : vector<16x1xi32> to vector<16xi32>
        %gather3A_590 = tpu.dynamic_gather %add3A_587[%gather3A_589] in [0] : vector<16xf32>, vector<16xi32> -> vector<16xf32>
        %add3A_591 = arith.addf %add3A_587, %gather3A_590 : vector<16xf32>
        %mul3A_592 = arith.constant 4 : i32
        %mul3A_593 = arith.muli %scan3A_184, %mul3A_592 : i32
        %add3A_594 = arith.constant 0 : i32
        %add3A_595 = arith.addi %mul3A_593, %add3A_594 : i32
        %eq3A = vector.broadcast %add3A_595 : i32 to vector<16xi32>
        %eq3A_596 = arith.cmpi eq, %iota3A, %eq3A : vector<16xi32>
        %select_n3A = arith.select %eq3A_596, %add3A_285, %scan3A_185 : vector<16xi1>, vector<16xf32>
        %mul3A_597 = arith.constant 4 : i32
        %mul3A_598 = arith.muli %scan3A_184, %mul3A_597 : i32
        %add3A_599 = arith.constant 1 : i32
        %add3A_600 = arith.addi %mul3A_598, %add3A_599 : i32
        %eq3A_601 = vector.broadcast %add3A_600 : i32 to vector<16xi32>
        %eq3A_602 = arith.cmpi eq, %iota3A, %eq3A_601 : vector<16xi32>
        %select_n3A_603 = arith.select %eq3A_602, %add3A_387, %select_n3A : vector<16xi1>, vector<16xf32>
        %mul3A_604 = arith.constant 4 : i32
        %mul3A_605 = arith.muli %scan3A_184, %mul3A_604 : i32
        %add3A_606 = arith.constant 2 : i32
        %add3A_607 = arith.addi %mul3A_605, %add3A_606 : i32
        %eq3A_608 = vector.broadcast %add3A_607 : i32 to vector<16xi32>
        %eq3A_609 = arith.cmpi eq, %iota3A, %eq3A_608 : vector<16xi32>
        %select_n3A_610 = arith.select %eq3A_609, %add3A_489, %select_n3A_603 : vector<16xi1>, vector<16xf32>
        %mul3A_611 = arith.constant 4 : i32
        %mul3A_612 = arith.muli %scan3A_184, %mul3A_611 : i32
        %add3A_613 = arith.constant 3 : i32
        %add3A_614 = arith.addi %mul3A_612, %add3A_613 : i32
        %eq3A_615 = vector.broadcast %add3A_614 : i32 to vector<16xi32>
        %eq3A_616 = arith.cmpi eq, %iota3A, %eq3A_615 : vector<16xi32>
        %select_n3A_617 = arith.select %eq3A_616, %add3A_591, %select_n3A_610 : vector<16xi1>, vector<16xf32>
        scf.yield %select_n3A_617 : vector<16xf32>
      }
      %scan3A_178 = arith.constant 4 : i32
      %mul3A_179 = arith.constant 16 : i32
      %mul3A_180 = arith.muli %scan3A_171, %mul3A_179 : i32
      %swap3A = arith.index_cast %mul3A_180 : i32 to index
      %swap3A_181 = tpu.vector_load %arg10[%swap3A] {strides = array<i32>} : memref<400xf32, #tpu.memory_space<vmem>>, vector<16xf32>,
      %swap3A_182 = vector.shape_cast %swap3A_181 : vector<16xf32> to vector<16xf32>
      %swap3A_183 = vector.shape_cast %scan3A_177 : vector<16xf32> to vector<16xf32>
      tpu.vector_store %arg10[%swap3A], %swap3A_183 {strides = array<i32>} : memref<400xf32, #tpu.memory_space<vmem>>, vector<16xf32>,
    }
    %scan3A_130 = arith.constant 25 : i32
    "tpu.region"() ({
      %run_scoped3A = tpu.sem_alloc : memref<!tpu.dma_semaphore, #tpu.memory_space<semaphore_mem>>
      %dma_start3A_171 = tpu.memref_slice %arg5[%add3A_112] : memref<102400xf32, #tpu.memory_space<hbm>> -> memref<400xf32, #tpu.memory_space<hbm>>
      %dma_start3A_172 = tpu.memref_slice %arg5[%add3A_112] : memref<102400xf32, #tpu.memory_space<hbm>> -> memref<400xf32, #tpu.memory_space<hbm>>
      tpu.enqueue_dma source(%arg10 : memref<400xf32, #tpu.memory_space<vmem>>) target(%dma_start3A_172 : memref<400xf32, #tpu.memory_space<hbm>>) target_semaphore(%run_scoped3A : memref<!tpu.dma_semaphore, #tpu.memory_space<semaphore_mem>>)
      %dma_wait3A_173 = tpu.memref_slice %arg5[%add3A_112] : memref<102400xf32, #tpu.memory_space<hbm>> -> memref<400xf32, #tpu.memory_space<hbm>>
      %dma_wait3A_174 = tpu.memref_slice %arg5[%add3A_112] : memref<102400xf32, #tpu.memory_space<hbm>> -> memref<400xf32, #tpu.memory_space<hbm>>
      tpu.wait_dma2 semaphore(%run_scoped3A : memref<!tpu.dma_semaphore, #tpu.memory_space<semaphore_mem>>) src(%arg10 : memref<400xf32, #tpu.memory_space<vmem>>) dst(%dma_wait3A_174 : memref<400xf32, #tpu.memory_space<hbm>>)
      tpu.yield
    }) : () -> ()
    %add3A_131 = arith.constant 2400 : i32
    %add3A_132 = arith.addi %mul3A_2, %add3A_131 : i32
    "tpu.region"() ({
      %run_scoped3A = tpu.sem_alloc : memref<!tpu.dma_semaphore, #tpu.memory_space<semaphore_mem>>
      %dma_start3A_171 = tpu.memref_slice %arg3[%add3A_132] : memref<102400xi32, #tpu.memory_space<hbm>> -> memref<400xi32, #tpu.memory_space<hbm>>
      %dma_start3A_172 = tpu.memref_slice %arg3[%add3A_132] : memref<102400xi32, #tpu.memory_space<hbm>> -> memref<400xi32, #tpu.memory_space<hbm>>
      tpu.enqueue_dma source(%dma_start3A_172 : memref<400xi32, #tpu.memory_space<hbm>>) target(%arg6 : memref<400xi32, #tpu.memory_space<vmem>>) target_semaphore(%run_scoped3A : memref<!tpu.dma_semaphore, #tpu.memory_space<semaphore_mem>>)
      %dma_wait3A_173 = tpu.memref_slice %arg3[%add3A_132] : memref<102400xi32, #tpu.memory_space<hbm>> -> memref<400xi32, #tpu.memory_space<hbm>>
      %dma_wait3A_174 = tpu.memref_slice %arg3[%add3A_132] : memref<102400xi32, #tpu.memory_space<hbm>> -> memref<400xi32, #tpu.memory_space<hbm>>
      tpu.wait_dma2 semaphore(%run_scoped3A : memref<!tpu.dma_semaphore, #tpu.memory_space<semaphore_mem>>) src(%dma_wait3A_174 : memref<400xi32, #tpu.memory_space<hbm>>) dst(%arg6 : memref<400xi32, #tpu.memory_space<vmem>>)
      tpu.yield
    }) : () -> ()
    "tpu.region"() ({
      %run_scoped3A = tpu.sem_alloc : memref<!tpu.dma_semaphore, #tpu.memory_space<semaphore_mem>>
      %dma_start3A_171 = tpu.memref_slice %arg4[%add3A_132] : memref<102400xi32, #tpu.memory_space<hbm>> -> memref<400xi32, #tpu.memory_space<hbm>>
      %dma_start3A_172 = tpu.memref_slice %arg4[%add3A_132] : memref<102400xi32, #tpu.memory_space<hbm>> -> memref<400xi32, #tpu.memory_space<hbm>>
      tpu.enqueue_dma source(%dma_start3A_172 : memref<400xi32, #tpu.memory_space<hbm>>) target(%arg7 : memref<400xi32, #tpu.memory_space<vmem>>) target_semaphore(%run_scoped3A : memref<!tpu.dma_semaphore, #tpu.memory_space<semaphore_mem>>)
      %dma_wait3A_173 = tpu.memref_slice %arg4[%add3A_132] : memref<102400xi32, #tpu.memory_space<hbm>> -> memref<400xi32, #tpu.memory_space<hbm>>
      %dma_wait3A_174 = tpu.memref_slice %arg4[%add3A_132] : memref<102400xi32, #tpu.memory_space<hbm>> -> memref<400xi32, #tpu.memory_space<hbm>>
      tpu.wait_dma2 semaphore(%run_scoped3A : memref<!tpu.dma_semaphore, #tpu.memory_space<semaphore_mem>>) src(%dma_wait3A_174 : memref<400xi32, #tpu.memory_space<hbm>>) dst(%arg7 : memref<400xi32, #tpu.memory_space<vmem>>)
      tpu.yield
    }) : () -> ()
    %dma_start3A_133 = arith.constant 0 : i32
    %dma_start3A_134 = arith.constant 0 : i32
    %dma_start3A_135 = tpu.memref_slice %arg2[%dma_start3A_133, %dma_start3A_134] : memref<10000x128xf32, #tpu.memory_space<hbm>> -> memref<10000x128xf32, #tpu.memory_space<hbm>>
    tpu.enqueue_indirect_dma source(%dma_start3A_135 : memref<10000x128xf32, #tpu.memory_space<hbm>>) target(%arg8 : memref<400x128xf32, #tpu.memory_space<vmem>>) offsets(%arg6 : memref<400xi32, #tpu.memory_space<vmem>>) semaphore(%arg11 : memref<!tpu.dma_semaphore, #tpu.memory_space<semaphore_mem>>)
    %dma_start3A_136 = arith.constant 0 : i32
    %dma_start3A_137 = arith.constant 0 : i32
    %dma_start3A_138 = tpu.memref_slice %arg2[%dma_start3A_136, %dma_start3A_137] : memref<10000x128xf32, #tpu.memory_space<hbm>> -> memref<10000x128xf32, #tpu.memory_space<hbm>>
    tpu.enqueue_indirect_dma source(%dma_start3A_138 : memref<10000x128xf32, #tpu.memory_space<hbm>>) target(%arg9 : memref<400x128xf32, #tpu.memory_space<vmem>>) offsets(%arg7 : memref<400xi32, #tpu.memory_space<vmem>>) semaphore(%arg12 : memref<!tpu.dma_semaphore, #tpu.memory_space<semaphore_mem>>)
    %dma_wait3A_139 = arith.constant 0 : i32
    %dma_wait3A_140 = arith.constant 0 : i32
    %dma_wait3A_141 = tpu.memref_slice %arg2[%dma_wait3A_139, %dma_wait3A_140] : memref<10000x128xf32, #tpu.memory_space<hbm>> -> memref<10000x128xf32, #tpu.memory_space<hbm>>
    tpu.wait_indirect_dma semaphore(%arg11 : memref<!tpu.dma_semaphore, #tpu.memory_space<semaphore_mem>>) src(%dma_wait3A_141 : memref<10000x128xf32, #tpu.memory_space<hbm>>) dst(%arg8 : memref<400x128xf32, #tpu.memory_space<vmem>>)
    %dma_wait3A_142 = arith.constant 0 : i32
    %dma_wait3A_143 = arith.constant 0 : i32
    %dma_wait3A_144 = tpu.memref_slice %arg2[%dma_wait3A_142, %dma_wait3A_143] : memref<10000x128xf32, #tpu.memory_space<hbm>> -> memref<10000x128xf32, #tpu.memory_space<hbm>>
    tpu.wait_indirect_dma semaphore(%arg12 : memref<!tpu.dma_semaphore, #tpu.memory_space<semaphore_mem>>) src(%dma_wait3A_144 : memref<10000x128xf32, #tpu.memory_space<hbm>>) dst(%arg9 : memref<400x128xf32, #tpu.memory_space<vmem>>)
    %scan3A_145 = arith.constant 0 : i32
    %scan3A_146 = arith.constant 0 : i32
    %scan3A_147 = arith.constant 25 : i32
    %scan3A_148 = arith.addi %scan3A_146, %scan3A_147 : i32
    %scan3A_149 = arith.constant 1 : i32
    scf.for %scan3A_171 = %scan3A_146 to %scan3A_148 step %scan3A_149  : i32 {
      %broadcast_in_dim3A = arith.constant 0.000000e+00 : f32
      %broadcast_in_dim3A_172 = vector.broadcast %broadcast_in_dim3A : f32 to vector<16xf32>
      %scan3A_173 = arith.constant 0 : i32
      %scan3A_174 = arith.constant 4 : i32
      %scan3A_175 = arith.addi %scan3A_173, %scan3A_174 : i32
      %scan3A_176 = arith.constant 1 : i32
      %scan3A_177 = scf.for %scan3A_184 = %scan3A_173 to %scan3A_175 step %scan3A_176 iter_args(%scan3A_185 = %broadcast_in_dim3A_172) -> (vector<16xf32>)  : i32 {
        %mul3A_186 = arith.constant 16 : i32
        %mul3A_187 = arith.muli %scan3A_171, %mul3A_186 : i32
        %mul3A_188 = arith.constant 4 : i32
        %mul3A_189 = arith.muli %scan3A_184, %mul3A_188 : i32
        %add3A_190 = arith.addi %mul3A_187, %mul3A_189 : i32
        %add3A_191 = arith.constant 0 : i32
        %add3A_192 = arith.addi %add3A_190, %add3A_191 : i32
        %get3A = arith.index_cast %add3A_192 : i32 to index
        %get3A_193 = arith.constant 0 : index
        %get3A_194 = tpu.vector_load %arg8[%get3A, %get3A_193] {strides = array<i32>} : memref<400x128xf32, #tpu.memory_space<vmem>>, vector<1x16xf32>,
        %get3A_195 = vector.shape_cast %get3A_194 : vector<1x16xf32> to vector<16xf32>
        %get3A_196 = arith.index_cast %add3A_192 : i32 to index
        %get3A_197 = arith.constant 0 : index
        %get3A_198 = tpu.vector_load %arg9[%get3A_196, %get3A_197] {strides = array<i32>} : memref<400x128xf32, #tpu.memory_space<vmem>>, vector<1x16xf32>,
        %get3A_199 = vector.shape_cast %get3A_198 : vector<1x16xf32> to vector<16xf32>
        %mul3A_200 = arith.mulf %get3A_195, %get3A_199 : vector<16xf32>
        %get3A_201 = arith.index_cast %add3A_192 : i32 to index
        %get3A_202 = arith.constant 16 : index
        %get3A_203 = tpu.vector_load %arg8[%get3A_201, %get3A_202] {strides = array<i32>} : memref<400x128xf32, #tpu.memory_space<vmem>>, vector<1x16xf32>,
        %get3A_204 = vector.shape_cast %get3A_203 : vector<1x16xf32> to vector<16xf32>
        %get3A_205 = arith.index_cast %add3A_192 : i32 to index
        %get3A_206 = arith.constant 16 : index
        %get3A_207 = tpu.vector_load %arg9[%get3A_205, %get3A_206] {strides = array<i32>} : memref<400x128xf32, #tpu.memory_space<vmem>>, vector<1x16xf32>,
        %get3A_208 = vector.shape_cast %get3A_207 : vector<1x16xf32> to vector<16xf32>
        %mul3A_209 = arith.mulf %get3A_204, %get3A_208 : vector<16xf32>
        %add3A_210 = arith.addf %mul3A_200, %mul3A_209 : vector<16xf32>
        %get3A_211 = arith.index_cast %add3A_192 : i32 to index
        %get3A_212 = arith.constant 32 : index
        %get3A_213 = tpu.vector_load %arg8[%get3A_211, %get3A_212] {strides = array<i32>} : memref<400x128xf32, #tpu.memory_space<vmem>>, vector<1x16xf32>,
        %get3A_214 = vector.shape_cast %get3A_213 : vector<1x16xf32> to vector<16xf32>
        %get3A_215 = arith.index_cast %add3A_192 : i32 to index
        %get3A_216 = arith.constant 32 : index
        %get3A_217 = tpu.vector_load %arg9[%get3A_215, %get3A_216] {strides = array<i32>} : memref<400x128xf32, #tpu.memory_space<vmem>>, vector<1x16xf32>,
        %get3A_218 = vector.shape_cast %get3A_217 : vector<1x16xf32> to vector<16xf32>
        %mul3A_219 = arith.mulf %get3A_214, %get3A_218 : vector<16xf32>
        %add3A_220 = arith.addf %add3A_210, %mul3A_219 : vector<16xf32>
        %get3A_221 = arith.index_cast %add3A_192 : i32 to index
        %get3A_222 = arith.constant 48 : index
        %get3A_223 = tpu.vector_load %arg8[%get3A_221, %get3A_222] {strides = array<i32>} : memref<400x128xf32, #tpu.memory_space<vmem>>, vector<1x16xf32>,
        %get3A_224 = vector.shape_cast %get3A_223 : vector<1x16xf32> to vector<16xf32>
        %get3A_225 = arith.index_cast %add3A_192 : i32 to index
        %get3A_226 = arith.constant 48 : index
        %get3A_227 = tpu.vector_load %arg9[%get3A_225, %get3A_226] {strides = array<i32>} : memref<400x128xf32, #tpu.memory_space<vmem>>, vector<1x16xf32>,
        %get3A_228 = vector.shape_cast %get3A_227 : vector<1x16xf32> to vector<16xf32>
        %mul3A_229 = arith.mulf %get3A_224, %get3A_228 : vector<16xf32>
        %add3A_230 = arith.addf %add3A_220, %mul3A_229 : vector<16xf32>
        %get3A_231 = arith.index_cast %add3A_192 : i32 to index
        %get3A_232 = arith.constant 64 : index
        %get3A_233 = tpu.vector_load %arg8[%get3A_231, %get3A_232] {strides = array<i32>} : memref<400x128xf32, #tpu.memory_space<vmem>>, vector<1x16xf32>,
        %get3A_234 = vector.shape_cast %get3A_233 : vector<1x16xf32> to vector<16xf32>
        %get3A_235 = arith.index_cast %add3A_192 : i32 to index
        %get3A_236 = arith.constant 64 : index
        %get3A_237 = tpu.vector_load %arg9[%get3A_235, %get3A_236] {strides = array<i32>} : memref<400x128xf32, #tpu.memory_space<vmem>>, vector<1x16xf32>,
        %get3A_238 = vector.shape_cast %get3A_237 : vector<1x16xf32> to vector<16xf32>
        %mul3A_239 = arith.mulf %get3A_234, %get3A_238 : vector<16xf32>
        %add3A_240 = arith.addf %add3A_230, %mul3A_239 : vector<16xf32>
        %get3A_241 = arith.index_cast %add3A_192 : i32 to index
        %get3A_242 = arith.constant 80 : index
        %get3A_243 = tpu.vector_load %arg8[%get3A_241, %get3A_242] {strides = array<i32>} : memref<400x128xf32, #tpu.memory_space<vmem>>, vector<1x16xf32>,
        %get3A_244 = vector.shape_cast %get3A_243 : vector<1x16xf32> to vector<16xf32>
        %get3A_245 = arith.index_cast %add3A_192 : i32 to index
        %get3A_246 = arith.constant 80 : index
        %get3A_247 = tpu.vector_load %arg9[%get3A_245, %get3A_246] {strides = array<i32>} : memref<400x128xf32, #tpu.memory_space<vmem>>, vector<1x16xf32>,
        %get3A_248 = vector.shape_cast %get3A_247 : vector<1x16xf32> to vector<16xf32>
        %mul3A_249 = arith.mulf %get3A_244, %get3A_248 : vector<16xf32>
        %add3A_250 = arith.addf %add3A_240, %mul3A_249 : vector<16xf32>
        %get3A_251 = arith.index_cast %add3A_192 : i32 to index
        %get3A_252 = arith.constant 96 : index
        %get3A_253 = tpu.vector_load %arg8[%get3A_251, %get3A_252] {strides = array<i32>} : memref<400x128xf32, #tpu.memory_space<vmem>>, vector<1x16xf32>,
        %get3A_254 = vector.shape_cast %get3A_253 : vector<1x16xf32> to vector<16xf32>
        %get3A_255 = arith.index_cast %add3A_192 : i32 to index
        %get3A_256 = arith.constant 96 : index
        %get3A_257 = tpu.vector_load %arg9[%get3A_255, %get3A_256] {strides = array<i32>} : memref<400x128xf32, #tpu.memory_space<vmem>>, vector<1x16xf32>,
        %get3A_258 = vector.shape_cast %get3A_257 : vector<1x16xf32> to vector<16xf32>
        %mul3A_259 = arith.mulf %get3A_254, %get3A_258 : vector<16xf32>
        %add3A_260 = arith.addf %add3A_250, %mul3A_259 : vector<16xf32>
        %get3A_261 = arith.index_cast %add3A_192 : i32 to index
        %get3A_262 = arith.constant 112 : index
        %get3A_263 = tpu.vector_load %arg8[%get3A_261, %get3A_262] {strides = array<i32>} : memref<400x128xf32, #tpu.memory_space<vmem>>, vector<1x16xf32>,
        %get3A_264 = vector.shape_cast %get3A_263 : vector<1x16xf32> to vector<16xf32>
        %get3A_265 = arith.index_cast %add3A_192 : i32 to index
        %get3A_266 = arith.constant 112 : index
        %get3A_267 = tpu.vector_load %arg9[%get3A_265, %get3A_266] {strides = array<i32>} : memref<400x128xf32, #tpu.memory_space<vmem>>, vector<1x16xf32>,
        %get3A_268 = vector.shape_cast %get3A_267 : vector<1x16xf32> to vector<16xf32>
        %mul3A_269 = arith.mulf %get3A_264, %get3A_268 : vector<16xf32>
        %add3A_270 = arith.addf %add3A_260, %mul3A_269 : vector<16xf32>
        %broadcast_in_dim3A_271 = vector.shape_cast %xor3A_4 : vector<16xi32> to vector<16x1xi32>
        %gather3A = vector.shape_cast %broadcast_in_dim3A_271 : vector<16x1xi32> to vector<16xi32>
        %gather3A_272 = tpu.dynamic_gather %add3A_270[%gather3A] in [0] : vector<16xf32>, vector<16xi32> -> vector<16xf32>
        %add3A_273 = arith.addf %add3A_270, %gather3A_272 : vector<16xf32>
        %broadcast_in_dim3A_274 = vector.shape_cast %xor3A_7 : vector<16xi32> to vector<16x1xi32>
        %gather3A_275 = vector.shape_cast %broadcast_in_dim3A_274 : vector<16x1xi32> to vector<16xi32>
        %gather3A_276 = tpu.dynamic_gather %add3A_273[%gather3A_275] in [0] : vector<16xf32>, vector<16xi32> -> vector<16xf32>
        %add3A_277 = arith.addf %add3A_273, %gather3A_276 : vector<16xf32>
        %broadcast_in_dim3A_278 = vector.shape_cast %xor3A_10 : vector<16xi32> to vector<16x1xi32>
        %gather3A_279 = vector.shape_cast %broadcast_in_dim3A_278 : vector<16x1xi32> to vector<16xi32>
        %gather3A_280 = tpu.dynamic_gather %add3A_277[%gather3A_279] in [0] : vector<16xf32>, vector<16xi32> -> vector<16xf32>
        %add3A_281 = arith.addf %add3A_277, %gather3A_280 : vector<16xf32>
        %broadcast_in_dim3A_282 = vector.shape_cast %xor3A_13 : vector<16xi32> to vector<16x1xi32>
        %gather3A_283 = vector.shape_cast %broadcast_in_dim3A_282 : vector<16x1xi32> to vector<16xi32>
        %gather3A_284 = tpu.dynamic_gather %add3A_281[%gather3A_283] in [0] : vector<16xf32>, vector<16xi32> -> vector<16xf32>
        %add3A_285 = arith.addf %add3A_281, %gather3A_284 : vector<16xf32>
        %mul3A_286 = arith.constant 16 : i32
        %mul3A_287 = arith.muli %scan3A_171, %mul3A_286 : i32
        %mul3A_288 = arith.constant 4 : i32
        %mul3A_289 = arith.muli %scan3A_184, %mul3A_288 : i32
        %add3A_290 = arith.addi %mul3A_287, %mul3A_289 : i32
        %add3A_291 = arith.constant 1 : i32
        %add3A_292 = arith.addi %add3A_290, %add3A_291 : i32
        %get3A_293 = arith.index_cast %add3A_292 : i32 to index
        %get3A_294 = arith.constant 0 : index
        %get3A_295 = tpu.vector_load %arg8[%get3A_293, %get3A_294] {strides = array<i32>} : memref<400x128xf32, #tpu.memory_space<vmem>>, vector<1x16xf32>,
        %get3A_296 = vector.shape_cast %get3A_295 : vector<1x16xf32> to vector<16xf32>
        %get3A_297 = arith.index_cast %add3A_292 : i32 to index
        %get3A_298 = arith.constant 0 : index
        %get3A_299 = tpu.vector_load %arg9[%get3A_297, %get3A_298] {strides = array<i32>} : memref<400x128xf32, #tpu.memory_space<vmem>>, vector<1x16xf32>,
        %get3A_300 = vector.shape_cast %get3A_299 : vector<1x16xf32> to vector<16xf32>
        %mul3A_301 = arith.mulf %get3A_296, %get3A_300 : vector<16xf32>
        %get3A_302 = arith.index_cast %add3A_292 : i32 to index
        %get3A_303 = arith.constant 16 : index
        %get3A_304 = tpu.vector_load %arg8[%get3A_302, %get3A_303] {strides = array<i32>} : memref<400x128xf32, #tpu.memory_space<vmem>>, vector<1x16xf32>,
        %get3A_305 = vector.shape_cast %get3A_304 : vector<1x16xf32> to vector<16xf32>
        %get3A_306 = arith.index_cast %add3A_292 : i32 to index
        %get3A_307 = arith.constant 16 : index
        %get3A_308 = tpu.vector_load %arg9[%get3A_306, %get3A_307] {strides = array<i32>} : memref<400x128xf32, #tpu.memory_space<vmem>>, vector<1x16xf32>,
        %get3A_309 = vector.shape_cast %get3A_308 : vector<1x16xf32> to vector<16xf32>
        %mul3A_310 = arith.mulf %get3A_305, %get3A_309 : vector<16xf32>
        %add3A_311 = arith.addf %mul3A_301, %mul3A_310 : vector<16xf32>
        %get3A_312 = arith.index_cast %add3A_292 : i32 to index
        %get3A_313 = arith.constant 32 : index
        %get3A_314 = tpu.vector_load %arg8[%get3A_312, %get3A_313] {strides = array<i32>} : memref<400x128xf32, #tpu.memory_space<vmem>>, vector<1x16xf32>,
        %get3A_315 = vector.shape_cast %get3A_314 : vector<1x16xf32> to vector<16xf32>
        %get3A_316 = arith.index_cast %add3A_292 : i32 to index
        %get3A_317 = arith.constant 32 : index
        %get3A_318 = tpu.vector_load %arg9[%get3A_316, %get3A_317] {strides = array<i32>} : memref<400x128xf32, #tpu.memory_space<vmem>>, vector<1x16xf32>,
        %get3A_319 = vector.shape_cast %get3A_318 : vector<1x16xf32> to vector<16xf32>
        %mul3A_320 = arith.mulf %get3A_315, %get3A_319 : vector<16xf32>
        %add3A_321 = arith.addf %add3A_311, %mul3A_320 : vector<16xf32>
        %get3A_322 = arith.index_cast %add3A_292 : i32 to index
        %get3A_323 = arith.constant 48 : index
        %get3A_324 = tpu.vector_load %arg8[%get3A_322, %get3A_323] {strides = array<i32>} : memref<400x128xf32, #tpu.memory_space<vmem>>, vector<1x16xf32>,
        %get3A_325 = vector.shape_cast %get3A_324 : vector<1x16xf32> to vector<16xf32>
        %get3A_326 = arith.index_cast %add3A_292 : i32 to index
        %get3A_327 = arith.constant 48 : index
        %get3A_328 = tpu.vector_load %arg9[%get3A_326, %get3A_327] {strides = array<i32>} : memref<400x128xf32, #tpu.memory_space<vmem>>, vector<1x16xf32>,
        %get3A_329 = vector.shape_cast %get3A_328 : vector<1x16xf32> to vector<16xf32>
        %mul3A_330 = arith.mulf %get3A_325, %get3A_329 : vector<16xf32>
        %add3A_331 = arith.addf %add3A_321, %mul3A_330 : vector<16xf32>
        %get3A_332 = arith.index_cast %add3A_292 : i32 to index
        %get3A_333 = arith.constant 64 : index
        %get3A_334 = tpu.vector_load %arg8[%get3A_332, %get3A_333] {strides = array<i32>} : memref<400x128xf32, #tpu.memory_space<vmem>>, vector<1x16xf32>,
        %get3A_335 = vector.shape_cast %get3A_334 : vector<1x16xf32> to vector<16xf32>
        %get3A_336 = arith.index_cast %add3A_292 : i32 to index
        %get3A_337 = arith.constant 64 : index
        %get3A_338 = tpu.vector_load %arg9[%get3A_336, %get3A_337] {strides = array<i32>} : memref<400x128xf32, #tpu.memory_space<vmem>>, vector<1x16xf32>,
        %get3A_339 = vector.shape_cast %get3A_338 : vector<1x16xf32> to vector<16xf32>
        %mul3A_340 = arith.mulf %get3A_335, %get3A_339 : vector<16xf32>
        %add3A_341 = arith.addf %add3A_331, %mul3A_340 : vector<16xf32>
        %get3A_342 = arith.index_cast %add3A_292 : i32 to index
        %get3A_343 = arith.constant 80 : index
        %get3A_344 = tpu.vector_load %arg8[%get3A_342, %get3A_343] {strides = array<i32>} : memref<400x128xf32, #tpu.memory_space<vmem>>, vector<1x16xf32>,
        %get3A_345 = vector.shape_cast %get3A_344 : vector<1x16xf32> to vector<16xf32>
        %get3A_346 = arith.index_cast %add3A_292 : i32 to index
        %get3A_347 = arith.constant 80 : index
        %get3A_348 = tpu.vector_load %arg9[%get3A_346, %get3A_347] {strides = array<i32>} : memref<400x128xf32, #tpu.memory_space<vmem>>, vector<1x16xf32>,
        %get3A_349 = vector.shape_cast %get3A_348 : vector<1x16xf32> to vector<16xf32>
        %mul3A_350 = arith.mulf %get3A_345, %get3A_349 : vector<16xf32>
        %add3A_351 = arith.addf %add3A_341, %mul3A_350 : vector<16xf32>
        %get3A_352 = arith.index_cast %add3A_292 : i32 to index
        %get3A_353 = arith.constant 96 : index
        %get3A_354 = tpu.vector_load %arg8[%get3A_352, %get3A_353] {strides = array<i32>} : memref<400x128xf32, #tpu.memory_space<vmem>>, vector<1x16xf32>,
        %get3A_355 = vector.shape_cast %get3A_354 : vector<1x16xf32> to vector<16xf32>
        %get3A_356 = arith.index_cast %add3A_292 : i32 to index
        %get3A_357 = arith.constant 96 : index
        %get3A_358 = tpu.vector_load %arg9[%get3A_356, %get3A_357] {strides = array<i32>} : memref<400x128xf32, #tpu.memory_space<vmem>>, vector<1x16xf32>,
        %get3A_359 = vector.shape_cast %get3A_358 : vector<1x16xf32> to vector<16xf32>
        %mul3A_360 = arith.mulf %get3A_355, %get3A_359 : vector<16xf32>
        %add3A_361 = arith.addf %add3A_351, %mul3A_360 : vector<16xf32>
        %get3A_362 = arith.index_cast %add3A_292 : i32 to index
        %get3A_363 = arith.constant 112 : index
        %get3A_364 = tpu.vector_load %arg8[%get3A_362, %get3A_363] {strides = array<i32>} : memref<400x128xf32, #tpu.memory_space<vmem>>, vector<1x16xf32>,
        %get3A_365 = vector.shape_cast %get3A_364 : vector<1x16xf32> to vector<16xf32>
        %get3A_366 = arith.index_cast %add3A_292 : i32 to index
        %get3A_367 = arith.constant 112 : index
        %get3A_368 = tpu.vector_load %arg9[%get3A_366, %get3A_367] {strides = array<i32>} : memref<400x128xf32, #tpu.memory_space<vmem>>, vector<1x16xf32>,
        %get3A_369 = vector.shape_cast %get3A_368 : vector<1x16xf32> to vector<16xf32>
        %mul3A_370 = arith.mulf %get3A_365, %get3A_369 : vector<16xf32>
        %add3A_371 = arith.addf %add3A_361, %mul3A_370 : vector<16xf32>
        %broadcast_in_dim3A_372 = vector.shape_cast %xor3A_4 : vector<16xi32> to vector<16x1xi32>
        %gather3A_373 = vector.shape_cast %broadcast_in_dim3A_372 : vector<16x1xi32> to vector<16xi32>
        %gather3A_374 = tpu.dynamic_gather %add3A_371[%gather3A_373] in [0] : vector<16xf32>, vector<16xi32> -> vector<16xf32>
        %add3A_375 = arith.addf %add3A_371, %gather3A_374 : vector<16xf32>
        %broadcast_in_dim3A_376 = vector.shape_cast %xor3A_7 : vector<16xi32> to vector<16x1xi32>
        %gather3A_377 = vector.shape_cast %broadcast_in_dim3A_376 : vector<16x1xi32> to vector<16xi32>
        %gather3A_378 = tpu.dynamic_gather %add3A_375[%gather3A_377] in [0] : vector<16xf32>, vector<16xi32> -> vector<16xf32>
        %add3A_379 = arith.addf %add3A_375, %gather3A_378 : vector<16xf32>
        %broadcast_in_dim3A_380 = vector.shape_cast %xor3A_10 : vector<16xi32> to vector<16x1xi32>
        %gather3A_381 = vector.shape_cast %broadcast_in_dim3A_380 : vector<16x1xi32> to vector<16xi32>
        %gather3A_382 = tpu.dynamic_gather %add3A_379[%gather3A_381] in [0] : vector<16xf32>, vector<16xi32> -> vector<16xf32>
        %add3A_383 = arith.addf %add3A_379, %gather3A_382 : vector<16xf32>
        %broadcast_in_dim3A_384 = vector.shape_cast %xor3A_13 : vector<16xi32> to vector<16x1xi32>
        %gather3A_385 = vector.shape_cast %broadcast_in_dim3A_384 : vector<16x1xi32> to vector<16xi32>
        %gather3A_386 = tpu.dynamic_gather %add3A_383[%gather3A_385] in [0] : vector<16xf32>, vector<16xi32> -> vector<16xf32>
        %add3A_387 = arith.addf %add3A_383, %gather3A_386 : vector<16xf32>
        %mul3A_388 = arith.constant 16 : i32
        %mul3A_389 = arith.muli %scan3A_171, %mul3A_388 : i32
        %mul3A_390 = arith.constant 4 : i32
        %mul3A_391 = arith.muli %scan3A_184, %mul3A_390 : i32
        %add3A_392 = arith.addi %mul3A_389, %mul3A_391 : i32
        %add3A_393 = arith.constant 2 : i32
        %add3A_394 = arith.addi %add3A_392, %add3A_393 : i32
        %get3A_395 = arith.index_cast %add3A_394 : i32 to index
        %get3A_396 = arith.constant 0 : index
        %get3A_397 = tpu.vector_load %arg8[%get3A_395, %get3A_396] {strides = array<i32>} : memref<400x128xf32, #tpu.memory_space<vmem>>, vector<1x16xf32>,
        %get3A_398 = vector.shape_cast %get3A_397 : vector<1x16xf32> to vector<16xf32>
        %get3A_399 = arith.index_cast %add3A_394 : i32 to index
        %get3A_400 = arith.constant 0 : index
        %get3A_401 = tpu.vector_load %arg9[%get3A_399, %get3A_400] {strides = array<i32>} : memref<400x128xf32, #tpu.memory_space<vmem>>, vector<1x16xf32>,
        %get3A_402 = vector.shape_cast %get3A_401 : vector<1x16xf32> to vector<16xf32>
        %mul3A_403 = arith.mulf %get3A_398, %get3A_402 : vector<16xf32>
        %get3A_404 = arith.index_cast %add3A_394 : i32 to index
        %get3A_405 = arith.constant 16 : index
        %get3A_406 = tpu.vector_load %arg8[%get3A_404, %get3A_405] {strides = array<i32>} : memref<400x128xf32, #tpu.memory_space<vmem>>, vector<1x16xf32>,
        %get3A_407 = vector.shape_cast %get3A_406 : vector<1x16xf32> to vector<16xf32>
        %get3A_408 = arith.index_cast %add3A_394 : i32 to index
        %get3A_409 = arith.constant 16 : index
        %get3A_410 = tpu.vector_load %arg9[%get3A_408, %get3A_409] {strides = array<i32>} : memref<400x128xf32, #tpu.memory_space<vmem>>, vector<1x16xf32>,
        %get3A_411 = vector.shape_cast %get3A_410 : vector<1x16xf32> to vector<16xf32>
        %mul3A_412 = arith.mulf %get3A_407, %get3A_411 : vector<16xf32>
        %add3A_413 = arith.addf %mul3A_403, %mul3A_412 : vector<16xf32>
        %get3A_414 = arith.index_cast %add3A_394 : i32 to index
        %get3A_415 = arith.constant 32 : index
        %get3A_416 = tpu.vector_load %arg8[%get3A_414, %get3A_415] {strides = array<i32>} : memref<400x128xf32, #tpu.memory_space<vmem>>, vector<1x16xf32>,
        %get3A_417 = vector.shape_cast %get3A_416 : vector<1x16xf32> to vector<16xf32>
        %get3A_418 = arith.index_cast %add3A_394 : i32 to index
        %get3A_419 = arith.constant 32 : index
        %get3A_420 = tpu.vector_load %arg9[%get3A_418, %get3A_419] {strides = array<i32>} : memref<400x128xf32, #tpu.memory_space<vmem>>, vector<1x16xf32>,
        %get3A_421 = vector.shape_cast %get3A_420 : vector<1x16xf32> to vector<16xf32>
        %mul3A_422 = arith.mulf %get3A_417, %get3A_421 : vector<16xf32>
        %add3A_423 = arith.addf %add3A_413, %mul3A_422 : vector<16xf32>
        %get3A_424 = arith.index_cast %add3A_394 : i32 to index
        %get3A_425 = arith.constant 48 : index
        %get3A_426 = tpu.vector_load %arg8[%get3A_424, %get3A_425] {strides = array<i32>} : memref<400x128xf32, #tpu.memory_space<vmem>>, vector<1x16xf32>,
        %get3A_427 = vector.shape_cast %get3A_426 : vector<1x16xf32> to vector<16xf32>
        %get3A_428 = arith.index_cast %add3A_394 : i32 to index
        %get3A_429 = arith.constant 48 : index
        %get3A_430 = tpu.vector_load %arg9[%get3A_428, %get3A_429] {strides = array<i32>} : memref<400x128xf32, #tpu.memory_space<vmem>>, vector<1x16xf32>,
        %get3A_431 = vector.shape_cast %get3A_430 : vector<1x16xf32> to vector<16xf32>
        %mul3A_432 = arith.mulf %get3A_427, %get3A_431 : vector<16xf32>
        %add3A_433 = arith.addf %add3A_423, %mul3A_432 : vector<16xf32>
        %get3A_434 = arith.index_cast %add3A_394 : i32 to index
        %get3A_435 = arith.constant 64 : index
        %get3A_436 = tpu.vector_load %arg8[%get3A_434, %get3A_435] {strides = array<i32>} : memref<400x128xf32, #tpu.memory_space<vmem>>, vector<1x16xf32>,
        %get3A_437 = vector.shape_cast %get3A_436 : vector<1x16xf32> to vector<16xf32>
        %get3A_438 = arith.index_cast %add3A_394 : i32 to index
        %get3A_439 = arith.constant 64 : index
        %get3A_440 = tpu.vector_load %arg9[%get3A_438, %get3A_439] {strides = array<i32>} : memref<400x128xf32, #tpu.memory_space<vmem>>, vector<1x16xf32>,
        %get3A_441 = vector.shape_cast %get3A_440 : vector<1x16xf32> to vector<16xf32>
        %mul3A_442 = arith.mulf %get3A_437, %get3A_441 : vector<16xf32>
        %add3A_443 = arith.addf %add3A_433, %mul3A_442 : vector<16xf32>
        %get3A_444 = arith.index_cast %add3A_394 : i32 to index
        %get3A_445 = arith.constant 80 : index
        %get3A_446 = tpu.vector_load %arg8[%get3A_444, %get3A_445] {strides = array<i32>} : memref<400x128xf32, #tpu.memory_space<vmem>>, vector<1x16xf32>,
        %get3A_447 = vector.shape_cast %get3A_446 : vector<1x16xf32> to vector<16xf32>
        %get3A_448 = arith.index_cast %add3A_394 : i32 to index
        %get3A_449 = arith.constant 80 : index
        %get3A_450 = tpu.vector_load %arg9[%get3A_448, %get3A_449] {strides = array<i32>} : memref<400x128xf32, #tpu.memory_space<vmem>>, vector<1x16xf32>,
        %get3A_451 = vector.shape_cast %get3A_450 : vector<1x16xf32> to vector<16xf32>
        %mul3A_452 = arith.mulf %get3A_447, %get3A_451 : vector<16xf32>
        %add3A_453 = arith.addf %add3A_443, %mul3A_452 : vector<16xf32>
        %get3A_454 = arith.index_cast %add3A_394 : i32 to index
        %get3A_455 = arith.constant 96 : index
        %get3A_456 = tpu.vector_load %arg8[%get3A_454, %get3A_455] {strides = array<i32>} : memref<400x128xf32, #tpu.memory_space<vmem>>, vector<1x16xf32>,
        %get3A_457 = vector.shape_cast %get3A_456 : vector<1x16xf32> to vector<16xf32>
        %get3A_458 = arith.index_cast %add3A_394 : i32 to index
        %get3A_459 = arith.constant 96 : index
        %get3A_460 = tpu.vector_load %arg9[%get3A_458, %get3A_459] {strides = array<i32>} : memref<400x128xf32, #tpu.memory_space<vmem>>, vector<1x16xf32>,
        %get3A_461 = vector.shape_cast %get3A_460 : vector<1x16xf32> to vector<16xf32>
        %mul3A_462 = arith.mulf %get3A_457, %get3A_461 : vector<16xf32>
        %add3A_463 = arith.addf %add3A_453, %mul3A_462 : vector<16xf32>
        %get3A_464 = arith.index_cast %add3A_394 : i32 to index
        %get3A_465 = arith.constant 112 : index
        %get3A_466 = tpu.vector_load %arg8[%get3A_464, %get3A_465] {strides = array<i32>} : memref<400x128xf32, #tpu.memory_space<vmem>>, vector<1x16xf32>,
        %get3A_467 = vector.shape_cast %get3A_466 : vector<1x16xf32> to vector<16xf32>
        %get3A_468 = arith.index_cast %add3A_394 : i32 to index
        %get3A_469 = arith.constant 112 : index
        %get3A_470 = tpu.vector_load %arg9[%get3A_468, %get3A_469] {strides = array<i32>} : memref<400x128xf32, #tpu.memory_space<vmem>>, vector<1x16xf32>,
        %get3A_471 = vector.shape_cast %get3A_470 : vector<1x16xf32> to vector<16xf32>
        %mul3A_472 = arith.mulf %get3A_467, %get3A_471 : vector<16xf32>
        %add3A_473 = arith.addf %add3A_463, %mul3A_472 : vector<16xf32>
        %broadcast_in_dim3A_474 = vector.shape_cast %xor3A_4 : vector<16xi32> to vector<16x1xi32>
        %gather3A_475 = vector.shape_cast %broadcast_in_dim3A_474 : vector<16x1xi32> to vector<16xi32>
        %gather3A_476 = tpu.dynamic_gather %add3A_473[%gather3A_475] in [0] : vector<16xf32>, vector<16xi32> -> vector<16xf32>
        %add3A_477 = arith.addf %add3A_473, %gather3A_476 : vector<16xf32>
        %broadcast_in_dim3A_478 = vector.shape_cast %xor3A_7 : vector<16xi32> to vector<16x1xi32>
        %gather3A_479 = vector.shape_cast %broadcast_in_dim3A_478 : vector<16x1xi32> to vector<16xi32>
        %gather3A_480 = tpu.dynamic_gather %add3A_477[%gather3A_479] in [0] : vector<16xf32>, vector<16xi32> -> vector<16xf32>
        %add3A_481 = arith.addf %add3A_477, %gather3A_480 : vector<16xf32>
        %broadcast_in_dim3A_482 = vector.shape_cast %xor3A_10 : vector<16xi32> to vector<16x1xi32>
        %gather3A_483 = vector.shape_cast %broadcast_in_dim3A_482 : vector<16x1xi32> to vector<16xi32>
        %gather3A_484 = tpu.dynamic_gather %add3A_481[%gather3A_483] in [0] : vector<16xf32>, vector<16xi32> -> vector<16xf32>
        %add3A_485 = arith.addf %add3A_481, %gather3A_484 : vector<16xf32>
        %broadcast_in_dim3A_486 = vector.shape_cast %xor3A_13 : vector<16xi32> to vector<16x1xi32>
        %gather3A_487 = vector.shape_cast %broadcast_in_dim3A_486 : vector<16x1xi32> to vector<16xi32>
        %gather3A_488 = tpu.dynamic_gather %add3A_485[%gather3A_487] in [0] : vector<16xf32>, vector<16xi32> -> vector<16xf32>
        %add3A_489 = arith.addf %add3A_485, %gather3A_488 : vector<16xf32>
        %mul3A_490 = arith.constant 16 : i32
        %mul3A_491 = arith.muli %scan3A_171, %mul3A_490 : i32
        %mul3A_492 = arith.constant 4 : i32
        %mul3A_493 = arith.muli %scan3A_184, %mul3A_492 : i32
        %add3A_494 = arith.addi %mul3A_491, %mul3A_493 : i32
        %add3A_495 = arith.constant 3 : i32
        %add3A_496 = arith.addi %add3A_494, %add3A_495 : i32
        %get3A_497 = arith.index_cast %add3A_496 : i32 to index
        %get3A_498 = arith.constant 0 : index
        %get3A_499 = tpu.vector_load %arg8[%get3A_497, %get3A_498] {strides = array<i32>} : memref<400x128xf32, #tpu.memory_space<vmem>>, vector<1x16xf32>,
        %get3A_500 = vector.shape_cast %get3A_499 : vector<1x16xf32> to vector<16xf32>
        %get3A_501 = arith.index_cast %add3A_496 : i32 to index
        %get3A_502 = arith.constant 0 : index
        %get3A_503 = tpu.vector_load %arg9[%get3A_501, %get3A_502] {strides = array<i32>} : memref<400x128xf32, #tpu.memory_space<vmem>>, vector<1x16xf32>,
        %get3A_504 = vector.shape_cast %get3A_503 : vector<1x16xf32> to vector<16xf32>
        %mul3A_505 = arith.mulf %get3A_500, %get3A_504 : vector<16xf32>
        %get3A_506 = arith.index_cast %add3A_496 : i32 to index
        %get3A_507 = arith.constant 16 : index
        %get3A_508 = tpu.vector_load %arg8[%get3A_506, %get3A_507] {strides = array<i32>} : memref<400x128xf32, #tpu.memory_space<vmem>>, vector<1x16xf32>,
        %get3A_509 = vector.shape_cast %get3A_508 : vector<1x16xf32> to vector<16xf32>
        %get3A_510 = arith.index_cast %add3A_496 : i32 to index
        %get3A_511 = arith.constant 16 : index
        %get3A_512 = tpu.vector_load %arg9[%get3A_510, %get3A_511] {strides = array<i32>} : memref<400x128xf32, #tpu.memory_space<vmem>>, vector<1x16xf32>,
        %get3A_513 = vector.shape_cast %get3A_512 : vector<1x16xf32> to vector<16xf32>
        %mul3A_514 = arith.mulf %get3A_509, %get3A_513 : vector<16xf32>
        %add3A_515 = arith.addf %mul3A_505, %mul3A_514 : vector<16xf32>
        %get3A_516 = arith.index_cast %add3A_496 : i32 to index
        %get3A_517 = arith.constant 32 : index
        %get3A_518 = tpu.vector_load %arg8[%get3A_516, %get3A_517] {strides = array<i32>} : memref<400x128xf32, #tpu.memory_space<vmem>>, vector<1x16xf32>,
        %get3A_519 = vector.shape_cast %get3A_518 : vector<1x16xf32> to vector<16xf32>
        %get3A_520 = arith.index_cast %add3A_496 : i32 to index
        %get3A_521 = arith.constant 32 : index
        %get3A_522 = tpu.vector_load %arg9[%get3A_520, %get3A_521] {strides = array<i32>} : memref<400x128xf32, #tpu.memory_space<vmem>>, vector<1x16xf32>,
        %get3A_523 = vector.shape_cast %get3A_522 : vector<1x16xf32> to vector<16xf32>
        %mul3A_524 = arith.mulf %get3A_519, %get3A_523 : vector<16xf32>
        %add3A_525 = arith.addf %add3A_515, %mul3A_524 : vector<16xf32>
        %get3A_526 = arith.index_cast %add3A_496 : i32 to index
        %get3A_527 = arith.constant 48 : index
        %get3A_528 = tpu.vector_load %arg8[%get3A_526, %get3A_527] {strides = array<i32>} : memref<400x128xf32, #tpu.memory_space<vmem>>, vector<1x16xf32>,
        %get3A_529 = vector.shape_cast %get3A_528 : vector<1x16xf32> to vector<16xf32>
        %get3A_530 = arith.index_cast %add3A_496 : i32 to index
        %get3A_531 = arith.constant 48 : index
        %get3A_532 = tpu.vector_load %arg9[%get3A_530, %get3A_531] {strides = array<i32>} : memref<400x128xf32, #tpu.memory_space<vmem>>, vector<1x16xf32>,
        %get3A_533 = vector.shape_cast %get3A_532 : vector<1x16xf32> to vector<16xf32>
        %mul3A_534 = arith.mulf %get3A_529, %get3A_533 : vector<16xf32>
        %add3A_535 = arith.addf %add3A_525, %mul3A_534 : vector<16xf32>
        %get3A_536 = arith.index_cast %add3A_496 : i32 to index
        %get3A_537 = arith.constant 64 : index
        %get3A_538 = tpu.vector_load %arg8[%get3A_536, %get3A_537] {strides = array<i32>} : memref<400x128xf32, #tpu.memory_space<vmem>>, vector<1x16xf32>,
        %get3A_539 = vector.shape_cast %get3A_538 : vector<1x16xf32> to vector<16xf32>
        %get3A_540 = arith.index_cast %add3A_496 : i32 to index
        %get3A_541 = arith.constant 64 : index
        %get3A_542 = tpu.vector_load %arg9[%get3A_540, %get3A_541] {strides = array<i32>} : memref<400x128xf32, #tpu.memory_space<vmem>>, vector<1x16xf32>,
        %get3A_543 = vector.shape_cast %get3A_542 : vector<1x16xf32> to vector<16xf32>
        %mul3A_544 = arith.mulf %get3A_539, %get3A_543 : vector<16xf32>
        %add3A_545 = arith.addf %add3A_535, %mul3A_544 : vector<16xf32>
        %get3A_546 = arith.index_cast %add3A_496 : i32 to index
        %get3A_547 = arith.constant 80 : index
        %get3A_548 = tpu.vector_load %arg8[%get3A_546, %get3A_547] {strides = array<i32>} : memref<400x128xf32, #tpu.memory_space<vmem>>, vector<1x16xf32>,
        %get3A_549 = vector.shape_cast %get3A_548 : vector<1x16xf32> to vector<16xf32>
        %get3A_550 = arith.index_cast %add3A_496 : i32 to index
        %get3A_551 = arith.constant 80 : index
        %get3A_552 = tpu.vector_load %arg9[%get3A_550, %get3A_551] {strides = array<i32>} : memref<400x128xf32, #tpu.memory_space<vmem>>, vector<1x16xf32>,
        %get3A_553 = vector.shape_cast %get3A_552 : vector<1x16xf32> to vector<16xf32>
        %mul3A_554 = arith.mulf %get3A_549, %get3A_553 : vector<16xf32>
        %add3A_555 = arith.addf %add3A_545, %mul3A_554 : vector<16xf32>
        %get3A_556 = arith.index_cast %add3A_496 : i32 to index
        %get3A_557 = arith.constant 96 : index
        %get3A_558 = tpu.vector_load %arg8[%get3A_556, %get3A_557] {strides = array<i32>} : memref<400x128xf32, #tpu.memory_space<vmem>>, vector<1x16xf32>,
        %get3A_559 = vector.shape_cast %get3A_558 : vector<1x16xf32> to vector<16xf32>
        %get3A_560 = arith.index_cast %add3A_496 : i32 to index
        %get3A_561 = arith.constant 96 : index
        %get3A_562 = tpu.vector_load %arg9[%get3A_560, %get3A_561] {strides = array<i32>} : memref<400x128xf32, #tpu.memory_space<vmem>>, vector<1x16xf32>,
        %get3A_563 = vector.shape_cast %get3A_562 : vector<1x16xf32> to vector<16xf32>
        %mul3A_564 = arith.mulf %get3A_559, %get3A_563 : vector<16xf32>
        %add3A_565 = arith.addf %add3A_555, %mul3A_564 : vector<16xf32>
        %get3A_566 = arith.index_cast %add3A_496 : i32 to index
        %get3A_567 = arith.constant 112 : index
        %get3A_568 = tpu.vector_load %arg8[%get3A_566, %get3A_567] {strides = array<i32>} : memref<400x128xf32, #tpu.memory_space<vmem>>, vector<1x16xf32>,
        %get3A_569 = vector.shape_cast %get3A_568 : vector<1x16xf32> to vector<16xf32>
        %get3A_570 = arith.index_cast %add3A_496 : i32 to index
        %get3A_571 = arith.constant 112 : index
        %get3A_572 = tpu.vector_load %arg9[%get3A_570, %get3A_571] {strides = array<i32>} : memref<400x128xf32, #tpu.memory_space<vmem>>, vector<1x16xf32>,
        %get3A_573 = vector.shape_cast %get3A_572 : vector<1x16xf32> to vector<16xf32>
        %mul3A_574 = arith.mulf %get3A_569, %get3A_573 : vector<16xf32>
        %add3A_575 = arith.addf %add3A_565, %mul3A_574 : vector<16xf32>
        %broadcast_in_dim3A_576 = vector.shape_cast %xor3A_4 : vector<16xi32> to vector<16x1xi32>
        %gather3A_577 = vector.shape_cast %broadcast_in_dim3A_576 : vector<16x1xi32> to vector<16xi32>
        %gather3A_578 = tpu.dynamic_gather %add3A_575[%gather3A_577] in [0] : vector<16xf32>, vector<16xi32> -> vector<16xf32>
        %add3A_579 = arith.addf %add3A_575, %gather3A_578 : vector<16xf32>
        %broadcast_in_dim3A_580 = vector.shape_cast %xor3A_7 : vector<16xi32> to vector<16x1xi32>
        %gather3A_581 = vector.shape_cast %broadcast_in_dim3A_580 : vector<16x1xi32> to vector<16xi32>
        %gather3A_582 = tpu.dynamic_gather %add3A_579[%gather3A_581] in [0] : vector<16xf32>, vector<16xi32> -> vector<16xf32>
        %add3A_583 = arith.addf %add3A_579, %gather3A_582 : vector<16xf32>
        %broadcast_in_dim3A_584 = vector.shape_cast %xor3A_10 : vector<16xi32> to vector<16x1xi32>
        %gather3A_585 = vector.shape_cast %broadcast_in_dim3A_584 : vector<16x1xi32> to vector<16xi32>
        %gather3A_586 = tpu.dynamic_gather %add3A_583[%gather3A_585] in [0] : vector<16xf32>, vector<16xi32> -> vector<16xf32>
        %add3A_587 = arith.addf %add3A_583, %gather3A_586 : vector<16xf32>
        %broadcast_in_dim3A_588 = vector.shape_cast %xor3A_13 : vector<16xi32> to vector<16x1xi32>
        %gather3A_589 = vector.shape_cast %broadcast_in_dim3A_588 : vector<16x1xi32> to vector<16xi32>
        %gather3A_590 = tpu.dynamic_gather %add3A_587[%gather3A_589] in [0] : vector<16xf32>, vector<16xi32> -> vector<16xf32>
        %add3A_591 = arith.addf %add3A_587, %gather3A_590 : vector<16xf32>
        %mul3A_592 = arith.constant 4 : i32
        %mul3A_593 = arith.muli %scan3A_184, %mul3A_592 : i32
        %add3A_594 = arith.constant 0 : i32
        %add3A_595 = arith.addi %mul3A_593, %add3A_594 : i32
        %eq3A = vector.broadcast %add3A_595 : i32 to vector<16xi32>
        %eq3A_596 = arith.cmpi eq, %iota3A, %eq3A : vector<16xi32>
        %select_n3A = arith.select %eq3A_596, %add3A_285, %scan3A_185 : vector<16xi1>, vector<16xf32>
        %mul3A_597 = arith.constant 4 : i32
        %mul3A_598 = arith.muli %scan3A_184, %mul3A_597 : i32
        %add3A_599 = arith.constant 1 : i32
        %add3A_600 = arith.addi %mul3A_598, %add3A_599 : i32
        %eq3A_601 = vector.broadcast %add3A_600 : i32 to vector<16xi32>
        %eq3A_602 = arith.cmpi eq, %iota3A, %eq3A_601 : vector<16xi32>
        %select_n3A_603 = arith.select %eq3A_602, %add3A_387, %select_n3A : vector<16xi1>, vector<16xf32>
        %mul3A_604 = arith.constant 4 : i32
        %mul3A_605 = arith.muli %scan3A_184, %mul3A_604 : i32
        %add3A_606 = arith.constant 2 : i32
        %add3A_607 = arith.addi %mul3A_605, %add3A_606 : i32
        %eq3A_608 = vector.broadcast %add3A_607 : i32 to vector<16xi32>
        %eq3A_609 = arith.cmpi eq, %iota3A, %eq3A_608 : vector<16xi32>
        %select_n3A_610 = arith.select %eq3A_609, %add3A_489, %select_n3A_603 : vector<16xi1>, vector<16xf32>
        %mul3A_611 = arith.constant 4 : i32
        %mul3A_612 = arith.muli %scan3A_184, %mul3A_611 : i32
        %add3A_613 = arith.constant 3 : i32
        %add3A_614 = arith.addi %mul3A_612, %add3A_613 : i32
        %eq3A_615 = vector.broadcast %add3A_614 : i32 to vector<16xi32>
        %eq3A_616 = arith.cmpi eq, %iota3A, %eq3A_615 : vector<16xi32>
        %select_n3A_617 = arith.select %eq3A_616, %add3A_591, %select_n3A_610 : vector<16xi1>, vector<16xf32>
        scf.yield %select_n3A_617 : vector<16xf32>
      }
      %scan3A_178 = arith.constant 4 : i32
      %mul3A_179 = arith.constant 16 : i32
      %mul3A_180 = arith.muli %scan3A_171, %mul3A_179 : i32
      %swap3A = arith.index_cast %mul3A_180 : i32 to index
      %swap3A_181 = tpu.vector_load %arg10[%swap3A] {strides = array<i32>} : memref<400xf32, #tpu.memory_space<vmem>>, vector<16xf32>,
      %swap3A_182 = vector.shape_cast %swap3A_181 : vector<16xf32> to vector<16xf32>
      %swap3A_183 = vector.shape_cast %scan3A_177 : vector<16xf32> to vector<16xf32>
      tpu.vector_store %arg10[%swap3A], %swap3A_183 {strides = array<i32>} : memref<400xf32, #tpu.memory_space<vmem>>, vector<16xf32>,
    }
    %scan3A_150 = arith.constant 25 : i32
    "tpu.region"() ({
      %run_scoped3A = tpu.sem_alloc : memref<!tpu.dma_semaphore, #tpu.memory_space<semaphore_mem>>
      %dma_start3A_171 = tpu.memref_slice %arg5[%add3A_132] : memref<102400xf32, #tpu.memory_space<hbm>> -> memref<400xf32, #tpu.memory_space<hbm>>
      %dma_start3A_172 = tpu.memref_slice %arg5[%add3A_132] : memref<102400xf32, #tpu.memory_space<hbm>> -> memref<400xf32, #tpu.memory_space<hbm>>
      tpu.enqueue_dma source(%arg10 : memref<400xf32, #tpu.memory_space<vmem>>) target(%dma_start3A_172 : memref<400xf32, #tpu.memory_space<hbm>>) target_semaphore(%run_scoped3A : memref<!tpu.dma_semaphore, #tpu.memory_space<semaphore_mem>>)
      %dma_wait3A_173 = tpu.memref_slice %arg5[%add3A_132] : memref<102400xf32, #tpu.memory_space<hbm>> -> memref<400xf32, #tpu.memory_space<hbm>>
      %dma_wait3A_174 = tpu.memref_slice %arg5[%add3A_132] : memref<102400xf32, #tpu.memory_space<hbm>> -> memref<400xf32, #tpu.memory_space<hbm>>
      tpu.wait_dma2 semaphore(%run_scoped3A : memref<!tpu.dma_semaphore, #tpu.memory_space<semaphore_mem>>) src(%arg10 : memref<400xf32, #tpu.memory_space<vmem>>) dst(%dma_wait3A_174 : memref<400xf32, #tpu.memory_space<hbm>>)
      tpu.yield
    }) : () -> ()
    %add3A_151 = arith.constant 2800 : i32
    %add3A_152 = arith.addi %mul3A_2, %add3A_151 : i32
    "tpu.region"() ({
      %run_scoped3A = tpu.sem_alloc : memref<!tpu.dma_semaphore, #tpu.memory_space<semaphore_mem>>
      %dma_start3A_171 = tpu.memref_slice %arg3[%add3A_152] : memref<102400xi32, #tpu.memory_space<hbm>> -> memref<400xi32, #tpu.memory_space<hbm>>
      %dma_start3A_172 = tpu.memref_slice %arg3[%add3A_152] : memref<102400xi32, #tpu.memory_space<hbm>> -> memref<400xi32, #tpu.memory_space<hbm>>
      tpu.enqueue_dma source(%dma_start3A_172 : memref<400xi32, #tpu.memory_space<hbm>>) target(%arg6 : memref<400xi32, #tpu.memory_space<vmem>>) target_semaphore(%run_scoped3A : memref<!tpu.dma_semaphore, #tpu.memory_space<semaphore_mem>>)
      %dma_wait3A_173 = tpu.memref_slice %arg3[%add3A_152] : memref<102400xi32, #tpu.memory_space<hbm>> -> memref<400xi32, #tpu.memory_space<hbm>>
      %dma_wait3A_174 = tpu.memref_slice %arg3[%add3A_152] : memref<102400xi32, #tpu.memory_space<hbm>> -> memref<400xi32, #tpu.memory_space<hbm>>
      tpu.wait_dma2 semaphore(%run_scoped3A : memref<!tpu.dma_semaphore, #tpu.memory_space<semaphore_mem>>) src(%dma_wait3A_174 : memref<400xi32, #tpu.memory_space<hbm>>) dst(%arg6 : memref<400xi32, #tpu.memory_space<vmem>>)
      tpu.yield
    }) : () -> ()
    "tpu.region"() ({
      %run_scoped3A = tpu.sem_alloc : memref<!tpu.dma_semaphore, #tpu.memory_space<semaphore_mem>>
      %dma_start3A_171 = tpu.memref_slice %arg4[%add3A_152] : memref<102400xi32, #tpu.memory_space<hbm>> -> memref<400xi32, #tpu.memory_space<hbm>>
      %dma_start3A_172 = tpu.memref_slice %arg4[%add3A_152] : memref<102400xi32, #tpu.memory_space<hbm>> -> memref<400xi32, #tpu.memory_space<hbm>>
      tpu.enqueue_dma source(%dma_start3A_172 : memref<400xi32, #tpu.memory_space<hbm>>) target(%arg7 : memref<400xi32, #tpu.memory_space<vmem>>) target_semaphore(%run_scoped3A : memref<!tpu.dma_semaphore, #tpu.memory_space<semaphore_mem>>)
      %dma_wait3A_173 = tpu.memref_slice %arg4[%add3A_152] : memref<102400xi32, #tpu.memory_space<hbm>> -> memref<400xi32, #tpu.memory_space<hbm>>
      %dma_wait3A_174 = tpu.memref_slice %arg4[%add3A_152] : memref<102400xi32, #tpu.memory_space<hbm>> -> memref<400xi32, #tpu.memory_space<hbm>>
      tpu.wait_dma2 semaphore(%run_scoped3A : memref<!tpu.dma_semaphore, #tpu.memory_space<semaphore_mem>>) src(%dma_wait3A_174 : memref<400xi32, #tpu.memory_space<hbm>>) dst(%arg7 : memref<400xi32, #tpu.memory_space<vmem>>)
      tpu.yield
    }) : () -> ()
    %dma_start3A_153 = arith.constant 0 : i32
    %dma_start3A_154 = arith.constant 0 : i32
    %dma_start3A_155 = tpu.memref_slice %arg2[%dma_start3A_153, %dma_start3A_154] : memref<10000x128xf32, #tpu.memory_space<hbm>> -> memref<10000x128xf32, #tpu.memory_space<hbm>>
    tpu.enqueue_indirect_dma source(%dma_start3A_155 : memref<10000x128xf32, #tpu.memory_space<hbm>>) target(%arg8 : memref<400x128xf32, #tpu.memory_space<vmem>>) offsets(%arg6 : memref<400xi32, #tpu.memory_space<vmem>>) semaphore(%arg11 : memref<!tpu.dma_semaphore, #tpu.memory_space<semaphore_mem>>)
    %dma_start3A_156 = arith.constant 0 : i32
    %dma_start3A_157 = arith.constant 0 : i32
    %dma_start3A_158 = tpu.memref_slice %arg2[%dma_start3A_156, %dma_start3A_157] : memref<10000x128xf32, #tpu.memory_space<hbm>> -> memref<10000x128xf32, #tpu.memory_space<hbm>>
    tpu.enqueue_indirect_dma source(%dma_start3A_158 : memref<10000x128xf32, #tpu.memory_space<hbm>>) target(%arg9 : memref<400x128xf32, #tpu.memory_space<vmem>>) offsets(%arg7 : memref<400xi32, #tpu.memory_space<vmem>>) semaphore(%arg12 : memref<!tpu.dma_semaphore, #tpu.memory_space<semaphore_mem>>)
    %dma_wait3A_159 = arith.constant 0 : i32
    %dma_wait3A_160 = arith.constant 0 : i32
    %dma_wait3A_161 = tpu.memref_slice %arg2[%dma_wait3A_159, %dma_wait3A_160] : memref<10000x128xf32, #tpu.memory_space<hbm>> -> memref<10000x128xf32, #tpu.memory_space<hbm>>
    tpu.wait_indirect_dma semaphore(%arg11 : memref<!tpu.dma_semaphore, #tpu.memory_space<semaphore_mem>>) src(%dma_wait3A_161 : memref<10000x128xf32, #tpu.memory_space<hbm>>) dst(%arg8 : memref<400x128xf32, #tpu.memory_space<vmem>>)
    %dma_wait3A_162 = arith.constant 0 : i32
    %dma_wait3A_163 = arith.constant 0 : i32
    %dma_wait3A_164 = tpu.memref_slice %arg2[%dma_wait3A_162, %dma_wait3A_163] : memref<10000x128xf32, #tpu.memory_space<hbm>> -> memref<10000x128xf32, #tpu.memory_space<hbm>>
    tpu.wait_indirect_dma semaphore(%arg12 : memref<!tpu.dma_semaphore, #tpu.memory_space<semaphore_mem>>) src(%dma_wait3A_164 : memref<10000x128xf32, #tpu.memory_space<hbm>>) dst(%arg9 : memref<400x128xf32, #tpu.memory_space<vmem>>)
    %scan3A_165 = arith.constant 0 : i32
    %scan3A_166 = arith.constant 0 : i32
    %scan3A_167 = arith.constant 25 : i32
    %scan3A_168 = arith.addi %scan3A_166, %scan3A_167 : i32
    %scan3A_169 = arith.constant 1 : i32
    scf.for %scan3A_171 = %scan3A_166 to %scan3A_168 step %scan3A_169  : i32 {
      %broadcast_in_dim3A = arith.constant 0.000000e+00 : f32
      %broadcast_in_dim3A_172 = vector.broadcast %broadcast_in_dim3A : f32 to vector<16xf32>
      %scan3A_173 = arith.constant 0 : i32
      %scan3A_174 = arith.constant 4 : i32
      %scan3A_175 = arith.addi %scan3A_173, %scan3A_174 : i32
      %scan3A_176 = arith.constant 1 : i32
      %scan3A_177 = scf.for %scan3A_184 = %scan3A_173 to %scan3A_175 step %scan3A_176 iter_args(%scan3A_185 = %broadcast_in_dim3A_172) -> (vector<16xf32>)  : i32 {
        %mul3A_186 = arith.constant 16 : i32
        %mul3A_187 = arith.muli %scan3A_171, %mul3A_186 : i32
        %mul3A_188 = arith.constant 4 : i32
        %mul3A_189 = arith.muli %scan3A_184, %mul3A_188 : i32
        %add3A_190 = arith.addi %mul3A_187, %mul3A_189 : i32
        %add3A_191 = arith.constant 0 : i32
        %add3A_192 = arith.addi %add3A_190, %add3A_191 : i32
        %get3A = arith.index_cast %add3A_192 : i32 to index
        %get3A_193 = arith.constant 0 : index
        %get3A_194 = tpu.vector_load %arg8[%get3A, %get3A_193] {strides = array<i32>} : memref<400x128xf32, #tpu.memory_space<vmem>>, vector<1x16xf32>,
        %get3A_195 = vector.shape_cast %get3A_194 : vector<1x16xf32> to vector<16xf32>
        %get3A_196 = arith.index_cast %add3A_192 : i32 to index
        %get3A_197 = arith.constant 0 : index
        %get3A_198 = tpu.vector_load %arg9[%get3A_196, %get3A_197] {strides = array<i32>} : memref<400x128xf32, #tpu.memory_space<vmem>>, vector<1x16xf32>,
        %get3A_199 = vector.shape_cast %get3A_198 : vector<1x16xf32> to vector<16xf32>
        %mul3A_200 = arith.mulf %get3A_195, %get3A_199 : vector<16xf32>
        %get3A_201 = arith.index_cast %add3A_192 : i32 to index
        %get3A_202 = arith.constant 16 : index
        %get3A_203 = tpu.vector_load %arg8[%get3A_201, %get3A_202] {strides = array<i32>} : memref<400x128xf32, #tpu.memory_space<vmem>>, vector<1x16xf32>,
        %get3A_204 = vector.shape_cast %get3A_203 : vector<1x16xf32> to vector<16xf32>
        %get3A_205 = arith.index_cast %add3A_192 : i32 to index
        %get3A_206 = arith.constant 16 : index
        %get3A_207 = tpu.vector_load %arg9[%get3A_205, %get3A_206] {strides = array<i32>} : memref<400x128xf32, #tpu.memory_space<vmem>>, vector<1x16xf32>,
        %get3A_208 = vector.shape_cast %get3A_207 : vector<1x16xf32> to vector<16xf32>
        %mul3A_209 = arith.mulf %get3A_204, %get3A_208 : vector<16xf32>
        %add3A_210 = arith.addf %mul3A_200, %mul3A_209 : vector<16xf32>
        %get3A_211 = arith.index_cast %add3A_192 : i32 to index
        %get3A_212 = arith.constant 32 : index
        %get3A_213 = tpu.vector_load %arg8[%get3A_211, %get3A_212] {strides = array<i32>} : memref<400x128xf32, #tpu.memory_space<vmem>>, vector<1x16xf32>,
        %get3A_214 = vector.shape_cast %get3A_213 : vector<1x16xf32> to vector<16xf32>
        %get3A_215 = arith.index_cast %add3A_192 : i32 to index
        %get3A_216 = arith.constant 32 : index
        %get3A_217 = tpu.vector_load %arg9[%get3A_215, %get3A_216] {strides = array<i32>} : memref<400x128xf32, #tpu.memory_space<vmem>>, vector<1x16xf32>,
        %get3A_218 = vector.shape_cast %get3A_217 : vector<1x16xf32> to vector<16xf32>
        %mul3A_219 = arith.mulf %get3A_214, %get3A_218 : vector<16xf32>
        %add3A_220 = arith.addf %add3A_210, %mul3A_219 : vector<16xf32>
        %get3A_221 = arith.index_cast %add3A_192 : i32 to index
        %get3A_222 = arith.constant 48 : index
        %get3A_223 = tpu.vector_load %arg8[%get3A_221, %get3A_222] {strides = array<i32>} : memref<400x128xf32, #tpu.memory_space<vmem>>, vector<1x16xf32>,
        %get3A_224 = vector.shape_cast %get3A_223 : vector<1x16xf32> to vector<16xf32>
        %get3A_225 = arith.index_cast %add3A_192 : i32 to index
        %get3A_226 = arith.constant 48 : index
        %get3A_227 = tpu.vector_load %arg9[%get3A_225, %get3A_226] {strides = array<i32>} : memref<400x128xf32, #tpu.memory_space<vmem>>, vector<1x16xf32>,
        %get3A_228 = vector.shape_cast %get3A_227 : vector<1x16xf32> to vector<16xf32>
        %mul3A_229 = arith.mulf %get3A_224, %get3A_228 : vector<16xf32>
        %add3A_230 = arith.addf %add3A_220, %mul3A_229 : vector<16xf32>
        %get3A_231 = arith.index_cast %add3A_192 : i32 to index
        %get3A_232 = arith.constant 64 : index
        %get3A_233 = tpu.vector_load %arg8[%get3A_231, %get3A_232] {strides = array<i32>} : memref<400x128xf32, #tpu.memory_space<vmem>>, vector<1x16xf32>,
        %get3A_234 = vector.shape_cast %get3A_233 : vector<1x16xf32> to vector<16xf32>
        %get3A_235 = arith.index_cast %add3A_192 : i32 to index
        %get3A_236 = arith.constant 64 : index
        %get3A_237 = tpu.vector_load %arg9[%get3A_235, %get3A_236] {strides = array<i32>} : memref<400x128xf32, #tpu.memory_space<vmem>>, vector<1x16xf32>,
        %get3A_238 = vector.shape_cast %get3A_237 : vector<1x16xf32> to vector<16xf32>
        %mul3A_239 = arith.mulf %get3A_234, %get3A_238 : vector<16xf32>
        %add3A_240 = arith.addf %add3A_230, %mul3A_239 : vector<16xf32>
        %get3A_241 = arith.index_cast %add3A_192 : i32 to index
        %get3A_242 = arith.constant 80 : index
        %get3A_243 = tpu.vector_load %arg8[%get3A_241, %get3A_242] {strides = array<i32>} : memref<400x128xf32, #tpu.memory_space<vmem>>, vector<1x16xf32>,
        %get3A_244 = vector.shape_cast %get3A_243 : vector<1x16xf32> to vector<16xf32>
        %get3A_245 = arith.index_cast %add3A_192 : i32 to index
        %get3A_246 = arith.constant 80 : index
        %get3A_247 = tpu.vector_load %arg9[%get3A_245, %get3A_246] {strides = array<i32>} : memref<400x128xf32, #tpu.memory_space<vmem>>, vector<1x16xf32>,
        %get3A_248 = vector.shape_cast %get3A_247 : vector<1x16xf32> to vector<16xf32>
        %mul3A_249 = arith.mulf %get3A_244, %get3A_248 : vector<16xf32>
        %add3A_250 = arith.addf %add3A_240, %mul3A_249 : vector<16xf32>
        %get3A_251 = arith.index_cast %add3A_192 : i32 to index
        %get3A_252 = arith.constant 96 : index
        %get3A_253 = tpu.vector_load %arg8[%get3A_251, %get3A_252] {strides = array<i32>} : memref<400x128xf32, #tpu.memory_space<vmem>>, vector<1x16xf32>,
        %get3A_254 = vector.shape_cast %get3A_253 : vector<1x16xf32> to vector<16xf32>
        %get3A_255 = arith.index_cast %add3A_192 : i32 to index
        %get3A_256 = arith.constant 96 : index
        %get3A_257 = tpu.vector_load %arg9[%get3A_255, %get3A_256] {strides = array<i32>} : memref<400x128xf32, #tpu.memory_space<vmem>>, vector<1x16xf32>,
        %get3A_258 = vector.shape_cast %get3A_257 : vector<1x16xf32> to vector<16xf32>
        %mul3A_259 = arith.mulf %get3A_254, %get3A_258 : vector<16xf32>
        %add3A_260 = arith.addf %add3A_250, %mul3A_259 : vector<16xf32>
        %get3A_261 = arith.index_cast %add3A_192 : i32 to index
        %get3A_262 = arith.constant 112 : index
        %get3A_263 = tpu.vector_load %arg8[%get3A_261, %get3A_262] {strides = array<i32>} : memref<400x128xf32, #tpu.memory_space<vmem>>, vector<1x16xf32>,
        %get3A_264 = vector.shape_cast %get3A_263 : vector<1x16xf32> to vector<16xf32>
        %get3A_265 = arith.index_cast %add3A_192 : i32 to index
        %get3A_266 = arith.constant 112 : index
        %get3A_267 = tpu.vector_load %arg9[%get3A_265, %get3A_266] {strides = array<i32>} : memref<400x128xf32, #tpu.memory_space<vmem>>, vector<1x16xf32>,
        %get3A_268 = vector.shape_cast %get3A_267 : vector<1x16xf32> to vector<16xf32>
        %mul3A_269 = arith.mulf %get3A_264, %get3A_268 : vector<16xf32>
        %add3A_270 = arith.addf %add3A_260, %mul3A_269 : vector<16xf32>
        %broadcast_in_dim3A_271 = vector.shape_cast %xor3A_4 : vector<16xi32> to vector<16x1xi32>
        %gather3A = vector.shape_cast %broadcast_in_dim3A_271 : vector<16x1xi32> to vector<16xi32>
        %gather3A_272 = tpu.dynamic_gather %add3A_270[%gather3A] in [0] : vector<16xf32>, vector<16xi32> -> vector<16xf32>
        %add3A_273 = arith.addf %add3A_270, %gather3A_272 : vector<16xf32>
        %broadcast_in_dim3A_274 = vector.shape_cast %xor3A_7 : vector<16xi32> to vector<16x1xi32>
        %gather3A_275 = vector.shape_cast %broadcast_in_dim3A_274 : vector<16x1xi32> to vector<16xi32>
        %gather3A_276 = tpu.dynamic_gather %add3A_273[%gather3A_275] in [0] : vector<16xf32>, vector<16xi32> -> vector<16xf32>
        %add3A_277 = arith.addf %add3A_273, %gather3A_276 : vector<16xf32>
        %broadcast_in_dim3A_278 = vector.shape_cast %xor3A_10 : vector<16xi32> to vector<16x1xi32>
        %gather3A_279 = vector.shape_cast %broadcast_in_dim3A_278 : vector<16x1xi32> to vector<16xi32>
        %gather3A_280 = tpu.dynamic_gather %add3A_277[%gather3A_279] in [0] : vector<16xf32>, vector<16xi32> -> vector<16xf32>
        %add3A_281 = arith.addf %add3A_277, %gather3A_280 : vector<16xf32>
        %broadcast_in_dim3A_282 = vector.shape_cast %xor3A_13 : vector<16xi32> to vector<16x1xi32>
        %gather3A_283 = vector.shape_cast %broadcast_in_dim3A_282 : vector<16x1xi32> to vector<16xi32>
        %gather3A_284 = tpu.dynamic_gather %add3A_281[%gather3A_283] in [0] : vector<16xf32>, vector<16xi32> -> vector<16xf32>
        %add3A_285 = arith.addf %add3A_281, %gather3A_284 : vector<16xf32>
        %mul3A_286 = arith.constant 16 : i32
        %mul3A_287 = arith.muli %scan3A_171, %mul3A_286 : i32
        %mul3A_288 = arith.constant 4 : i32
        %mul3A_289 = arith.muli %scan3A_184, %mul3A_288 : i32
        %add3A_290 = arith.addi %mul3A_287, %mul3A_289 : i32
        %add3A_291 = arith.constant 1 : i32
        %add3A_292 = arith.addi %add3A_290, %add3A_291 : i32
        %get3A_293 = arith.index_cast %add3A_292 : i32 to index
        %get3A_294 = arith.constant 0 : index
        %get3A_295 = tpu.vector_load %arg8[%get3A_293, %get3A_294] {strides = array<i32>} : memref<400x128xf32, #tpu.memory_space<vmem>>, vector<1x16xf32>,
        %get3A_296 = vector.shape_cast %get3A_295 : vector<1x16xf32> to vector<16xf32>
        %get3A_297 = arith.index_cast %add3A_292 : i32 to index
        %get3A_298 = arith.constant 0 : index
        %get3A_299 = tpu.vector_load %arg9[%get3A_297, %get3A_298] {strides = array<i32>} : memref<400x128xf32, #tpu.memory_space<vmem>>, vector<1x16xf32>,
        %get3A_300 = vector.shape_cast %get3A_299 : vector<1x16xf32> to vector<16xf32>
        %mul3A_301 = arith.mulf %get3A_296, %get3A_300 : vector<16xf32>
        %get3A_302 = arith.index_cast %add3A_292 : i32 to index
        %get3A_303 = arith.constant 16 : index
        %get3A_304 = tpu.vector_load %arg8[%get3A_302, %get3A_303] {strides = array<i32>} : memref<400x128xf32, #tpu.memory_space<vmem>>, vector<1x16xf32>,
        %get3A_305 = vector.shape_cast %get3A_304 : vector<1x16xf32> to vector<16xf32>
        %get3A_306 = arith.index_cast %add3A_292 : i32 to index
        %get3A_307 = arith.constant 16 : index
        %get3A_308 = tpu.vector_load %arg9[%get3A_306, %get3A_307] {strides = array<i32>} : memref<400x128xf32, #tpu.memory_space<vmem>>, vector<1x16xf32>,
        %get3A_309 = vector.shape_cast %get3A_308 : vector<1x16xf32> to vector<16xf32>
        %mul3A_310 = arith.mulf %get3A_305, %get3A_309 : vector<16xf32>
        %add3A_311 = arith.addf %mul3A_301, %mul3A_310 : vector<16xf32>
        %get3A_312 = arith.index_cast %add3A_292 : i32 to index
        %get3A_313 = arith.constant 32 : index
        %get3A_314 = tpu.vector_load %arg8[%get3A_312, %get3A_313] {strides = array<i32>} : memref<400x128xf32, #tpu.memory_space<vmem>>, vector<1x16xf32>,
        %get3A_315 = vector.shape_cast %get3A_314 : vector<1x16xf32> to vector<16xf32>
        %get3A_316 = arith.index_cast %add3A_292 : i32 to index
        %get3A_317 = arith.constant 32 : index
        %get3A_318 = tpu.vector_load %arg9[%get3A_316, %get3A_317] {strides = array<i32>} : memref<400x128xf32, #tpu.memory_space<vmem>>, vector<1x16xf32>,
        %get3A_319 = vector.shape_cast %get3A_318 : vector<1x16xf32> to vector<16xf32>
        %mul3A_320 = arith.mulf %get3A_315, %get3A_319 : vector<16xf32>
        %add3A_321 = arith.addf %add3A_311, %mul3A_320 : vector<16xf32>
        %get3A_322 = arith.index_cast %add3A_292 : i32 to index
        %get3A_323 = arith.constant 48 : index
        %get3A_324 = tpu.vector_load %arg8[%get3A_322, %get3A_323] {strides = array<i32>} : memref<400x128xf32, #tpu.memory_space<vmem>>, vector<1x16xf32>,
        %get3A_325 = vector.shape_cast %get3A_324 : vector<1x16xf32> to vector<16xf32>
        %get3A_326 = arith.index_cast %add3A_292 : i32 to index
        %get3A_327 = arith.constant 48 : index
        %get3A_328 = tpu.vector_load %arg9[%get3A_326, %get3A_327] {strides = array<i32>} : memref<400x128xf32, #tpu.memory_space<vmem>>, vector<1x16xf32>,
        %get3A_329 = vector.shape_cast %get3A_328 : vector<1x16xf32> to vector<16xf32>
        %mul3A_330 = arith.mulf %get3A_325, %get3A_329 : vector<16xf32>
        %add3A_331 = arith.addf %add3A_321, %mul3A_330 : vector<16xf32>
        %get3A_332 = arith.index_cast %add3A_292 : i32 to index
        %get3A_333 = arith.constant 64 : index
        %get3A_334 = tpu.vector_load %arg8[%get3A_332, %get3A_333] {strides = array<i32>} : memref<400x128xf32, #tpu.memory_space<vmem>>, vector<1x16xf32>,
        %get3A_335 = vector.shape_cast %get3A_334 : vector<1x16xf32> to vector<16xf32>
        %get3A_336 = arith.index_cast %add3A_292 : i32 to index
        %get3A_337 = arith.constant 64 : index
        %get3A_338 = tpu.vector_load %arg9[%get3A_336, %get3A_337] {strides = array<i32>} : memref<400x128xf32, #tpu.memory_space<vmem>>, vector<1x16xf32>,
        %get3A_339 = vector.shape_cast %get3A_338 : vector<1x16xf32> to vector<16xf32>
        %mul3A_340 = arith.mulf %get3A_335, %get3A_339 : vector<16xf32>
        %add3A_341 = arith.addf %add3A_331, %mul3A_340 : vector<16xf32>
        %get3A_342 = arith.index_cast %add3A_292 : i32 to index
        %get3A_343 = arith.constant 80 : index
        %get3A_344 = tpu.vector_load %arg8[%get3A_342, %get3A_343] {strides = array<i32>} : memref<400x128xf32, #tpu.memory_space<vmem>>, vector<1x16xf32>,
        %get3A_345 = vector.shape_cast %get3A_344 : vector<1x16xf32> to vector<16xf32>
        %get3A_346 = arith.index_cast %add3A_292 : i32 to index
        %get3A_347 = arith.constant 80 : index
        %get3A_348 = tpu.vector_load %arg9[%get3A_346, %get3A_347] {strides = array<i32>} : memref<400x128xf32, #tpu.memory_space<vmem>>, vector<1x16xf32>,
        %get3A_349 = vector.shape_cast %get3A_348 : vector<1x16xf32> to vector<16xf32>
        %mul3A_350 = arith.mulf %get3A_345, %get3A_349 : vector<16xf32>
        %add3A_351 = arith.addf %add3A_341, %mul3A_350 : vector<16xf32>
        %get3A_352 = arith.index_cast %add3A_292 : i32 to index
        %get3A_353 = arith.constant 96 : index
        %get3A_354 = tpu.vector_load %arg8[%get3A_352, %get3A_353] {strides = array<i32>} : memref<400x128xf32, #tpu.memory_space<vmem>>, vector<1x16xf32>,
        %get3A_355 = vector.shape_cast %get3A_354 : vector<1x16xf32> to vector<16xf32>
        %get3A_356 = arith.index_cast %add3A_292 : i32 to index
        %get3A_357 = arith.constant 96 : index
        %get3A_358 = tpu.vector_load %arg9[%get3A_356, %get3A_357] {strides = array<i32>} : memref<400x128xf32, #tpu.memory_space<vmem>>, vector<1x16xf32>,
        %get3A_359 = vector.shape_cast %get3A_358 : vector<1x16xf32> to vector<16xf32>
        %mul3A_360 = arith.mulf %get3A_355, %get3A_359 : vector<16xf32>
        %add3A_361 = arith.addf %add3A_351, %mul3A_360 : vector<16xf32>
        %get3A_362 = arith.index_cast %add3A_292 : i32 to index
        %get3A_363 = arith.constant 112 : index
        %get3A_364 = tpu.vector_load %arg8[%get3A_362, %get3A_363] {strides = array<i32>} : memref<400x128xf32, #tpu.memory_space<vmem>>, vector<1x16xf32>,
        %get3A_365 = vector.shape_cast %get3A_364 : vector<1x16xf32> to vector<16xf32>
        %get3A_366 = arith.index_cast %add3A_292 : i32 to index
        %get3A_367 = arith.constant 112 : index
        %get3A_368 = tpu.vector_load %arg9[%get3A_366, %get3A_367] {strides = array<i32>} : memref<400x128xf32, #tpu.memory_space<vmem>>, vector<1x16xf32>,
        %get3A_369 = vector.shape_cast %get3A_368 : vector<1x16xf32> to vector<16xf32>
        %mul3A_370 = arith.mulf %get3A_365, %get3A_369 : vector<16xf32>
        %add3A_371 = arith.addf %add3A_361, %mul3A_370 : vector<16xf32>
        %broadcast_in_dim3A_372 = vector.shape_cast %xor3A_4 : vector<16xi32> to vector<16x1xi32>
        %gather3A_373 = vector.shape_cast %broadcast_in_dim3A_372 : vector<16x1xi32> to vector<16xi32>
        %gather3A_374 = tpu.dynamic_gather %add3A_371[%gather3A_373] in [0] : vector<16xf32>, vector<16xi32> -> vector<16xf32>
        %add3A_375 = arith.addf %add3A_371, %gather3A_374 : vector<16xf32>
        %broadcast_in_dim3A_376 = vector.shape_cast %xor3A_7 : vector<16xi32> to vector<16x1xi32>
        %gather3A_377 = vector.shape_cast %broadcast_in_dim3A_376 : vector<16x1xi32> to vector<16xi32>
        %gather3A_378 = tpu.dynamic_gather %add3A_375[%gather3A_377] in [0] : vector<16xf32>, vector<16xi32> -> vector<16xf32>
        %add3A_379 = arith.addf %add3A_375, %gather3A_378 : vector<16xf32>
        %broadcast_in_dim3A_380 = vector.shape_cast %xor3A_10 : vector<16xi32> to vector<16x1xi32>
        %gather3A_381 = vector.shape_cast %broadcast_in_dim3A_380 : vector<16x1xi32> to vector<16xi32>
        %gather3A_382 = tpu.dynamic_gather %add3A_379[%gather3A_381] in [0] : vector<16xf32>, vector<16xi32> -> vector<16xf32>
        %add3A_383 = arith.addf %add3A_379, %gather3A_382 : vector<16xf32>
        %broadcast_in_dim3A_384 = vector.shape_cast %xor3A_13 : vector<16xi32> to vector<16x1xi32>
        %gather3A_385 = vector.shape_cast %broadcast_in_dim3A_384 : vector<16x1xi32> to vector<16xi32>
        %gather3A_386 = tpu.dynamic_gather %add3A_383[%gather3A_385] in [0] : vector<16xf32>, vector<16xi32> -> vector<16xf32>
        %add3A_387 = arith.addf %add3A_383, %gather3A_386 : vector<16xf32>
        %mul3A_388 = arith.constant 16 : i32
        %mul3A_389 = arith.muli %scan3A_171, %mul3A_388 : i32
        %mul3A_390 = arith.constant 4 : i32
        %mul3A_391 = arith.muli %scan3A_184, %mul3A_390 : i32
        %add3A_392 = arith.addi %mul3A_389, %mul3A_391 : i32
        %add3A_393 = arith.constant 2 : i32
        %add3A_394 = arith.addi %add3A_392, %add3A_393 : i32
        %get3A_395 = arith.index_cast %add3A_394 : i32 to index
        %get3A_396 = arith.constant 0 : index
        %get3A_397 = tpu.vector_load %arg8[%get3A_395, %get3A_396] {strides = array<i32>} : memref<400x128xf32, #tpu.memory_space<vmem>>, vector<1x16xf32>,
        %get3A_398 = vector.shape_cast %get3A_397 : vector<1x16xf32> to vector<16xf32>
        %get3A_399 = arith.index_cast %add3A_394 : i32 to index
        %get3A_400 = arith.constant 0 : index
        %get3A_401 = tpu.vector_load %arg9[%get3A_399, %get3A_400] {strides = array<i32>} : memref<400x128xf32, #tpu.memory_space<vmem>>, vector<1x16xf32>,
        %get3A_402 = vector.shape_cast %get3A_401 : vector<1x16xf32> to vector<16xf32>
        %mul3A_403 = arith.mulf %get3A_398, %get3A_402 : vector<16xf32>
        %get3A_404 = arith.index_cast %add3A_394 : i32 to index
        %get3A_405 = arith.constant 16 : index
        %get3A_406 = tpu.vector_load %arg8[%get3A_404, %get3A_405] {strides = array<i32>} : memref<400x128xf32, #tpu.memory_space<vmem>>, vector<1x16xf32>,
        %get3A_407 = vector.shape_cast %get3A_406 : vector<1x16xf32> to vector<16xf32>
        %get3A_408 = arith.index_cast %add3A_394 : i32 to index
        %get3A_409 = arith.constant 16 : index
        %get3A_410 = tpu.vector_load %arg9[%get3A_408, %get3A_409] {strides = array<i32>} : memref<400x128xf32, #tpu.memory_space<vmem>>, vector<1x16xf32>,
        %get3A_411 = vector.shape_cast %get3A_410 : vector<1x16xf32> to vector<16xf32>
        %mul3A_412 = arith.mulf %get3A_407, %get3A_411 : vector<16xf32>
        %add3A_413 = arith.addf %mul3A_403, %mul3A_412 : vector<16xf32>
        %get3A_414 = arith.index_cast %add3A_394 : i32 to index
        %get3A_415 = arith.constant 32 : index
        %get3A_416 = tpu.vector_load %arg8[%get3A_414, %get3A_415] {strides = array<i32>} : memref<400x128xf32, #tpu.memory_space<vmem>>, vector<1x16xf32>,
        %get3A_417 = vector.shape_cast %get3A_416 : vector<1x16xf32> to vector<16xf32>
        %get3A_418 = arith.index_cast %add3A_394 : i32 to index
        %get3A_419 = arith.constant 32 : index
        %get3A_420 = tpu.vector_load %arg9[%get3A_418, %get3A_419] {strides = array<i32>} : memref<400x128xf32, #tpu.memory_space<vmem>>, vector<1x16xf32>,
        %get3A_421 = vector.shape_cast %get3A_420 : vector<1x16xf32> to vector<16xf32>
        %mul3A_422 = arith.mulf %get3A_417, %get3A_421 : vector<16xf32>
        %add3A_423 = arith.addf %add3A_413, %mul3A_422 : vector<16xf32>
        %get3A_424 = arith.index_cast %add3A_394 : i32 to index
        %get3A_425 = arith.constant 48 : index
        %get3A_426 = tpu.vector_load %arg8[%get3A_424, %get3A_425] {strides = array<i32>} : memref<400x128xf32, #tpu.memory_space<vmem>>, vector<1x16xf32>,
        %get3A_427 = vector.shape_cast %get3A_426 : vector<1x16xf32> to vector<16xf32>
        %get3A_428 = arith.index_cast %add3A_394 : i32 to index
        %get3A_429 = arith.constant 48 : index
        %get3A_430 = tpu.vector_load %arg9[%get3A_428, %get3A_429] {strides = array<i32>} : memref<400x128xf32, #tpu.memory_space<vmem>>, vector<1x16xf32>,
        %get3A_431 = vector.shape_cast %get3A_430 : vector<1x16xf32> to vector<16xf32>
        %mul3A_432 = arith.mulf %get3A_427, %get3A_431 : vector<16xf32>
        %add3A_433 = arith.addf %add3A_423, %mul3A_432 : vector<16xf32>
        %get3A_434 = arith.index_cast %add3A_394 : i32 to index
        %get3A_435 = arith.constant 64 : index
        %get3A_436 = tpu.vector_load %arg8[%get3A_434, %get3A_435] {strides = array<i32>} : memref<400x128xf32, #tpu.memory_space<vmem>>, vector<1x16xf32>,
        %get3A_437 = vector.shape_cast %get3A_436 : vector<1x16xf32> to vector<16xf32>
        %get3A_438 = arith.index_cast %add3A_394 : i32 to index
        %get3A_439 = arith.constant 64 : index
        %get3A_440 = tpu.vector_load %arg9[%get3A_438, %get3A_439] {strides = array<i32>} : memref<400x128xf32, #tpu.memory_space<vmem>>, vector<1x16xf32>,
        %get3A_441 = vector.shape_cast %get3A_440 : vector<1x16xf32> to vector<16xf32>
        %mul3A_442 = arith.mulf %get3A_437, %get3A_441 : vector<16xf32>
        %add3A_443 = arith.addf %add3A_433, %mul3A_442 : vector<16xf32>
        %get3A_444 = arith.index_cast %add3A_394 : i32 to index
        %get3A_445 = arith.constant 80 : index
        %get3A_446 = tpu.vector_load %arg8[%get3A_444, %get3A_445] {strides = array<i32>} : memref<400x128xf32, #tpu.memory_space<vmem>>, vector<1x16xf32>,
        %get3A_447 = vector.shape_cast %get3A_446 : vector<1x16xf32> to vector<16xf32>
        %get3A_448 = arith.index_cast %add3A_394 : i32 to index
        %get3A_449 = arith.constant 80 : index
        %get3A_450 = tpu.vector_load %arg9[%get3A_448, %get3A_449] {strides = array<i32>} : memref<400x128xf32, #tpu.memory_space<vmem>>, vector<1x16xf32>,
        %get3A_451 = vector.shape_cast %get3A_450 : vector<1x16xf32> to vector<16xf32>
        %mul3A_452 = arith.mulf %get3A_447, %get3A_451 : vector<16xf32>
        %add3A_453 = arith.addf %add3A_443, %mul3A_452 : vector<16xf32>
        %get3A_454 = arith.index_cast %add3A_394 : i32 to index
        %get3A_455 = arith.constant 96 : index
        %get3A_456 = tpu.vector_load %arg8[%get3A_454, %get3A_455] {strides = array<i32>} : memref<400x128xf32, #tpu.memory_space<vmem>>, vector<1x16xf32>,
        %get3A_457 = vector.shape_cast %get3A_456 : vector<1x16xf32> to vector<16xf32>
        %get3A_458 = arith.index_cast %add3A_394 : i32 to index
        %get3A_459 = arith.constant 96 : index
        %get3A_460 = tpu.vector_load %arg9[%get3A_458, %get3A_459] {strides = array<i32>} : memref<400x128xf32, #tpu.memory_space<vmem>>, vector<1x16xf32>,
        %get3A_461 = vector.shape_cast %get3A_460 : vector<1x16xf32> to vector<16xf32>
        %mul3A_462 = arith.mulf %get3A_457, %get3A_461 : vector<16xf32>
        %add3A_463 = arith.addf %add3A_453, %mul3A_462 : vector<16xf32>
        %get3A_464 = arith.index_cast %add3A_394 : i32 to index
        %get3A_465 = arith.constant 112 : index
        %get3A_466 = tpu.vector_load %arg8[%get3A_464, %get3A_465] {strides = array<i32>} : memref<400x128xf32, #tpu.memory_space<vmem>>, vector<1x16xf32>,
        %get3A_467 = vector.shape_cast %get3A_466 : vector<1x16xf32> to vector<16xf32>
        %get3A_468 = arith.index_cast %add3A_394 : i32 to index
        %get3A_469 = arith.constant 112 : index
        %get3A_470 = tpu.vector_load %arg9[%get3A_468, %get3A_469] {strides = array<i32>} : memref<400x128xf32, #tpu.memory_space<vmem>>, vector<1x16xf32>,
        %get3A_471 = vector.shape_cast %get3A_470 : vector<1x16xf32> to vector<16xf32>
        %mul3A_472 = arith.mulf %get3A_467, %get3A_471 : vector<16xf32>
        %add3A_473 = arith.addf %add3A_463, %mul3A_472 : vector<16xf32>
        %broadcast_in_dim3A_474 = vector.shape_cast %xor3A_4 : vector<16xi32> to vector<16x1xi32>
        %gather3A_475 = vector.shape_cast %broadcast_in_dim3A_474 : vector<16x1xi32> to vector<16xi32>
        %gather3A_476 = tpu.dynamic_gather %add3A_473[%gather3A_475] in [0] : vector<16xf32>, vector<16xi32> -> vector<16xf32>
        %add3A_477 = arith.addf %add3A_473, %gather3A_476 : vector<16xf32>
        %broadcast_in_dim3A_478 = vector.shape_cast %xor3A_7 : vector<16xi32> to vector<16x1xi32>
        %gather3A_479 = vector.shape_cast %broadcast_in_dim3A_478 : vector<16x1xi32> to vector<16xi32>
        %gather3A_480 = tpu.dynamic_gather %add3A_477[%gather3A_479] in [0] : vector<16xf32>, vector<16xi32> -> vector<16xf32>
        %add3A_481 = arith.addf %add3A_477, %gather3A_480 : vector<16xf32>
        %broadcast_in_dim3A_482 = vector.shape_cast %xor3A_10 : vector<16xi32> to vector<16x1xi32>
        %gather3A_483 = vector.shape_cast %broadcast_in_dim3A_482 : vector<16x1xi32> to vector<16xi32>
        %gather3A_484 = tpu.dynamic_gather %add3A_481[%gather3A_483] in [0] : vector<16xf32>, vector<16xi32> -> vector<16xf32>
        %add3A_485 = arith.addf %add3A_481, %gather3A_484 : vector<16xf32>
        %broadcast_in_dim3A_486 = vector.shape_cast %xor3A_13 : vector<16xi32> to vector<16x1xi32>
        %gather3A_487 = vector.shape_cast %broadcast_in_dim3A_486 : vector<16x1xi32> to vector<16xi32>
        %gather3A_488 = tpu.dynamic_gather %add3A_485[%gather3A_487] in [0] : vector<16xf32>, vector<16xi32> -> vector<16xf32>
        %add3A_489 = arith.addf %add3A_485, %gather3A_488 : vector<16xf32>
        %mul3A_490 = arith.constant 16 : i32
        %mul3A_491 = arith.muli %scan3A_171, %mul3A_490 : i32
        %mul3A_492 = arith.constant 4 : i32
        %mul3A_493 = arith.muli %scan3A_184, %mul3A_492 : i32
        %add3A_494 = arith.addi %mul3A_491, %mul3A_493 : i32
        %add3A_495 = arith.constant 3 : i32
        %add3A_496 = arith.addi %add3A_494, %add3A_495 : i32
        %get3A_497 = arith.index_cast %add3A_496 : i32 to index
        %get3A_498 = arith.constant 0 : index
        %get3A_499 = tpu.vector_load %arg8[%get3A_497, %get3A_498] {strides = array<i32>} : memref<400x128xf32, #tpu.memory_space<vmem>>, vector<1x16xf32>,
        %get3A_500 = vector.shape_cast %get3A_499 : vector<1x16xf32> to vector<16xf32>
        %get3A_501 = arith.index_cast %add3A_496 : i32 to index
        %get3A_502 = arith.constant 0 : index
        %get3A_503 = tpu.vector_load %arg9[%get3A_501, %get3A_502] {strides = array<i32>} : memref<400x128xf32, #tpu.memory_space<vmem>>, vector<1x16xf32>,
        %get3A_504 = vector.shape_cast %get3A_503 : vector<1x16xf32> to vector<16xf32>
        %mul3A_505 = arith.mulf %get3A_500, %get3A_504 : vector<16xf32>
        %get3A_506 = arith.index_cast %add3A_496 : i32 to index
        %get3A_507 = arith.constant 16 : index
        %get3A_508 = tpu.vector_load %arg8[%get3A_506, %get3A_507] {strides = array<i32>} : memref<400x128xf32, #tpu.memory_space<vmem>>, vector<1x16xf32>,
        %get3A_509 = vector.shape_cast %get3A_508 : vector<1x16xf32> to vector<16xf32>
        %get3A_510 = arith.index_cast %add3A_496 : i32 to index
        %get3A_511 = arith.constant 16 : index
        %get3A_512 = tpu.vector_load %arg9[%get3A_510, %get3A_511] {strides = array<i32>} : memref<400x128xf32, #tpu.memory_space<vmem>>, vector<1x16xf32>,
        %get3A_513 = vector.shape_cast %get3A_512 : vector<1x16xf32> to vector<16xf32>
        %mul3A_514 = arith.mulf %get3A_509, %get3A_513 : vector<16xf32>
        %add3A_515 = arith.addf %mul3A_505, %mul3A_514 : vector<16xf32>
        %get3A_516 = arith.index_cast %add3A_496 : i32 to index
        %get3A_517 = arith.constant 32 : index
        %get3A_518 = tpu.vector_load %arg8[%get3A_516, %get3A_517] {strides = array<i32>} : memref<400x128xf32, #tpu.memory_space<vmem>>, vector<1x16xf32>,
        %get3A_519 = vector.shape_cast %get3A_518 : vector<1x16xf32> to vector<16xf32>
        %get3A_520 = arith.index_cast %add3A_496 : i32 to index
        %get3A_521 = arith.constant 32 : index
        %get3A_522 = tpu.vector_load %arg9[%get3A_520, %get3A_521] {strides = array<i32>} : memref<400x128xf32, #tpu.memory_space<vmem>>, vector<1x16xf32>,
        %get3A_523 = vector.shape_cast %get3A_522 : vector<1x16xf32> to vector<16xf32>
        %mul3A_524 = arith.mulf %get3A_519, %get3A_523 : vector<16xf32>
        %add3A_525 = arith.addf %add3A_515, %mul3A_524 : vector<16xf32>
        %get3A_526 = arith.index_cast %add3A_496 : i32 to index
        %get3A_527 = arith.constant 48 : index
        %get3A_528 = tpu.vector_load %arg8[%get3A_526, %get3A_527] {strides = array<i32>} : memref<400x128xf32, #tpu.memory_space<vmem>>, vector<1x16xf32>,
        %get3A_529 = vector.shape_cast %get3A_528 : vector<1x16xf32> to vector<16xf32>
        %get3A_530 = arith.index_cast %add3A_496 : i32 to index
        %get3A_531 = arith.constant 48 : index
        %get3A_532 = tpu.vector_load %arg9[%get3A_530, %get3A_531] {strides = array<i32>} : memref<400x128xf32, #tpu.memory_space<vmem>>, vector<1x16xf32>,
        %get3A_533 = vector.shape_cast %get3A_532 : vector<1x16xf32> to vector<16xf32>
        %mul3A_534 = arith.mulf %get3A_529, %get3A_533 : vector<16xf32>
        %add3A_535 = arith.addf %add3A_525, %mul3A_534 : vector<16xf32>
        %get3A_536 = arith.index_cast %add3A_496 : i32 to index
        %get3A_537 = arith.constant 64 : index
        %get3A_538 = tpu.vector_load %arg8[%get3A_536, %get3A_537] {strides = array<i32>} : memref<400x128xf32, #tpu.memory_space<vmem>>, vector<1x16xf32>,
        %get3A_539 = vector.shape_cast %get3A_538 : vector<1x16xf32> to vector<16xf32>
        %get3A_540 = arith.index_cast %add3A_496 : i32 to index
        %get3A_541 = arith.constant 64 : index
        %get3A_542 = tpu.vector_load %arg9[%get3A_540, %get3A_541] {strides = array<i32>} : memref<400x128xf32, #tpu.memory_space<vmem>>, vector<1x16xf32>,
        %get3A_543 = vector.shape_cast %get3A_542 : vector<1x16xf32> to vector<16xf32>
        %mul3A_544 = arith.mulf %get3A_539, %get3A_543 : vector<16xf32>
        %add3A_545 = arith.addf %add3A_535, %mul3A_544 : vector<16xf32>
        %get3A_546 = arith.index_cast %add3A_496 : i32 to index
        %get3A_547 = arith.constant 80 : index
        %get3A_548 = tpu.vector_load %arg8[%get3A_546, %get3A_547] {strides = array<i32>} : memref<400x128xf32, #tpu.memory_space<vmem>>, vector<1x16xf32>,
        %get3A_549 = vector.shape_cast %get3A_548 : vector<1x16xf32> to vector<16xf32>
        %get3A_550 = arith.index_cast %add3A_496 : i32 to index
        %get3A_551 = arith.constant 80 : index
        %get3A_552 = tpu.vector_load %arg9[%get3A_550, %get3A_551] {strides = array<i32>} : memref<400x128xf32, #tpu.memory_space<vmem>>, vector<1x16xf32>,
        %get3A_553 = vector.shape_cast %get3A_552 : vector<1x16xf32> to vector<16xf32>
        %mul3A_554 = arith.mulf %get3A_549, %get3A_553 : vector<16xf32>
        %add3A_555 = arith.addf %add3A_545, %mul3A_554 : vector<16xf32>
        %get3A_556 = arith.index_cast %add3A_496 : i32 to index
        %get3A_557 = arith.constant 96 : index
        %get3A_558 = tpu.vector_load %arg8[%get3A_556, %get3A_557] {strides = array<i32>} : memref<400x128xf32, #tpu.memory_space<vmem>>, vector<1x16xf32>,
        %get3A_559 = vector.shape_cast %get3A_558 : vector<1x16xf32> to vector<16xf32>
        %get3A_560 = arith.index_cast %add3A_496 : i32 to index
        %get3A_561 = arith.constant 96 : index
        %get3A_562 = tpu.vector_load %arg9[%get3A_560, %get3A_561] {strides = array<i32>} : memref<400x128xf32, #tpu.memory_space<vmem>>, vector<1x16xf32>,
        %get3A_563 = vector.shape_cast %get3A_562 : vector<1x16xf32> to vector<16xf32>
        %mul3A_564 = arith.mulf %get3A_559, %get3A_563 : vector<16xf32>
        %add3A_565 = arith.addf %add3A_555, %mul3A_564 : vector<16xf32>
        %get3A_566 = arith.index_cast %add3A_496 : i32 to index
        %get3A_567 = arith.constant 112 : index
        %get3A_568 = tpu.vector_load %arg8[%get3A_566, %get3A_567] {strides = array<i32>} : memref<400x128xf32, #tpu.memory_space<vmem>>, vector<1x16xf32>,
        %get3A_569 = vector.shape_cast %get3A_568 : vector<1x16xf32> to vector<16xf32>
        %get3A_570 = arith.index_cast %add3A_496 : i32 to index
        %get3A_571 = arith.constant 112 : index
        %get3A_572 = tpu.vector_load %arg9[%get3A_570, %get3A_571] {strides = array<i32>} : memref<400x128xf32, #tpu.memory_space<vmem>>, vector<1x16xf32>,
        %get3A_573 = vector.shape_cast %get3A_572 : vector<1x16xf32> to vector<16xf32>
        %mul3A_574 = arith.mulf %get3A_569, %get3A_573 : vector<16xf32>
        %add3A_575 = arith.addf %add3A_565, %mul3A_574 : vector<16xf32>
        %broadcast_in_dim3A_576 = vector.shape_cast %xor3A_4 : vector<16xi32> to vector<16x1xi32>
        %gather3A_577 = vector.shape_cast %broadcast_in_dim3A_576 : vector<16x1xi32> to vector<16xi32>
        %gather3A_578 = tpu.dynamic_gather %add3A_575[%gather3A_577] in [0] : vector<16xf32>, vector<16xi32> -> vector<16xf32>
        %add3A_579 = arith.addf %add3A_575, %gather3A_578 : vector<16xf32>
        %broadcast_in_dim3A_580 = vector.shape_cast %xor3A_7 : vector<16xi32> to vector<16x1xi32>
        %gather3A_581 = vector.shape_cast %broadcast_in_dim3A_580 : vector<16x1xi32> to vector<16xi32>
        %gather3A_582 = tpu.dynamic_gather %add3A_579[%gather3A_581] in [0] : vector<16xf32>, vector<16xi32> -> vector<16xf32>
        %add3A_583 = arith.addf %add3A_579, %gather3A_582 : vector<16xf32>
        %broadcast_in_dim3A_584 = vector.shape_cast %xor3A_10 : vector<16xi32> to vector<16x1xi32>
        %gather3A_585 = vector.shape_cast %broadcast_in_dim3A_584 : vector<16x1xi32> to vector<16xi32>
        %gather3A_586 = tpu.dynamic_gather %add3A_583[%gather3A_585] in [0] : vector<16xf32>, vector<16xi32> -> vector<16xf32>
        %add3A_587 = arith.addf %add3A_583, %gather3A_586 : vector<16xf32>
        %broadcast_in_dim3A_588 = vector.shape_cast %xor3A_13 : vector<16xi32> to vector<16x1xi32>
        %gather3A_589 = vector.shape_cast %broadcast_in_dim3A_588 : vector<16x1xi32> to vector<16xi32>
        %gather3A_590 = tpu.dynamic_gather %add3A_587[%gather3A_589] in [0] : vector<16xf32>, vector<16xi32> -> vector<16xf32>
        %add3A_591 = arith.addf %add3A_587, %gather3A_590 : vector<16xf32>
        %mul3A_592 = arith.constant 4 : i32
        %mul3A_593 = arith.muli %scan3A_184, %mul3A_592 : i32
        %add3A_594 = arith.constant 0 : i32
        %add3A_595 = arith.addi %mul3A_593, %add3A_594 : i32
        %eq3A = vector.broadcast %add3A_595 : i32 to vector<16xi32>
        %eq3A_596 = arith.cmpi eq, %iota3A, %eq3A : vector<16xi32>
        %select_n3A = arith.select %eq3A_596, %add3A_285, %scan3A_185 : vector<16xi1>, vector<16xf32>
        %mul3A_597 = arith.constant 4 : i32
        %mul3A_598 = arith.muli %scan3A_184, %mul3A_597 : i32
        %add3A_599 = arith.constant 1 : i32
        %add3A_600 = arith.addi %mul3A_598, %add3A_599 : i32
        %eq3A_601 = vector.broadcast %add3A_600 : i32 to vector<16xi32>
        %eq3A_602 = arith.cmpi eq, %iota3A, %eq3A_601 : vector<16xi32>
        %select_n3A_603 = arith.select %eq3A_602, %add3A_387, %select_n3A : vector<16xi1>, vector<16xf32>
        %mul3A_604 = arith.constant 4 : i32
        %mul3A_605 = arith.muli %scan3A_184, %mul3A_604 : i32
        %add3A_606 = arith.constant 2 : i32
        %add3A_607 = arith.addi %mul3A_605, %add3A_606 : i32
        %eq3A_608 = vector.broadcast %add3A_607 : i32 to vector<16xi32>
        %eq3A_609 = arith.cmpi eq, %iota3A, %eq3A_608 : vector<16xi32>
        %select_n3A_610 = arith.select %eq3A_609, %add3A_489, %select_n3A_603 : vector<16xi1>, vector<16xf32>
        %mul3A_611 = arith.constant 4 : i32
        %mul3A_612 = arith.muli %scan3A_184, %mul3A_611 : i32
        %add3A_613 = arith.constant 3 : i32
        %add3A_614 = arith.addi %mul3A_612, %add3A_613 : i32
        %eq3A_615 = vector.broadcast %add3A_614 : i32 to vector<16xi32>
        %eq3A_616 = arith.cmpi eq, %iota3A, %eq3A_615 : vector<16xi32>
        %select_n3A_617 = arith.select %eq3A_616, %add3A_591, %select_n3A_610 : vector<16xi1>, vector<16xf32>
        scf.yield %select_n3A_617 : vector<16xf32>
      }
      %scan3A_178 = arith.constant 4 : i32
      %mul3A_179 = arith.constant 16 : i32
      %mul3A_180 = arith.muli %scan3A_171, %mul3A_179 : i32
      %swap3A = arith.index_cast %mul3A_180 : i32 to index
      %swap3A_181 = tpu.vector_load %arg10[%swap3A] {strides = array<i32>} : memref<400xf32, #tpu.memory_space<vmem>>, vector<16xf32>,
      %swap3A_182 = vector.shape_cast %swap3A_181 : vector<16xf32> to vector<16xf32>
      %swap3A_183 = vector.shape_cast %scan3A_177 : vector<16xf32> to vector<16xf32>
      tpu.vector_store %arg10[%swap3A], %swap3A_183 {strides = array<i32>} : memref<400xf32, #tpu.memory_space<vmem>>, vector<16xf32>,
    }
    %scan3A_170 = arith.constant 25 : i32
    "tpu.region"() ({
      %run_scoped3A = tpu.sem_alloc : memref<!tpu.dma_semaphore, #tpu.memory_space<semaphore_mem>>
      %dma_start3A_171 = tpu.memref_slice %arg5[%add3A_152] : memref<102400xf32, #tpu.memory_space<hbm>> -> memref<400xf32, #tpu.memory_space<hbm>>
      %dma_start3A_172 = tpu.memref_slice %arg5[%add3A_152] : memref<102400xf32, #tpu.memory_space<hbm>> -> memref<400xf32, #tpu.memory_space<hbm>>
      tpu.enqueue_dma source(%arg10 : memref<400xf32, #tpu.memory_space<vmem>>) target(%dma_start3A_172 : memref<400xf32, #tpu.memory_space<hbm>>) target_semaphore(%run_scoped3A : memref<!tpu.dma_semaphore, #tpu.memory_space<semaphore_mem>>)
      %dma_wait3A_173 = tpu.memref_slice %arg5[%add3A_152] : memref<102400xf32, #tpu.memory_space<hbm>> -> memref<400xf32, #tpu.memory_space<hbm>>
      %dma_wait3A_174 = tpu.memref_slice %arg5[%add3A_152] : memref<102400xf32, #tpu.memory_space<hbm>> -> memref<400xf32, #tpu.memory_space<hbm>>
      tpu.wait_dma2 semaphore(%run_scoped3A : memref<!tpu.dma_semaphore, #tpu.memory_space<semaphore_mem>>) src(%arg10 : memref<400xf32, #tpu.memory_space<vmem>>) dst(%dma_wait3A_174 : memref<400xf32, #tpu.memory_space<hbm>>)
      tpu.yield
    }) : () -> ()
    return
  }
}

module attributes {stable_mosaic.version = 14 : i64} {
  func.func @_s1_body(%arg0: i32, %arg1: memref<400x256xf32, #tpu.memory_space<vmem>>, %arg2: memref<256x256xf32, #tpu.memory_space<vmem>>, %arg3: memref<400x256xf32, #tpu.memory_space<vmem>>) attributes {dimension_semantics = [#tpu.dimension_semantics<arbitrary>], iteration_bounds = array<i64: 25>, scalar_prefetch = 0 : i64, scratch_operands = 0 : i64, tpu.core_type = #tpu.core_type<tc>, window_params = [{transform_indices = @transform_0, window_bounds = array<i64: 400, 256>}, {pipeline_mode = #tpu.pipeline_mode<synchronous>, transform_indices = @transform_1, window_bounds = array<i64: 256, 256>}, {transform_indices = @transform_2, window_bounds = array<i64: 400, 256>}]} {
    %get3A = arith.constant 0 : index
    %get3A_0 = arith.constant 0 : index
    %get3A_1 = vector.load %arg1[%get3A, %get3A_0] : memref<400x256xf32, #tpu.memory_space<vmem>>, vector<400x256xf32>
    %get3A_2 = arith.constant 0 : index
    %get3A_3 = arith.constant 0 : index
    %get3A_4 = vector.load %arg2[%get3A_2, %get3A_3] : memref<256x256xf32, #tpu.memory_space<vmem>>, vector<256x256xf32>
    %dot_general3A = arith.constant dense<0.000000e+00> : vector<400x256xf32>
    %dot_general3A_5 = tpu.matmul %get3A_1, %get3A_4, %dot_general3A {dimension_numbers = #tpu.dot_dimension_numbers<[1], [0], [0], [1], [0, 0, 1, 1], [], []>, transpose_lhs_hint = false} : vector<400x256xf32>, vector<256x256xf32>, vector<400x256xf32> -> vector<400x256xf32>
    %swap3A = arith.constant 0 : index
    %swap3A_6 = arith.constant 0 : index
    %swap3A_7 = vector.load %arg3[%swap3A, %swap3A_6] : memref<400x256xf32, #tpu.memory_space<vmem>>, vector<400x256xf32>
    tpu.vector_store %arg3[%swap3A, %swap3A_6], %dot_general3A_5 {strides = array<i32>} : memref<400x256xf32, #tpu.memory_space<vmem>>, vector<400x256xf32>,
    return
  }
  func.func @transform_0(%arg0: i32) -> (i32, i32) {
    %c0_i32 = arith.constant 0 : i32
    %c0_i32_0 = arith.constant 0 : i32
    return %arg0, %c0_i32 : i32, i32
  }
  func.func @transform_1(%arg0: i32) -> (i32, i32) {
    %c0_i32 = arith.constant 0 : i32
    %c0_i32_0 = arith.constant 0 : i32
    %c0_i32_1 = arith.constant 0 : i32
    return %c0_i32, %c0_i32_0 : i32, i32
  }
  func.func @transform_2(%arg0: i32) -> (i32, i32) {
    %c0_i32 = arith.constant 0 : i32
    %c0_i32_0 = arith.constant 0 : i32
    return %arg0, %c0_i32 : i32, i32
  }
}

module attributes {stable_mosaic.version = 14 : i64} {
  func.func @_layer1_body(%arg0: i32, %arg1: memref<400x10000xf32, #tpu.memory_space<vmem>>, %arg2: memref<10000x256xf32, #tpu.memory_space<vmem>>, %arg3: memref<256xf32, #tpu.memory_space<vmem>>, %arg4: memref<256x128xf32, #tpu.memory_space<vmem>>, %arg5: memref<400x128xf32, #tpu.memory_space<vmem>>) attributes {dimension_semantics = [#tpu.dimension_semantics<arbitrary>], iteration_bounds = array<i64: 25>, scalar_prefetch = 0 : i64, scratch_operands = 0 : i64, tpu.core_type = #tpu.core_type<tc>, window_params = [{transform_indices = @transform_0, window_bounds = array<i64: 400, 10000>}, {pipeline_mode = #tpu.pipeline_mode<synchronous>, transform_indices = @transform_1, window_bounds = array<i64: 10000, 256>}, {pipeline_mode = #tpu.pipeline_mode<synchronous>, transform_indices = @transform_2, window_bounds = array<i64: 256>}, {pipeline_mode = #tpu.pipeline_mode<synchronous>, transform_indices = @transform_3, window_bounds = array<i64: 256, 128>}, {transform_indices = @transform_4, window_bounds = array<i64: 400, 128>}]} {
    %get3A = arith.constant 0 : index
    %get3A_0 = arith.constant 0 : index
    %get3A_1 = vector.load %arg1[%get3A, %get3A_0] : memref<400x10000xf32, #tpu.memory_space<vmem>>, vector<400x10000xf32>
    %get3A_2 = arith.constant 0 : index
    %get3A_3 = arith.constant 0 : index
    %get3A_4 = vector.load %arg2[%get3A_2, %get3A_3] : memref<10000x256xf32, #tpu.memory_space<vmem>>, vector<10000x256xf32>
    %dot_general3A = arith.constant dense<0.000000e+00> : vector<400x256xf32>
    %dot_general3A_5 = tpu.matmul %get3A_1, %get3A_4, %dot_general3A {dimension_numbers = #tpu.dot_dimension_numbers<[1], [0], [0], [1], [0, 0, 1, 1], [], []>, transpose_lhs_hint = false} : vector<400x10000xf32>, vector<10000x256xf32>, vector<400x256xf32> -> vector<400x256xf32>
    %get3A_6 = arith.constant 0 : index
    %get3A_7 = vector.load %arg3[%get3A_6] : memref<256xf32, #tpu.memory_space<vmem>>, vector<256xf32>
    %broadcast_in_dim3A = vector.shape_cast %get3A_7 : vector<256xf32> to vector<1x256xf32>
    %add3A = vector.broadcast %broadcast_in_dim3A : vector<1x256xf32> to vector<400x256xf32>
    %add3A_8 = arith.addf %dot_general3A_5, %add3A : vector<400x256xf32>
    %max3A = arith.constant 0.000000e+00 : f32
    %max3A_9 = vector.broadcast %max3A : f32 to vector<400x256xf32>
    %max3A_10 = arith.maximumf %add3A_8, %max3A_9 : vector<400x256xf32>
    %get3A_11 = arith.constant 0 : index
    %get3A_12 = arith.constant 0 : index
    %get3A_13 = vector.load %arg4[%get3A_11, %get3A_12] : memref<256x128xf32, #tpu.memory_space<vmem>>, vector<256x128xf32>
    %dot_general3A_14 = arith.constant dense<0.000000e+00> : vector<400x128xf32>
    %dot_general3A_15 = tpu.matmul %max3A_10, %get3A_13, %dot_general3A_14 {dimension_numbers = #tpu.dot_dimension_numbers<[1], [0], [0], [1], [0, 0, 1, 1], [], []>, transpose_lhs_hint = false} : vector<400x256xf32>, vector<256x128xf32>, vector<400x128xf32> -> vector<400x128xf32>
    %swap3A = arith.constant 0 : index
    %swap3A_16 = arith.constant 0 : index
    %swap3A_17 = vector.load %arg5[%swap3A, %swap3A_16] : memref<400x128xf32, #tpu.memory_space<vmem>>, vector<400x128xf32>
    tpu.vector_store %arg5[%swap3A, %swap3A_16], %dot_general3A_15 {strides = array<i32>} : memref<400x128xf32, #tpu.memory_space<vmem>>, vector<400x128xf32>,
    return
  }
  func.func @transform_0(%arg0: i32) -> (i32, i32) {
    %c0_i32 = arith.constant 0 : i32
    %c0_i32_0 = arith.constant 0 : i32
    return %arg0, %c0_i32 : i32, i32
  }
  func.func @transform_1(%arg0: i32) -> (i32, i32) {
    %c0_i32 = arith.constant 0 : i32
    %c0_i32_0 = arith.constant 0 : i32
    %c0_i32_1 = arith.constant 0 : i32
    return %c0_i32, %c0_i32_0 : i32, i32
  }
  func.func @transform_2(%arg0: i32) -> i32 {
    %c0_i32 = arith.constant 0 : i32
    %c0_i32_0 = arith.constant 0 : i32
    return %c0_i32 : i32
  }
  func.func @transform_3(%arg0: i32) -> (i32, i32) {
    %c0_i32 = arith.constant 0 : i32
    %c0_i32_0 = arith.constant 0 : i32
    %c0_i32_1 = arith.constant 0 : i32
    return %c0_i32, %c0_i32_0 : i32, i32
  }
  func.func @transform_4(%arg0: i32) -> (i32, i32) {
    %c0_i32 = arith.constant 0 : i32
    %c0_i32_0 = arith.constant 0 : i32
    return %arg0, %c0_i32 : i32, i32
  }
}

module attributes {stable_mosaic.version = 14 : i64} {
  func.func @_layer2_body(%arg0: i32, %arg1: memref<400x10000xf32, #tpu.memory_space<vmem>>, %arg2: memref<10000x128xf32, #tpu.memory_space<vmem>>, %arg3: memref<128xf32, #tpu.memory_space<vmem>>, %arg4: memref<128xf32, #tpu.memory_space<vmem>>, %arg5: memref<400x128xf32, #tpu.memory_space<vmem>>) attributes {dimension_semantics = [#tpu.dimension_semantics<arbitrary>], iteration_bounds = array<i64: 25>, scalar_prefetch = 0 : i64, scratch_operands = 0 : i64, tpu.core_type = #tpu.core_type<tc>, window_params = [{transform_indices = @transform_0, window_bounds = array<i64: 400, 10000>}, {pipeline_mode = #tpu.pipeline_mode<synchronous>, transform_indices = @transform_1, window_bounds = array<i64: 10000, 128>}, {pipeline_mode = #tpu.pipeline_mode<synchronous>, transform_indices = @transform_2, window_bounds = array<i64: 128>}, {pipeline_mode = #tpu.pipeline_mode<synchronous>, transform_indices = @transform_3, window_bounds = array<i64: 128>}, {transform_indices = @transform_4, window_bounds = array<i64: 400, 128>}]} {
    %get3A = arith.constant 0 : index
    %get3A_0 = arith.constant 0 : index
    %get3A_1 = vector.load %arg1[%get3A, %get3A_0] : memref<400x10000xf32, #tpu.memory_space<vmem>>, vector<400x10000xf32>
    %get3A_2 = arith.constant 0 : index
    %get3A_3 = arith.constant 0 : index
    %get3A_4 = vector.load %arg2[%get3A_2, %get3A_3] : memref<10000x128xf32, #tpu.memory_space<vmem>>, vector<10000x128xf32>
    %dot_general3A = arith.constant dense<0.000000e+00> : vector<400x128xf32>
    %dot_general3A_5 = tpu.matmul %get3A_1, %get3A_4, %dot_general3A {dimension_numbers = #tpu.dot_dimension_numbers<[1], [0], [0], [1], [0, 0, 1, 1], [], []>, transpose_lhs_hint = false} : vector<400x10000xf32>, vector<10000x128xf32>, vector<400x128xf32> -> vector<400x128xf32>
    %get3A_6 = arith.constant 0 : index
    %get3A_7 = vector.load %arg3[%get3A_6] : memref<128xf32, #tpu.memory_space<vmem>>, vector<128xf32>
    %broadcast_in_dim3A = vector.shape_cast %get3A_7 : vector<128xf32> to vector<1x128xf32>
    %add3A = vector.broadcast %broadcast_in_dim3A : vector<1x128xf32> to vector<400x128xf32>
    %add3A_8 = arith.addf %dot_general3A_5, %add3A : vector<400x128xf32>
    %get3A_9 = arith.constant 0 : index
    %get3A_10 = vector.load %arg4[%get3A_9] : memref<128xf32, #tpu.memory_space<vmem>>, vector<128xf32>
    %sqrt3A = math.sqrt %get3A_10 : vector<128xf32>
    %broadcast_in_dim3A_11 = vector.shape_cast %sqrt3A : vector<128xf32> to vector<1x128xf32>
    %mul3A = vector.broadcast %broadcast_in_dim3A_11 : vector<1x128xf32> to vector<400x128xf32>
    %mul3A_12 = arith.mulf %add3A_8, %mul3A : vector<400x128xf32>
    %swap3A = arith.constant 0 : index
    %swap3A_13 = arith.constant 0 : index
    %swap3A_14 = vector.load %arg5[%swap3A, %swap3A_13] : memref<400x128xf32, #tpu.memory_space<vmem>>, vector<400x128xf32>
    tpu.vector_store %arg5[%swap3A, %swap3A_13], %mul3A_12 {strides = array<i32>} : memref<400x128xf32, #tpu.memory_space<vmem>>, vector<400x128xf32>,
    return
  }
  func.func @transform_0(%arg0: i32) -> (i32, i32) {
    %c0_i32 = arith.constant 0 : i32
    %c0_i32_0 = arith.constant 0 : i32
    return %arg0, %c0_i32 : i32, i32
  }
  func.func @transform_1(%arg0: i32) -> (i32, i32) {
    %c0_i32 = arith.constant 0 : i32
    %c0_i32_0 = arith.constant 0 : i32
    %c0_i32_1 = arith.constant 0 : i32
    return %c0_i32, %c0_i32_0 : i32, i32
  }
  func.func @transform_2(%arg0: i32) -> i32 {
    %c0_i32 = arith.constant 0 : i32
    %c0_i32_0 = arith.constant 0 : i32
    return %c0_i32 : i32
  }
  func.func @transform_3(%arg0: i32) -> i32 {
    %c0_i32 = arith.constant 0 : i32
    %c0_i32_0 = arith.constant 0 : i32
    return %c0_i32 : i32
  }
  func.func @transform_4(%arg0: i32) -> (i32, i32) {
    %c0_i32 = arith.constant 0 : i32
    %c0_i32_0 = arith.constant 0 : i32
    return %arg0, %c0_i32 : i32, i32
  }
}

</mosaic_0001>

<sc_bundles>
// kernel: kernel.6.cloned.1.call-start
scs
__scs_entry_jumppad:
0x0: {  	(pc) =	sbr.rel $0x88, $3  }
0x1: {  	(tag) =	ssettag $0x0;
	lr =	simm.s32 $0x1  }
0x2: {  	[smem:$0x3F99] =	sst lr;
	_ =	strace $0xD0000000  }
0x3: {  	_ = 	snop  }
0x4: {  	_ = 	snop  }
0x5: {  	_ = 	snop  }
0x6: {  	_ = 	snop  }
0x7: {  	_ = 	snop  }
__scs_overlays_trampoline_lowered:
0x8: {  	[smem:$0x3FA8] =	sst s0  }
0x9: {  	[smem:$0x3FA9] =	sst s1  }
0xa: {  	[smem:$0x3FAA] =	sst s2  }
0xb: {  	[smem:$0x3FAB] =	sst s3  }
0xc: {  	[smem:$0x3FAC] =	sst s4  }
0xd: {  	[smem:$0x3FAD] =	sst s5  }
0xe: {  	[smem:$0x3FAE] =	sst s6  }
0xf: {  	[smem:$0x3FAF] =	sst s7  }
0x10: {  	[smem:$0x3FB0] =	sst s8  }
0x11: {  	[smem:$0x3FB1] =	sst s9;
	s0 =	simm.s32 @!p0 $0x0  }
0x12: {  	s1 =	sld [smem:$0x3F97];
	s0 =	simm.s32 @p0 $0x1  }
0x13: {  	[smem:$0x3FB2] =	sst s0;
	s0 =	simm.s32 @!p1 $0x0  }
0x14: {  	s2 =	sld [smem:$0x3F96];
	s0 =	simm.s32 @p1 $0x1  }
0x15: {  	[smem:$0x3FB3] =	sst s0;
	s0 =	simm.s32 @!p2 $0x0  }
0x16: {  	s3 =	sld [smem:$0x3FDB];
	s0 =	simm.s32 @p2 $0x1  }
0x17: {  	s4 =	simm.s32 $0x1BF5;
	[smem:$0x3FB5] =	sst s0  }
0x18: {  	s0 =	sld [smem:$0x3F98];
	_ =	swait.ge [sflag:s4], $0x0  }
0x19: {  	s7 =	sld [smem:$0x3F99]  }
0x1a: {  	s8 =	sadd.s32 $0xFFFFE003, lr  }
0x1b: {  	s9 =	sadd.s32 $0xFFFFFEF7, lr;
	s5 =	simm.s32 $0xFFFFFFFF;
	p2 =	slt.u32 s8, $0xFFFFF086  }
0x1c: {  	p1 =	slt.u32 s9, $0xF7A;
	s5 =	simm.s32 @!p2 $0x0  }
0x1d: {  	s5 =	simm.s32 @p1 $0x1;
	p0 =	seq.s32 s7, s2  }
0x1e: {  	s7 =	smul.u32 @!p0 $0xF7A, s2;
	p2 =	seq.s32 @!p0 s5, $0x0  }
0x1f: {  	s9 =	smul.u32 $0xF7A, s1;
	s8 =	simm.s32 @!p0 $0x1BF5;
	p2 =	por !p2, p0  }
0x20: {  	[sflag:s8] =	ssyncset.s32 @!p0 $0xFFFFF086;
	s6 =	sadd.s32 @!p0 s3, s7;
	s7 =	simm.s32 @!p0 $0x108  }
0x21: {  	s3 =	sadd.s32 s3, s9;
	s6 =	sadd.s32 @!p0 $0x88, s6;
	s7 =	simm.s32 @p2 $0x1082  }
0x22: {  	[simem:s7], [sflag:s8] =	dma.local @!p0 [hbm:s6], $0xF7A  }
0x23: {  	s9 =	sor.u32 $0xD0000000, s2;
	s6 =	simm.s32 $0x108;
	_ =	swait.ge @!p0 [sflag:s8], $0x0  }
0x24: {  	s3 =	sadd.s32 $0x88, s3;
	s6 =	simm.s32 @!p1 $0x1082;
	[sflag:s4] =	ssyncset.s32 $0xFFFFF086  }
0x25: {  	[simem:s6], [sflag:s4] =	dma.local [hbm:s3], $0xF7A  }
0x26: {  	[smem:$0x3F99] =	sst s1;
	(tag) =	ssettag s2;
	_ =	strace s9  }
0x27: {  	s1 =	sld [smem:$0x3FA9]  }
0x28: {  	s2 =	sld [smem:$0x3FAA]  }
0x29: {  	s4 =	sld [smem:$0x3FAC]  }
0x2a: {  	p0 =	seq.s32 s5, $0x0;
	s5 =	sld [smem:$0x3FAD]  }
0x2b: {  	s6 =	sld [smem:$0x3FAE]  }
0x2c: {  	s7 =	sld [smem:$0x3FAF]  }
0x2d: {  	s3 =	simm.s32 $0x108;
	s8 =	sld [smem:$0x3FB0]  }
0x2e: {  	s3 =	simm.s32 @!p0 $0x1082;
	s9 =	sld [smem:$0x3FB1]  }
0x2f: {  	lr =	sadd.s32 s0, s3;
	s0 =	sld [smem:$0x3FA8]  }
0x30: {  	s3 =	sld [smem:$0x3FAB]  }
0x31: {  	[smem:$0x3FB4] =	sst s10  }
0x32: {  	s10 =	sld [smem:$0x3FB2];
	_ =	sdelay $0x3  }
0x33: {  	p0 =	seq.s32 s10, $0x1;
	s10 =	sld [smem:$0x3FB4];
	_ =	sdelay $0x3  }
0x34: {  	[smem:$0x3FB4] =	sst s10  }
0x35: {  	s10 =	sld [smem:$0x3FB3];
	_ =	sdelay $0x3  }
0x36: {  	p1 =	seq.s32 s10, $0x1;
	s10 =	sld [smem:$0x3FB4];
	_ =	sdelay $0x3  }
0x37: {  	[smem:$0x3FB4] =	sst s10  }
0x38: {  	s10 =	sld [smem:$0x3FB5]  }
0x39: {  	_ = 	snop;
	(pc) =	sbr.ind lr, $3  }
0x3a: {  	_ = 	snop  }
0x3b: {  	_ = 	snop  }
0x3c: {  	p2 =	seq.s32 s10, $0x1;
	s10 =	sld [smem:$0x3FB4]  }
0x3d: {  	_ =	shalt  }
0x3e: {  	_ =	shalt  }
0x3f: {  	_ =	shalt  }
0x40: {  	_ =	shalt  }
0x41: {  	_ =	shalt  }
0x42: {  	_ =	shalt  }
0x43: {  	_ =	shalt  }
0x44: {  	_ =	shalt  }
0x45: {  	_ =	shalt  }
0x46: {  	_ =	shalt  }
0x47: {  	_ =	shalt  }
0x48: {  	_ =	shalt  }
0x49: {  	_ =	shalt  }
0x4a: {  	_ =	shalt  }
0x4b: {  	_ =	shalt  }
0x4c: {  	_ =	shalt  }
0x4d: {  	_ =	shalt  }
0x4e: {  	_ =	shalt  }
0x4f: {  	_ =	shalt  }
0x50: {  	_ =	shalt  }
0x51: {  	_ =	shalt  }
0x52: {  	_ =	shalt  }
0x53: {  	_ =	shalt  }
0x54: {  	_ =	shalt  }
0x55: {  	_ =	shalt  }
0x56: {  	_ =	shalt  }
0x57: {  	_ =	shalt  }
0x58: {  	_ =	shalt  }
0x59: {  	_ =	shalt  }
0x5a: {  	_ =	shalt  }
0x5b: {  	_ =	shalt  }
0x5c: {  	_ =	shalt  }
0x5d: {  	_ =	shalt  }
0x5e: {  	_ =	shalt  }
0x5f: {  	_ =	shalt  }
0x60: {  	_ =	shalt  }
0x61: {  	_ =	shalt  }
0x62: {  	_ =	shalt  }
0x63: {  	_ =	shalt  }
0x64: {  	_ =	shalt  }
0x65: {  	_ =	shalt  }
0x66: {  	_ =	shalt  }
0x67: {  	_ =	shalt  }
0x68: {  	_ =	shalt  }
0x69: {  	_ =	shalt  }
0x6a: {  	_ =	shalt  }
0x6b: {  	_ =	shalt  }
0x6c: {  	_ =	shalt  }
0x6d: {  	_ =	shalt  }
0x6e: {  	_ =	shalt  }
0x6f: {  	_ =	shalt  }
0x70: {  	_ =	shalt  }
0x71: {  	_ =	shalt  }
0x72: {  	_ =	shalt  }
0x73: {  	_ =	shalt  }
0x74: {  	_ =	shalt  }
0x75: {  	_ =	shalt  }
0x76: {  	_ =	shalt  }
0x77: {  	_ =	shalt  }
0x78: {  	_ =	shalt  }
0x79: {  	_ =	shalt  }
0x7a: {  	_ =	shalt  }
0x7b: {  	_ =	shalt  }
0x7c: {  	_ =	shalt  }
0x7d: {  	_ =	shalt  }
0x7e: {  	_ =	shalt  }
0x7f: {  	_ =	shalt  }
0x80: {  	_ =	shalt  }
0x81: {  	_ =	shalt  }
0x82: {  	_ =	shalt  }
0x83: {  	_ =	shalt  }
0x84: {  	_ =	shalt  }
0x85: {  	_ =	shalt  }
0x86: {  	_ =	shalt  }
0x87: {  	_ =	shalt  }
.Lfunc_end0:
.L_simem_size_0:
called_computation_lowered:
.L_overlay_start_0:
0x88: {  	s2 =	sld [smem:$0x3FD9]  }
0x89: {  	s3 =	sld [smem:$0x3FFE];
	_ =	sdelay $0x1  }
0x8a: {  	s1 =	srdreg.scid  }
0x8b: {  	s0 =	sand.u32 $0x1, s1  }
0x8c: {  	s16 =	sshll.u32 s0, $0xA;
	s2 =	sadd.s32 s3, s2  }
0x8d: {  	s2 =	sadd.s32 s2, s16  }
0x8e: {  	[smem:$0x3FC0] =	sst s2  }
0x8f: {  	_ = 	snop  }
0x90: {  	(tm) =	ssettm $0x1  }
0x91: {  	s17 =	sld [smem:$0x3FFB];
	_ =	sdelay $0x3  }
0x92: {  	_ =	strace s17  }
0x93: {  	s2 =	sld [smem:$0x3FFC];
	_ =	sdelay $0x3  }
0x94: {  	_ =	strace s2  }
0x95: {  	s2 =	sld [smem:$0x3FFD];
	_ =	sdelay $0x3  }
0x96: {  	_ =	strace s2  }
0x97: {  	_ =	strace $0x8FFFFFFF  }
0x98: {  	s18 =	sld [smem:$0x3FDB];
	_ =	sdelay $0x1  }
0x99: {  	s19 =	simm.s32 $_scs_section_size  }
0x9a: {  	s4 =	simm.s32 $_size__tile_overlayer_lowered;
	s5 =	simm.s32 $_tile_overlayer_lowered  }
0x9b: {  	s22 =	simm.s32 $0x1BFF;
	s21 =	sshll.u32 s5, $0x1;
	s2 =	sadd.s32 s19, s18  }
0x9c: {  	s6 =	simm.s32 $0x0;
	s20 =	sshll.u32 s4, $0x1;
	s4 =	sadd.s32 s21, s2  }
0x9d: {  	[timem:s6], [sflag:s22] =	dma.local [hbm:s4], s20  }
0x9e: {  	_ =	swait.ge [sflag:s22], s20  }
0x9f: {  	s3 =	ssub.s32 $0x0, s20;
	[sflag:s22] =	ssyncset.done $0x0  }
0xa0: {  	[sflag:s22] =	ssyncadd.s32 s3;
	_ =	sdelay $0x1  }
0xa1: {  	s23 =	simm.s32 $0x1B8B  }
0xa2: {  	_ =	swait.ge [sflag:s23], $0x1  }
0xa3: {  	[sflag:s23] =	ssyncset.done $0x0  }
0xa4: {  	s25 =	simm.s32 $0x1B8E;
	s24 =	sld [smem:$0x3FFE];
	[sflag:s23] =	ssyncadd.s32 $0xFFFFFFFF  }
0xa5: {  	s26 =	simm.s32 $execute0_lowered;
	[smem:$0x3FD2] =	sst s25  }
0xa6: {  	s4 =	sshll.u32 s26, $0x1;
	_ =	strace $0x80000046;
	[dreg:$0x1] =	wrdreg $0xFFFFFFFF  }
0xa7: {  	s28 =	simm.s32 $_size_execute0_lowered;
	s2 =	sadd.s32 s2, s4;
	[dreg:$0x0] =	wrdreg $0x0  }
0xa8: {  	s4 =	sshll.u32 s28, $0x1;
	[dreg:$0x2] =	wrdreg s2  }
0xa9: {  	[dreg:$0x3] =	wrdreg s4  }
0xaa: {  	[dreg:$0x4] =	wrdreg $0xC0  }
0xab: {  	_ =	task [dreg:s6], $0x5FFFF  }
0xac: {  	[dreg:$0x1] =	wrdreg $0xFFFFFFFF  }
0xad: {  	[dreg:$0x0] =	wrdreg $0x60  }
0xae: {  	[dreg:$0x2] =	wrdreg s24  }
0xaf: {  	[dreg:$0x3] =	wrdreg $0x9  }
0xb0: {  	_ =	task.clear_ibuf [dreg:s6], $0x4FFFF;
	_ =	strace $0x90000046  }
0xb1: {  	s29 =	simm.s32 $0x9;
	_ =	strace $0x80000048  }
0xb2: {  	_ =	swait.ge [sflag:s29], $0x1  }
0xb3: {  	[sflag:s29] =	ssyncadd.s32 $0xFFFFFFFF  }
0xb4: {  	_ =	strace $0x90000048  }
0xb5: {  	_ =	sfence  }
0xb6: {  	s30 =	sld [smem:$0x0];
	_ =	sdelay $0x2  }
0xb7: {  	s31 =	sshll.u32 s1, $0xD;
	s1 =	sshrl.u32 s1, $0x2  }
0xb8: {  	s3 =	sand.u32 $0x4000, s31;
	s1 =	sadd.s32 s1, s30  }
0xb9: {  	s0 =	sor.u32 s3, s0;
	s1 =	sshll.u32 s1, $0x11  }
0xba: {  	s0 =	sor.u32 s1, s0  }
0xbb: {  	s0 =	sadd.s32 $0x8F2B, s0  }
0xbc: {  	[sflag:s0] =	ssyncadd.remote.s32 $0x1  }
0xbd: {  	_ =	sfence.sel $0xFFFF  }
0xbe: {  	[dreg:$0x0] =	wrdreg $0xFFFFFFFF;
	(pc) =	sbr.abs _section_cstart, $3  }
0xbf: {  	[dreg:$0x1] =	wrdreg $0xFFFFFFFF  }
0xc0: {  	_ =	task.clear_ibuf [dreg:s6], $0x2FFFF;
	_ =	strace $0x9FFFFFFF  }
0xc1: {  	(tm) =	ssettm $0x7FFFFFFF  }
tec
execute0_lowered:
.L_overlay_start_1:
0x0: {  	(tag) =	ssettag $0x1  }
0x1: {  	s0 =	srdreg.scid;
	s1 =	stileid.u32  }
0x2: {  	s2 =	sand.u32 $0x1, s0;
	s3 =	sshll.u32 s1, $0x1  }
0x3: {  	s10 =	rddreg [dreg:$0x0];
	s30 =	simm.s32 $0x3;
	s3 =	sor.u32 s2, s3  }
0x4: {  	s31 =	simm.s32 $0x200;
	s1 =	simm.s32 $0x0;
	s3 =	smul.u32 $0xC80, s3  }
0x5: {  	s4 =	sadd.s32 $0xA00, s10;
	s5 =	sadd.s32 $0x3C00, s10;
	s6 =	sadd.s32 $0x2E000, s10  }
0x6: {  	s28 =	sadd.s32 $0x6E00, s10;
	s0 =	simm.s32 $0x400;
	s3 =	sshrl.u32 s3, $0x3  }
0x7: {  	[smem:$0x7FF] =	sst s1;
	s2 =	ssub.s32 $0x2, s2;
	s11 =	sadd.s32 s4, s3  }
0x8: {  	s12 =	sadd.s32 $0x32, s3;
	s8 =	sadd.s32 s5, s3;
	[dreg:$0x2] =	wrdreg s11  }
0x9: {  	s7 =	sshrl.u32 s2, $0x1;
	[dreg:$0x3] =	wrdreg s8;
	s13 =	sadd.s32 s4, s12  }
0xa: {  	s2 =	ssub.s32 s2, s7;
	s9 =	sadd.s32 s5, s12;
	[dreg:$0x4] =	wrdreg s13  }
0xb: {  	s14 =	sadd.s32 $0x64, s3;
	s7 =	sadd.s32 s6, s12;
	[dreg:$0x5] =	wrdreg s9  }
0xc: {  	s29 =	smax.u32 s2, $0x1;
	s15 =	sadd.s32 s4, s14;
	[dreg:$0x6] =	wrdreg s7  }
0xd: {  	v0 =	vimm.s32 $0xFEDCBA98;
	v1 =	vimm.s32 $0x76543210;
	s2 =	simm.s32 $0xCC00;
	s16 =	sadd.s32 s5, s14;
	[dreg:$0x7] =	wrdreg s15  }
0xe: {  	v2 =	vimm.s32 $0xBA98FEDC;
	v3 =	vimm.s32 $0x32107654;
	s18 =	sadd.s32 $0x96, s3;
	s17 =	sadd.s32 s6, s14;
	[dreg:$0x8] =	wrdreg s16  }
0xf: {  	v4 =	vimm.s32 $0xDCFE98BA;
	v5 =	vimm.s32 $0x54761032;
	s21 =	sadd.s32 $0xC8, s3;
	s19 =	sadd.s32 s4, s18;
	[dreg:$0x9] =	wrdreg s17  }
0x10: {  	v6 =	vimm.s32 $0xEFCDAB89;
	v7 =	vimm.s32 $0x67452301;
	s25 =	sadd.s32 $0xFA, s3;
	s20 =	sadd.s32 s5, s18;
	[dreg:$0xa] =	wrdreg s19  }
0x11: {  	v0 =	vunpack.c.l.s4.s8 v0;
	v1 =	vunpack.c.l.s4.s8 v1;
	v2 =	vunpack.c.l.s4.s8 v2;
	s26 =	sadd.s32 $0x12C, s3;
	s22 =	sadd.s32 s4, s21;
	[dreg:$0xb] =	wrdreg s20  }
0x12: {  	v3 =	vunpack.c.l.s4.s8 v3;
	v4 =	vunpack.c.l.s4.s8 v4;
	v5 =	vunpack.c.l.s4.s8 v5;
	s23 =	sadd.s32 s5, s21;
	s24 =	sadd.s32 s6, s21;
	[dreg:$0xd] =	wrdreg s22  }
0x13: {  	v6 =	vunpack.c.l.s4.s8 v6;
	v7 =	vunpack.c.l.s4.s8 v7;
	v0 =	vunpack.c.0.s8.s32 v0;
	s21 =	sadd.s32 s5, s26;
	s7 =	sadd.s32 s6, s18;
	[dreg:$0xe] =	wrdreg s23  }
0x14: {  	v2 =	vunpack.c.0.s8.s32 v2;
	v3 =	vunpack.c.0.s8.s32 v3;
	v4 =	vunpack.c.0.s8.s32 v4;
	[dreg:$0xf] =	wrdreg s24;
	s16 =	sadd.s32 s4, s25;
	s17 =	sadd.s32 s5, s25  }
0x15: {  	v5 =	vunpack.c.0.s8.s32 v5;
	v6 =	vunpack.c.0.s8.s32 v6;
	v7 =	vunpack.c.0.s8.s32 v7;
	s18 =	sadd.s32 s6, s25;
	s19 =	sadd.s32 s6, s3;
	s3 =	sadd.s32 $0x15E, s3  }
0x16: {  	v1 =	vunpack.c.0.s8.s32 v1;
	v2 =	vcombine.low v3, v2;
	s20 =	sadd.s32 s4, s26;
	s22 =	sadd.s32 s6, s26;
	s24 =	simm.s32 $0x190  }
0x17: {  	v3 =	vcombine.low v5, v4;
	v4 =	vcombine.low v7, v6;
	v0 =	vand.u32 $0xF, v0;
	[dreg:$0xc] =	wrdreg s7;
	s23 =	sadd.s32 s4, s3;
	s25 =	sadd.s32 s5, s3  }
0x18: {  	v0 =	vcombine.low v0, v1;
	v1 =	vand.u32 $0xF, v2;
	s26 =	sadd.s32 s6, s3;
	s3 =	simm.s32 $0x1;
	s4 =	simm.s32 $0x2  }
0x19: {  	v2 =	vand.u32 $0xF, v3;
	v3 =	vand.u32 $0xF, v4;
	v4 =	vlaneseq.u32;
	s5 =	simm.s32 $0x19400;
	s6 =	simm.s32 $0x0;
	_ =	strace $0x80000047  }
.LBB2_1:
0x1a: {  	s7 =	rddreg [dreg:$0x2]  }
0x1b: {  	[tilespmem:s1], [sflag:$0x3] =	stream.linear.gather [hbm4b:s7+s1], $0x190, $0x38;
	[tilespmem:$0x19600] =	vst v63  }
0x1c: {  	_ =	swait.ge [sflag:s30], $0x190  }
0x1d: {  	[sflag:s30] =	ssyncset.done $0x0  }
0x1e: {  	s15 =	rddreg [dreg:$0x3];
	[sflag:s30] =	ssyncadd.s32 $0xFFFFFE70  }
0x1f: {  	[tilespmem:s31], [sflag:$0x3] =	stream.linear.gather [hbm4b:s15+s1], $0x190, $0x38;
	[tilespmem:$0x19600] =	vst v63  }
0x20: {  	_ =	swait.ge [sflag:s30], $0x190  }
0x21: {  	[sflag:s30] =	ssyncset.done $0x0  }
0x22: {  	[sflag:s30] =	ssyncadd.s32 $0xFFFFFE70  }
0x23: {  	[tilespmem:s0], [sflag:$0x1] =	stream.indirect.gather [hbm4b:s28+s24], $0x80, s1, s24, $0xb8;
	[tilespmem:$0x19600] =	vst v63  }
0x24: {  	_ = 	snop  }
0x25: {  	[tilespmem:s2], [sflag:$0x2] =	stream.indirect.gather [hbm4b:s28+s24], $0x80, s31, s24, $0xb8;
	[tilespmem:$0x19600] =	vst v63  }
0x26: {  	_ =	swait.ge [sflag:s3], $0xC800  }
0x27: {  	[sflag:s3] =	ssyncset.done $0x0  }
0x28: {  	[sflag:s3] =	ssyncadd.s32 $0xFFFF3800  }
0x29: {  	_ =	swait.ge [sflag:s4], $0xC800  }
0x2a: {  	s8 =	simm.s32 $0xCD00;
	[sflag:s4] =	ssyncset.done $0x0  }
0x2b: {  	s9 =	simm.s32 $0x0;
	s7 =	simm.s32 $0x500;
	[sflag:s4] =	ssyncadd.s32 $0xFFFF3800  }
.LBB2_2:
0x2c: {  	v5 =	vld [tilespmem:s7+$0xF0]  }
0x2d: {  	v7 =	vld [tilespmem:s7+$0x70]  }
0x2e: {  	v8 =	vld [tilespmem:s7+$0xFFFFFFF0]  }
0x2f: {  	v15 =	vld [tilespmem:s8+$0xFFFFFFF0]  }
0x30: {  	v6 =	vld [tilespmem:s7+$0xE0]  }
0x31: {  	v17 =	vld [tilespmem:s7+$0xFFFFFF70]  }
0x32: {  	v21 =	vld [tilespmem:s8+$0xFFFFFF70]  }
0x33: {  	v9 =	vld [tilespmem:s7+$0x60]  }
0x34: {  	v22 =	vld [tilespmem:s7+$0xFFFFFFE0]  }
0x35: {  	v51 =	vld [tilespmem:s8+$0xFFFFFFE0]  }
0x36: {  	v10 =	vld [tilespmem:s7+$0xD0]  }
0x37: {  	v52 =	vld [tilespmem:s7+$0xFFFFFF60]  }
0x38: {  	v53 =	vld [tilespmem:s8+$0xFFFFFF60]  }
0x39: {  	v11 =	vld [tilespmem:s7+$0x50]  }
0x3a: {  	v18 =	vld [tilespmem:s7+$0xFFFFFFD0]  }
0x3b: {  	v20 =	vld [tilespmem:s8+$0xFFFFFFD0]  }
0x3c: {  	v12 =	vld [tilespmem:s7+$0xC0]  }
0x3d: {  	v23 =	vld [tilespmem:s7+$0xFFFFFF50]  }
0x3e: {  	v25 =	vld [tilespmem:s8+$0xFFFFFF50]  }
0x3f: {  	v13 =	vld [tilespmem:s7+$0x40]  }
0x40: {  	v26 =	vld [tilespmem:s7+$0xFFFFFFC0]  }
0x41: {  	v27 =	vld [tilespmem:s8+$0xFFFFFFC0]  }
0x42: {  	v14 =	vld [tilespmem:s7+$0xB0]  }
0x43: {  	v31 =	vld [tilespmem:s7+$0xFFFFFF40]  }
0x44: {  	v33 =	vld [tilespmem:s8+$0xFFFFFF40]  }
0x45: {  	v16 =	vld [tilespmem:s7+$0x30]  }
0x46: {  	v32 =	vld [tilespmem:s7+$0xFFFFFFB0]  }
0x47: {  	v34 =	vld [tilespmem:s8+$0xFFFFFFB0]  }
0x48: {  	v19 =	vld [tilespmem:s7+$0xA0]  }
0x49: {  	v35 =	vld [tilespmem:s7+$0xFFFFFF30]  }
0x4a: {  	v38 =	vld [tilespmem:s8+$0xFFFFFF30]  }
0x4b: {  	v24 =	vld [tilespmem:s7+$0x20]  }
0x4c: {  	v36 =	vld [tilespmem:s7+$0xFFFFFFA0]  }
0x4d: {  	v39 =	vld [tilespmem:s8+$0xFFFFFFA0]  }
0x4e: {  	v28 =	vld [tilespmem:s7+$0x80]  }
0x4f: {  	v29 =	vld [tilespmem:s8+$0x80]  }
0x50: {  	v30 =	vld [tilespmem:s7+$0x90]  }
0x51: {  	v42 =	vld [tilespmem:s7+$0xFFFFFF20]  }
0x52: {  	v44 =	vld [tilespmem:s8+$0xFFFFFF20]  }
0x53: {  	v37 =	vld [tilespmem:s7+$0x0]  }
0x54: {  	v40 =	vld [tilespmem:s8+$0x0]  }
0x55: {  	v41 =	vld [tilespmem:s7+$0x10]  }
0x56: {  	v43 =	vld [tilespmem:s7+$0xFFFFFF80]  }
0x57: {  	v45 =	vld [tilespmem:s8+$0xFFFFFF80]  }
0x58: {  	v46 =	vld [tilespmem:s7+$0xFFFFFF90]  }
0x59: {  	v47 =	vld [tilespmem:s7+$0xFFFFFF00]  }
0x5a: {  	v48 =	vld [tilespmem:s8+$0xFFFFFF00]  }
0x5b: {  	v49 =	vld [tilespmem:s7+$0xFFFFFF10];
	s10 =	simm.s32 $0x0;
	v17 =	vmul.f32 v21, v17;
	v15 =	vmul.f32 v15, v8  }
0x5c: {  	v50 =	vld [tilespmem:s8+$0xFFFFFF10];
	s12 =	simm.s32 $0x4;
	s11 =	smov.u32 s8;
	s13 =	smov.u32 s7;
	v8 =	vimm.f32 $0.0e+00;
	v21 =	vmul.f32 v53, v52;
	v22 =	vmul.f32 v51, v22  }
.LBB2_3:
0x5d: {  	p0 =	sne.s32 s12, $0xC;
	v23 =	vmul.f32 v25, v23;
	v25 =	vld [tilespmem:s11+$0xFFFFFF90];
	v18 =	vmul.f32 v20, v18  }
0x5e: {  	v20 =	vmul.f32 v33, v31;
	v26 =	vmul.f32 v27, v26;
	v27 =	vld [tilespmem:s11+$0x10]  }
0x5f: {  	v31 =	vmul.f32 v38, v35;
	v32 =	vmul.f32 v34, v32;
	v33 =	vld [tilespmem:s11+$0x90]  }
0x60: {  	v34 =	vmul.f32 v44, v42;
	v35 =	vmul.f32 v39, v36;
	v36 =	vld [tilespmem:s11+$0x20]  }
0x61: {  	v38 =	vmul.f32 v48, v47;
	v39 =	vmul.f32 v50, v49;
	v42 =	vld [tilespmem:s11+$0xA0]  }
0x62: {  	v43 =	vmul.f32 v45, v43;
	v25 =	vmul.f32 v25, v46;
	v44 =	vld [tilespmem:s11+$0x30]  }
0x63: {  	v37 =	vmul.f32 v40, v37;
	v38 =	vadd.f32 v39, v38;
	v27 =	vmul.f32 v27, v41;
	v39 =	vld [tilespmem:s11+$0xB0]  }
0x64: {  	v28 =	vmul.f32 v29, v28;
	v25 =	vadd.f32 v25, v43;
	v40 =	vld [tilespmem:s11+$0x40];
	v29 =	vmul.f32 v33, v30  }
0x65: {  	v30 =	vadd.f32 v34, v38;
	v27 =	vadd.f32 v27, v37;
	v24 =	vmul.f32 v36, v24;
	v33 =	vld [tilespmem:s11+$0xC0]  }
0x66: {  	v25 =	vadd.f32 v35, v25;
	v34 =	vld [tilespmem:s11+$0x50];
	v28 =	vadd.f32 v29, v28;
	v19 =	vmul.f32 v42, v19  }
0x67: {  	v29 =	vadd.f32 v31, v30;
	v24 =	vadd.f32 v24, v27;
	v16 =	vmul.f32 v44, v16;
	v27 =	vld [tilespmem:s11+$0xD0]  }
0x68: {  	v25 =	vadd.f32 v32, v25;
	v30 =	vld [tilespmem:s11+$0x60];
	v19 =	vadd.f32 v19, v28;
	v14 =	vmul.f32 v39, v14  }
0x69: {  	v20 =	vadd.f32 v20, v29;
	v16 =	vadd.f32 v16, v24;
	v13 =	vmul.f32 v40, v13;
	v24 =	vld [tilespmem:s11+$0xE0]  }
0x6a: {  	v25 =	vadd.f32 v26, v25;
	v26 =	vld [tilespmem:s11+$0x70];
	v14 =	vadd.f32 v14, v19;
	v12 =	vmul.f32 v33, v12  }
0x6b: {  	s13 =	sadd.s32 $0x200, s13;
	v19 =	vadd.f32 v23, v20;
	v13 =	vadd.f32 v13, v16;
	v11 =	vmul.f32 v34, v11;
	v16 =	vld [tilespmem:s11+$0xF0]  }
0x6c: {  	v20 =	vld [tilespmem:s13+$0xF0];
	v18 =	vadd.f32 v18, v25;
	v12 =	vadd.f32 v12, v14;
	v10 =	vmul.f32 v27, v10  }
0x6d: {  	v14 =	vld [tilespmem:s13+$0x70];
	v19 =	vadd.f32 v21, v19;
	v11 =	vadd.f32 v11, v13;
	v9 =	vmul.f32 v30, v9  }
0x6e: {  	s11 =	sadd.s32 $0x200, s11;
	v21 =	vld [tilespmem:s13+$0xFFFFFFF0];
	v13 =	vadd.f32 v22, v18;
	v10 =	vadd.f32 v10, v12;
	v12 =	vmul.f32 v24, v6  }
0x6f: {  	v22 =	vld [tilespmem:s11+$0xFFFFFFF0];
	v18 =	vadd.f32 v17, v19;
	v9 =	vadd.f32 v9, v11;
	v23 =	vmul.f32 v26, v7  }
0x70: {  	v6 =	vld [tilespmem:s13+$0xE0];
	v11 =	vadd.f32 v15, v13;
	v10 =	vadd.f32 v12, v10;
	v12 =	vmul.f32 v16, v5  }
0x71: {  	v15 =	vld [tilespmem:s13+$0xFFFFFF70];
	v13 =	vperm.xlane v18, v0;
	v16 =	vadd.f32 v23, v9;
	v5 =	vmov v20  }
0x72: {  	v17 =	vld [tilespmem:s11+$0xFFFFFF70];
	v19 =	vperm.xlane v11, v0;
	v12 =	vadd.f32 v12, v10;
	v7 =	vmov v14  }
0x73: {  	v9 =	vld [tilespmem:s13+$0x60];
	v13 =	vadd.f32 v18, v13;
	v10 =	vperm.xlane v16, v0  }
0x74: {  	v51 =	vld [tilespmem:s13+$0xFFFFFFE0];
	v11 =	vadd.f32 v11, v19;
	v14 =	vperm.xlane v12, v0  }
0x75: {  	v52 =	vld [tilespmem:s11+$0xFFFFFFE0];
	v18 =	vperm.xlane v13, v1;
	v16 =	vadd.f32 v16, v10  }
0x76: {  	v10 =	vld [tilespmem:s13+$0xD0];
	v19 =	vperm.xlane v11, v1;
	v12 =	vadd.f32 v12, v14  }
0x77: {  	v53 =	vld [tilespmem:s13+$0xFFFFFF60];
	v13 =	vadd.f32 v13, v18;
	v14 =	vperm.xlane v16, v1  }
0x78: {  	v54 =	vld [tilespmem:s11+$0xFFFFFF60];
	v19 =	vadd.f32 v11, v19;
	v20 =	vperm.xlane v12, v1  }
0x79: {  	v11 =	vld [tilespmem:s13+$0x50];
	v23 =	vperm.xlane v13, v2;
	v14 =	vadd.f32 v16, v14  }
0x7a: {  	v18 =	vld [tilespmem:s13+$0xFFFFFFD0];
	v16 =	vperm.xlane v19, v2;
	v24 =	vadd.f32 v12, v20  }
0x7b: {  	v20 =	vld [tilespmem:s11+$0xFFFFFFD0];
	v26 =	vadd.f32 v13, v23;
	v13 =	vperm.xlane v14, v2  }
0x7c: {  	s14 =	sadd.s32 $0x3, s10;
	v27 =	vmov s10;
	v12 =	vld [tilespmem:s13+$0xC0];
	v16 =	vadd.f32 v19, v16;
	v19 =	vperm.xlane v24, v2  }
0x7d: {  	s15 =	sadd.s32 $0x2, s10;
	v29 =	vmov s14;
	v23 =	vld [tilespmem:s13+$0xFFFFFF50];
	v28 =	vperm.xlane v26, v3;
	v14 =	vadd.f32 v14, v13  }
0x7e: {  	v25 =	vld [tilespmem:s11+$0xFFFFFF50];
	v30 =	vperm.xlane v16, v3;
	v19 =	vadd.f32 v24, v19;
	v24 =	vmov s15  }
0x7f: {  	s14 =	sadd.s32 $0x1, s10;
	s10 =	smov.u32 s12;
	vm0 =	veq.s32 v27, v4;
	v13 =	vld [tilespmem:s13+$0x40];
	v28 =	vadd.f32 v26, v28;
	v31 =	vperm.xlane v14, v3  }
0x80: {  	v32 =	vmov s14;
	v26 =	vld [tilespmem:s13+$0xFFFFFFC0];
	v16 =	vadd.f32 v16, v30;
	v30 =	vperm.xlane v19, v3  }
0x81: {  	v27 =	vld [tilespmem:s11+$0xFFFFFFC0];
	v33 =	vadd.f32 v14, v31;
	v8 =	vsel vm0, v28, v8;
	vm0 =	veq.s32 v32, v4  }
0x82: {  	v14 =	vld [tilespmem:s13+$0xB0];
	v19 =	vadd.f32 v19, v30;
	v8 =	vsel vm0, v16, v8;
	vm0 =	veq.s32 v24, v4  }
0x83: {  	v31 =	vld [tilespmem:s13+$0xFFFFFF40];
	v8 =	vsel vm0, v33, v8;
	vm0 =	veq.s32 v29, v4  }
0x84: {  	v33 =	vld [tilespmem:s11+$0xFFFFFF40];
	v8 =	vsel vm0, v19, v8  }
0x85: {  	v16 =	vld [tilespmem:s13+$0x30]  }
0x86: {  	v32 =	vld [tilespmem:s13+$0xFFFFFFB0]  }
0x87: {  	v34 =	vld [tilespmem:s11+$0xFFFFFFB0]  }
0x88: {  	v19 =	vld [tilespmem:s13+$0xA0]  }
0x89: {  	v35 =	vld [tilespmem:s13+$0xFFFFFF30]  }
0x8a: {  	v38 =	vld [tilespmem:s11+$0xFFFFFF30]  }
0x8b: {  	v24 =	vld [tilespmem:s13+$0x20]  }
0x8c: {  	v36 =	vld [tilespmem:s13+$0xFFFFFFA0]  }
0x8d: {  	v39 =	vld [tilespmem:s11+$0xFFFFFFA0]  }
0x8e: {  	v28 =	vld [tilespmem:s13+$0x80]  }
0x8f: {  	v29 =	vld [tilespmem:s11+$0x80]  }
0x90: {  	v30 =	vld [tilespmem:s13+$0x90]  }
0x91: {  	v42 =	vld [tilespmem:s13+$0xFFFFFF20]  }
0x92: {  	v44 =	vld [tilespmem:s11+$0xFFFFFF20]  }
0x93: {  	v37 =	vld [tilespmem:s13+$0x0]  }
0x94: {  	v40 =	vld [tilespmem:s11+$0x0]  }
0x95: {  	v41 =	vld [tilespmem:s13+$0x10]  }
0x96: {  	v43 =	vld [tilespmem:s13+$0xFFFFFF80]  }
0x97: {  	v45 =	vld [tilespmem:s11+$0xFFFFFF80]  }
.Ltmp0:
0x98: {  	v46 =	vld [tilespmem:s13+$0xFFFFFF90];
	(pc) =	sbr.rel @p0 .LBB2_3-.Ltmp0, $4  }
0x99: {  	v47 =	vld [tilespmem:s13+$0xFFFFFF00]  }
0x9a: {  	v48 =	vld [tilespmem:s11+$0xFFFFFF00]  }
0x9b: {  	v17 =	vmul.f32 v17, v15;
	v15 =	vmul.f32 v22, v21;
	v49 =	vld [tilespmem:s13+$0xFFFFFF10]  }
0x9c: {  	s12 =	sadd.s32 $0x4, s12;
	v22 =	vmul.f32 v52, v51;
	v21 =	vmul.f32 v54, v53;
	v50 =	vld [tilespmem:s11+$0xFFFFFF10]  }
0x9d: {  	v23 =	vmul.f32 v25, v23;
	v61 =	vld [tilespmem:s11+$0xFFFFFF90];
	v18 =	vmul.f32 v20, v18  }
0x9e: {  	v20 =	vmul.f32 v33, v31;
	v26 =	vmul.f32 v27, v26;
	v62 =	vld [tilespmem:s11+$0x10]  }
0x9f: {  	v31 =	vmul.f32 v38, v35;
	v32 =	vmul.f32 v34, v32;
	v63 =	vld [tilespmem:s11+$0x90]  }
0xa0: {  	v51 =	vmul.f32 v44, v42;
	v52 =	vmul.f32 v39, v36;
	v53 =	vld [tilespmem:s11+$0x20]  }
0xa1: {  	v56 =	vld [tilespmem:s11+$0xA0];
	v54 =	vmul.f32 v48, v47;
	v55 =	vmul.f32 v50, v49  }
0xa2: {  	v43 =	vmul.f32 v45, v43;
	v57 =	vld [tilespmem:s11+$0x30];
	v25 =	vmul.f32 v61, v46  }
0xa3: {  	v37 =	vmul.f32 v40, v37;
	v58 =	vld [tilespmem:s11+$0xB0];
	v27 =	vmul.f32 v62, v41;
	v38 =	vadd.f32 v55, v54  }
0xa4: {  	v59 =	vld [tilespmem:s11+$0x40];
	v28 =	vmul.f32 v29, v28;
	v60 =	vmul.f32 v63, v30;
	v25 =	vadd.f32 v25, v43  }
0xa5: {  	v24 =	vmul.f32 v53, v24;
	v62 =	vld [tilespmem:s11+$0xC0];
	v27 =	vadd.f32 v27, v37;
	v61 =	vadd.f32 v51, v38  }
0xa6: {  	v63 =	vld [tilespmem:s11+$0x50];
	v19 =	vmul.f32 v56, v19;
	v28 =	vadd.f32 v60, v28;
	v25 =	vadd.f32 v52, v25  }
0xa7: {  	v36 =	vld [tilespmem:s11+$0xD0];
	v16 =	vmul.f32 v57, v16;
	v24 =	vadd.f32 v24, v27;
	v35 =	vadd.f32 v31, v61  }
0xa8: {  	v14 =	vmul.f32 v58, v14;
	v37 =	vld [tilespmem:s11+$0x60];
	v19 =	vadd.f32 v19, v28;
	v25 =	vadd.f32 v32, v25  }
0xa9: {  	v13 =	vmul.f32 v59, v13;
	v38 =	vld [tilespmem:s11+$0xE0];
	v16 =	vadd.f32 v16, v24;
	v20 =	vadd.f32 v20, v35  }
0xaa: {  	v39 =	vld [tilespmem:s11+$0x70];
	v12 =	vmul.f32 v62, v12;
	v14 =	vadd.f32 v14, v19;
	v25 =	vadd.f32 v26, v25  }
0xab: {  	v41 =	vld [tilespmem:s11+$0xF0];
	v11 =	vmul.f32 v63, v11;
	v13 =	vadd.f32 v13, v16;
	v40 =	vadd.f32 v23, v20  }
0xac: {  	v10 =	vmul.f32 v36, v10;
	v12 =	vadd.f32 v12, v14;
	v18 =	vadd.f32 v18, v25  }
0xad: {  	v9 =	vmul.f32 v37, v9;
	v11 =	vadd.f32 v11, v13;
	v42 =	vadd.f32 v21, v40  }
0xae: {  	v6 =	vmul.f32 v38, v6;
	v10 =	vadd.f32 v10, v12;
	v43 =	vadd.f32 v22, v18  }
0xaf: {  	v7 =	vmul.f32 v39, v7;
	v9 =	vadd.f32 v9, v11;
	v44 =	vadd.f32 v17, v42  }
0xb0: {  	v5 =	vmul.f32 v41, v5;
	v6 =	vadd.f32 v6, v10;
	v45 =	vadd.f32 v15, v43  }
0xb1: {  	v7 =	vadd.f32 v7, v9;
	v46 =	vperm.xlane v44, v0  }
0xb2: {  	v5 =	vadd.f32 v5, v6;
	v47 =	vperm.xlane v45, v0  }
0xb3: {  	v48 =	vperm.xlane v7, v0;
	v6 =	vadd.f32 v44, v46  }
0xb4: {  	v49 =	vperm.xlane v5, v0;
	v9 =	vadd.f32 v45, v47  }
0xb5: {  	v7 =	vadd.f32 v7, v48;
	v12 =	vperm.xlane v6, v1  }
0xb6: {  	v5 =	vadd.f32 v5, v49;
	v50 =	vperm.xlane v9, v1  }
0xb7: {  	v51 =	vperm.xlane v7, v1;
	v6 =	vadd.f32 v6, v12  }
0xb8: {  	v52 =	vperm.xlane v5, v1;
	v9 =	vadd.f32 v9, v50  }
0xb9: {  	v7 =	vadd.f32 v7, v51;
	v12 =	vperm.xlane v6, v2  }
0xba: {  	v5 =	vadd.f32 v5, v52;
	v53 =	vperm.xlane v9, v2  }
0xbb: {  	v54 =	vperm.xlane v7, v2;
	v6 =	vadd.f32 v6, v12  }
0xbc: {  	s13 =	sadd.s32 $0x3, s10;
	v56 =	vmov s10;
	v55 =	vperm.xlane v5, v2;
	v9 =	vadd.f32 v9, v53  }
0xbd: {  	v58 =	vmov s13;
	v7 =	vadd.f32 v7, v54;
	v57 =	vperm.xlane v6, v3  }
0xbe: {  	s12 =	sadd.s32 $0x2, s10;
	vm0 =	veq.s32 v56, v4;
	v5 =	vadd.f32 v5, v55;
	v59 =	vperm.xlane v9, v3  }
0xbf: {  	s14 =	sadd.s32 $0x1, s10;
	s15 =	sshll.u32 s9, $0x4;
	s9 =	sadd.s32 $0x1, s9;
	v60 =	vmov s12;
	v61 =	vperm.xlane v7, v3;
	v6 =	vadd.f32 v6, v57  }
0xc0: {  	p0 =	sne.s32 s9, $0x19;
	v63 =	vmov s14;
	v62 =	vperm.xlane v5, v3;
	v9 =	vadd.f32 v9, v59  }
.Ltmp1:
0xc1: {  	vm13 =	veq.s32 v63, v4;
	v7 =	vadd.f32 v7, v61;
	v6 =	vsel vm0, v6, v8;
	(pc) =	sbr.rel @p0 .LBB2_2-.Ltmp1, $4  }
0xc2: {  	vm14 =	veq.s32 v60, v4;
	v5 =	vadd.f32 v5, v62;
	v6 =	vsel vm13, v9, v6  }
0xc3: {  	vm15 =	veq.s32 v58, v4;
	v6 =	vsel vm14, v7, v6  }
0xc4: {  	s10 =	sand.u32 $0x3FFFFFF0, s15;
	v5 =	vsel vm15, v5, v6  }
0xc5: {  	s7 =	sadd.s32 $0x800, s7;
	s8 =	sadd.s32 $0x800, s8;
	[tilespmem:s10+$0x19400] =	vst v5  }
0xc6: {  	s7 =	simm.s32 $0x0  }
0xc7: {  	[hbm4b:s19+s7] =	stream.linear.scatter [tilespmem:s5], [sflag:$0x3], $0x190, $0x38;
	[tilespmem:$0x19600] =	vst v63  }
0xc8: {  	_ =	swait.ge [sflag:s30], $0x190  }
0xc9: {  	[sflag:s30] =	ssyncset.done $0x0  }
0xca: {  	s8 =	rddreg [dreg:$0x4];
	[sflag:s30] =	ssyncadd.s32 $0xFFFFFE70  }
0xcb: {  	[tilespmem:s7], [sflag:$0x3] =	stream.linear.gather [hbm4b:s8+s7], $0x190, $0x38;
	[tilespmem:$0x19600] =	vst v63  }
0xcc: {  	_ =	swait.ge [sflag:s30], $0x190  }
0xcd: {  	[sflag:s30] =	ssyncset.done $0x0  }
0xce: {  	s15 =	rddreg [dreg:$0x5];
	[sflag:s30] =	ssyncadd.s32 $0xFFFFFE70  }
0xcf: {  	[tilespmem:s31], [sflag:$0x3] =	stream.linear.gather [hbm4b:s15+s7], $0x190, $0x38;
	[tilespmem:$0x19600] =	vst v63  }
0xd0: {  	_ =	swait.ge [sflag:s30], $0x190  }
0xd1: {  	[sflag:s30] =	ssyncset.done $0x0  }
0xd2: {  	[sflag:s30] =	ssyncadd.s32 $0xFFFFFE70  }
0xd3: {  	[tilespmem:s0], [sflag:$0x1] =	stream.indirect.gather [hbm4b:s28+s24], $0x80, s7, s24, $0xb8;
	[tilespmem:$0x19600] =	vst v63  }
0xd4: {  	_ = 	snop  }
0xd5: {  	[tilespmem:s2], [sflag:$0x2] =	stream.indirect.gather [hbm4b:s28+s24], $0x80, s31, s24, $0xb8;
	[tilespmem:$0x19600] =	vst v63  }
0xd6: {  	_ =	swait.ge [sflag:s3], $0xC800  }
0xd7: {  	[sflag:s3] =	ssyncset.done $0x0  }
0xd8: {  	[sflag:s3] =	ssyncadd.s32 $0xFFFF3800  }
0xd9: {  	_ =	swait.ge [sflag:s4], $0xC800  }
0xda: {  	[sflag:s4] =	ssyncset.done $0x0  }
0xdb: {  	s13 =	simm.s32 $0x500;
	s11 =	simm.s32 $0xCD00;
	[sflag:s4] =	ssyncadd.s32 $0xFFFF3800  }
.LBB2_6:
0xdc: {  	v5 =	vld [tilespmem:s13+$0xF0]  }
0xdd: {  	v7 =	vld [tilespmem:s13+$0x70]  }
0xde: {  	v8 =	vld [tilespmem:s13+$0xFFFFFFF0]  }
0xdf: {  	v15 =	vld [tilespmem:s11+$0xFFFFFFF0]  }
0xe0: {  	v6 =	vld [tilespmem:s13+$0xE0]  }
0xe1: {  	v17 =	vld [tilespmem:s13+$0xFFFFFF70]  }
0xe2: {  	v21 =	vld [tilespmem:s11+$0xFFFFFF70]  }
0xe3: {  	v9 =	vld [tilespmem:s13+$0x60]  }
0xe4: {  	v22 =	vld [tilespmem:s13+$0xFFFFFFE0]  }
0xe5: {  	v51 =	vld [tilespmem:s11+$0xFFFFFFE0]  }
0xe6: {  	v10 =	vld [tilespmem:s13+$0xD0]  }
0xe7: {  	v52 =	vld [tilespmem:s13+$0xFFFFFF60]  }
0xe8: {  	v53 =	vld [tilespmem:s11+$0xFFFFFF60]  }
0xe9: {  	v11 =	vld [tilespmem:s13+$0x50]  }
0xea: {  	v18 =	vld [tilespmem:s13+$0xFFFFFFD0]  }
0xeb: {  	v20 =	vld [tilespmem:s11+$0xFFFFFFD0]  }
0xec: {  	v12 =	vld [tilespmem:s13+$0xC0]  }
0xed: {  	v23 =	vld [tilespmem:s13+$0xFFFFFF50]  }
0xee: {  	v25 =	vld [tilespmem:s11+$0xFFFFFF50]  }
0xef: {  	v13 =	vld [tilespmem:s13+$0x40]  }
0xf0: {  	v26 =	vld [tilespmem:s13+$0xFFFFFFC0]  }
0xf1: {  	v27 =	vld [tilespmem:s11+$0xFFFFFFC0]  }
0xf2: {  	v14 =	vld [tilespmem:s13+$0xB0]  }
0xf3: {  	v31 =	vld [tilespmem:s13+$0xFFFFFF40]  }
0xf4: {  	v33 =	vld [tilespmem:s11+$0xFFFFFF40]  }
0xf5: {  	v16 =	vld [tilespmem:s13+$0x30]  }
0xf6: {  	v32 =	vld [tilespmem:s13+$0xFFFFFFB0]  }
0xf7: {  	v34 =	vld [tilespmem:s11+$0xFFFFFFB0]  }
0xf8: {  	v19 =	vld [tilespmem:s13+$0xA0]  }
0xf9: {  	v35 =	vld [tilespmem:s13+$0xFFFFFF30]  }
0xfa: {  	v38 =	vld [tilespmem:s11+$0xFFFFFF30]  }
0xfb: {  	v24 =	vld [tilespmem:s13+$0x20]  }
0xfc: {  	v36 =	vld [tilespmem:s13+$0xFFFFFFA0]  }
0xfd: {  	v39 =	vld [tilespmem:s11+$0xFFFFFFA0]  }
0xfe: {  	v28 =	vld [tilespmem:s13+$0x80]  }
0xff: {  	v29 =	vld [tilespmem:s11+$0x80]  }
0x100: {  	v30 =	vld [tilespmem:s13+$0x90]  }
0x101: {  	v42 =	vld [tilespmem:s13+$0xFFFFFF20]  }
0x102: {  	v44 =	vld [tilespmem:s11+$0xFFFFFF20]  }
0x103: {  	v37 =	vld [tilespmem:s13+$0x0]  }
0x104: {  	v40 =	vld [tilespmem:s11+$0x0]  }
0x105: {  	v41 =	vld [tilespmem:s13+$0x10]  }
0x106: {  	v43 =	vld [tilespmem:s13+$0xFFFFFF80]  }
0x107: {  	v45 =	vld [tilespmem:s11+$0xFFFFFF80]  }
0x108: {  	v46 =	vld [tilespmem:s13+$0xFFFFFF90]  }
0x109: {  	v47 =	vld [tilespmem:s13+$0xFFFFFF00]  }
0x10a: {  	v48 =	vld [tilespmem:s11+$0xFFFFFF00]  }
0x10b: {  	v49 =	vld [tilespmem:s13+$0xFFFFFF10];
	s12 =	simm.s32 $0x4;
	v17 =	vmul.f32 v21, v17;
	v15 =	vmul.f32 v15, v8  }
0x10c: {  	v50 =	vld [tilespmem:s11+$0xFFFFFF10];
	s9 =	smov.u32 s11;
	s8 =	smov.u32 s13;
	s10 =	simm.s32 $0x0;
	v8 =	vimm.f32 $0.0e+00;
	v21 =	vmul.f32 v53, v52;
	v22 =	vmul.f32 v51, v22  }
.LBB2_7:
0x10d: {  	p0 =	sne.s32 s12, $0xC;
	v23 =	vmul.f32 v25, v23;
	v25 =	vld [tilespmem:s9+$0xFFFFFF90];
	v18 =	vmul.f32 v20, v18  }
0x10e: {  	v20 =	vmul.f32 v33, v31;
	v26 =	vmul.f32 v27, v26;
	v27 =	vld [tilespmem:s9+$0x10]  }
0x10f: {  	v31 =	vmul.f32 v38, v35;
	v32 =	vmul.f32 v34, v32;
	v33 =	vld [tilespmem:s9+$0x90]  }
0x110: {  	v34 =	vmul.f32 v44, v42;
	v35 =	vmul.f32 v39, v36;
	v36 =	vld [tilespmem:s9+$0x20]  }
0x111: {  	v38 =	vmul.f32 v48, v47;
	v39 =	vmul.f32 v50, v49;
	v42 =	vld [tilespmem:s9+$0xA0]  }
0x112: {  	v43 =	vmul.f32 v45, v43;
	v25 =	vmul.f32 v25, v46;
	v44 =	vld [tilespmem:s9+$0x30]  }
0x113: {  	v37 =	vmul.f32 v40, v37;
	v38 =	vadd.f32 v39, v38;
	v27 =	vmul.f32 v27, v41;
	v39 =	vld [tilespmem:s9+$0xB0]  }
0x114: {  	v28 =	vmul.f32 v29, v28;
	v25 =	vadd.f32 v25, v43;
	v40 =	vld [tilespmem:s9+$0x40];
	v29 =	vmul.f32 v33, v30  }
0x115: {  	v30 =	vadd.f32 v34, v38;
	v27 =	vadd.f32 v27, v37;
	v24 =	vmul.f32 v36, v24;
	v33 =	vld [tilespmem:s9+$0xC0]  }
0x116: {  	v25 =	vadd.f32 v35, v25;
	v34 =	vld [tilespmem:s9+$0x50];
	v28 =	vadd.f32 v29, v28;
	v19 =	vmul.f32 v42, v19  }
0x117: {  	v29 =	vadd.f32 v31, v30;
	v24 =	vadd.f32 v24, v27;
	v16 =	vmul.f32 v44, v16;
	v27 =	vld [tilespmem:s9+$0xD0]  }
0x118: {  	v25 =	vadd.f32 v32, v25;
	v30 =	vld [tilespmem:s9+$0x60];
	v19 =	vadd.f32 v19, v28;
	v14 =	vmul.f32 v39, v14  }
0x119: {  	v20 =	vadd.f32 v20, v29;
	v16 =	vadd.f32 v16, v24;
	v13 =	vmul.f32 v40, v13;
	v24 =	vld [tilespmem:s9+$0xE0]  }
0x11a: {  	v25 =	vadd.f32 v26, v25;
	v26 =	vld [tilespmem:s9+$0x70];
	v14 =	vadd.f32 v14, v19;
	v12 =	vmul.f32 v33, v12  }
0x11b: {  	s8 =	sadd.s32 $0x200, s8;
	v19 =	vadd.f32 v23, v20;
	v13 =	vadd.f32 v13, v16;
	v11 =	vmul.f32 v34, v11;
	v16 =	vld [tilespmem:s9+$0xF0]  }
0x11c: {  	v20 =	vld [tilespmem:s8+$0xF0];
	v18 =	vadd.f32 v18, v25;
	v12 =	vadd.f32 v12, v14;
	v10 =	vmul.f32 v27, v10  }
0x11d: {  	v14 =	vld [tilespmem:s8+$0x70];
	v19 =	vadd.f32 v21, v19;
	v11 =	vadd.f32 v11, v13;
	v9 =	vmul.f32 v30, v9  }
0x11e: {  	s9 =	sadd.s32 $0x200, s9;
	v21 =	vld [tilespmem:s8+$0xFFFFFFF0];
	v13 =	vadd.f32 v22, v18;
	v10 =	vadd.f32 v10, v12;
	v12 =	vmul.f32 v24, v6  }
0x11f: {  	v22 =	vld [tilespmem:s9+$0xFFFFFFF0];
	v18 =	vadd.f32 v17, v19;
	v9 =	vadd.f32 v9, v11;
	v23 =	vmul.f32 v26, v7  }
0x120: {  	v6 =	vld [tilespmem:s8+$0xE0];
	v11 =	vadd.f32 v15, v13;
	v10 =	vadd.f32 v12, v10;
	v12 =	vmul.f32 v16, v5  }
0x121: {  	v15 =	vld [tilespmem:s8+$0xFFFFFF70];
	v13 =	vperm.xlane v18, v0;
	v16 =	vadd.f32 v23, v9;
	v5 =	vmov v20  }
0x122: {  	v17 =	vld [tilespmem:s9+$0xFFFFFF70];
	v19 =	vperm.xlane v11, v0;
	v12 =	vadd.f32 v12, v10;
	v7 =	vmov v14  }
0x123: {  	v9 =	vld [tilespmem:s8+$0x60];
	v13 =	vadd.f32 v18, v13;
	v10 =	vperm.xlane v16, v0  }
0x124: {  	v51 =	vld [tilespmem:s8+$0xFFFFFFE0];
	v11 =	vadd.f32 v11, v19;
	v14 =	vperm.xlane v12, v0  }
0x125: {  	v52 =	vld [tilespmem:s9+$0xFFFFFFE0];
	v18 =	vperm.xlane v13, v1;
	v16 =	vadd.f32 v16, v10  }
0x126: {  	v10 =	vld [tilespmem:s8+$0xD0];
	v19 =	vperm.xlane v11, v1;
	v12 =	vadd.f32 v12, v14  }
0x127: {  	v53 =	vld [tilespmem:s8+$0xFFFFFF60];
	v13 =	vadd.f32 v13, v18;
	v14 =	vperm.xlane v16, v1  }
0x128: {  	v54 =	vld [tilespmem:s9+$0xFFFFFF60];
	v19 =	vadd.f32 v11, v19;
	v20 =	vperm.xlane v12, v1  }
0x129: {  	v11 =	vld [tilespmem:s8+$0x50];
	v23 =	vperm.xlane v13, v2;
	v14 =	vadd.f32 v16, v14  }
0x12a: {  	v18 =	vld [tilespmem:s8+$0xFFFFFFD0];
	v16 =	vperm.xlane v19, v2;
	v24 =	vadd.f32 v12, v20  }
0x12b: {  	v20 =	vld [tilespmem:s9+$0xFFFFFFD0];
	v26 =	vadd.f32 v13, v23;
	v13 =	vperm.xlane v14, v2  }
0x12c: {  	s14 =	sadd.s32 $0x3, s10;
	v27 =	vmov s10;
	v12 =	vld [tilespmem:s8+$0xC0];
	v16 =	vadd.f32 v19, v16;
	v19 =	vperm.xlane v24, v2  }
0x12d: {  	s15 =	sadd.s32 $0x2, s10;
	v29 =	vmov s14;
	v23 =	vld [tilespmem:s8+$0xFFFFFF50];
	v28 =	vperm.xlane v26, v3;
	v14 =	vadd.f32 v14, v13  }
0x12e: {  	v25 =	vld [tilespmem:s9+$0xFFFFFF50];
	v30 =	vperm.xlane v16, v3;
	v19 =	vadd.f32 v24, v19;
	v24 =	vmov s15  }
0x12f: {  	s14 =	sadd.s32 $0x1, s10;
	s10 =	smov.u32 s12;
	vm0 =	veq.s32 v27, v4;
	v13 =	vld [tilespmem:s8+$0x40];
	v28 =	vadd.f32 v26, v28;
	v31 =	vperm.xlane v14, v3  }
0x130: {  	v32 =	vmov s14;
	v26 =	vld [tilespmem:s8+$0xFFFFFFC0];
	v16 =	vadd.f32 v16, v30;
	v30 =	vperm.xlane v19, v3  }
0x131: {  	v27 =	vld [tilespmem:s9+$0xFFFFFFC0];
	v33 =	vadd.f32 v14, v31;
	v8 =	vsel vm0, v28, v8;
	vm0 =	veq.s32 v32, v4  }
0x132: {  	v14 =	vld [tilespmem:s8+$0xB0];
	v19 =	vadd.f32 v19, v30;
	v8 =	vsel vm0, v16, v8;
	vm0 =	veq.s32 v24, v4  }
0x133: {  	v31 =	vld [tilespmem:s8+$0xFFFFFF40];
	v8 =	vsel vm0, v33, v8;
	vm0 =	veq.s32 v29, v4  }
0x134: {  	v33 =	vld [tilespmem:s9+$0xFFFFFF40];
	v8 =	vsel vm0, v19, v8  }
0x135: {  	v16 =	vld [tilespmem:s8+$0x30]  }
0x136: {  	v32 =	vld [tilespmem:s8+$0xFFFFFFB0]  }
0x137: {  	v34 =	vld [tilespmem:s9+$0xFFFFFFB0]  }
0x138: {  	v19 =	vld [tilespmem:s8+$0xA0]  }
0x139: {  	v35 =	vld [tilespmem:s8+$0xFFFFFF30]  }
0x13a: {  	v38 =	vld [tilespmem:s9+$0xFFFFFF30]  }
0x13b: {  	v24 =	vld [tilespmem:s8+$0x20]  }
0x13c: {  	v36 =	vld [tilespmem:s8+$0xFFFFFFA0]  }
0x13d: {  	v39 =	vld [tilespmem:s9+$0xFFFFFFA0]  }
0x13e: {  	v28 =	vld [tilespmem:s8+$0x80]  }
0x13f: {  	v29 =	vld [tilespmem:s9+$0x80]  }
0x140: {  	v30 =	vld [tilespmem:s8+$0x90]  }
0x141: {  	v42 =	vld [tilespmem:s8+$0xFFFFFF20]  }
0x142: {  	v44 =	vld [tilespmem:s9+$0xFFFFFF20]  }
0x143: {  	v37 =	vld [tilespmem:s8+$0x0]  }
0x144: {  	v40 =	vld [tilespmem:s9+$0x0]  }
0x145: {  	v41 =	vld [tilespmem:s8+$0x10]  }
0x146: {  	v43 =	vld [tilespmem:s8+$0xFFFFFF80]  }
0x147: {  	v45 =	vld [tilespmem:s9+$0xFFFFFF80]  }
.Ltmp2:
0x148: {  	v46 =	vld [tilespmem:s8+$0xFFFFFF90];
	(pc) =	sbr.rel @p0 .LBB2_7-.Ltmp2, $4  }
0x149: {  	v47 =	vld [tilespmem:s8+$0xFFFFFF00]  }
0x14a: {  	v48 =	vld [tilespmem:s9+$0xFFFFFF00]  }
0x14b: {  	v17 =	vmul.f32 v17, v15;
	v15 =	vmul.f32 v22, v21;
	v49 =	vld [tilespmem:s8+$0xFFFFFF10]  }
0x14c: {  	s12 =	sadd.s32 $0x4, s12;
	v22 =	vmul.f32 v52, v51;
	v21 =	vmul.f32 v54, v53;
	v50 =	vld [tilespmem:s9+$0xFFFFFF10]  }
0x14d: {  	v23 =	vmul.f32 v25, v23;
	v61 =	vld [tilespmem:s9+$0xFFFFFF90];
	v18 =	vmul.f32 v20, v18  }
0x14e: {  	v20 =	vmul.f32 v33, v31;
	v26 =	vmul.f32 v27, v26;
	v62 =	vld [tilespmem:s9+$0x10]  }
0x14f: {  	v31 =	vmul.f32 v38, v35;
	v32 =	vmul.f32 v34, v32;
	v63 =	vld [tilespmem:s9+$0x90]  }
0x150: {  	v51 =	vmul.f32 v44, v42;
	v52 =	vmul.f32 v39, v36;
	v53 =	vld [tilespmem:s9+$0x20]  }
0x151: {  	v56 =	vld [tilespmem:s9+$0xA0];
	v54 =	vmul.f32 v48, v47;
	v55 =	vmul.f32 v50, v49  }
0x152: {  	v43 =	vmul.f32 v45, v43;
	v57 =	vld [tilespmem:s9+$0x30];
	v25 =	vmul.f32 v61, v46  }
0x153: {  	v37 =	vmul.f32 v40, v37;
	v58 =	vld [tilespmem:s9+$0xB0];
	v27 =	vmul.f32 v62, v41;
	v38 =	vadd.f32 v55, v54  }
0x154: {  	v59 =	vld [tilespmem:s9+$0x40];
	v28 =	vmul.f32 v29, v28;
	v60 =	vmul.f32 v63, v30;
	v25 =	vadd.f32 v25, v43  }
0x155: {  	v24 =	vmul.f32 v53, v24;
	v62 =	vld [tilespmem:s9+$0xC0];
	v27 =	vadd.f32 v27, v37;
	v61 =	vadd.f32 v51, v38  }
0x156: {  	v63 =	vld [tilespmem:s9+$0x50];
	v19 =	vmul.f32 v56, v19;
	v28 =	vadd.f32 v60, v28;
	v25 =	vadd.f32 v52, v25  }
0x157: {  	v36 =	vld [tilespmem:s9+$0xD0];
	v16 =	vmul.f32 v57, v16;
	v24 =	vadd.f32 v24, v27;
	v35 =	vadd.f32 v31, v61  }
0x158: {  	v14 =	vmul.f32 v58, v14;
	v37 =	vld [tilespmem:s9+$0x60];
	v19 =	vadd.f32 v19, v28;
	v25 =	vadd.f32 v32, v25  }
0x159: {  	v13 =	vmul.f32 v59, v13;
	v38 =	vld [tilespmem:s9+$0xE0];
	v16 =	vadd.f32 v16, v24;
	v20 =	vadd.f32 v20, v35  }
0x15a: {  	v39 =	vld [tilespmem:s9+$0x70];
	v12 =	vmul.f32 v62, v12;
	v14 =	vadd.f32 v14, v19;
	v25 =	vadd.f32 v26, v25  }
0x15b: {  	v41 =	vld [tilespmem:s9+$0xF0];
	v11 =	vmul.f32 v63, v11;
	v13 =	vadd.f32 v13, v16;
	v40 =	vadd.f32 v23, v20  }
0x15c: {  	v10 =	vmul.f32 v36, v10;
	v12 =	vadd.f32 v12, v14;
	v18 =	vadd.f32 v18, v25  }
0x15d: {  	v9 =	vmul.f32 v37, v9;
	v11 =	vadd.f32 v11, v13;
	v42 =	vadd.f32 v21, v40  }
0x15e: {  	v6 =	vmul.f32 v38, v6;
	v10 =	vadd.f32 v10, v12;
	v43 =	vadd.f32 v22, v18  }
0x15f: {  	v7 =	vmul.f32 v39, v7;
	v9 =	vadd.f32 v9, v11;
	v44 =	vadd.f32 v17, v42  }
0x160: {  	v5 =	vmul.f32 v41, v5;
	v6 =	vadd.f32 v6, v10;
	v45 =	vadd.f32 v15, v43  }
0x161: {  	v7 =	vadd.f32 v7, v9;
	v46 =	vperm.xlane v44, v0  }
0x162: {  	v5 =	vadd.f32 v5, v6;
	v47 =	vperm.xlane v45, v0  }
0x163: {  	v48 =	vperm.xlane v7, v0;
	v6 =	vadd.f32 v44, v46  }
0x164: {  	v49 =	vperm.xlane v5, v0;
	v9 =	vadd.f32 v45, v47  }
0x165: {  	v7 =	vadd.f32 v7, v48;
	v12 =	vperm.xlane v6, v1  }
0x166: {  	v5 =	vadd.f32 v5, v49;
	v50 =	vperm.xlane v9, v1  }
0x167: {  	v51 =	vperm.xlane v7, v1;
	v6 =	vadd.f32 v6, v12  }
0x168: {  	v52 =	vperm.xlane v5, v1;
	v9 =	vadd.f32 v9, v50  }
0x169: {  	v7 =	vadd.f32 v7, v51;
	v12 =	vperm.xlane v6, v2  }
0x16a: {  	v5 =	vadd.f32 v5, v52;
	v53 =	vperm.xlane v9, v2  }
0x16b: {  	v54 =	vperm.xlane v7, v2;
	v6 =	vadd.f32 v6, v12  }
0x16c: {  	s8 =	sadd.s32 $0x3, s10;
	v56 =	vmov s10;
	v55 =	vperm.xlane v5, v2;
	v9 =	vadd.f32 v9, v53  }
0x16d: {  	v58 =	vmov s8;
	v7 =	vadd.f32 v7, v54;
	v57 =	vperm.xlane v6, v3  }
0x16e: {  	s12 =	sadd.s32 $0x2, s10;
	vm0 =	veq.s32 v56, v4;
	v5 =	vadd.f32 v5, v55;
	v59 =	vperm.xlane v9, v3  }
0x16f: {  	s14 =	sadd.s32 $0x1, s10;
	s15 =	sshll.u32 s7, $0x4;
	s7 =	sadd.s32 $0x1, s7;
	v60 =	vmov s12;
	v61 =	vperm.xlane v7, v3;
	v6 =	vadd.f32 v6, v57  }
0x170: {  	p0 =	sne.s32 s7, $0x19;
	v63 =	vmov s14;
	v62 =	vperm.xlane v5, v3;
	v9 =	vadd.f32 v9, v59  }
.Ltmp3:
0x171: {  	vm13 =	veq.s32 v63, v4;
	v7 =	vadd.f32 v7, v61;
	v6 =	vsel vm0, v6, v8;
	(pc) =	sbr.rel @p0 .LBB2_6-.Ltmp3, $4  }
0x172: {  	vm14 =	veq.s32 v60, v4;
	v5 =	vadd.f32 v5, v62;
	v6 =	vsel vm13, v9, v6  }
0x173: {  	vm15 =	veq.s32 v58, v4;
	v6 =	vsel vm14, v7, v6  }
0x174: {  	s8 =	sand.u32 $0x3FFFFFF0, s15;
	v5 =	vsel vm15, v5, v6  }
0x175: {  	s13 =	sadd.s32 $0x800, s13;
	s11 =	sadd.s32 $0x800, s11;
	[tilespmem:s8+$0x19400] =	vst v5  }
0x176: {  	s7 =	simm.s32 $0x0;
	s8 =	rddreg [dreg:$0x6]  }
0x177: {  	[hbm4b:s8+s7] =	stream.linear.scatter [tilespmem:s5], [sflag:$0x3], $0x190, $0x38;
	[tilespmem:$0x19600] =	vst v63  }
0x178: {  	_ =	swait.ge [sflag:s30], $0x190  }
0x179: {  	[sflag:s30] =	ssyncset.done $0x0  }
0x17a: {  	s14 =	rddreg [dreg:$0x7];
	[sflag:s30] =	ssyncadd.s32 $0xFFFFFE70  }
0x17b: {  	[tilespmem:s7], [sflag:$0x3] =	stream.linear.gather [hbm4b:s14+s7], $0x190, $0x38;
	[tilespmem:$0x19600] =	vst v63  }
0x17c: {  	_ =	swait.ge [sflag:s30], $0x190  }
0x17d: {  	[sflag:s30] =	ssyncset.done $0x0  }
0x17e: {  	s15 =	rddreg [dreg:$0x8];
	[sflag:s30] =	ssyncadd.s32 $0xFFFFFE70  }
0x17f: {  	[tilespmem:s31], [sflag:$0x3] =	stream.linear.gather [hbm4b:s15+s7], $0x190, $0x38;
	[tilespmem:$0x19600] =	vst v63  }
0x180: {  	_ =	swait.ge [sflag:s30], $0x190  }
0x181: {  	[sflag:s30] =	ssyncset.done $0x0  }
0x182: {  	[sflag:s30] =	ssyncadd.s32 $0xFFFFFE70  }
0x183: {  	[tilespmem:s0], [sflag:$0x1] =	stream.indirect.gather [hbm4b:s28+s24], $0x80, s7, s24, $0xb8;
	[tilespmem:$0x19600] =	vst v63  }
0x184: {  	_ = 	snop  }
0x185: {  	[tilespmem:s2], [sflag:$0x2] =	stream.indirect.gather [hbm4b:s28+s24], $0x80, s31, s24, $0xb8;
	[tilespmem:$0x19600] =	vst v63  }
0x186: {  	_ =	swait.ge [sflag:s3], $0xC800  }
0x187: {  	[sflag:s3] =	ssyncset.done $0x0  }
0x188: {  	[sflag:s3] =	ssyncadd.s32 $0xFFFF3800  }
0x189: {  	_ =	swait.ge [sflag:s4], $0xC800  }
0x18a: {  	[sflag:s4] =	ssyncset.done $0x0  }
0x18b: {  	s9 =	simm.s32 $0xCD00;
	s8 =	simm.s32 $0x500;
	[sflag:s4] =	ssyncadd.s32 $0xFFFF3800  }
.LBB2_10:
0x18c: {  	v5 =	vld [tilespmem:s8+$0xF0]  }
0x18d: {  	v7 =	vld [tilespmem:s8+$0x70]  }
0x18e: {  	v8 =	vld [tilespmem:s8+$0xFFFFFFF0]  }
0x18f: {  	v15 =	vld [tilespmem:s9+$0xFFFFFFF0]  }
0x190: {  	v6 =	vld [tilespmem:s8+$0xE0]  }
0x191: {  	v17 =	vld [tilespmem:s8+$0xFFFFFF70]  }
0x192: {  	v21 =	vld [tilespmem:s9+$0xFFFFFF70]  }
0x193: {  	v9 =	vld [tilespmem:s8+$0x60]  }
0x194: {  	v22 =	vld [tilespmem:s8+$0xFFFFFFE0]  }
0x195: {  	v51 =	vld [tilespmem:s9+$0xFFFFFFE0]  }
0x196: {  	v10 =	vld [tilespmem:s8+$0xD0]  }
0x197: {  	v52 =	vld [tilespmem:s8+$0xFFFFFF60]  }
0x198: {  	v53 =	vld [tilespmem:s9+$0xFFFFFF60]  }
0x199: {  	v11 =	vld [tilespmem:s8+$0x50]  }
0x19a: {  	v18 =	vld [tilespmem:s8+$0xFFFFFFD0]  }
0x19b: {  	v20 =	vld [tilespmem:s9+$0xFFFFFFD0]  }
0x19c: {  	v12 =	vld [tilespmem:s8+$0xC0]  }
0x19d: {  	v23 =	vld [tilespmem:s8+$0xFFFFFF50]  }
0x19e: {  	v25 =	vld [tilespmem:s9+$0xFFFFFF50]  }
0x19f: {  	v13 =	vld [tilespmem:s8+$0x40]  }
0x1a0: {  	v26 =	vld [tilespmem:s8+$0xFFFFFFC0]  }
0x1a1: {  	v27 =	vld [tilespmem:s9+$0xFFFFFFC0]  }
0x1a2: {  	v14 =	vld [tilespmem:s8+$0xB0]  }
0x1a3: {  	v31 =	vld [tilespmem:s8+$0xFFFFFF40]  }
0x1a4: {  	v33 =	vld [tilespmem:s9+$0xFFFFFF40]  }
0x1a5: {  	v16 =	vld [tilespmem:s8+$0x30]  }
0x1a6: {  	v32 =	vld [tilespmem:s8+$0xFFFFFFB0]  }
0x1a7: {  	v34 =	vld [tilespmem:s9+$0xFFFFFFB0]  }
0x1a8: {  	v19 =	vld [tilespmem:s8+$0xA0]  }
0x1a9: {  	v35 =	vld [tilespmem:s8+$0xFFFFFF30]  }
0x1aa: {  	v38 =	vld [tilespmem:s9+$0xFFFFFF30]  }
0x1ab: {  	v24 =	vld [tilespmem:s8+$0x20]  }
0x1ac: {  	v36 =	vld [tilespmem:s8+$0xFFFFFFA0]  }
0x1ad: {  	v39 =	vld [tilespmem:s9+$0xFFFFFFA0]  }
0x1ae: {  	v28 =	vld [tilespmem:s8+$0x80]  }
0x1af: {  	v29 =	vld [tilespmem:s9+$0x80]  }
0x1b0: {  	v30 =	vld [tilespmem:s8+$0x90]  }
0x1b1: {  	v42 =	vld [tilespmem:s8+$0xFFFFFF20]  }
0x1b2: {  	v44 =	vld [tilespmem:s9+$0xFFFFFF20]  }
0x1b3: {  	v37 =	vld [tilespmem:s8+$0x0]  }
0x1b4: {  	v40 =	vld [tilespmem:s9+$0x0]  }
0x1b5: {  	v41 =	vld [tilespmem:s8+$0x10]  }
0x1b6: {  	v43 =	vld [tilespmem:s8+$0xFFFFFF80]  }
0x1b7: {  	v45 =	vld [tilespmem:s9+$0xFFFFFF80]  }
0x1b8: {  	v46 =	vld [tilespmem:s8+$0xFFFFFF90]  }
0x1b9: {  	v47 =	vld [tilespmem:s8+$0xFFFFFF00]  }
0x1ba: {  	v48 =	vld [tilespmem:s9+$0xFFFFFF00]  }
0x1bb: {  	v49 =	vld [tilespmem:s8+$0xFFFFFF10];
	s12 =	simm.s32 $0x4;
	v17 =	vmul.f32 v21, v17;
	v15 =	vmul.f32 v15, v8  }
0x1bc: {  	v50 =	vld [tilespmem:s9+$0xFFFFFF10];
	s11 =	smov.u32 s9;
	s13 =	smov.u32 s8;
	s10 =	simm.s32 $0x0;
	v8 =	vimm.f32 $0.0e+00;
	v21 =	vmul.f32 v53, v52;
	v22 =	vmul.f32 v51, v22  }
.LBB2_11:
0x1bd: {  	p0 =	sne.s32 s12, $0xC;
	v23 =	vmul.f32 v25, v23;
	v25 =	vld [tilespmem:s11+$0xFFFFFF90];
	v18 =	vmul.f32 v20, v18  }
0x1be: {  	v20 =	vmul.f32 v33, v31;
	v26 =	vmul.f32 v27, v26;
	v27 =	vld [tilespmem:s11+$0x10]  }
0x1bf: {  	v31 =	vmul.f32 v38, v35;
	v32 =	vmul.f32 v34, v32;
	v33 =	vld [tilespmem:s11+$0x90]  }
0x1c0: {  	v34 =	vmul.f32 v44, v42;
	v35 =	vmul.f32 v39, v36;
	v36 =	vld [tilespmem:s11+$0x20]  }
0x1c1: {  	v38 =	vmul.f32 v48, v47;
	v39 =	vmul.f32 v50, v49;
	v42 =	vld [tilespmem:s11+$0xA0]  }
0x1c2: {  	v43 =	vmul.f32 v45, v43;
	v25 =	vmul.f32 v25, v46;
	v44 =	vld [tilespmem:s11+$0x30]  }
0x1c3: {  	v37 =	vmul.f32 v40, v37;
	v38 =	vadd.f32 v39, v38;
	v27 =	vmul.f32 v27, v41;
	v39 =	vld [tilespmem:s11+$0xB0]  }
0x1c4: {  	v28 =	vmul.f32 v29, v28;
	v25 =	vadd.f32 v25, v43;
	v40 =	vld [tilespmem:s11+$0x40];
	v29 =	vmul.f32 v33, v30  }
0x1c5: {  	v30 =	vadd.f32 v34, v38;
	v27 =	vadd.f32 v27, v37;
	v24 =	vmul.f32 v36, v24;
	v33 =	vld [tilespmem:s11+$0xC0]  }
0x1c6: {  	v25 =	vadd.f32 v35, v25;
	v34 =	vld [tilespmem:s11+$0x50];
	v28 =	vadd.f32 v29, v28;
	v19 =	vmul.f32 v42, v19  }
0x1c7: {  	v29 =	vadd.f32 v31, v30;
	v24 =	vadd.f32 v24, v27;
	v16 =	vmul.f32 v44, v16;
	v27 =	vld [tilespmem:s11+$0xD0]  }
0x1c8: {  	v25 =	vadd.f32 v32, v25;
	v30 =	vld [tilespmem:s11+$0x60];
	v19 =	vadd.f32 v19, v28;
	v14 =	vmul.f32 v39, v14  }
0x1c9: {  	v20 =	vadd.f32 v20, v29;
	v16 =	vadd.f32 v16, v24;
	v13 =	vmul.f32 v40, v13;
	v24 =	vld [tilespmem:s11+$0xE0]  }
0x1ca: {  	v25 =	vadd.f32 v26, v25;
	v26 =	vld [tilespmem:s11+$0x70];
	v14 =	vadd.f32 v14, v19;
	v12 =	vmul.f32 v33, v12  }
0x1cb: {  	s13 =	sadd.s32 $0x200, s13;
	v19 =	vadd.f32 v23, v20;
	v13 =	vadd.f32 v13, v16;
	v11 =	vmul.f32 v34, v11;
	v16 =	vld [tilespmem:s11+$0xF0]  }
0x1cc: {  	v20 =	vld [tilespmem:s13+$0xF0];
	v18 =	vadd.f32 v18, v25;
	v12 =	vadd.f32 v12, v14;
	v10 =	vmul.f32 v27, v10  }
0x1cd: {  	v14 =	vld [tilespmem:s13+$0x70];
	v19 =	vadd.f32 v21, v19;
	v11 =	vadd.f32 v11, v13;
	v9 =	vmul.f32 v30, v9  }
0x1ce: {  	s11 =	sadd.s32 $0x200, s11;
	v21 =	vld [tilespmem:s13+$0xFFFFFFF0];
	v13 =	vadd.f32 v22, v18;
	v10 =	vadd.f32 v10, v12;
	v12 =	vmul.f32 v24, v6  }
0x1cf: {  	v22 =	vld [tilespmem:s11+$0xFFFFFFF0];
	v18 =	vadd.f32 v17, v19;
	v9 =	vadd.f32 v9, v11;
	v23 =	vmul.f32 v26, v7  }
0x1d0: {  	v6 =	vld [tilespmem:s13+$0xE0];
	v11 =	vadd.f32 v15, v13;
	v10 =	vadd.f32 v12, v10;
	v12 =	vmul.f32 v16, v5  }
0x1d1: {  	v15 =	vld [tilespmem:s13+$0xFFFFFF70];
	v13 =	vperm.xlane v18, v0;
	v16 =	vadd.f32 v23, v9;
	v5 =	vmov v20  }
0x1d2: {  	v17 =	vld [tilespmem:s11+$0xFFFFFF70];
	v19 =	vperm.xlane v11, v0;
	v12 =	vadd.f32 v12, v10;
	v7 =	vmov v14  }
0x1d3: {  	v9 =	vld [tilespmem:s13+$0x60];
	v13 =	vadd.f32 v18, v13;
	v10 =	vperm.xlane v16, v0  }
0x1d4: {  	v51 =	vld [tilespmem:s13+$0xFFFFFFE0];
	v11 =	vadd.f32 v11, v19;
	v14 =	vperm.xlane v12, v0  }
0x1d5: {  	v52 =	vld [tilespmem:s11+$0xFFFFFFE0];
	v18 =	vperm.xlane v13, v1;
	v16 =	vadd.f32 v16, v10  }
0x1d6: {  	v10 =	vld [tilespmem:s13+$0xD0];
	v19 =	vperm.xlane v11, v1;
	v12 =	vadd.f32 v12, v14  }
0x1d7: {  	v53 =	vld [tilespmem:s13+$0xFFFFFF60];
	v13 =	vadd.f32 v13, v18;
	v14 =	vperm.xlane v16, v1  }
0x1d8: {  	v54 =	vld [tilespmem:s11+$0xFFFFFF60];
	v19 =	vadd.f32 v11, v19;
	v20 =	vperm.xlane v12, v1  }
0x1d9: {  	v11 =	vld [tilespmem:s13+$0x50];
	v23 =	vperm.xlane v13, v2;
	v14 =	vadd.f32 v16, v14  }
0x1da: {  	v18 =	vld [tilespmem:s13+$0xFFFFFFD0];
	v16 =	vperm.xlane v19, v2;
	v24 =	vadd.f32 v12, v20  }
0x1db: {  	v20 =	vld [tilespmem:s11+$0xFFFFFFD0];
	v26 =	vadd.f32 v13, v23;
	v13 =	vperm.xlane v14, v2  }
0x1dc: {  	s14 =	sadd.s32 $0x3, s10;
	v27 =	vmov s10;
	v12 =	vld [tilespmem:s13+$0xC0];
	v16 =	vadd.f32 v19, v16;
	v19 =	vperm.xlane v24, v2  }
0x1dd: {  	s15 =	sadd.s32 $0x2, s10;
	v29 =	vmov s14;
	v23 =	vld [tilespmem:s13+$0xFFFFFF50];
	v28 =	vperm.xlane v26, v3;
	v14 =	vadd.f32 v14, v13  }
0x1de: {  	v25 =	vld [tilespmem:s11+$0xFFFFFF50];
	v30 =	vperm.xlane v16, v3;
	v19 =	vadd.f32 v24, v19;
	v24 =	vmov s15  }
0x1df: {  	s14 =	sadd.s32 $0x1, s10;
	s10 =	smov.u32 s12;
	vm0 =	veq.s32 v27, v4;
	v13 =	vld [tilespmem:s13+$0x40];
	v28 =	vadd.f32 v26, v28;
	v31 =	vperm.xlane v14, v3  }
0x1e0: {  	v32 =	vmov s14;
	v26 =	vld [tilespmem:s13+$0xFFFFFFC0];
	v16 =	vadd.f32 v16, v30;
	v30 =	vperm.xlane v19, v3  }
0x1e1: {  	v27 =	vld [tilespmem:s11+$0xFFFFFFC0];
	v33 =	vadd.f32 v14, v31;
	v8 =	vsel vm0, v28, v8;
	vm0 =	veq.s32 v32, v4  }
0x1e2: {  	v14 =	vld [tilespmem:s13+$0xB0];
	v19 =	vadd.f32 v19, v30;
	v8 =	vsel vm0, v16, v8;
	vm0 =	veq.s32 v24, v4  }
0x1e3: {  	v31 =	vld [tilespmem:s13+$0xFFFFFF40];
	v8 =	vsel vm0, v33, v8;
	vm0 =	veq.s32 v29, v4  }
0x1e4: {  	v33 =	vld [tilespmem:s11+$0xFFFFFF40];
	v8 =	vsel vm0, v19, v8  }
0x1e5: {  	v16 =	vld [tilespmem:s13+$0x30]  }
0x1e6: {  	v32 =	vld [tilespmem:s13+$0xFFFFFFB0]  }
0x1e7: {  	v34 =	vld [tilespmem:s11+$0xFFFFFFB0]  }
0x1e8: {  	v19 =	vld [tilespmem:s13+$0xA0]  }
0x1e9: {  	v35 =	vld [tilespmem:s13+$0xFFFFFF30]  }
0x1ea: {  	v38 =	vld [tilespmem:s11+$0xFFFFFF30]  }
0x1eb: {  	v24 =	vld [tilespmem:s13+$0x20]  }
0x1ec: {  	v36 =	vld [tilespmem:s13+$0xFFFFFFA0]  }
0x1ed: {  	v39 =	vld [tilespmem:s11+$0xFFFFFFA0]  }
0x1ee: {  	v28 =	vld [tilespmem:s13+$0x80]  }
0x1ef: {  	v29 =	vld [tilespmem:s11+$0x80]  }
0x1f0: {  	v30 =	vld [tilespmem:s13+$0x90]  }
0x1f1: {  	v42 =	vld [tilespmem:s13+$0xFFFFFF20]  }
0x1f2: {  	v44 =	vld [tilespmem:s11+$0xFFFFFF20]  }
0x1f3: {  	v37 =	vld [tilespmem:s13+$0x0]  }
0x1f4: {  	v40 =	vld [tilespmem:s11+$0x0]  }
0x1f5: {  	v41 =	vld [tilespmem:s13+$0x10]  }
0x1f6: {  	v43 =	vld [tilespmem:s13+$0xFFFFFF80]  }
0x1f7: {  	v45 =	vld [tilespmem:s11+$0xFFFFFF80]  }
.Ltmp4:
0x1f8: {  	v46 =	vld [tilespmem:s13+$0xFFFFFF90];
	(pc) =	sbr.rel @p0 .LBB2_11-.Ltmp4, $4  }
0x1f9: {  	v47 =	vld [tilespmem:s13+$0xFFFFFF00]  }
0x1fa: {  	v48 =	vld [tilespmem:s11+$0xFFFFFF00]  }
0x1fb: {  	v17 =	vmul.f32 v17, v15;
	v15 =	vmul.f32 v22, v21;
	v49 =	vld [tilespmem:s13+$0xFFFFFF10]  }
0x1fc: {  	s12 =	sadd.s32 $0x4, s12;
	v22 =	vmul.f32 v52, v51;
	v21 =	vmul.f32 v54, v53;
	v50 =	vld [tilespmem:s11+$0xFFFFFF10]  }
0x1fd: {  	v23 =	vmul.f32 v25, v23;
	v61 =	vld [tilespmem:s11+$0xFFFFFF90];
	v18 =	vmul.f32 v20, v18  }
0x1fe: {  	v20 =	vmul.f32 v33, v31;
	v26 =	vmul.f32 v27, v26;
	v62 =	vld [tilespmem:s11+$0x10]  }
0x1ff: {  	v31 =	vmul.f32 v38, v35;
	v32 =	vmul.f32 v34, v32;
	v63 =	vld [tilespmem:s11+$0x90]  }
0x200: {  	v51 =	vmul.f32 v44, v42;
	v52 =	vmul.f32 v39, v36;
	v53 =	vld [tilespmem:s11+$0x20]  }
0x201: {  	v56 =	vld [tilespmem:s11+$0xA0];
	v54 =	vmul.f32 v48, v47;
	v55 =	vmul.f32 v50, v49  }
0x202: {  	v43 =	vmul.f32 v45, v43;
	v57 =	vld [tilespmem:s11+$0x30];
	v25 =	vmul.f32 v61, v46  }
0x203: {  	v37 =	vmul.f32 v40, v37;
	v58 =	vld [tilespmem:s11+$0xB0];
	v27 =	vmul.f32 v62, v41;
	v38 =	vadd.f32 v55, v54  }
0x204: {  	v59 =	vld [tilespmem:s11+$0x40];
	v28 =	vmul.f32 v29, v28;
	v60 =	vmul.f32 v63, v30;
	v25 =	vadd.f32 v25, v43  }
0x205: {  	v24 =	vmul.f32 v53, v24;
	v62 =	vld [tilespmem:s11+$0xC0];
	v27 =	vadd.f32 v27, v37;
	v61 =	vadd.f32 v51, v38  }
0x206: {  	v63 =	vld [tilespmem:s11+$0x50];
	v19 =	vmul.f32 v56, v19;
	v28 =	vadd.f32 v60, v28;
	v25 =	vadd.f32 v52, v25  }
0x207: {  	v36 =	vld [tilespmem:s11+$0xD0];
	v16 =	vmul.f32 v57, v16;
	v24 =	vadd.f32 v24, v27;
	v35 =	vadd.f32 v31, v61  }
0x208: {  	v14 =	vmul.f32 v58, v14;
	v37 =	vld [tilespmem:s11+$0x60];
	v19 =	vadd.f32 v19, v28;
	v25 =	vadd.f32 v32, v25  }
0x209: {  	v13 =	vmul.f32 v59, v13;
	v38 =	vld [tilespmem:s11+$0xE0];
	v16 =	vadd.f32 v16, v24;
	v20 =	vadd.f32 v20, v35  }
0x20a: {  	v39 =	vld [tilespmem:s11+$0x70];
	v12 =	vmul.f32 v62, v12;
	v14 =	vadd.f32 v14, v19;
	v25 =	vadd.f32 v26, v25  }
0x20b: {  	v41 =	vld [tilespmem:s11+$0xF0];
	v11 =	vmul.f32 v63, v11;
	v13 =	vadd.f32 v13, v16;
	v40 =	vadd.f32 v23, v20  }
0x20c: {  	v10 =	vmul.f32 v36, v10;
	v12 =	vadd.f32 v12, v14;
	v18 =	vadd.f32 v18, v25  }
0x20d: {  	v9 =	vmul.f32 v37, v9;
	v11 =	vadd.f32 v11, v13;
	v42 =	vadd.f32 v21, v40  }
0x20e: {  	v6 =	vmul.f32 v38, v6;
	v10 =	vadd.f32 v10, v12;
	v43 =	vadd.f32 v22, v18  }
0x20f: {  	v7 =	vmul.f32 v39, v7;
	v9 =	vadd.f32 v9, v11;
	v44 =	vadd.f32 v17, v42  }
0x210: {  	v5 =	vmul.f32 v41, v5;
	v6 =	vadd.f32 v6, v10;
	v45 =	vadd.f32 v15, v43  }
0x211: {  	v7 =	vadd.f32 v7, v9;
	v46 =	vperm.xlane v44, v0  }
0x212: {  	v5 =	vadd.f32 v5, v6;
	v47 =	vperm.xlane v45, v0  }
0x213: {  	v48 =	vperm.xlane v7, v0;
	v6 =	vadd.f32 v44, v46  }
0x214: {  	v49 =	vperm.xlane v5, v0;
	v9 =	vadd.f32 v45, v47  }
0x215: {  	v7 =	vadd.f32 v7, v48;
	v12 =	vperm.xlane v6, v1  }
0x216: {  	v5 =	vadd.f32 v5, v49;
	v50 =	vperm.xlane v9, v1  }
0x217: {  	v51 =	vperm.xlane v7, v1;
	v6 =	vadd.f32 v6, v12  }
0x218: {  	v52 =	vperm.xlane v5, v1;
	v9 =	vadd.f32 v9, v50  }
0x219: {  	v7 =	vadd.f32 v7, v51;
	v12 =	vperm.xlane v6, v2  }
0x21a: {  	v5 =	vadd.f32 v5, v52;
	v53 =	vperm.xlane v9, v2  }
0x21b: {  	v54 =	vperm.xlane v7, v2;
	v6 =	vadd.f32 v6, v12  }
0x21c: {  	s13 =	sadd.s32 $0x3, s10;
	v56 =	vmov s10;
	v55 =	vperm.xlane v5, v2;
	v9 =	vadd.f32 v9, v53  }
0x21d: {  	v58 =	vmov s13;
	v7 =	vadd.f32 v7, v54;
	v57 =	vperm.xlane v6, v3  }
0x21e: {  	s12 =	sadd.s32 $0x2, s10;
	vm0 =	veq.s32 v56, v4;
	v5 =	vadd.f32 v5, v55;
	v59 =	vperm.xlane v9, v3  }
0x21f: {  	s14 =	sadd.s32 $0x1, s10;
	s15 =	sshll.u32 s7, $0x4;
	s7 =	sadd.s32 $0x1, s7;
	v60 =	vmov s12;
	v61 =	vperm.xlane v7, v3;
	v6 =	vadd.f32 v6, v57  }
0x220: {  	p0 =	sne.s32 s7, $0x19;
	v63 =	vmov s14;
	v62 =	vperm.xlane v5, v3;
	v9 =	vadd.f32 v9, v59  }
.Ltmp5:
0x221: {  	vm13 =	veq.s32 v63, v4;
	v7 =	vadd.f32 v7, v61;
	v6 =	vsel vm0, v6, v8;
	(pc) =	sbr.rel @p0 .LBB2_10-.Ltmp5, $4  }
0x222: {  	vm14 =	veq.s32 v60, v4;
	v5 =	vadd.f32 v5, v62;
	v6 =	vsel vm13, v9, v6  }
0x223: {  	vm15 =	veq.s32 v58, v4;
	v6 =	vsel vm14, v7, v6  }
0x224: {  	s10 =	sand.u32 $0x3FFFFFF0, s15;
	v5 =	vsel vm15, v5, v6  }
0x225: {  	s8 =	sadd.s32 $0x800, s8;
	s9 =	sadd.s32 $0x800, s9;
	[tilespmem:s10+$0x19400] =	vst v5  }
0x226: {  	s7 =	simm.s32 $0x0;
	s8 =	rddreg [dreg:$0x9]  }
0x227: {  	[hbm4b:s8+s7] =	stream.linear.scatter [tilespmem:s5], [sflag:$0x3], $0x190, $0x38;
	[tilespmem:$0x19600] =	vst v63  }
0x228: {  	_ =	swait.ge [sflag:s30], $0x190  }
0x229: {  	[sflag:s30] =	ssyncset.done $0x0  }
0x22a: {  	s14 =	rddreg [dreg:$0xa];
	[sflag:s30] =	ssyncadd.s32 $0xFFFFFE70  }
0x22b: {  	[tilespmem:s7], [sflag:$0x3] =	stream.linear.gather [hbm4b:s14+s7], $0x190, $0x38;
	[tilespmem:$0x19600] =	vst v63  }
0x22c: {  	_ =	swait.ge [sflag:s30], $0x190  }
0x22d: {  	[sflag:s30] =	ssyncset.done $0x0  }
0x22e: {  	s15 =	rddreg [dreg:$0xb];
	[sflag:s30] =	ssyncadd.s32 $0xFFFFFE70  }
0x22f: {  	[tilespmem:s31], [sflag:$0x3] =	stream.linear.gather [hbm4b:s15+s7], $0x190, $0x38;
	[tilespmem:$0x19600] =	vst v63  }
0x230: {  	_ =	swait.ge [sflag:s30], $0x190  }
0x231: {  	[sflag:s30] =	ssyncset.done $0x0  }
0x232: {  	[sflag:s30] =	ssyncadd.s32 $0xFFFFFE70  }
0x233: {  	[tilespmem:s0], [sflag:$0x1] =	stream.indirect.gather [hbm4b:s28+s24], $0x80, s7, s24, $0xb8;
	[tilespmem:$0x19600] =	vst v63  }
0x234: {  	_ = 	snop  }
0x235: {  	[tilespmem:s2], [sflag:$0x2] =	stream.indirect.gather [hbm4b:s28+s24], $0x80, s31, s24, $0xb8;
	[tilespmem:$0x19600] =	vst v63  }
0x236: {  	_ =	swait.ge [sflag:s3], $0xC800  }
0x237: {  	[sflag:s3] =	ssyncset.done $0x0  }
0x238: {  	[sflag:s3] =	ssyncadd.s32 $0xFFFF3800  }
0x239: {  	_ =	swait.ge [sflag:s4], $0xC800  }
0x23a: {  	[sflag:s4] =	ssyncset.done $0x0  }
0x23b: {  	s9 =	simm.s32 $0xCD00;
	s8 =	simm.s32 $0x500;
	[sflag:s4] =	ssyncadd.s32 $0xFFFF3800  }
.LBB2_14:
0x23c: {  	v5 =	vld [tilespmem:s8+$0xF0]  }
0x23d: {  	v7 =	vld [tilespmem:s8+$0x70]  }
0x23e: {  	v8 =	vld [tilespmem:s8+$0xFFFFFFF0]  }
0x23f: {  	v15 =	vld [tilespmem:s9+$0xFFFFFFF0]  }
0x240: {  	v6 =	vld [tilespmem:s8+$0xE0]  }
0x241: {  	v17 =	vld [tilespmem:s8+$0xFFFFFF70]  }
0x242: {  	v21 =	vld [tilespmem:s9+$0xFFFFFF70]  }
0x243: {  	v9 =	vld [tilespmem:s8+$0x60]  }
0x244: {  	v22 =	vld [tilespmem:s8+$0xFFFFFFE0]  }
0x245: {  	v51 =	vld [tilespmem:s9+$0xFFFFFFE0]  }
0x246: {  	v10 =	vld [tilespmem:s8+$0xD0]  }
0x247: {  	v52 =	vld [tilespmem:s8+$0xFFFFFF60]  }
0x248: {  	v53 =	vld [tilespmem:s9+$0xFFFFFF60]  }
0x249: {  	v11 =	vld [tilespmem:s8+$0x50]  }
0x24a: {  	v18 =	vld [tilespmem:s8+$0xFFFFFFD0]  }
0x24b: {  	v20 =	vld [tilespmem:s9+$0xFFFFFFD0]  }
0x24c: {  	v12 =	vld [tilespmem:s8+$0xC0]  }
0x24d: {  	v23 =	vld [tilespmem:s8+$0xFFFFFF50]  }
0x24e: {  	v25 =	vld [tilespmem:s9+$0xFFFFFF50]  }
0x24f: {  	v13 =	vld [tilespmem:s8+$0x40]  }
0x250: {  	v26 =	vld [tilespmem:s8+$0xFFFFFFC0]  }
0x251: {  	v27 =	vld [tilespmem:s9+$0xFFFFFFC0]  }
0x252: {  	v14 =	vld [tilespmem:s8+$0xB0]  }
0x253: {  	v31 =	vld [tilespmem:s8+$0xFFFFFF40]  }
0x254: {  	v33 =	vld [tilespmem:s9+$0xFFFFFF40]  }
0x255: {  	v16 =	vld [tilespmem:s8+$0x30]  }
0x256: {  	v32 =	vld [tilespmem:s8+$0xFFFFFFB0]  }
0x257: {  	v34 =	vld [tilespmem:s9+$0xFFFFFFB0]  }
0x258: {  	v19 =	vld [tilespmem:s8+$0xA0]  }
0x259: {  	v35 =	vld [tilespmem:s8+$0xFFFFFF30]  }
0x25a: {  	v38 =	vld [tilespmem:s9+$0xFFFFFF30]  }
0x25b: {  	v24 =	vld [tilespmem:s8+$0x20]  }
0x25c: {  	v36 =	vld [tilespmem:s8+$0xFFFFFFA0]  }
0x25d: {  	v39 =	vld [tilespmem:s9+$0xFFFFFFA0]  }
0x25e: {  	v28 =	vld [tilespmem:s8+$0x80]  }
0x25f: {  	v29 =	vld [tilespmem:s9+$0x80]  }
0x260: {  	v30 =	vld [tilespmem:s8+$0x90]  }
0x261: {  	v42 =	vld [tilespmem:s8+$0xFFFFFF20]  }
0x262: {  	v44 =	vld [tilespmem:s9+$0xFFFFFF20]  }
0x263: {  	v37 =	vld [tilespmem:s8+$0x0]  }
0x264: {  	v40 =	vld [tilespmem:s9+$0x0]  }
0x265: {  	v41 =	vld [tilespmem:s8+$0x10]  }
0x266: {  	v43 =	vld [tilespmem:s8+$0xFFFFFF80]  }
0x267: {  	v45 =	vld [tilespmem:s9+$0xFFFFFF80]  }
0x268: {  	v46 =	vld [tilespmem:s8+$0xFFFFFF90]  }
0x269: {  	v47 =	vld [tilespmem:s8+$0xFFFFFF00]  }
0x26a: {  	v48 =	vld [tilespmem:s9+$0xFFFFFF00]  }
0x26b: {  	v49 =	vld [tilespmem:s8+$0xFFFFFF10];
	s12 =	simm.s32 $0x4;
	v17 =	vmul.f32 v21, v17;
	v15 =	vmul.f32 v15, v8  }
0x26c: {  	v50 =	vld [tilespmem:s9+$0xFFFFFF10];
	s11 =	smov.u32 s9;
	s13 =	smov.u32 s8;
	s10 =	simm.s32 $0x0;
	v8 =	vimm.f32 $0.0e+00;
	v21 =	vmul.f32 v53, v52;
	v22 =	vmul.f32 v51, v22  }
.LBB2_15:
0x26d: {  	p0 =	sne.s32 s12, $0xC;
	v23 =	vmul.f32 v25, v23;
	v25 =	vld [tilespmem:s11+$0xFFFFFF90];
	v18 =	vmul.f32 v20, v18  }
0x26e: {  	v20 =	vmul.f32 v33, v31;
	v26 =	vmul.f32 v27, v26;
	v27 =	vld [tilespmem:s11+$0x10]  }
0x26f: {  	v31 =	vmul.f32 v38, v35;
	v32 =	vmul.f32 v34, v32;
	v33 =	vld [tilespmem:s11+$0x90]  }
0x270: {  	v34 =	vmul.f32 v44, v42;
	v35 =	vmul.f32 v39, v36;
	v36 =	vld [tilespmem:s11+$0x20]  }
0x271: {  	v38 =	vmul.f32 v48, v47;
	v39 =	vmul.f32 v50, v49;
	v42 =	vld [tilespmem:s11+$0xA0]  }
0x272: {  	v43 =	vmul.f32 v45, v43;
	v25 =	vmul.f32 v25, v46;
	v44 =	vld [tilespmem:s11+$0x30]  }
0x273: {  	v37 =	vmul.f32 v40, v37;
	v38 =	vadd.f32 v39, v38;
	v27 =	vmul.f32 v27, v41;
	v39 =	vld [tilespmem:s11+$0xB0]  }
0x274: {  	v28 =	vmul.f32 v29, v28;
	v25 =	vadd.f32 v25, v43;
	v40 =	vld [tilespmem:s11+$0x40];
	v29 =	vmul.f32 v33, v30  }
0x275: {  	v30 =	vadd.f32 v34, v38;
	v27 =	vadd.f32 v27, v37;
	v24 =	vmul.f32 v36, v24;
	v33 =	vld [tilespmem:s11+$0xC0]  }
0x276: {  	v25 =	vadd.f32 v35, v25;
	v34 =	vld [tilespmem:s11+$0x50];
	v28 =	vadd.f32 v29, v28;
	v19 =	vmul.f32 v42, v19  }
0x277: {  	v29 =	vadd.f32 v31, v30;
	v24 =	vadd.f32 v24, v27;
	v16 =	vmul.f32 v44, v16;
	v27 =	vld [tilespmem:s11+$0xD0]  }
0x278: {  	v25 =	vadd.f32 v32, v25;
	v30 =	vld [tilespmem:s11+$0x60];
	v19 =	vadd.f32 v19, v28;
	v14 =	vmul.f32 v39, v14  }
0x279: {  	v20 =	vadd.f32 v20, v29;
	v16 =	vadd.f32 v16, v24;
	v13 =	vmul.f32 v40, v13;
	v24 =	vld [tilespmem:s11+$0xE0]  }
0x27a: {  	v25 =	vadd.f32 v26, v25;
	v26 =	vld [tilespmem:s11+$0x70];
	v14 =	vadd.f32 v14, v19;
	v12 =	vmul.f32 v33, v12  }
0x27b: {  	s13 =	sadd.s32 $0x200, s13;
	v19 =	vadd.f32 v23, v20;
	v13 =	vadd.f32 v13, v16;
	v11 =	vmul.f32 v34, v11;
	v16 =	vld [tilespmem:s11+$0xF0]  }
0x27c: {  	v20 =	vld [tilespmem:s13+$0xF0];
	v18 =	vadd.f32 v18, v25;
	v12 =	vadd.f32 v12, v14;
	v10 =	vmul.f32 v27, v10  }
0x27d: {  	v14 =	vld [tilespmem:s13+$0x70];
	v19 =	vadd.f32 v21, v19;
	v11 =	vadd.f32 v11, v13;
	v9 =	vmul.f32 v30, v9  }
0x27e: {  	s11 =	sadd.s32 $0x200, s11;
	v21 =	vld [tilespmem:s13+$0xFFFFFFF0];
	v13 =	vadd.f32 v22, v18;
	v10 =	vadd.f32 v10, v12;
	v12 =	vmul.f32 v24, v6  }
0x27f: {  	v22 =	vld [tilespmem:s11+$0xFFFFFFF0];
	v18 =	vadd.f32 v17, v19;
	v9 =	vadd.f32 v9, v11;
	v23 =	vmul.f32 v26, v7  }
0x280: {  	v6 =	vld [tilespmem:s13+$0xE0];
	v11 =	vadd.f32 v15, v13;
	v10 =	vadd.f32 v12, v10;
	v12 =	vmul.f32 v16, v5  }
0x281: {  	v15 =	vld [tilespmem:s13+$0xFFFFFF70];
	v13 =	vperm.xlane v18, v0;
	v16 =	vadd.f32 v23, v9;
	v5 =	vmov v20  }
0x282: {  	v17 =	vld [tilespmem:s11+$0xFFFFFF70];
	v19 =	vperm.xlane v11, v0;
	v12 =	vadd.f32 v12, v10;
	v7 =	vmov v14  }
0x283: {  	v9 =	vld [tilespmem:s13+$0x60];
	v13 =	vadd.f32 v18, v13;
	v10 =	vperm.xlane v16, v0  }
0x284: {  	v51 =	vld [tilespmem:s13+$0xFFFFFFE0];
	v11 =	vadd.f32 v11, v19;
	v14 =	vperm.xlane v12, v0  }
0x285: {  	v52 =	vld [tilespmem:s11+$0xFFFFFFE0];
	v18 =	vperm.xlane v13, v1;
	v16 =	vadd.f32 v16, v10  }
0x286: {  	v10 =	vld [tilespmem:s13+$0xD0];
	v19 =	vperm.xlane v11, v1;
	v12 =	vadd.f32 v12, v14  }
0x287: {  	v53 =	vld [tilespmem:s13+$0xFFFFFF60];
	v13 =	vadd.f32 v13, v18;
	v14 =	vperm.xlane v16, v1  }
0x288: {  	v54 =	vld [tilespmem:s11+$0xFFFFFF60];
	v19 =	vadd.f32 v11, v19;
	v20 =	vperm.xlane v12, v1  }
0x289: {  	v11 =	vld [tilespmem:s13+$0x50];
	v23 =	vperm.xlane v13, v2;
	v14 =	vadd.f32 v16, v14  }
0x28a: {  	v18 =	vld [tilespmem:s13+$0xFFFFFFD0];
	v16 =	vperm.xlane v19, v2;
	v24 =	vadd.f32 v12, v20  }
0x28b: {  	v20 =	vld [tilespmem:s11+$0xFFFFFFD0];
	v26 =	vadd.f32 v13, v23;
	v13 =	vperm.xlane v14, v2  }
0x28c: {  	s14 =	sadd.s32 $0x3, s10;
	v27 =	vmov s10;
	v12 =	vld [tilespmem:s13+$0xC0];
	v16 =	vadd.f32 v19, v16;
	v19 =	vperm.xlane v24, v2  }
0x28d: {  	s15 =	sadd.s32 $0x2, s10;
	v29 =	vmov s14;
	v23 =	vld [tilespmem:s13+$0xFFFFFF50];
	v28 =	vperm.xlane v26, v3;
	v14 =	vadd.f32 v14, v13  }
0x28e: {  	v25 =	vld [tilespmem:s11+$0xFFFFFF50];
	v30 =	vperm.xlane v16, v3;
	v19 =	vadd.f32 v24, v19;
	v24 =	vmov s15  }
0x28f: {  	s14 =	sadd.s32 $0x1, s10;
	s10 =	smov.u32 s12;
	vm0 =	veq.s32 v27, v4;
	v13 =	vld [tilespmem:s13+$0x40];
	v28 =	vadd.f32 v26, v28;
	v31 =	vperm.xlane v14, v3  }
0x290: {  	v32 =	vmov s14;
	v26 =	vld [tilespmem:s13+$0xFFFFFFC0];
	v16 =	vadd.f32 v16, v30;
	v30 =	vperm.xlane v19, v3  }
0x291: {  	v27 =	vld [tilespmem:s11+$0xFFFFFFC0];
	v33 =	vadd.f32 v14, v31;
	v8 =	vsel vm0, v28, v8;
	vm0 =	veq.s32 v32, v4  }
0x292: {  	v14 =	vld [tilespmem:s13+$0xB0];
	v19 =	vadd.f32 v19, v30;
	v8 =	vsel vm0, v16, v8;
	vm0 =	veq.s32 v24, v4  }
0x293: {  	v31 =	vld [tilespmem:s13+$0xFFFFFF40];
	v8 =	vsel vm0, v33, v8;
	vm0 =	veq.s32 v29, v4  }
0x294: {  	v33 =	vld [tilespmem:s11+$0xFFFFFF40];
	v8 =	vsel vm0, v19, v8  }
0x295: {  	v16 =	vld [tilespmem:s13+$0x30]  }
0x296: {  	v32 =	vld [tilespmem:s13+$0xFFFFFFB0]  }
0x297: {  	v34 =	vld [tilespmem:s11+$0xFFFFFFB0]  }
0x298: {  	v19 =	vld [tilespmem:s13+$0xA0]  }
0x299: {  	v35 =	vld [tilespmem:s13+$0xFFFFFF30]  }
0x29a: {  	v38 =	vld [tilespmem:s11+$0xFFFFFF30]  }
0x29b: {  	v24 =	vld [tilespmem:s13+$0x20]  }
0x29c: {  	v36 =	vld [tilespmem:s13+$0xFFFFFFA0]  }
0x29d: {  	v39 =	vld [tilespmem:s11+$0xFFFFFFA0]  }
0x29e: {  	v28 =	vld [tilespmem:s13+$0x80]  }
0x29f: {  	v29 =	vld [tilespmem:s11+$0x80]  }
0x2a0: {  	v30 =	vld [tilespmem:s13+$0x90]  }
0x2a1: {  	v42 =	vld [tilespmem:s13+$0xFFFFFF20]  }
0x2a2: {  	v44 =	vld [tilespmem:s11+$0xFFFFFF20]  }
0x2a3: {  	v37 =	vld [tilespmem:s13+$0x0]  }
0x2a4: {  	v40 =	vld [tilespmem:s11+$0x0]  }
0x2a5: {  	v41 =	vld [tilespmem:s13+$0x10]  }
0x2a6: {  	v43 =	vld [tilespmem:s13+$0xFFFFFF80]  }
0x2a7: {  	v45 =	vld [tilespmem:s11+$0xFFFFFF80]  }
.Ltmp6:
0x2a8: {  	v46 =	vld [tilespmem:s13+$0xFFFFFF90];
	(pc) =	sbr.rel @p0 .LBB2_15-.Ltmp6, $4  }
0x2a9: {  	v47 =	vld [tilespmem:s13+$0xFFFFFF00]  }
0x2aa: {  	v48 =	vld [tilespmem:s11+$0xFFFFFF00]  }
0x2ab: {  	v17 =	vmul.f32 v17, v15;
	v15 =	vmul.f32 v22, v21;
	v49 =	vld [tilespmem:s13+$0xFFFFFF10]  }
0x2ac: {  	s12 =	sadd.s32 $0x4, s12;
	v22 =	vmul.f32 v52, v51;
	v21 =	vmul.f32 v54, v53;
	v50 =	vld [tilespmem:s11+$0xFFFFFF10]  }
0x2ad: {  	v23 =	vmul.f32 v25, v23;
	v61 =	vld [tilespmem:s11+$0xFFFFFF90];
	v18 =	vmul.f32 v20, v18  }
0x2ae: {  	v20 =	vmul.f32 v33, v31;
	v26 =	vmul.f32 v27, v26;
	v62 =	vld [tilespmem:s11+$0x10]  }
0x2af: {  	v31 =	vmul.f32 v38, v35;
	v32 =	vmul.f32 v34, v32;
	v63 =	vld [tilespmem:s11+$0x90]  }
0x2b0: {  	v51 =	vmul.f32 v44, v42;
	v52 =	vmul.f32 v39, v36;
	v53 =	vld [tilespmem:s11+$0x20]  }
0x2b1: {  	v56 =	vld [tilespmem:s11+$0xA0];
	v54 =	vmul.f32 v48, v47;
	v55 =	vmul.f32 v50, v49  }
0x2b2: {  	v43 =	vmul.f32 v45, v43;
	v57 =	vld [tilespmem:s11+$0x30];
	v25 =	vmul.f32 v61, v46  }
0x2b3: {  	v37 =	vmul.f32 v40, v37;
	v58 =	vld [tilespmem:s11+$0xB0];
	v27 =	vmul.f32 v62, v41;
	v38 =	vadd.f32 v55, v54  }
0x2b4: {  	v59 =	vld [tilespmem:s11+$0x40];
	v28 =	vmul.f32 v29, v28;
	v60 =	vmul.f32 v63, v30;
	v25 =	vadd.f32 v25, v43  }
0x2b5: {  	v24 =	vmul.f32 v53, v24;
	v62 =	vld [tilespmem:s11+$0xC0];
	v27 =	vadd.f32 v27, v37;
	v61 =	vadd.f32 v51, v38  }
0x2b6: {  	v63 =	vld [tilespmem:s11+$0x50];
	v19 =	vmul.f32 v56, v19;
	v28 =	vadd.f32 v60, v28;
	v25 =	vadd.f32 v52, v25  }
0x2b7: {  	v36 =	vld [tilespmem:s11+$0xD0];
	v16 =	vmul.f32 v57, v16;
	v24 =	vadd.f32 v24, v27;
	v35 =	vadd.f32 v31, v61  }
0x2b8: {  	v14 =	vmul.f32 v58, v14;
	v37 =	vld [tilespmem:s11+$0x60];
	v19 =	vadd.f32 v19, v28;
	v25 =	vadd.f32 v32, v25  }
0x2b9: {  	v13 =	vmul.f32 v59, v13;
	v38 =	vld [tilespmem:s11+$0xE0];
	v16 =	vadd.f32 v16, v24;
	v20 =	vadd.f32 v20, v35  }
0x2ba: {  	v39 =	vld [tilespmem:s11+$0x70];
	v12 =	vmul.f32 v62, v12;
	v14 =	vadd.f32 v14, v19;
	v25 =	vadd.f32 v26, v25  }
0x2bb: {  	v41 =	vld [tilespmem:s11+$0xF0];
	v11 =	vmul.f32 v63, v11;
	v13 =	vadd.f32 v13, v16;
	v40 =	vadd.f32 v23, v20  }
0x2bc: {  	v10 =	vmul.f32 v36, v10;
	v12 =	vadd.f32 v12, v14;
	v18 =	vadd.f32 v18, v25  }
0x2bd: {  	v9 =	vmul.f32 v37, v9;
	v11 =	vadd.f32 v11, v13;
	v42 =	vadd.f32 v21, v40  }
0x2be: {  	v6 =	vmul.f32 v38, v6;
	v10 =	vadd.f32 v10, v12;
	v43 =	vadd.f32 v22, v18  }
0x2bf: {  	v7 =	vmul.f32 v39, v7;
	v9 =	vadd.f32 v9, v11;
	v44 =	vadd.f32 v17, v42  }
0x2c0: {  	v5 =	vmul.f32 v41, v5;
	v6 =	vadd.f32 v6, v10;
	v45 =	vadd.f32 v15, v43  }
0x2c1: {  	v7 =	vadd.f32 v7, v9;
	v46 =	vperm.xlane v44, v0  }
0x2c2: {  	v5 =	vadd.f32 v5, v6;
	v47 =	vperm.xlane v45, v0  }
0x2c3: {  	v48 =	vperm.xlane v7, v0;
	v6 =	vadd.f32 v44, v46  }
0x2c4: {  	v49 =	vperm.xlane v5, v0;
	v9 =	vadd.f32 v45, v47  }
0x2c5: {  	v7 =	vadd.f32 v7, v48;
	v12 =	vperm.xlane v6, v1  }
0x2c6: {  	v5 =	vadd.f32 v5, v49;
	v50 =	vperm.xlane v9, v1  }
0x2c7: {  	v51 =	vperm.xlane v7, v1;
	v6 =	vadd.f32 v6, v12  }
0x2c8: {  	v52 =	vperm.xlane v5, v1;
	v9 =	vadd.f32 v9, v50  }
0x2c9: {  	v7 =	vadd.f32 v7, v51;
	v12 =	vperm.xlane v6, v2  }
0x2ca: {  	v5 =	vadd.f32 v5, v52;
	v53 =	vperm.xlane v9, v2  }
0x2cb: {  	v54 =	vperm.xlane v7, v2;
	v6 =	vadd.f32 v6, v12  }
0x2cc: {  	s13 =	sadd.s32 $0x3, s10;
	v56 =	vmov s10;
	v55 =	vperm.xlane v5, v2;
	v9 =	vadd.f32 v9, v53  }
0x2cd: {  	v58 =	vmov s13;
	v7 =	vadd.f32 v7, v54;
	v57 =	vperm.xlane v6, v3  }
0x2ce: {  	s12 =	sadd.s32 $0x2, s10;
	vm0 =	veq.s32 v56, v4;
	v5 =	vadd.f32 v5, v55;
	v59 =	vperm.xlane v9, v3  }
0x2cf: {  	s14 =	sadd.s32 $0x1, s10;
	s15 =	sshll.u32 s7, $0x4;
	s7 =	sadd.s32 $0x1, s7;
	v60 =	vmov s12;
	v61 =	vperm.xlane v7, v3;
	v6 =	vadd.f32 v6, v57  }
0x2d0: {  	p0 =	sne.s32 s7, $0x19;
	v63 =	vmov s14;
	v62 =	vperm.xlane v5, v3;
	v9 =	vadd.f32 v9, v59  }
.Ltmp7:
0x2d1: {  	vm13 =	veq.s32 v63, v4;
	v7 =	vadd.f32 v7, v61;
	v6 =	vsel vm0, v6, v8;
	(pc) =	sbr.rel @p0 .LBB2_14-.Ltmp7, $4  }
0x2d2: {  	vm14 =	veq.s32 v60, v4;
	v5 =	vadd.f32 v5, v62;
	v6 =	vsel vm13, v9, v6  }
0x2d3: {  	vm15 =	veq.s32 v58, v4;
	v6 =	vsel vm14, v7, v6  }
0x2d4: {  	s10 =	sand.u32 $0x3FFFFFF0, s15;
	v5 =	vsel vm15, v5, v6  }
0x2d5: {  	s8 =	sadd.s32 $0x800, s8;
	s9 =	sadd.s32 $0x800, s9;
	[tilespmem:s10+$0x19400] =	vst v5  }
0x2d6: {  	s7 =	simm.s32 $0x0;
	s8 =	rddreg [dreg:$0xc]  }
0x2d7: {  	[hbm4b:s8+s7] =	stream.linear.scatter [tilespmem:s5], [sflag:$0x3], $0x190, $0x38;
	[tilespmem:$0x19600] =	vst v63  }
0x2d8: {  	_ =	swait.ge [sflag:s30], $0x190  }
0x2d9: {  	[sflag:s30] =	ssyncset.done $0x0  }
0x2da: {  	s14 =	rddreg [dreg:$0xd];
	[sflag:s30] =	ssyncadd.s32 $0xFFFFFE70  }
0x2db: {  	[tilespmem:s7], [sflag:$0x3] =	stream.linear.gather [hbm4b:s14+s7], $0x190, $0x38;
	[tilespmem:$0x19600] =	vst v63  }
0x2dc: {  	_ =	swait.ge [sflag:s30], $0x190  }
0x2dd: {  	[sflag:s30] =	ssyncset.done $0x0  }
0x2de: {  	s15 =	rddreg [dreg:$0xe];
	[sflag:s30] =	ssyncadd.s32 $0xFFFFFE70  }
0x2df: {  	[tilespmem:s31], [sflag:$0x3] =	stream.linear.gather [hbm4b:s15+s7], $0x190, $0x38;
	[tilespmem:$0x19600] =	vst v63  }
0x2e0: {  	_ =	swait.ge [sflag:s30], $0x190  }
0x2e1: {  	[sflag:s30] =	ssyncset.done $0x0  }
0x2e2: {  	[sflag:s30] =	ssyncadd.s32 $0xFFFFFE70  }
0x2e3: {  	[tilespmem:s0], [sflag:$0x1] =	stream.indirect.gather [hbm4b:s28+s24], $0x80, s7, s24, $0xb8;
	[tilespmem:$0x19600] =	vst v63  }
0x2e4: {  	_ = 	snop  }
0x2e5: {  	[tilespmem:s2], [sflag:$0x2] =	stream.indirect.gather [hbm4b:s28+s24], $0x80, s31, s24, $0xb8;
	[tilespmem:$0x19600] =	vst v63  }
0x2e6: {  	_ =	swait.ge [sflag:s3], $0xC800  }
0x2e7: {  	[sflag:s3] =	ssyncset.done $0x0  }
0x2e8: {  	[sflag:s3] =	ssyncadd.s32 $0xFFFF3800  }
0x2e9: {  	_ =	swait.ge [sflag:s4], $0xC800  }
0x2ea: {  	[sflag:s4] =	ssyncset.done $0x0  }
0x2eb: {  	s9 =	simm.s32 $0xCD00;
	s8 =	simm.s32 $0x500;
	[sflag:s4] =	ssyncadd.s32 $0xFFFF3800  }
.LBB2_18:
0x2ec: {  	v5 =	vld [tilespmem:s8+$0xF0]  }
0x2ed: {  	v7 =	vld [tilespmem:s8+$0x70]  }
0x2ee: {  	v8 =	vld [tilespmem:s8+$0xFFFFFFF0]  }
0x2ef: {  	v15 =	vld [tilespmem:s9+$0xFFFFFFF0]  }
0x2f0: {  	v6 =	vld [tilespmem:s8+$0xE0]  }
0x2f1: {  	v17 =	vld [tilespmem:s8+$0xFFFFFF70]  }
0x2f2: {  	v21 =	vld [tilespmem:s9+$0xFFFFFF70]  }
0x2f3: {  	v9 =	vld [tilespmem:s8+$0x60]  }
0x2f4: {  	v22 =	vld [tilespmem:s8+$0xFFFFFFE0]  }
0x2f5: {  	v51 =	vld [tilespmem:s9+$0xFFFFFFE0]  }
0x2f6: {  	v10 =	vld [tilespmem:s8+$0xD0]  }
0x2f7: {  	v52 =	vld [tilespmem:s8+$0xFFFFFF60]  }
0x2f8: {  	v53 =	vld [tilespmem:s9+$0xFFFFFF60]  }
0x2f9: {  	v11 =	vld [tilespmem:s8+$0x50]  }
0x2fa: {  	v18 =	vld [tilespmem:s8+$0xFFFFFFD0]  }
0x2fb: {  	v20 =	vld [tilespmem:s9+$0xFFFFFFD0]  }
0x2fc: {  	v12 =	vld [tilespmem:s8+$0xC0]  }
0x2fd: {  	v23 =	vld [tilespmem:s8+$0xFFFFFF50]  }
0x2fe: {  	v25 =	vld [tilespmem:s9+$0xFFFFFF50]  }
0x2ff: {  	v13 =	vld [tilespmem:s8+$0x40]  }
0x300: {  	v26 =	vld [tilespmem:s8+$0xFFFFFFC0]  }
0x301: {  	v27 =	vld [tilespmem:s9+$0xFFFFFFC0]  }
0x302: {  	v14 =	vld [tilespmem:s8+$0xB0]  }
0x303: {  	v31 =	vld [tilespmem:s8+$0xFFFFFF40]  }
0x304: {  	v33 =	vld [tilespmem:s9+$0xFFFFFF40]  }
0x305: {  	v16 =	vld [tilespmem:s8+$0x30]  }
0x306: {  	v32 =	vld [tilespmem:s8+$0xFFFFFFB0]  }
0x307: {  	v34 =	vld [tilespmem:s9+$0xFFFFFFB0]  }
0x308: {  	v19 =	vld [tilespmem:s8+$0xA0]  }
0x309: {  	v35 =	vld [tilespmem:s8+$0xFFFFFF30]  }
0x30a: {  	v38 =	vld [tilespmem:s9+$0xFFFFFF30]  }
0x30b: {  	v24 =	vld [tilespmem:s8+$0x20]  }
0x30c: {  	v36 =	vld [tilespmem:s8+$0xFFFFFFA0]  }
0x30d: {  	v39 =	vld [tilespmem:s9+$0xFFFFFFA0]  }
0x30e: {  	v28 =	vld [tilespmem:s8+$0x80]  }
0x30f: {  	v29 =	vld [tilespmem:s9+$0x80]  }
0x310: {  	v30 =	vld [tilespmem:s8+$0x90]  }
0x311: {  	v42 =	vld [tilespmem:s8+$0xFFFFFF20]  }
0x312: {  	v44 =	vld [tilespmem:s9+$0xFFFFFF20]  }
0x313: {  	v37 =	vld [tilespmem:s8+$0x0]  }
0x314: {  	v40 =	vld [tilespmem:s9+$0x0]  }
0x315: {  	v41 =	vld [tilespmem:s8+$0x10]  }
0x316: {  	v43 =	vld [tilespmem:s8+$0xFFFFFF80]  }
0x317: {  	v45 =	vld [tilespmem:s9+$0xFFFFFF80]  }
0x318: {  	v46 =	vld [tilespmem:s8+$0xFFFFFF90]  }
0x319: {  	v47 =	vld [tilespmem:s8+$0xFFFFFF00]  }
0x31a: {  	v48 =	vld [tilespmem:s9+$0xFFFFFF00]  }
0x31b: {  	v49 =	vld [tilespmem:s8+$0xFFFFFF10];
	s12 =	simm.s32 $0x4;
	v17 =	vmul.f32 v21, v17;
	v15 =	vmul.f32 v15, v8  }
0x31c: {  	v50 =	vld [tilespmem:s9+$0xFFFFFF10];
	s11 =	smov.u32 s9;
	s13 =	smov.u32 s8;
	s10 =	simm.s32 $0x0;
	v8 =	vimm.f32 $0.0e+00;
	v21 =	vmul.f32 v53, v52;
	v22 =	vmul.f32 v51, v22  }
.LBB2_19:
0x31d: {  	p0 =	sne.s32 s12, $0xC;
	v23 =	vmul.f32 v25, v23;
	v25 =	vld [tilespmem:s11+$0xFFFFFF90];
	v18 =	vmul.f32 v20, v18  }
0x31e: {  	v20 =	vmul.f32 v33, v31;
	v26 =	vmul.f32 v27, v26;
	v27 =	vld [tilespmem:s11+$0x10]  }
0x31f: {  	v31 =	vmul.f32 v38, v35;
	v32 =	vmul.f32 v34, v32;
	v33 =	vld [tilespmem:s11+$0x90]  }
0x320: {  	v34 =	vmul.f32 v44, v42;
	v35 =	vmul.f32 v39, v36;
	v36 =	vld [tilespmem:s11+$0x20]  }
0x321: {  	v38 =	vmul.f32 v48, v47;
	v39 =	vmul.f32 v50, v49;
	v42 =	vld [tilespmem:s11+$0xA0]  }
0x322: {  	v43 =	vmul.f32 v45, v43;
	v25 =	vmul.f32 v25, v46;
	v44 =	vld [tilespmem:s11+$0x30]  }
0x323: {  	v37 =	vmul.f32 v40, v37;
	v38 =	vadd.f32 v39, v38;
	v27 =	vmul.f32 v27, v41;
	v39 =	vld [tilespmem:s11+$0xB0]  }
0x324: {  	v28 =	vmul.f32 v29, v28;
	v25 =	vadd.f32 v25, v43;
	v40 =	vld [tilespmem:s11+$0x40];
	v29 =	vmul.f32 v33, v30  }
0x325: {  	v30 =	vadd.f32 v34, v38;
	v27 =	vadd.f32 v27, v37;
	v24 =	vmul.f32 v36, v24;
	v33 =	vld [tilespmem:s11+$0xC0]  }
0x326: {  	v25 =	vadd.f32 v35, v25;
	v34 =	vld [tilespmem:s11+$0x50];
	v28 =	vadd.f32 v29, v28;
	v19 =	vmul.f32 v42, v19  }
0x327: {  	v29 =	vadd.f32 v31, v30;
	v24 =	vadd.f32 v24, v27;
	v16 =	vmul.f32 v44, v16;
	v27 =	vld [tilespmem:s11+$0xD0]  }
0x328: {  	v25 =	vadd.f32 v32, v25;
	v30 =	vld [tilespmem:s11+$0x60];
	v19 =	vadd.f32 v19, v28;
	v14 =	vmul.f32 v39, v14  }
0x329: {  	v20 =	vadd.f32 v20, v29;
	v16 =	vadd.f32 v16, v24;
	v13 =	vmul.f32 v40, v13;
	v24 =	vld [tilespmem:s11+$0xE0]  }
0x32a: {  	v25 =	vadd.f32 v26, v25;
	v26 =	vld [tilespmem:s11+$0x70];
	v14 =	vadd.f32 v14, v19;
	v12 =	vmul.f32 v33, v12  }
0x32b: {  	s13 =	sadd.s32 $0x200, s13;
	v19 =	vadd.f32 v23, v20;
	v13 =	vadd.f32 v13, v16;
	v11 =	vmul.f32 v34, v11;
	v16 =	vld [tilespmem:s11+$0xF0]  }
0x32c: {  	v20 =	vld [tilespmem:s13+$0xF0];
	v18 =	vadd.f32 v18, v25;
	v12 =	vadd.f32 v12, v14;
	v10 =	vmul.f32 v27, v10  }
0x32d: {  	v14 =	vld [tilespmem:s13+$0x70];
	v19 =	vadd.f32 v21, v19;
	v11 =	vadd.f32 v11, v13;
	v9 =	vmul.f32 v30, v9  }
0x32e: {  	s11 =	sadd.s32 $0x200, s11;
	v21 =	vld [tilespmem:s13+$0xFFFFFFF0];
	v13 =	vadd.f32 v22, v18;
	v10 =	vadd.f32 v10, v12;
	v12 =	vmul.f32 v24, v6  }
0x32f: {  	v22 =	vld [tilespmem:s11+$0xFFFFFFF0];
	v18 =	vadd.f32 v17, v19;
	v9 =	vadd.f32 v9, v11;
	v23 =	vmul.f32 v26, v7  }
0x330: {  	v6 =	vld [tilespmem:s13+$0xE0];
	v11 =	vadd.f32 v15, v13;
	v10 =	vadd.f32 v12, v10;
	v12 =	vmul.f32 v16, v5  }
0x331: {  	v15 =	vld [tilespmem:s13+$0xFFFFFF70];
	v13 =	vperm.xlane v18, v0;
	v16 =	vadd.f32 v23, v9;
	v5 =	vmov v20  }
0x332: {  	v17 =	vld [tilespmem:s11+$0xFFFFFF70];
	v19 =	vperm.xlane v11, v0;
	v12 =	vadd.f32 v12, v10;
	v7 =	vmov v14  }
0x333: {  	v9 =	vld [tilespmem:s13+$0x60];
	v13 =	vadd.f32 v18, v13;
	v10 =	vperm.xlane v16, v0  }
0x334: {  	v51 =	vld [tilespmem:s13+$0xFFFFFFE0];
	v11 =	vadd.f32 v11, v19;
	v14 =	vperm.xlane v12, v0  }
0x335: {  	v52 =	vld [tilespmem:s11+$0xFFFFFFE0];
	v18 =	vperm.xlane v13, v1;
	v16 =	vadd.f32 v16, v10  }
0x336: {  	v10 =	vld [tilespmem:s13+$0xD0];
	v19 =	vperm.xlane v11, v1;
	v12 =	vadd.f32 v12, v14  }
0x337: {  	v53 =	vld [tilespmem:s13+$0xFFFFFF60];
	v13 =	vadd.f32 v13, v18;
	v14 =	vperm.xlane v16, v1  }
0x338: {  	v54 =	vld [tilespmem:s11+$0xFFFFFF60];
	v19 =	vadd.f32 v11, v19;
	v20 =	vperm.xlane v12, v1  }
0x339: {  	v11 =	vld [tilespmem:s13+$0x50];
	v23 =	vperm.xlane v13, v2;
	v14 =	vadd.f32 v16, v14  }
0x33a: {  	v18 =	vld [tilespmem:s13+$0xFFFFFFD0];
	v16 =	vperm.xlane v19, v2;
	v24 =	vadd.f32 v12, v20  }
0x33b: {  	v20 =	vld [tilespmem:s11+$0xFFFFFFD0];
	v26 =	vadd.f32 v13, v23;
	v13 =	vperm.xlane v14, v2  }
0x33c: {  	s14 =	sadd.s32 $0x3, s10;
	v27 =	vmov s10;
	v12 =	vld [tilespmem:s13+$0xC0];
	v16 =	vadd.f32 v19, v16;
	v19 =	vperm.xlane v24, v2  }
0x33d: {  	s15 =	sadd.s32 $0x2, s10;
	v29 =	vmov s14;
	v23 =	vld [tilespmem:s13+$0xFFFFFF50];
	v28 =	vperm.xlane v26, v3;
	v14 =	vadd.f32 v14, v13  }
0x33e: {  	v25 =	vld [tilespmem:s11+$0xFFFFFF50];
	v30 =	vperm.xlane v16, v3;
	v19 =	vadd.f32 v24, v19;
	v24 =	vmov s15  }
0x33f: {  	s14 =	sadd.s32 $0x1, s10;
	s10 =	smov.u32 s12;
	vm0 =	veq.s32 v27, v4;
	v13 =	vld [tilespmem:s13+$0x40];
	v28 =	vadd.f32 v26, v28;
	v31 =	vperm.xlane v14, v3  }
0x340: {  	v32 =	vmov s14;
	v26 =	vld [tilespmem:s13+$0xFFFFFFC0];
	v16 =	vadd.f32 v16, v30;
	v30 =	vperm.xlane v19, v3  }
0x341: {  	v27 =	vld [tilespmem:s11+$0xFFFFFFC0];
	v33 =	vadd.f32 v14, v31;
	v8 =	vsel vm0, v28, v8;
	vm0 =	veq.s32 v32, v4  }
0x342: {  	v14 =	vld [tilespmem:s13+$0xB0];
	v19 =	vadd.f32 v19, v30;
	v8 =	vsel vm0, v16, v8;
	vm0 =	veq.s32 v24, v4  }
0x343: {  	v31 =	vld [tilespmem:s13+$0xFFFFFF40];
	v8 =	vsel vm0, v33, v8;
	vm0 =	veq.s32 v29, v4  }
0x344: {  	v33 =	vld [tilespmem:s11+$0xFFFFFF40];
	v8 =	vsel vm0, v19, v8  }
0x345: {  	v16 =	vld [tilespmem:s13+$0x30]  }
0x346: {  	v32 =	vld [tilespmem:s13+$0xFFFFFFB0]  }
0x347: {  	v34 =	vld [tilespmem:s11+$0xFFFFFFB0]  }
0x348: {  	v19 =	vld [tilespmem:s13+$0xA0]  }
0x349: {  	v35 =	vld [tilespmem:s13+$0xFFFFFF30]  }
0x34a: {  	v38 =	vld [tilespmem:s11+$0xFFFFFF30]  }
0x34b: {  	v24 =	vld [tilespmem:s13+$0x20]  }
0x34c: {  	v36 =	vld [tilespmem:s13+$0xFFFFFFA0]  }
0x34d: {  	v39 =	vld [tilespmem:s11+$0xFFFFFFA0]  }
0x34e: {  	v28 =	vld [tilespmem:s13+$0x80]  }
0x34f: {  	v29 =	vld [tilespmem:s11+$0x80]  }
0x350: {  	v30 =	vld [tilespmem:s13+$0x90]  }
0x351: {  	v42 =	vld [tilespmem:s13+$0xFFFFFF20]  }
0x352: {  	v44 =	vld [tilespmem:s11+$0xFFFFFF20]  }
0x353: {  	v37 =	vld [tilespmem:s13+$0x0]  }
0x354: {  	v40 =	vld [tilespmem:s11+$0x0]  }
0x355: {  	v41 =	vld [tilespmem:s13+$0x10]  }
0x356: {  	v43 =	vld [tilespmem:s13+$0xFFFFFF80]  }
0x357: {  	v45 =	vld [tilespmem:s11+$0xFFFFFF80]  }
.Ltmp8:
0x358: {  	v46 =	vld [tilespmem:s13+$0xFFFFFF90];
	(pc) =	sbr.rel @p0 .LBB2_19-.Ltmp8, $4  }
0x359: {  	v47 =	vld [tilespmem:s13+$0xFFFFFF00]  }
0x35a: {  	v48 =	vld [tilespmem:s11+$0xFFFFFF00]  }
0x35b: {  	v17 =	vmul.f32 v17, v15;
	v15 =	vmul.f32 v22, v21;
	v49 =	vld [tilespmem:s13+$0xFFFFFF10]  }
0x35c: {  	s12 =	sadd.s32 $0x4, s12;
	v22 =	vmul.f32 v52, v51;
	v21 =	vmul.f32 v54, v53;
	v50 =	vld [tilespmem:s11+$0xFFFFFF10]  }
0x35d: {  	v23 =	vmul.f32 v25, v23;
	v61 =	vld [tilespmem:s11+$0xFFFFFF90];
	v18 =	vmul.f32 v20, v18  }
0x35e: {  	v20 =	vmul.f32 v33, v31;
	v26 =	vmul.f32 v27, v26;
	v62 =	vld [tilespmem:s11+$0x10]  }
0x35f: {  	v31 =	vmul.f32 v38, v35;
	v32 =	vmul.f32 v34, v32;
	v63 =	vld [tilespmem:s11+$0x90]  }
0x360: {  	v51 =	vmul.f32 v44, v42;
	v52 =	vmul.f32 v39, v36;
	v53 =	vld [tilespmem:s11+$0x20]  }
0x361: {  	v56 =	vld [tilespmem:s11+$0xA0];
	v54 =	vmul.f32 v48, v47;
	v55 =	vmul.f32 v50, v49  }
0x362: {  	v43 =	vmul.f32 v45, v43;
	v57 =	vld [tilespmem:s11+$0x30];
	v25 =	vmul.f32 v61, v46  }
0x363: {  	v37 =	vmul.f32 v40, v37;
	v58 =	vld [tilespmem:s11+$0xB0];
	v27 =	vmul.f32 v62, v41;
	v38 =	vadd.f32 v55, v54  }
0x364: {  	v59 =	vld [tilespmem:s11+$0x40];
	v28 =	vmul.f32 v29, v28;
	v60 =	vmul.f32 v63, v30;
	v25 =	vadd.f32 v25, v43  }
0x365: {  	v24 =	vmul.f32 v53, v24;
	v62 =	vld [tilespmem:s11+$0xC0];
	v27 =	vadd.f32 v27, v37;
	v61 =	vadd.f32 v51, v38  }
0x366: {  	v63 =	vld [tilespmem:s11+$0x50];
	v19 =	vmul.f32 v56, v19;
	v28 =	vadd.f32 v60, v28;
	v25 =	vadd.f32 v52, v25  }
0x367: {  	v36 =	vld [tilespmem:s11+$0xD0];
	v16 =	vmul.f32 v57, v16;
	v24 =	vadd.f32 v24, v27;
	v35 =	vadd.f32 v31, v61  }
0x368: {  	v14 =	vmul.f32 v58, v14;
	v37 =	vld [tilespmem:s11+$0x60];
	v19 =	vadd.f32 v19, v28;
	v25 =	vadd.f32 v32, v25  }
0x369: {  	v13 =	vmul.f32 v59, v13;
	v38 =	vld [tilespmem:s11+$0xE0];
	v16 =	vadd.f32 v16, v24;
	v20 =	vadd.f32 v20, v35  }
0x36a: {  	v39 =	vld [tilespmem:s11+$0x70];
	v12 =	vmul.f32 v62, v12;
	v14 =	vadd.f32 v14, v19;
	v25 =	vadd.f32 v26, v25  }
0x36b: {  	v41 =	vld [tilespmem:s11+$0xF0];
	v11 =	vmul.f32 v63, v11;
	v13 =	vadd.f32 v13, v16;
	v40 =	vadd.f32 v23, v20  }
0x36c: {  	v10 =	vmul.f32 v36, v10;
	v12 =	vadd.f32 v12, v14;
	v18 =	vadd.f32 v18, v25  }
0x36d: {  	v9 =	vmul.f32 v37, v9;
	v11 =	vadd.f32 v11, v13;
	v42 =	vadd.f32 v21, v40  }
0x36e: {  	v6 =	vmul.f32 v38, v6;
	v10 =	vadd.f32 v10, v12;
	v43 =	vadd.f32 v22, v18  }
0x36f: {  	v7 =	vmul.f32 v39, v7;
	v9 =	vadd.f32 v9, v11;
	v44 =	vadd.f32 v17, v42  }
0x370: {  	v5 =	vmul.f32 v41, v5;
	v6 =	vadd.f32 v6, v10;
	v45 =	vadd.f32 v15, v43  }
0x371: {  	v7 =	vadd.f32 v7, v9;
	v46 =	vperm.xlane v44, v0  }
0x372: {  	v5 =	vadd.f32 v5, v6;
	v47 =	vperm.xlane v45, v0  }
0x373: {  	v48 =	vperm.xlane v7, v0;
	v6 =	vadd.f32 v44, v46  }
0x374: {  	v49 =	vperm.xlane v5, v0;
	v9 =	vadd.f32 v45, v47  }
0x375: {  	v7 =	vadd.f32 v7, v48;
	v12 =	vperm.xlane v6, v1  }
0x376: {  	v5 =	vadd.f32 v5, v49;
	v50 =	vperm.xlane v9, v1  }
0x377: {  	v51 =	vperm.xlane v7, v1;
	v6 =	vadd.f32 v6, v12  }
0x378: {  	v52 =	vperm.xlane v5, v1;
	v9 =	vadd.f32 v9, v50  }
0x379: {  	v7 =	vadd.f32 v7, v51;
	v12 =	vperm.xlane v6, v2  }
0x37a: {  	v5 =	vadd.f32 v5, v52;
	v53 =	vperm.xlane v9, v2  }
0x37b: {  	v54 =	vperm.xlane v7, v2;
	v6 =	vadd.f32 v6, v12  }
0x37c: {  	s13 =	sadd.s32 $0x3, s10;
	v56 =	vmov s10;
	v55 =	vperm.xlane v5, v2;
	v9 =	vadd.f32 v9, v53  }
0x37d: {  	v58 =	vmov s13;
	v7 =	vadd.f32 v7, v54;
	v57 =	vperm.xlane v6, v3  }
0x37e: {  	s12 =	sadd.s32 $0x2, s10;
	vm0 =	veq.s32 v56, v4;
	v5 =	vadd.f32 v5, v55;
	v59 =	vperm.xlane v9, v3  }
0x37f: {  	s14 =	sadd.s32 $0x1, s10;
	s15 =	sshll.u32 s7, $0x4;
	s7 =	sadd.s32 $0x1, s7;
	v60 =	vmov s12;
	v61 =	vperm.xlane v7, v3;
	v6 =	vadd.f32 v6, v57  }
0x380: {  	p0 =	sne.s32 s7, $0x19;
	v63 =	vmov s14;
	v62 =	vperm.xlane v5, v3;
	v9 =	vadd.f32 v9, v59  }
.Ltmp9:
0x381: {  	vm13 =	veq.s32 v63, v4;
	v7 =	vadd.f32 v7, v61;
	v6 =	vsel vm0, v6, v8;
	(pc) =	sbr.rel @p0 .LBB2_18-.Ltmp9, $4  }
0x382: {  	vm14 =	veq.s32 v60, v4;
	v5 =	vadd.f32 v5, v62;
	v6 =	vsel vm13, v9, v6  }
0x383: {  	vm15 =	veq.s32 v58, v4;
	v6 =	vsel vm14, v7, v6  }
0x384: {  	s10 =	sand.u32 $0x3FFFFFF0, s15;
	v5 =	vsel vm15, v5, v6  }
0x385: {  	s8 =	sadd.s32 $0x800, s8;
	s9 =	sadd.s32 $0x800, s9;
	[tilespmem:s10+$0x19400] =	vst v5  }
0x386: {  	s7 =	simm.s32 $0x0;
	s8 =	rddreg [dreg:$0xf]  }
0x387: {  	[hbm4b:s8+s7] =	stream.linear.scatter [tilespmem:s5], [sflag:$0x3], $0x190, $0x38;
	[tilespmem:$0x19600] =	vst v63  }
0x388: {  	_ =	swait.ge [sflag:s30], $0x190  }
0x389: {  	[sflag:s30] =	ssyncset.done $0x0  }
0x38a: {  	[sflag:s30] =	ssyncadd.s32 $0xFFFFFE70  }
0x38b: {  	[tilespmem:s7], [sflag:$0x3] =	stream.linear.gather [hbm4b:s16+s7], $0x190, $0x38;
	[tilespmem:$0x19600] =	vst v63  }
0x38c: {  	_ =	swait.ge [sflag:s30], $0x190  }
0x38d: {  	[sflag:s30] =	ssyncset.done $0x0  }
0x38e: {  	[sflag:s30] =	ssyncadd.s32 $0xFFFFFE70  }
0x38f: {  	[tilespmem:s31], [sflag:$0x3] =	stream.linear.gather [hbm4b:s17+s7], $0x190, $0x38;
	[tilespmem:$0x19600] =	vst v63  }
0x390: {  	_ =	swait.ge [sflag:s30], $0x190  }
0x391: {  	[sflag:s30] =	ssyncset.done $0x0  }
0x392: {  	[sflag:s30] =	ssyncadd.s32 $0xFFFFFE70  }
0x393: {  	[tilespmem:s0], [sflag:$0x1] =	stream.indirect.gather [hbm4b:s28+s24], $0x80, s7, s24, $0xb8;
	[tilespmem:$0x19600] =	vst v63  }
0x394: {  	_ = 	snop  }
0x395: {  	[tilespmem:s2], [sflag:$0x2] =	stream.indirect.gather [hbm4b:s28+s24], $0x80, s31, s24, $0xb8;
	[tilespmem:$0x19600] =	vst v63  }
0x396: {  	_ =	swait.ge [sflag:s3], $0xC800  }
0x397: {  	[sflag:s3] =	ssyncset.done $0x0  }
0x398: {  	[sflag:s3] =	ssyncadd.s32 $0xFFFF3800  }
0x399: {  	_ =	swait.ge [sflag:s4], $0xC800  }
0x39a: {  	[sflag:s4] =	ssyncset.done $0x0  }
0x39b: {  	s9 =	simm.s32 $0xCD00;
	s8 =	simm.s32 $0x500;
	[sflag:s4] =	ssyncadd.s32 $0xFFFF3800  }
.LBB2_22:
0x39c: {  	v5 =	vld [tilespmem:s8+$0xF0]  }
0x39d: {  	v7 =	vld [tilespmem:s8+$0x70]  }
0x39e: {  	v8 =	vld [tilespmem:s8+$0xFFFFFFF0]  }
0x39f: {  	v15 =	vld [tilespmem:s9+$0xFFFFFFF0]  }
0x3a0: {  	v6 =	vld [tilespmem:s8+$0xE0]  }
0x3a1: {  	v17 =	vld [tilespmem:s8+$0xFFFFFF70]  }
0x3a2: {  	v21 =	vld [tilespmem:s9+$0xFFFFFF70]  }
0x3a3: {  	v9 =	vld [tilespmem:s8+$0x60]  }
0x3a4: {  	v22 =	vld [tilespmem:s8+$0xFFFFFFE0]  }
0x3a5: {  	v51 =	vld [tilespmem:s9+$0xFFFFFFE0]  }
0x3a6: {  	v10 =	vld [tilespmem:s8+$0xD0]  }
0x3a7: {  	v52 =	vld [tilespmem:s8+$0xFFFFFF60]  }
0x3a8: {  	v53 =	vld [tilespmem:s9+$0xFFFFFF60]  }
0x3a9: {  	v11 =	vld [tilespmem:s8+$0x50]  }
0x3aa: {  	v18 =	vld [tilespmem:s8+$0xFFFFFFD0]  }
0x3ab: {  	v20 =	vld [tilespmem:s9+$0xFFFFFFD0]  }
0x3ac: {  	v12 =	vld [tilespmem:s8+$0xC0]  }
0x3ad: {  	v23 =	vld [tilespmem:s8+$0xFFFFFF50]  }
0x3ae: {  	v25 =	vld [tilespmem:s9+$0xFFFFFF50]  }
0x3af: {  	v13 =	vld [tilespmem:s8+$0x40]  }
0x3b0: {  	v26 =	vld [tilespmem:s8+$0xFFFFFFC0]  }
0x3b1: {  	v27 =	vld [tilespmem:s9+$0xFFFFFFC0]  }
0x3b2: {  	v14 =	vld [tilespmem:s8+$0xB0]  }
0x3b3: {  	v31 =	vld [tilespmem:s8+$0xFFFFFF40]  }
0x3b4: {  	v33 =	vld [tilespmem:s9+$0xFFFFFF40]  }
0x3b5: {  	v16 =	vld [tilespmem:s8+$0x30]  }
0x3b6: {  	v32 =	vld [tilespmem:s8+$0xFFFFFFB0]  }
0x3b7: {  	v34 =	vld [tilespmem:s9+$0xFFFFFFB0]  }
0x3b8: {  	v19 =	vld [tilespmem:s8+$0xA0]  }
0x3b9: {  	v35 =	vld [tilespmem:s8+$0xFFFFFF30]  }
0x3ba: {  	v38 =	vld [tilespmem:s9+$0xFFFFFF30]  }
0x3bb: {  	v24 =	vld [tilespmem:s8+$0x20]  }
0x3bc: {  	v36 =	vld [tilespmem:s8+$0xFFFFFFA0]  }
0x3bd: {  	v39 =	vld [tilespmem:s9+$0xFFFFFFA0]  }
0x3be: {  	v28 =	vld [tilespmem:s8+$0x80]  }
0x3bf: {  	v29 =	vld [tilespmem:s9+$0x80]  }
0x3c0: {  	v30 =	vld [tilespmem:s8+$0x90]  }
0x3c1: {  	v42 =	vld [tilespmem:s8+$0xFFFFFF20]  }
0x3c2: {  	v44 =	vld [tilespmem:s9+$0xFFFFFF20]  }
0x3c3: {  	v37 =	vld [tilespmem:s8+$0x0]  }
0x3c4: {  	v40 =	vld [tilespmem:s9+$0x0]  }
0x3c5: {  	v41 =	vld [tilespmem:s8+$0x10]  }
0x3c6: {  	v43 =	vld [tilespmem:s8+$0xFFFFFF80]  }
0x3c7: {  	v45 =	vld [tilespmem:s9+$0xFFFFFF80]  }
0x3c8: {  	v46 =	vld [tilespmem:s8+$0xFFFFFF90]  }
0x3c9: {  	v47 =	vld [tilespmem:s8+$0xFFFFFF00]  }
0x3ca: {  	v48 =	vld [tilespmem:s9+$0xFFFFFF00]  }
0x3cb: {  	v49 =	vld [tilespmem:s8+$0xFFFFFF10];
	s12 =	simm.s32 $0x4;
	v17 =	vmul.f32 v21, v17;
	v15 =	vmul.f32 v15, v8  }
0x3cc: {  	v50 =	vld [tilespmem:s9+$0xFFFFFF10];
	s11 =	smov.u32 s9;
	s13 =	smov.u32 s8;
	s10 =	simm.s32 $0x0;
	v8 =	vimm.f32 $0.0e+00;
	v21 =	vmul.f32 v53, v52;
	v22 =	vmul.f32 v51, v22  }
.LBB2_23:
0x3cd: {  	p0 =	sne.s32 s12, $0xC;
	v23 =	vmul.f32 v25, v23;
	v25 =	vld [tilespmem:s11+$0xFFFFFF90];
	v18 =	vmul.f32 v20, v18  }
0x3ce: {  	v20 =	vmul.f32 v33, v31;
	v26 =	vmul.f32 v27, v26;
	v27 =	vld [tilespmem:s11+$0x10]  }
0x3cf: {  	v31 =	vmul.f32 v38, v35;
	v32 =	vmul.f32 v34, v32;
	v33 =	vld [tilespmem:s11+$0x90]  }
0x3d0: {  	v34 =	vmul.f32 v44, v42;
	v35 =	vmul.f32 v39, v36;
	v36 =	vld [tilespmem:s11+$0x20]  }
0x3d1: {  	v38 =	vmul.f32 v48, v47;
	v39 =	vmul.f32 v50, v49;
	v42 =	vld [tilespmem:s11+$0xA0]  }
0x3d2: {  	v43 =	vmul.f32 v45, v43;
	v25 =	vmul.f32 v25, v46;
	v44 =	vld [tilespmem:s11+$0x30]  }
0x3d3: {  	v37 =	vmul.f32 v40, v37;
	v38 =	vadd.f32 v39, v38;
	v27 =	vmul.f32 v27, v41;
	v39 =	vld [tilespmem:s11+$0xB0]  }
0x3d4: {  	v28 =	vmul.f32 v29, v28;
	v25 =	vadd.f32 v25, v43;
	v40 =	vld [tilespmem:s11+$0x40];
	v29 =	vmul.f32 v33, v30  }
0x3d5: {  	v30 =	vadd.f32 v34, v38;
	v27 =	vadd.f32 v27, v37;
	v24 =	vmul.f32 v36, v24;
	v33 =	vld [tilespmem:s11+$0xC0]  }
0x3d6: {  	v25 =	vadd.f32 v35, v25;
	v34 =	vld [tilespmem:s11+$0x50];
	v28 =	vadd.f32 v29, v28;
	v19 =	vmul.f32 v42, v19  }
0x3d7: {  	v29 =	vadd.f32 v31, v30;
	v24 =	vadd.f32 v24, v27;
	v16 =	vmul.f32 v44, v16;
	v27 =	vld [tilespmem:s11+$0xD0]  }
0x3d8: {  	v25 =	vadd.f32 v32, v25;
	v30 =	vld [tilespmem:s11+$0x60];
	v19 =	vadd.f32 v19, v28;
	v14 =	vmul.f32 v39, v14  }
0x3d9: {  	v20 =	vadd.f32 v20, v29;
	v16 =	vadd.f32 v16, v24;
	v13 =	vmul.f32 v40, v13;
	v24 =	vld [tilespmem:s11+$0xE0]  }
0x3da: {  	v25 =	vadd.f32 v26, v25;
	v26 =	vld [tilespmem:s11+$0x70];
	v14 =	vadd.f32 v14, v19;
	v12 =	vmul.f32 v33, v12  }
0x3db: {  	s13 =	sadd.s32 $0x200, s13;
	v19 =	vadd.f32 v23, v20;
	v13 =	vadd.f32 v13, v16;
	v11 =	vmul.f32 v34, v11;
	v16 =	vld [tilespmem:s11+$0xF0]  }
0x3dc: {  	v20 =	vld [tilespmem:s13+$0xF0];
	v18 =	vadd.f32 v18, v25;
	v12 =	vadd.f32 v12, v14;
	v10 =	vmul.f32 v27, v10  }
0x3dd: {  	v14 =	vld [tilespmem:s13+$0x70];
	v19 =	vadd.f32 v21, v19;
	v11 =	vadd.f32 v11, v13;
	v9 =	vmul.f32 v30, v9  }
0x3de: {  	s11 =	sadd.s32 $0x200, s11;
	v21 =	vld [tilespmem:s13+$0xFFFFFFF0];
	v13 =	vadd.f32 v22, v18;
	v10 =	vadd.f32 v10, v12;
	v12 =	vmul.f32 v24, v6  }
0x3df: {  	v22 =	vld [tilespmem:s11+$0xFFFFFFF0];
	v18 =	vadd.f32 v17, v19;
	v9 =	vadd.f32 v9, v11;
	v23 =	vmul.f32 v26, v7  }
0x3e0: {  	v6 =	vld [tilespmem:s13+$0xE0];
	v11 =	vadd.f32 v15, v13;
	v10 =	vadd.f32 v12, v10;
	v12 =	vmul.f32 v16, v5  }
0x3e1: {  	v15 =	vld [tilespmem:s13+$0xFFFFFF70];
	v13 =	vperm.xlane v18, v0;
	v16 =	vadd.f32 v23, v9;
	v5 =	vmov v20  }
0x3e2: {  	v17 =	vld [tilespmem:s11+$0xFFFFFF70];
	v19 =	vperm.xlane v11, v0;
	v12 =	vadd.f32 v12, v10;
	v7 =	vmov v14  }
0x3e3: {  	v9 =	vld [tilespmem:s13+$0x60];
	v13 =	vadd.f32 v18, v13;
	v10 =	vperm.xlane v16, v0  }
0x3e4: {  	v51 =	vld [tilespmem:s13+$0xFFFFFFE0];
	v11 =	vadd.f32 v11, v19;
	v14 =	vperm.xlane v12, v0  }
0x3e5: {  	v52 =	vld [tilespmem:s11+$0xFFFFFFE0];
	v18 =	vperm.xlane v13, v1;
	v16 =	vadd.f32 v16, v10  }
0x3e6: {  	v10 =	vld [tilespmem:s13+$0xD0];
	v19 =	vperm.xlane v11, v1;
	v12 =	vadd.f32 v12, v14  }
0x3e7: {  	v53 =	vld [tilespmem:s13+$0xFFFFFF60];
	v13 =	vadd.f32 v13, v18;
	v14 =	vperm.xlane v16, v1  }
0x3e8: {  	v54 =	vld [tilespmem:s11+$0xFFFFFF60];
	v19 =	vadd.f32 v11, v19;
	v20 =	vperm.xlane v12, v1  }
0x3e9: {  	v11 =	vld [tilespmem:s13+$0x50];
	v23 =	vperm.xlane v13, v2;
	v14 =	vadd.f32 v16, v14  }
0x3ea: {  	v18 =	vld [tilespmem:s13+$0xFFFFFFD0];
	v16 =	vperm.xlane v19, v2;
	v24 =	vadd.f32 v12, v20  }
0x3eb: {  	v20 =	vld [tilespmem:s11+$0xFFFFFFD0];
	v26 =	vadd.f32 v13, v23;
	v13 =	vperm.xlane v14, v2  }
0x3ec: {  	s14 =	sadd.s32 $0x3, s10;
	v27 =	vmov s10;
	v12 =	vld [tilespmem:s13+$0xC0];
	v16 =	vadd.f32 v19, v16;
	v19 =	vperm.xlane v24, v2  }
0x3ed: {  	s15 =	sadd.s32 $0x2, s10;
	v29 =	vmov s14;
	v23 =	vld [tilespmem:s13+$0xFFFFFF50];
	v28 =	vperm.xlane v26, v3;
	v14 =	vadd.f32 v14, v13  }
0x3ee: {  	v25 =	vld [tilespmem:s11+$0xFFFFFF50];
	v30 =	vperm.xlane v16, v3;
	v19 =	vadd.f32 v24, v19;
	v24 =	vmov s15  }
0x3ef: {  	s14 =	sadd.s32 $0x1, s10;
	s10 =	smov.u32 s12;
	vm0 =	veq.s32 v27, v4;
	v13 =	vld [tilespmem:s13+$0x40];
	v28 =	vadd.f32 v26, v28;
	v31 =	vperm.xlane v14, v3  }
0x3f0: {  	v32 =	vmov s14;
	v26 =	vld [tilespmem:s13+$0xFFFFFFC0];
	v16 =	vadd.f32 v16, v30;
	v30 =	vperm.xlane v19, v3  }
0x3f1: {  	v27 =	vld [tilespmem:s11+$0xFFFFFFC0];
	v33 =	vadd.f32 v14, v31;
	v8 =	vsel vm0, v28, v8;
	vm0 =	veq.s32 v32, v4  }
0x3f2: {  	v14 =	vld [tilespmem:s13+$0xB0];
	v19 =	vadd.f32 v19, v30;
	v8 =	vsel vm0, v16, v8;
	vm0 =	veq.s32 v24, v4  }
0x3f3: {  	v31 =	vld [tilespmem:s13+$0xFFFFFF40];
	v8 =	vsel vm0, v33, v8;
	vm0 =	veq.s32 v29, v4  }
0x3f4: {  	v33 =	vld [tilespmem:s11+$0xFFFFFF40];
	v8 =	vsel vm0, v19, v8  }
0x3f5: {  	v16 =	vld [tilespmem:s13+$0x30]  }
0x3f6: {  	v32 =	vld [tilespmem:s13+$0xFFFFFFB0]  }
0x3f7: {  	v34 =	vld [tilespmem:s11+$0xFFFFFFB0]  }
0x3f8: {  	v19 =	vld [tilespmem:s13+$0xA0]  }
0x3f9: {  	v35 =	vld [tilespmem:s13+$0xFFFFFF30]  }
0x3fa: {  	v38 =	vld [tilespmem:s11+$0xFFFFFF30]  }
0x3fb: {  	v24 =	vld [tilespmem:s13+$0x20]  }
0x3fc: {  	v36 =	vld [tilespmem:s13+$0xFFFFFFA0]  }
0x3fd: {  	v39 =	vld [tilespmem:s11+$0xFFFFFFA0]  }
0x3fe: {  	v28 =	vld [tilespmem:s13+$0x80]  }
0x3ff: {  	v29 =	vld [tilespmem:s11+$0x80]  }
0x400: {  	v30 =	vld [tilespmem:s13+$0x90]  }
0x401: {  	v42 =	vld [tilespmem:s13+$0xFFFFFF20]  }
0x402: {  	v44 =	vld [tilespmem:s11+$0xFFFFFF20]  }
0x403: {  	v37 =	vld [tilespmem:s13+$0x0]  }
0x404: {  	v40 =	vld [tilespmem:s11+$0x0]  }
0x405: {  	v41 =	vld [tilespmem:s13+$0x10]  }
0x406: {  	v43 =	vld [tilespmem:s13+$0xFFFFFF80]  }
0x407: {  	v45 =	vld [tilespmem:s11+$0xFFFFFF80]  }
.Ltmp10:
0x408: {  	v46 =	vld [tilespmem:s13+$0xFFFFFF90];
	(pc) =	sbr.rel @p0 .LBB2_23-.Ltmp10, $4  }
0x409: {  	v47 =	vld [tilespmem:s13+$0xFFFFFF00]  }
0x40a: {  	v48 =	vld [tilespmem:s11+$0xFFFFFF00]  }
0x40b: {  	v17 =	vmul.f32 v17, v15;
	v15 =	vmul.f32 v22, v21;
	v49 =	vld [tilespmem:s13+$0xFFFFFF10]  }
0x40c: {  	s12 =	sadd.s32 $0x4, s12;
	v22 =	vmul.f32 v52, v51;
	v21 =	vmul.f32 v54, v53;
	v50 =	vld [tilespmem:s11+$0xFFFFFF10]  }
0x40d: {  	v23 =	vmul.f32 v25, v23;
	v61 =	vld [tilespmem:s11+$0xFFFFFF90];
	v18 =	vmul.f32 v20, v18  }
0x40e: {  	v20 =	vmul.f32 v33, v31;
	v26 =	vmul.f32 v27, v26;
	v62 =	vld [tilespmem:s11+$0x10]  }
0x40f: {  	v31 =	vmul.f32 v38, v35;
	v32 =	vmul.f32 v34, v32;
	v63 =	vld [tilespmem:s11+$0x90]  }
0x410: {  	v51 =	vmul.f32 v44, v42;
	v52 =	vmul.f32 v39, v36;
	v53 =	vld [tilespmem:s11+$0x20]  }
0x411: {  	v56 =	vld [tilespmem:s11+$0xA0];
	v54 =	vmul.f32 v48, v47;
	v55 =	vmul.f32 v50, v49  }
0x412: {  	v43 =	vmul.f32 v45, v43;
	v57 =	vld [tilespmem:s11+$0x30];
	v25 =	vmul.f32 v61, v46  }
0x413: {  	v37 =	vmul.f32 v40, v37;
	v58 =	vld [tilespmem:s11+$0xB0];
	v27 =	vmul.f32 v62, v41;
	v38 =	vadd.f32 v55, v54  }
0x414: {  	v59 =	vld [tilespmem:s11+$0x40];
	v28 =	vmul.f32 v29, v28;
	v60 =	vmul.f32 v63, v30;
	v25 =	vadd.f32 v25, v43  }
0x415: {  	v24 =	vmul.f32 v53, v24;
	v62 =	vld [tilespmem:s11+$0xC0];
	v27 =	vadd.f32 v27, v37;
	v61 =	vadd.f32 v51, v38  }
0x416: {  	v63 =	vld [tilespmem:s11+$0x50];
	v19 =	vmul.f32 v56, v19;
	v28 =	vadd.f32 v60, v28;
	v25 =	vadd.f32 v52, v25  }
0x417: {  	v36 =	vld [tilespmem:s11+$0xD0];
	v16 =	vmul.f32 v57, v16;
	v24 =	vadd.f32 v24, v27;
	v35 =	vadd.f32 v31, v61  }
0x418: {  	v14 =	vmul.f32 v58, v14;
	v37 =	vld [tilespmem:s11+$0x60];
	v19 =	vadd.f32 v19, v28;
	v25 =	vadd.f32 v32, v25  }
0x419: {  	v13 =	vmul.f32 v59, v13;
	v38 =	vld [tilespmem:s11+$0xE0];
	v16 =	vadd.f32 v16, v24;
	v20 =	vadd.f32 v20, v35  }
0x41a: {  	v39 =	vld [tilespmem:s11+$0x70];
	v12 =	vmul.f32 v62, v12;
	v14 =	vadd.f32 v14, v19;
	v25 =	vadd.f32 v26, v25  }
0x41b: {  	v41 =	vld [tilespmem:s11+$0xF0];
	v11 =	vmul.f32 v63, v11;
	v13 =	vadd.f32 v13, v16;
	v40 =	vadd.f32 v23, v20  }
0x41c: {  	v10 =	vmul.f32 v36, v10;
	v12 =	vadd.f32 v12, v14;
	v18 =	vadd.f32 v18, v25  }
0x41d: {  	v9 =	vmul.f32 v37, v9;
	v11 =	vadd.f32 v11, v13;
	v42 =	vadd.f32 v21, v40  }
0x41e: {  	v6 =	vmul.f32 v38, v6;
	v10 =	vadd.f32 v10, v12;
	v43 =	vadd.f32 v22, v18  }
0x41f: {  	v7 =	vmul.f32 v39, v7;
	v9 =	vadd.f32 v9, v11;
	v44 =	vadd.f32 v17, v42  }
0x420: {  	v5 =	vmul.f32 v41, v5;
	v6 =	vadd.f32 v6, v10;
	v45 =	vadd.f32 v15, v43  }
0x421: {  	v7 =	vadd.f32 v7, v9;
	v46 =	vperm.xlane v44, v0  }
0x422: {  	v5 =	vadd.f32 v5, v6;
	v47 =	vperm.xlane v45, v0  }
0x423: {  	v48 =	vperm.xlane v7, v0;
	v6 =	vadd.f32 v44, v46  }
0x424: {  	v49 =	vperm.xlane v5, v0;
	v9 =	vadd.f32 v45, v47  }
0x425: {  	v7 =	vadd.f32 v7, v48;
	v12 =	vperm.xlane v6, v1  }
0x426: {  	v5 =	vadd.f32 v5, v49;
	v50 =	vperm.xlane v9, v1  }
0x427: {  	v51 =	vperm.xlane v7, v1;
	v6 =	vadd.f32 v6, v12  }
0x428: {  	v52 =	vperm.xlane v5, v1;
	v9 =	vadd.f32 v9, v50  }
0x429: {  	v7 =	vadd.f32 v7, v51;
	v12 =	vperm.xlane v6, v2  }
0x42a: {  	v5 =	vadd.f32 v5, v52;
	v53 =	vperm.xlane v9, v2  }
0x42b: {  	v54 =	vperm.xlane v7, v2;
	v6 =	vadd.f32 v6, v12  }
0x42c: {  	s13 =	sadd.s32 $0x3, s10;
	v56 =	vmov s10;
	v55 =	vperm.xlane v5, v2;
	v9 =	vadd.f32 v9, v53  }
0x42d: {  	v58 =	vmov s13;
	v7 =	vadd.f32 v7, v54;
	v57 =	vperm.xlane v6, v3  }
0x42e: {  	s12 =	sadd.s32 $0x2, s10;
	vm0 =	veq.s32 v56, v4;
	v5 =	vadd.f32 v5, v55;
	v59 =	vperm.xlane v9, v3  }
0x42f: {  	s14 =	sadd.s32 $0x1, s10;
	s15 =	sshll.u32 s7, $0x4;
	s7 =	sadd.s32 $0x1, s7;
	v60 =	vmov s12;
	v61 =	vperm.xlane v7, v3;
	v6 =	vadd.f32 v6, v57  }
0x430: {  	p0 =	sne.s32 s7, $0x19;
	v63 =	vmov s14;
	v62 =	vperm.xlane v5, v3;
	v9 =	vadd.f32 v9, v59  }
.Ltmp11:
0x431: {  	vm13 =	veq.s32 v63, v4;
	v7 =	vadd.f32 v7, v61;
	v6 =	vsel vm0, v6, v8;
	(pc) =	sbr.rel @p0 .LBB2_22-.Ltmp11, $4  }
0x432: {  	vm14 =	veq.s32 v60, v4;
	v5 =	vadd.f32 v5, v62;
	v6 =	vsel vm13, v9, v6  }
0x433: {  	vm15 =	veq.s32 v58, v4;
	v6 =	vsel vm14, v7, v6  }
0x434: {  	s10 =	sand.u32 $0x3FFFFFF0, s15;
	v5 =	vsel vm15, v5, v6  }
0x435: {  	s8 =	sadd.s32 $0x800, s8;
	s9 =	sadd.s32 $0x800, s9;
	[tilespmem:s10+$0x19400] =	vst v5  }
0x436: {  	s7 =	simm.s32 $0x0  }
0x437: {  	[hbm4b:s18+s7] =	stream.linear.scatter [tilespmem:s5], [sflag:$0x3], $0x190, $0x38;
	[tilespmem:$0x19600] =	vst v63  }
0x438: {  	_ =	swait.ge [sflag:s30], $0x190  }
0x439: {  	[sflag:s30] =	ssyncset.done $0x0  }
0x43a: {  	[sflag:s30] =	ssyncadd.s32 $0xFFFFFE70  }
0x43b: {  	[tilespmem:s7], [sflag:$0x3] =	stream.linear.gather [hbm4b:s20+s7], $0x190, $0x38;
	[tilespmem:$0x19600] =	vst v63  }
0x43c: {  	_ =	swait.ge [sflag:s30], $0x190  }
0x43d: {  	[sflag:s30] =	ssyncset.done $0x0  }
0x43e: {  	[sflag:s30] =	ssyncadd.s32 $0xFFFFFE70  }
0x43f: {  	[tilespmem:s31], [sflag:$0x3] =	stream.linear.gather [hbm4b:s21+s7], $0x190, $0x38;
	[tilespmem:$0x19600] =	vst v63  }
0x440: {  	_ =	swait.ge [sflag:s30], $0x190  }
0x441: {  	[sflag:s30] =	ssyncset.done $0x0  }
0x442: {  	[sflag:s30] =	ssyncadd.s32 $0xFFFFFE70  }
0x443: {  	[tilespmem:s0], [sflag:$0x1] =	stream.indirect.gather [hbm4b:s28+s24], $0x80, s7, s24, $0xb8;
	[tilespmem:$0x19600] =	vst v63  }
0x444: {  	_ = 	snop  }
0x445: {  	[tilespmem:s2], [sflag:$0x2] =	stream.indirect.gather [hbm4b:s28+s24], $0x80, s31, s24, $0xb8;
	[tilespmem:$0x19600] =	vst v63  }
0x446: {  	_ =	swait.ge [sflag:s3], $0xC800  }
0x447: {  	[sflag:s3] =	ssyncset.done $0x0  }
0x448: {  	[sflag:s3] =	ssyncadd.s32 $0xFFFF3800  }
0x449: {  	_ =	swait.ge [sflag:s4], $0xC800  }
0x44a: {  	[sflag:s4] =	ssyncset.done $0x0  }
0x44b: {  	s8 =	simm.s32 $0x500;
	s9 =	simm.s32 $0xCD00;
	[sflag:s4] =	ssyncadd.s32 $0xFFFF3800  }
.LBB2_26:
0x44c: {  	v5 =	vld [tilespmem:s8+$0xF0]  }
0x44d: {  	v7 =	vld [tilespmem:s8+$0x70]  }
0x44e: {  	v8 =	vld [tilespmem:s8+$0xFFFFFFF0]  }
0x44f: {  	v15 =	vld [tilespmem:s9+$0xFFFFFFF0]  }
0x450: {  	v6 =	vld [tilespmem:s8+$0xE0]  }
0x451: {  	v17 =	vld [tilespmem:s8+$0xFFFFFF70]  }
0x452: {  	v21 =	vld [tilespmem:s9+$0xFFFFFF70]  }
0x453: {  	v9 =	vld [tilespmem:s8+$0x60]  }
0x454: {  	v22 =	vld [tilespmem:s8+$0xFFFFFFE0]  }
0x455: {  	v51 =	vld [tilespmem:s9+$0xFFFFFFE0]  }
0x456: {  	v10 =	vld [tilespmem:s8+$0xD0]  }
0x457: {  	v52 =	vld [tilespmem:s8+$0xFFFFFF60]  }
0x458: {  	v53 =	vld [tilespmem:s9+$0xFFFFFF60]  }
0x459: {  	v11 =	vld [tilespmem:s8+$0x50]  }
0x45a: {  	v18 =	vld [tilespmem:s8+$0xFFFFFFD0]  }
0x45b: {  	v20 =	vld [tilespmem:s9+$0xFFFFFFD0]  }
0x45c: {  	v12 =	vld [tilespmem:s8+$0xC0]  }
0x45d: {  	v23 =	vld [tilespmem:s8+$0xFFFFFF50]  }
0x45e: {  	v25 =	vld [tilespmem:s9+$0xFFFFFF50]  }
0x45f: {  	v13 =	vld [tilespmem:s8+$0x40]  }
0x460: {  	v26 =	vld [tilespmem:s8+$0xFFFFFFC0]  }
0x461: {  	v27 =	vld [tilespmem:s9+$0xFFFFFFC0]  }
0x462: {  	v14 =	vld [tilespmem:s8+$0xB0]  }
0x463: {  	v31 =	vld [tilespmem:s8+$0xFFFFFF40]  }
0x464: {  	v33 =	vld [tilespmem:s9+$0xFFFFFF40]  }
0x465: {  	v16 =	vld [tilespmem:s8+$0x30]  }
0x466: {  	v32 =	vld [tilespmem:s8+$0xFFFFFFB0]  }
0x467: {  	v34 =	vld [tilespmem:s9+$0xFFFFFFB0]  }
0x468: {  	v19 =	vld [tilespmem:s8+$0xA0]  }
0x469: {  	v35 =	vld [tilespmem:s8+$0xFFFFFF30]  }
0x46a: {  	v38 =	vld [tilespmem:s9+$0xFFFFFF30]  }
0x46b: {  	v24 =	vld [tilespmem:s8+$0x20]  }
0x46c: {  	v36 =	vld [tilespmem:s8+$0xFFFFFFA0]  }
0x46d: {  	v39 =	vld [tilespmem:s9+$0xFFFFFFA0]  }
0x46e: {  	v28 =	vld [tilespmem:s8+$0x80]  }
0x46f: {  	v29 =	vld [tilespmem:s9+$0x80]  }
0x470: {  	v30 =	vld [tilespmem:s8+$0x90]  }
0x471: {  	v42 =	vld [tilespmem:s8+$0xFFFFFF20]  }
0x472: {  	v44 =	vld [tilespmem:s9+$0xFFFFFF20]  }
0x473: {  	v37 =	vld [tilespmem:s8+$0x0]  }
0x474: {  	v40 =	vld [tilespmem:s9+$0x0]  }
0x475: {  	v41 =	vld [tilespmem:s8+$0x10]  }
0x476: {  	v43 =	vld [tilespmem:s8+$0xFFFFFF80]  }
0x477: {  	v45 =	vld [tilespmem:s9+$0xFFFFFF80]  }
0x478: {  	v46 =	vld [tilespmem:s8+$0xFFFFFF90]  }
0x479: {  	v47 =	vld [tilespmem:s8+$0xFFFFFF00]  }
0x47a: {  	v48 =	vld [tilespmem:s9+$0xFFFFFF00]  }
0x47b: {  	v49 =	vld [tilespmem:s8+$0xFFFFFF10];
	s12 =	simm.s32 $0x4;
	v17 =	vmul.f32 v21, v17;
	v15 =	vmul.f32 v15, v8  }
0x47c: {  	v50 =	vld [tilespmem:s9+$0xFFFFFF10];
	s11 =	smov.u32 s9;
	s13 =	smov.u32 s8;
	s10 =	simm.s32 $0x0;
	v8 =	vimm.f32 $0.0e+00;
	v21 =	vmul.f32 v53, v52;
	v22 =	vmul.f32 v51, v22  }
.LBB2_27:
0x47d: {  	p0 =	sne.s32 s12, $0xC;
	v23 =	vmul.f32 v25, v23;
	v25 =	vld [tilespmem:s11+$0xFFFFFF90];
	v18 =	vmul.f32 v20, v18  }
0x47e: {  	v20 =	vmul.f32 v33, v31;
	v26 =	vmul.f32 v27, v26;
	v27 =	vld [tilespmem:s11+$0x10]  }
0x47f: {  	v31 =	vmul.f32 v38, v35;
	v32 =	vmul.f32 v34, v32;
	v33 =	vld [tilespmem:s11+$0x90]  }
0x480: {  	v34 =	vmul.f32 v44, v42;
	v35 =	vmul.f32 v39, v36;
	v36 =	vld [tilespmem:s11+$0x20]  }
0x481: {  	v38 =	vmul.f32 v48, v47;
	v39 =	vmul.f32 v50, v49;
	v42 =	vld [tilespmem:s11+$0xA0]  }
0x482: {  	v43 =	vmul.f32 v45, v43;
	v25 =	vmul.f32 v25, v46;
	v44 =	vld [tilespmem:s11+$0x30]  }
0x483: {  	v37 =	vmul.f32 v40, v37;
	v38 =	vadd.f32 v39, v38;
	v27 =	vmul.f32 v27, v41;
	v39 =	vld [tilespmem:s11+$0xB0]  }
0x484: {  	v28 =	vmul.f32 v29, v28;
	v25 =	vadd.f32 v25, v43;
	v40 =	vld [tilespmem:s11+$0x40];
	v29 =	vmul.f32 v33, v30  }
0x485: {  	v30 =	vadd.f32 v34, v38;
	v27 =	vadd.f32 v27, v37;
	v24 =	vmul.f32 v36, v24;
	v33 =	vld [tilespmem:s11+$0xC0]  }
0x486: {  	v25 =	vadd.f32 v35, v25;
	v34 =	vld [tilespmem:s11+$0x50];
	v28 =	vadd.f32 v29, v28;
	v19 =	vmul.f32 v42, v19  }
0x487: {  	v29 =	vadd.f32 v31, v30;
	v24 =	vadd.f32 v24, v27;
	v16 =	vmul.f32 v44, v16;
	v27 =	vld [tilespmem:s11+$0xD0]  }
0x488: {  	v25 =	vadd.f32 v32, v25;
	v30 =	vld [tilespmem:s11+$0x60];
	v19 =	vadd.f32 v19, v28;
	v14 =	vmul.f32 v39, v14  }
0x489: {  	v20 =	vadd.f32 v20, v29;
	v16 =	vadd.f32 v16, v24;
	v13 =	vmul.f32 v40, v13;
	v24 =	vld [tilespmem:s11+$0xE0]  }
0x48a: {  	v25 =	vadd.f32 v26, v25;
	v26 =	vld [tilespmem:s11+$0x70];
	v14 =	vadd.f32 v14, v19;
	v12 =	vmul.f32 v33, v12  }
0x48b: {  	s13 =	sadd.s32 $0x200, s13;
	v19 =	vadd.f32 v23, v20;
	v13 =	vadd.f32 v13, v16;
	v11 =	vmul.f32 v34, v11;
	v16 =	vld [tilespmem:s11+$0xF0]  }
0x48c: {  	v20 =	vld [tilespmem:s13+$0xF0];
	v18 =	vadd.f32 v18, v25;
	v12 =	vadd.f32 v12, v14;
	v10 =	vmul.f32 v27, v10  }
0x48d: {  	v14 =	vld [tilespmem:s13+$0x70];
	v19 =	vadd.f32 v21, v19;
	v11 =	vadd.f32 v11, v13;
	v9 =	vmul.f32 v30, v9  }
0x48e: {  	s11 =	sadd.s32 $0x200, s11;
	v21 =	vld [tilespmem:s13+$0xFFFFFFF0];
	v13 =	vadd.f32 v22, v18;
	v10 =	vadd.f32 v10, v12;
	v12 =	vmul.f32 v24, v6  }
0x48f: {  	v22 =	vld [tilespmem:s11+$0xFFFFFFF0];
	v18 =	vadd.f32 v17, v19;
	v9 =	vadd.f32 v9, v11;
	v23 =	vmul.f32 v26, v7  }
0x490: {  	v6 =	vld [tilespmem:s13+$0xE0];
	v11 =	vadd.f32 v15, v13;
	v10 =	vadd.f32 v12, v10;
	v12 =	vmul.f32 v16, v5  }
0x491: {  	v15 =	vld [tilespmem:s13+$0xFFFFFF70];
	v13 =	vperm.xlane v18, v0;
	v16 =	vadd.f32 v23, v9;
	v5 =	vmov v20  }
0x492: {  	v17 =	vld [tilespmem:s11+$0xFFFFFF70];
	v19 =	vperm.xlane v11, v0;
	v12 =	vadd.f32 v12, v10;
	v7 =	vmov v14  }
0x493: {  	v9 =	vld [tilespmem:s13+$0x60];
	v13 =	vadd.f32 v18, v13;
	v10 =	vperm.xlane v16, v0  }
0x494: {  	v51 =	vld [tilespmem:s13+$0xFFFFFFE0];
	v11 =	vadd.f32 v11, v19;
	v14 =	vperm.xlane v12, v0  }
0x495: {  	v52 =	vld [tilespmem:s11+$0xFFFFFFE0];
	v18 =	vperm.xlane v13, v1;
	v16 =	vadd.f32 v16, v10  }
0x496: {  	v10 =	vld [tilespmem:s13+$0xD0];
	v19 =	vperm.xlane v11, v1;
	v12 =	vadd.f32 v12, v14  }
0x497: {  	v53 =	vld [tilespmem:s13+$0xFFFFFF60];
	v13 =	vadd.f32 v13, v18;
	v14 =	vperm.xlane v16, v1  }
0x498: {  	v54 =	vld [tilespmem:s11+$0xFFFFFF60];
	v19 =	vadd.f32 v11, v19;
	v20 =	vperm.xlane v12, v1  }
0x499: {  	v11 =	vld [tilespmem:s13+$0x50];
	v23 =	vperm.xlane v13, v2;
	v14 =	vadd.f32 v16, v14  }
0x49a: {  	v18 =	vld [tilespmem:s13+$0xFFFFFFD0];
	v16 =	vperm.xlane v19, v2;
	v24 =	vadd.f32 v12, v20  }
0x49b: {  	v20 =	vld [tilespmem:s11+$0xFFFFFFD0];
	v26 =	vadd.f32 v13, v23;
	v13 =	vperm.xlane v14, v2  }
0x49c: {  	s14 =	sadd.s32 $0x3, s10;
	v27 =	vmov s10;
	v12 =	vld [tilespmem:s13+$0xC0];
	v16 =	vadd.f32 v19, v16;
	v19 =	vperm.xlane v24, v2  }
0x49d: {  	s15 =	sadd.s32 $0x2, s10;
	v29 =	vmov s14;
	v23 =	vld [tilespmem:s13+$0xFFFFFF50];
	v28 =	vperm.xlane v26, v3;
	v14 =	vadd.f32 v14, v13  }
0x49e: {  	v25 =	vld [tilespmem:s11+$0xFFFFFF50];
	v30 =	vperm.xlane v16, v3;
	v19 =	vadd.f32 v24, v19;
	v24 =	vmov s15  }
0x49f: {  	s14 =	sadd.s32 $0x1, s10;
	s10 =	smov.u32 s12;
	vm0 =	veq.s32 v27, v4;
	v13 =	vld [tilespmem:s13+$0x40];
	v28 =	vadd.f32 v26, v28;
	v31 =	vperm.xlane v14, v3  }
0x4a0: {  	v32 =	vmov s14;
	v26 =	vld [tilespmem:s13+$0xFFFFFFC0];
	v16 =	vadd.f32 v16, v30;
	v30 =	vperm.xlane v19, v3  }
0x4a1: {  	v27 =	vld [tilespmem:s11+$0xFFFFFFC0];
	v33 =	vadd.f32 v14, v31;
	v8 =	vsel vm0, v28, v8;
	vm0 =	veq.s32 v32, v4  }
0x4a2: {  	v14 =	vld [tilespmem:s13+$0xB0];
	v19 =	vadd.f32 v19, v30;
	v8 =	vsel vm0, v16, v8;
	vm0 =	veq.s32 v24, v4  }
0x4a3: {  	v31 =	vld [tilespmem:s13+$0xFFFFFF40];
	v8 =	vsel vm0, v33, v8;
	vm0 =	veq.s32 v29, v4  }
0x4a4: {  	v33 =	vld [tilespmem:s11+$0xFFFFFF40];
	v8 =	vsel vm0, v19, v8  }
0x4a5: {  	v16 =	vld [tilespmem:s13+$0x30]  }
0x4a6: {  	v32 =	vld [tilespmem:s13+$0xFFFFFFB0]  }
0x4a7: {  	v34 =	vld [tilespmem:s11+$0xFFFFFFB0]  }
0x4a8: {  	v19 =	vld [tilespmem:s13+$0xA0]  }
0x4a9: {  	v35 =	vld [tilespmem:s13+$0xFFFFFF30]  }
0x4aa: {  	v38 =	vld [tilespmem:s11+$0xFFFFFF30]  }
0x4ab: {  	v24 =	vld [tilespmem:s13+$0x20]  }
0x4ac: {  	v36 =	vld [tilespmem:s13+$0xFFFFFFA0]  }
0x4ad: {  	v39 =	vld [tilespmem:s11+$0xFFFFFFA0]  }
0x4ae: {  	v28 =	vld [tilespmem:s13+$0x80]  }
0x4af: {  	v29 =	vld [tilespmem:s11+$0x80]  }
0x4b0: {  	v30 =	vld [tilespmem:s13+$0x90]  }
0x4b1: {  	v42 =	vld [tilespmem:s13+$0xFFFFFF20]  }
0x4b2: {  	v44 =	vld [tilespmem:s11+$0xFFFFFF20]  }
0x4b3: {  	v37 =	vld [tilespmem:s13+$0x0]  }
0x4b4: {  	v40 =	vld [tilespmem:s11+$0x0]  }
0x4b5: {  	v41 =	vld [tilespmem:s13+$0x10]  }
0x4b6: {  	v43 =	vld [tilespmem:s13+$0xFFFFFF80]  }
0x4b7: {  	v45 =	vld [tilespmem:s11+$0xFFFFFF80]  }
.Ltmp12:
0x4b8: {  	v46 =	vld [tilespmem:s13+$0xFFFFFF90];
	(pc) =	sbr.rel @p0 .LBB2_27-.Ltmp12, $4  }
0x4b9: {  	v47 =	vld [tilespmem:s13+$0xFFFFFF00]  }
0x4ba: {  	v48 =	vld [tilespmem:s11+$0xFFFFFF00]  }
0x4bb: {  	v17 =	vmul.f32 v17, v15;
	v15 =	vmul.f32 v22, v21;
	v49 =	vld [tilespmem:s13+$0xFFFFFF10]  }
0x4bc: {  	s12 =	sadd.s32 $0x4, s12;
	v22 =	vmul.f32 v52, v51;
	v21 =	vmul.f32 v54, v53;
	v50 =	vld [tilespmem:s11+$0xFFFFFF10]  }
0x4bd: {  	v23 =	vmul.f32 v25, v23;
	v61 =	vld [tilespmem:s11+$0xFFFFFF90];
	v18 =	vmul.f32 v20, v18  }
0x4be: {  	v20 =	vmul.f32 v33, v31;
	v26 =	vmul.f32 v27, v26;
	v62 =	vld [tilespmem:s11+$0x10]  }
0x4bf: {  	v31 =	vmul.f32 v38, v35;
	v32 =	vmul.f32 v34, v32;
	v63 =	vld [tilespmem:s11+$0x90]  }
0x4c0: {  	v51 =	vmul.f32 v44, v42;
	v52 =	vmul.f32 v39, v36;
	v53 =	vld [tilespmem:s11+$0x20]  }
0x4c1: {  	v56 =	vld [tilespmem:s11+$0xA0];
	v54 =	vmul.f32 v48, v47;
	v55 =	vmul.f32 v50, v49  }
0x4c2: {  	v43 =	vmul.f32 v45, v43;
	v57 =	vld [tilespmem:s11+$0x30];
	v25 =	vmul.f32 v61, v46  }
0x4c3: {  	v37 =	vmul.f32 v40, v37;
	v58 =	vld [tilespmem:s11+$0xB0];
	v27 =	vmul.f32 v62, v41;
	v38 =	vadd.f32 v55, v54  }
0x4c4: {  	v59 =	vld [tilespmem:s11+$0x40];
	v28 =	vmul.f32 v29, v28;
	v60 =	vmul.f32 v63, v30;
	v25 =	vadd.f32 v25, v43  }
0x4c5: {  	v24 =	vmul.f32 v53, v24;
	v62 =	vld [tilespmem:s11+$0xC0];
	v27 =	vadd.f32 v27, v37;
	v61 =	vadd.f32 v51, v38  }
0x4c6: {  	v63 =	vld [tilespmem:s11+$0x50];
	v19 =	vmul.f32 v56, v19;
	v28 =	vadd.f32 v60, v28;
	v25 =	vadd.f32 v52, v25  }
0x4c7: {  	v36 =	vld [tilespmem:s11+$0xD0];
	v16 =	vmul.f32 v57, v16;
	v24 =	vadd.f32 v24, v27;
	v35 =	vadd.f32 v31, v61  }
0x4c8: {  	v14 =	vmul.f32 v58, v14;
	v37 =	vld [tilespmem:s11+$0x60];
	v19 =	vadd.f32 v19, v28;
	v25 =	vadd.f32 v32, v25  }
0x4c9: {  	v13 =	vmul.f32 v59, v13;
	v38 =	vld [tilespmem:s11+$0xE0];
	v16 =	vadd.f32 v16, v24;
	v20 =	vadd.f32 v20, v35  }
0x4ca: {  	v39 =	vld [tilespmem:s11+$0x70];
	v12 =	vmul.f32 v62, v12;
	v14 =	vadd.f32 v14, v19;
	v25 =	vadd.f32 v26, v25  }
0x4cb: {  	v41 =	vld [tilespmem:s11+$0xF0];
	v11 =	vmul.f32 v63, v11;
	v13 =	vadd.f32 v13, v16;
	v40 =	vadd.f32 v23, v20  }
0x4cc: {  	v10 =	vmul.f32 v36, v10;
	v12 =	vadd.f32 v12, v14;
	v18 =	vadd.f32 v18, v25  }
0x4cd: {  	v9 =	vmul.f32 v37, v9;
	v11 =	vadd.f32 v11, v13;
	v42 =	vadd.f32 v21, v40  }
0x4ce: {  	v6 =	vmul.f32 v38, v6;
	v10 =	vadd.f32 v10, v12;
	v43 =	vadd.f32 v22, v18  }
0x4cf: {  	v7 =	vmul.f32 v39, v7;
	v9 =	vadd.f32 v9, v11;
	v44 =	vadd.f32 v17, v42  }
0x4d0: {  	v5 =	vmul.f32 v41, v5;
	v6 =	vadd.f32 v6, v10;
	v45 =	vadd.f32 v15, v43  }
0x4d1: {  	v7 =	vadd.f32 v7, v9;
	v46 =	vperm.xlane v44, v0  }
0x4d2: {  	v5 =	vadd.f32 v5, v6;
	v47 =	vperm.xlane v45, v0  }
0x4d3: {  	v48 =	vperm.xlane v7, v0;
	v6 =	vadd.f32 v44, v46  }
0x4d4: {  	v49 =	vperm.xlane v5, v0;
	v9 =	vadd.f32 v45, v47  }
0x4d5: {  	v7 =	vadd.f32 v7, v48;
	v12 =	vperm.xlane v6, v1  }
0x4d6: {  	v5 =	vadd.f32 v5, v49;
	v50 =	vperm.xlane v9, v1  }
0x4d7: {  	v51 =	vperm.xlane v7, v1;
	v6 =	vadd.f32 v6, v12  }
0x4d8: {  	v52 =	vperm.xlane v5, v1;
	v9 =	vadd.f32 v9, v50  }
0x4d9: {  	v7 =	vadd.f32 v7, v51;
	v12 =	vperm.xlane v6, v2  }
0x4da: {  	v5 =	vadd.f32 v5, v52;
	v53 =	vperm.xlane v9, v2  }
0x4db: {  	v54 =	vperm.xlane v7, v2;
	v6 =	vadd.f32 v6, v12  }
0x4dc: {  	s13 =	sadd.s32 $0x3, s10;
	v56 =	vmov s10;
	v55 =	vperm.xlane v5, v2;
	v9 =	vadd.f32 v9, v53  }
0x4dd: {  	v58 =	vmov s13;
	v7 =	vadd.f32 v7, v54;
	v57 =	vperm.xlane v6, v3  }
0x4de: {  	s12 =	sadd.s32 $0x2, s10;
	vm0 =	veq.s32 v56, v4;
	v5 =	vadd.f32 v5, v55;
	v59 =	vperm.xlane v9, v3  }
0x4df: {  	s14 =	sadd.s32 $0x1, s10;
	s15 =	sshll.u32 s7, $0x4;
	s7 =	sadd.s32 $0x1, s7;
	v60 =	vmov s12;
	v61 =	vperm.xlane v7, v3;
	v6 =	vadd.f32 v6, v57  }
0x4e0: {  	p0 =	sne.s32 s7, $0x19;
	v63 =	vmov s14;
	v62 =	vperm.xlane v5, v3;
	v9 =	vadd.f32 v9, v59  }
.Ltmp13:
0x4e1: {  	vm13 =	veq.s32 v63, v4;
	v7 =	vadd.f32 v7, v61;
	v6 =	vsel vm0, v6, v8;
	(pc) =	sbr.rel @p0 .LBB2_26-.Ltmp13, $4  }
0x4e2: {  	vm14 =	veq.s32 v60, v4;
	v5 =	vadd.f32 v5, v62;
	v6 =	vsel vm13, v9, v6  }
0x4e3: {  	vm15 =	veq.s32 v58, v4;
	v6 =	vsel vm14, v7, v6  }
0x4e4: {  	s10 =	sand.u32 $0x3FFFFFF0, s15;
	v5 =	vsel vm15, v5, v6  }
0x4e5: {  	s8 =	sadd.s32 $0x800, s8;
	s9 =	sadd.s32 $0x800, s9;
	[tilespmem:s10+$0x19400] =	vst v5  }
0x4e6: {  	s7 =	simm.s32 $0x0  }
0x4e7: {  	[hbm4b:s22+s7] =	stream.linear.scatter [tilespmem:s5], [sflag:$0x3], $0x190, $0x38;
	[tilespmem:$0x19600] =	vst v63  }
0x4e8: {  	_ =	swait.ge [sflag:s30], $0x190  }
0x4e9: {  	[sflag:s30] =	ssyncset.done $0x0  }
0x4ea: {  	[sflag:s30] =	ssyncadd.s32 $0xFFFFFE70  }
0x4eb: {  	[tilespmem:s7], [sflag:$0x3] =	stream.linear.gather [hbm4b:s23+s7], $0x190, $0x38;
	[tilespmem:$0x19600] =	vst v63  }
0x4ec: {  	_ =	swait.ge [sflag:s30], $0x190  }
0x4ed: {  	[sflag:s30] =	ssyncset.done $0x0  }
0x4ee: {  	[sflag:s30] =	ssyncadd.s32 $0xFFFFFE70  }
0x4ef: {  	[tilespmem:s31], [sflag:$0x3] =	stream.linear.gather [hbm4b:s25+s7], $0x190, $0x38;
	[tilespmem:$0x19600] =	vst v63  }
0x4f0: {  	_ =	swait.ge [sflag:s30], $0x190  }
0x4f1: {  	[sflag:s30] =	ssyncset.done $0x0  }
0x4f2: {  	[sflag:s30] =	ssyncadd.s32 $0xFFFFFE70  }
0x4f3: {  	[tilespmem:s0], [sflag:$0x1] =	stream.indirect.gather [hbm4b:s28+s24], $0x80, s7, s24, $0xb8;
	[tilespmem:$0x19600] =	vst v63  }
0x4f4: {  	_ = 	snop  }
0x4f5: {  	[tilespmem:s2], [sflag:$0x2] =	stream.indirect.gather [hbm4b:s28+s24], $0x80, s31, s24, $0xb8;
	[tilespmem:$0x19600] =	vst v63  }
0x4f6: {  	_ =	swait.ge [sflag:s3], $0xC800  }
0x4f7: {  	[sflag:s3] =	ssyncset.done $0x0  }
0x4f8: {  	[sflag:s3] =	ssyncadd.s32 $0xFFFF3800  }
0x4f9: {  	_ =	swait.ge [sflag:s4], $0xC800  }
0x4fa: {  	[sflag:s4] =	ssyncset.done $0x0  }
0x4fb: {  	s8 =	simm.s32 $0x500;
	s9 =	simm.s32 $0xCD00;
	[sflag:s4] =	ssyncadd.s32 $0xFFFF3800  }
.LBB2_30:
0x4fc: {  	v5 =	vld [tilespmem:s8+$0xF0]  }
0x4fd: {  	v7 =	vld [tilespmem:s8+$0x70]  }
0x4fe: {  	v8 =	vld [tilespmem:s8+$0xFFFFFFF0]  }
0x4ff: {  	v15 =	vld [tilespmem:s9+$0xFFFFFFF0]  }
0x500: {  	v6 =	vld [tilespmem:s8+$0xE0]  }
0x501: {  	v17 =	vld [tilespmem:s8+$0xFFFFFF70]  }
0x502: {  	v21 =	vld [tilespmem:s9+$0xFFFFFF70]  }
0x503: {  	v9 =	vld [tilespmem:s8+$0x60]  }
0x504: {  	v22 =	vld [tilespmem:s8+$0xFFFFFFE0]  }
0x505: {  	v51 =	vld [tilespmem:s9+$0xFFFFFFE0]  }
0x506: {  	v10 =	vld [tilespmem:s8+$0xD0]  }
0x507: {  	v52 =	vld [tilespmem:s8+$0xFFFFFF60]  }
0x508: {  	v53 =	vld [tilespmem:s9+$0xFFFFFF60]  }
0x509: {  	v11 =	vld [tilespmem:s8+$0x50]  }
0x50a: {  	v18 =	vld [tilespmem:s8+$0xFFFFFFD0]  }
0x50b: {  	v20 =	vld [tilespmem:s9+$0xFFFFFFD0]  }
0x50c: {  	v12 =	vld [tilespmem:s8+$0xC0]  }
0x50d: {  	v23 =	vld [tilespmem:s8+$0xFFFFFF50]  }
0x50e: {  	v25 =	vld [tilespmem:s9+$0xFFFFFF50]  }
0x50f: {  	v13 =	vld [tilespmem:s8+$0x40]  }
0x510: {  	v26 =	vld [tilespmem:s8+$0xFFFFFFC0]  }
0x511: {  	v27 =	vld [tilespmem:s9+$0xFFFFFFC0]  }
0x512: {  	v14 =	vld [tilespmem:s8+$0xB0]  }
0x513: {  	v31 =	vld [tilespmem:s8+$0xFFFFFF40]  }
0x514: {  	v33 =	vld [tilespmem:s9+$0xFFFFFF40]  }
0x515: {  	v16 =	vld [tilespmem:s8+$0x30]  }
0x516: {  	v32 =	vld [tilespmem:s8+$0xFFFFFFB0]  }
0x517: {  	v34 =	vld [tilespmem:s9+$0xFFFFFFB0]  }
0x518: {  	v19 =	vld [tilespmem:s8+$0xA0]  }
0x519: {  	v35 =	vld [tilespmem:s8+$0xFFFFFF30]  }
0x51a: {  	v38 =	vld [tilespmem:s9+$0xFFFFFF30]  }
0x51b: {  	v24 =	vld [tilespmem:s8+$0x20]  }
0x51c: {  	v36 =	vld [tilespmem:s8+$0xFFFFFFA0]  }
0x51d: {  	v39 =	vld [tilespmem:s9+$0xFFFFFFA0]  }
0x51e: {  	v28 =	vld [tilespmem:s8+$0x80]  }
0x51f: {  	v29 =	vld [tilespmem:s9+$0x80]  }
0x520: {  	v30 =	vld [tilespmem:s8+$0x90]  }
0x521: {  	v42 =	vld [tilespmem:s8+$0xFFFFFF20]  }
0x522: {  	v44 =	vld [tilespmem:s9+$0xFFFFFF20]  }
0x523: {  	v37 =	vld [tilespmem:s8+$0x0]  }
0x524: {  	v40 =	vld [tilespmem:s9+$0x0]  }
0x525: {  	v41 =	vld [tilespmem:s8+$0x10]  }
0x526: {  	v43 =	vld [tilespmem:s8+$0xFFFFFF80]  }
0x527: {  	v45 =	vld [tilespmem:s9+$0xFFFFFF80]  }
0x528: {  	v46 =	vld [tilespmem:s8+$0xFFFFFF90]  }
0x529: {  	v47 =	vld [tilespmem:s8+$0xFFFFFF00]  }
0x52a: {  	v48 =	vld [tilespmem:s9+$0xFFFFFF00]  }
0x52b: {  	v49 =	vld [tilespmem:s8+$0xFFFFFF10];
	s12 =	simm.s32 $0x4;
	v17 =	vmul.f32 v21, v17;
	v15 =	vmul.f32 v15, v8  }
0x52c: {  	v50 =	vld [tilespmem:s9+$0xFFFFFF10];
	s11 =	smov.u32 s9;
	s13 =	smov.u32 s8;
	s10 =	simm.s32 $0x0;
	v8 =	vimm.f32 $0.0e+00;
	v21 =	vmul.f32 v53, v52;
	v22 =	vmul.f32 v51, v22  }
.LBB2_31:
0x52d: {  	p0 =	sne.s32 s12, $0xC;
	v23 =	vmul.f32 v25, v23;
	v25 =	vld [tilespmem:s11+$0xFFFFFF90];
	v18 =	vmul.f32 v20, v18  }
0x52e: {  	v20 =	vmul.f32 v33, v31;
	v26 =	vmul.f32 v27, v26;
	v27 =	vld [tilespmem:s11+$0x10]  }
0x52f: {  	v31 =	vmul.f32 v38, v35;
	v32 =	vmul.f32 v34, v32;
	v33 =	vld [tilespmem:s11+$0x90]  }
0x530: {  	v34 =	vmul.f32 v44, v42;
	v35 =	vmul.f32 v39, v36;
	v36 =	vld [tilespmem:s11+$0x20]  }
0x531: {  	v38 =	vmul.f32 v48, v47;
	v39 =	vmul.f32 v50, v49;
	v42 =	vld [tilespmem:s11+$0xA0]  }
0x532: {  	v43 =	vmul.f32 v45, v43;
	v25 =	vmul.f32 v25, v46;
	v44 =	vld [tilespmem:s11+$0x30]  }
0x533: {  	v37 =	vmul.f32 v40, v37;
	v38 =	vadd.f32 v39, v38;
	v27 =	vmul.f32 v27, v41;
	v39 =	vld [tilespmem:s11+$0xB0]  }
0x534: {  	v28 =	vmul.f32 v29, v28;
	v25 =	vadd.f32 v25, v43;
	v40 =	vld [tilespmem:s11+$0x40];
	v29 =	vmul.f32 v33, v30  }
0x535: {  	v30 =	vadd.f32 v34, v38;
	v27 =	vadd.f32 v27, v37;
	v24 =	vmul.f32 v36, v24;
	v33 =	vld [tilespmem:s11+$0xC0]  }
0x536: {  	v25 =	vadd.f32 v35, v25;
	v34 =	vld [tilespmem:s11+$0x50];
	v28 =	vadd.f32 v29, v28;
	v19 =	vmul.f32 v42, v19  }
0x537: {  	v29 =	vadd.f32 v31, v30;
	v24 =	vadd.f32 v24, v27;
	v16 =	vmul.f32 v44, v16;
	v27 =	vld [tilespmem:s11+$0xD0]  }
0x538: {  	v25 =	vadd.f32 v32, v25;
	v30 =	vld [tilespmem:s11+$0x60];
	v19 =	vadd.f32 v19, v28;
	v14 =	vmul.f32 v39, v14  }
0x539: {  	v20 =	vadd.f32 v20, v29;
	v16 =	vadd.f32 v16, v24;
	v13 =	vmul.f32 v40, v13;
	v24 =	vld [tilespmem:s11+$0xE0]  }
0x53a: {  	v25 =	vadd.f32 v26, v25;
	v26 =	vld [tilespmem:s11+$0x70];
	v14 =	vadd.f32 v14, v19;
	v12 =	vmul.f32 v33, v12  }
0x53b: {  	s13 =	sadd.s32 $0x200, s13;
	v19 =	vadd.f32 v23, v20;
	v13 =	vadd.f32 v13, v16;
	v11 =	vmul.f32 v34, v11;
	v16 =	vld [tilespmem:s11+$0xF0]  }
0x53c: {  	v20 =	vld [tilespmem:s13+$0xF0];
	v18 =	vadd.f32 v18, v25;
	v12 =	vadd.f32 v12, v14;
	v10 =	vmul.f32 v27, v10  }
0x53d: {  	v14 =	vld [tilespmem:s13+$0x70];
	v19 =	vadd.f32 v21, v19;
	v11 =	vadd.f32 v11, v13;
	v9 =	vmul.f32 v30, v9  }
0x53e: {  	s11 =	sadd.s32 $0x200, s11;
	v21 =	vld [tilespmem:s13+$0xFFFFFFF0];
	v13 =	vadd.f32 v22, v18;
	v10 =	vadd.f32 v10, v12;
	v12 =	vmul.f32 v24, v6  }
0x53f: {  	v22 =	vld [tilespmem:s11+$0xFFFFFFF0];
	v18 =	vadd.f32 v17, v19;
	v9 =	vadd.f32 v9, v11;
	v23 =	vmul.f32 v26, v7  }
0x540: {  	v6 =	vld [tilespmem:s13+$0xE0];
	v11 =	vadd.f32 v15, v13;
	v10 =	vadd.f32 v12, v10;
	v12 =	vmul.f32 v16, v5  }
0x541: {  	v15 =	vld [tilespmem:s13+$0xFFFFFF70];
	v13 =	vperm.xlane v18, v0;
	v16 =	vadd.f32 v23, v9;
	v5 =	vmov v20  }
0x542: {  	v17 =	vld [tilespmem:s11+$0xFFFFFF70];
	v19 =	vperm.xlane v11, v0;
	v12 =	vadd.f32 v12, v10;
	v7 =	vmov v14  }
0x543: {  	v9 =	vld [tilespmem:s13+$0x60];
	v13 =	vadd.f32 v18, v13;
	v10 =	vperm.xlane v16, v0  }
0x544: {  	v51 =	vld [tilespmem:s13+$0xFFFFFFE0];
	v11 =	vadd.f32 v11, v19;
	v14 =	vperm.xlane v12, v0  }
0x545: {  	v52 =	vld [tilespmem:s11+$0xFFFFFFE0];
	v18 =	vperm.xlane v13, v1;
	v16 =	vadd.f32 v16, v10  }
0x546: {  	v10 =	vld [tilespmem:s13+$0xD0];
	v19 =	vperm.xlane v11, v1;
	v12 =	vadd.f32 v12, v14  }
0x547: {  	v53 =	vld [tilespmem:s13+$0xFFFFFF60];
	v13 =	vadd.f32 v13, v18;
	v14 =	vperm.xlane v16, v1  }
0x548: {  	v54 =	vld [tilespmem:s11+$0xFFFFFF60];
	v19 =	vadd.f32 v11, v19;
	v20 =	vperm.xlane v12, v1  }
0x549: {  	v11 =	vld [tilespmem:s13+$0x50];
	v23 =	vperm.xlane v13, v2;
	v14 =	vadd.f32 v16, v14  }
0x54a: {  	v18 =	vld [tilespmem:s13+$0xFFFFFFD0];
	v16 =	vperm.xlane v19, v2;
	v24 =	vadd.f32 v12, v20  }
0x54b: {  	v20 =	vld [tilespmem:s11+$0xFFFFFFD0];
	v26 =	vadd.f32 v13, v23;
	v13 =	vperm.xlane v14, v2  }
0x54c: {  	s14 =	sadd.s32 $0x3, s10;
	v27 =	vmov s10;
	v12 =	vld [tilespmem:s13+$0xC0];
	v16 =	vadd.f32 v19, v16;
	v19 =	vperm.xlane v24, v2  }
0x54d: {  	s15 =	sadd.s32 $0x2, s10;
	v29 =	vmov s14;
	v23 =	vld [tilespmem:s13+$0xFFFFFF50];
	v28 =	vperm.xlane v26, v3;
	v14 =	vadd.f32 v14, v13  }
0x54e: {  	v25 =	vld [tilespmem:s11+$0xFFFFFF50];
	v30 =	vperm.xlane v16, v3;
	v19 =	vadd.f32 v24, v19;
	v24 =	vmov s15  }
0x54f: {  	s14 =	sadd.s32 $0x1, s10;
	s10 =	smov.u32 s12;
	vm0 =	veq.s32 v27, v4;
	v13 =	vld [tilespmem:s13+$0x40];
	v28 =	vadd.f32 v26, v28;
	v31 =	vperm.xlane v14, v3  }
0x550: {  	v32 =	vmov s14;
	v26 =	vld [tilespmem:s13+$0xFFFFFFC0];
	v16 =	vadd.f32 v16, v30;
	v30 =	vperm.xlane v19, v3  }
0x551: {  	v27 =	vld [tilespmem:s11+$0xFFFFFFC0];
	v33 =	vadd.f32 v14, v31;
	v8 =	vsel vm0, v28, v8;
	vm0 =	veq.s32 v32, v4  }
0x552: {  	v14 =	vld [tilespmem:s13+$0xB0];
	v19 =	vadd.f32 v19, v30;
	v8 =	vsel vm0, v16, v8;
	vm0 =	veq.s32 v24, v4  }
0x553: {  	v31 =	vld [tilespmem:s13+$0xFFFFFF40];
	v8 =	vsel vm0, v33, v8;
	vm0 =	veq.s32 v29, v4  }
0x554: {  	v33 =	vld [tilespmem:s11+$0xFFFFFF40];
	v8 =	vsel vm0, v19, v8  }
0x555: {  	v16 =	vld [tilespmem:s13+$0x30]  }
0x556: {  	v32 =	vld [tilespmem:s13+$0xFFFFFFB0]  }
0x557: {  	v34 =	vld [tilespmem:s11+$0xFFFFFFB0]  }
0x558: {  	v19 =	vld [tilespmem:s13+$0xA0]  }
0x559: {  	v35 =	vld [tilespmem:s13+$0xFFFFFF30]  }
0x55a: {  	v38 =	vld [tilespmem:s11+$0xFFFFFF30]  }
0x55b: {  	v24 =	vld [tilespmem:s13+$0x20]  }
0x55c: {  	v36 =	vld [tilespmem:s13+$0xFFFFFFA0]  }
0x55d: {  	v39 =	vld [tilespmem:s11+$0xFFFFFFA0]  }
0x55e: {  	v28 =	vld [tilespmem:s13+$0x80]  }
0x55f: {  	v29 =	vld [tilespmem:s11+$0x80]  }
0x560: {  	v30 =	vld [tilespmem:s13+$0x90]  }
0x561: {  	v42 =	vld [tilespmem:s13+$0xFFFFFF20]  }
0x562: {  	v44 =	vld [tilespmem:s11+$0xFFFFFF20]  }
0x563: {  	v37 =	vld [tilespmem:s13+$0x0]  }
0x564: {  	v40 =	vld [tilespmem:s11+$0x0]  }
0x565: {  	v41 =	vld [tilespmem:s13+$0x10]  }
0x566: {  	v43 =	vld [tilespmem:s13+$0xFFFFFF80]  }
0x567: {  	v45 =	vld [tilespmem:s11+$0xFFFFFF80]  }
.Ltmp14:
0x568: {  	v46 =	vld [tilespmem:s13+$0xFFFFFF90];
	(pc) =	sbr.rel @p0 .LBB2_31-.Ltmp14, $4  }
0x569: {  	v47 =	vld [tilespmem:s13+$0xFFFFFF00]  }
0x56a: {  	v48 =	vld [tilespmem:s11+$0xFFFFFF00]  }
0x56b: {  	v17 =	vmul.f32 v17, v15;
	v15 =	vmul.f32 v22, v21;
	v49 =	vld [tilespmem:s13+$0xFFFFFF10]  }
0x56c: {  	s12 =	sadd.s32 $0x4, s12;
	v22 =	vmul.f32 v52, v51;
	v21 =	vmul.f32 v54, v53;
	v50 =	vld [tilespmem:s11+$0xFFFFFF10]  }
0x56d: {  	v23 =	vmul.f32 v25, v23;
	v61 =	vld [tilespmem:s11+$0xFFFFFF90];
	v18 =	vmul.f32 v20, v18  }
0x56e: {  	v20 =	vmul.f32 v33, v31;
	v26 =	vmul.f32 v27, v26;
	v62 =	vld [tilespmem:s11+$0x10]  }
0x56f: {  	v31 =	vmul.f32 v38, v35;
	v32 =	vmul.f32 v34, v32;
	v63 =	vld [tilespmem:s11+$0x90]  }
0x570: {  	v51 =	vmul.f32 v44, v42;
	v52 =	vmul.f32 v39, v36;
	v53 =	vld [tilespmem:s11+$0x20]  }
0x571: {  	v56 =	vld [tilespmem:s11+$0xA0];
	v54 =	vmul.f32 v48, v47;
	v55 =	vmul.f32 v50, v49  }
0x572: {  	v43 =	vmul.f32 v45, v43;
	v57 =	vld [tilespmem:s11+$0x30];
	v25 =	vmul.f32 v61, v46  }
0x573: {  	v37 =	vmul.f32 v40, v37;
	v58 =	vld [tilespmem:s11+$0xB0];
	v27 =	vmul.f32 v62, v41;
	v38 =	vadd.f32 v55, v54  }
0x574: {  	v59 =	vld [tilespmem:s11+$0x40];
	v28 =	vmul.f32 v29, v28;
	v60 =	vmul.f32 v63, v30;
	v25 =	vadd.f32 v25, v43  }
0x575: {  	v24 =	vmul.f32 v53, v24;
	v62 =	vld [tilespmem:s11+$0xC0];
	v27 =	vadd.f32 v27, v37;
	v61 =	vadd.f32 v51, v38  }
0x576: {  	v63 =	vld [tilespmem:s11+$0x50];
	v19 =	vmul.f32 v56, v19;
	v28 =	vadd.f32 v60, v28;
	v25 =	vadd.f32 v52, v25  }
0x577: {  	v36 =	vld [tilespmem:s11+$0xD0];
	v16 =	vmul.f32 v57, v16;
	v24 =	vadd.f32 v24, v27;
	v35 =	vadd.f32 v31, v61  }
0x578: {  	v14 =	vmul.f32 v58, v14;
	v37 =	vld [tilespmem:s11+$0x60];
	v19 =	vadd.f32 v19, v28;
	v25 =	vadd.f32 v32, v25  }
0x579: {  	v13 =	vmul.f32 v59, v13;
	v38 =	vld [tilespmem:s11+$0xE0];
	v16 =	vadd.f32 v16, v24;
	v20 =	vadd.f32 v20, v35  }
0x57a: {  	v39 =	vld [tilespmem:s11+$0x70];
	v12 =	vmul.f32 v62, v12;
	v14 =	vadd.f32 v14, v19;
	v25 =	vadd.f32 v26, v25  }
0x57b: {  	v41 =	vld [tilespmem:s11+$0xF0];
	v11 =	vmul.f32 v63, v11;
	v13 =	vadd.f32 v13, v16;
	v40 =	vadd.f32 v23, v20  }
0x57c: {  	v10 =	vmul.f32 v36, v10;
	v12 =	vadd.f32 v12, v14;
	v18 =	vadd.f32 v18, v25  }
0x57d: {  	v9 =	vmul.f32 v37, v9;
	v11 =	vadd.f32 v11, v13;
	v42 =	vadd.f32 v21, v40  }
0x57e: {  	v6 =	vmul.f32 v38, v6;
	v10 =	vadd.f32 v10, v12;
	v43 =	vadd.f32 v22, v18  }
0x57f: {  	v7 =	vmul.f32 v39, v7;
	v9 =	vadd.f32 v9, v11;
	v44 =	vadd.f32 v17, v42  }
0x580: {  	v5 =	vmul.f32 v41, v5;
	v6 =	vadd.f32 v6, v10;
	v45 =	vadd.f32 v15, v43  }
0x581: {  	v7 =	vadd.f32 v7, v9;
	v46 =	vperm.xlane v44, v0  }
0x582: {  	v5 =	vadd.f32 v5, v6;
	v47 =	vperm.xlane v45, v0  }
0x583: {  	v48 =	vperm.xlane v7, v0;
	v6 =	vadd.f32 v44, v46  }
0x584: {  	v49 =	vperm.xlane v5, v0;
	v9 =	vadd.f32 v45, v47  }
0x585: {  	v7 =	vadd.f32 v7, v48;
	v12 =	vperm.xlane v6, v1  }
0x586: {  	v5 =	vadd.f32 v5, v49;
	v50 =	vperm.xlane v9, v1  }
0x587: {  	v51 =	vperm.xlane v7, v1;
	v6 =	vadd.f32 v6, v12  }
0x588: {  	v52 =	vperm.xlane v5, v1;
	v9 =	vadd.f32 v9, v50  }
0x589: {  	v7 =	vadd.f32 v7, v51;
	v12 =	vperm.xlane v6, v2  }
0x58a: {  	v5 =	vadd.f32 v5, v52;
	v53 =	vperm.xlane v9, v2  }
0x58b: {  	v54 =	vperm.xlane v7, v2;
	v6 =	vadd.f32 v6, v12  }
0x58c: {  	s13 =	sadd.s32 $0x3, s10;
	v56 =	vmov s10;
	v55 =	vperm.xlane v5, v2;
	v9 =	vadd.f32 v9, v53  }
0x58d: {  	v58 =	vmov s13;
	v7 =	vadd.f32 v7, v54;
	v57 =	vperm.xlane v6, v3  }
0x58e: {  	s12 =	sadd.s32 $0x2, s10;
	vm0 =	veq.s32 v56, v4;
	v5 =	vadd.f32 v5, v55;
	v59 =	vperm.xlane v9, v3  }
0x58f: {  	s14 =	sadd.s32 $0x1, s10;
	s15 =	sshll.u32 s7, $0x4;
	s7 =	sadd.s32 $0x1, s7;
	v60 =	vmov s12;
	v61 =	vperm.xlane v7, v3;
	v6 =	vadd.f32 v6, v57  }
0x590: {  	p0 =	sne.s32 s7, $0x19;
	v63 =	vmov s14;
	v62 =	vperm.xlane v5, v3;
	v9 =	vadd.f32 v9, v59  }
.Ltmp15:
0x591: {  	vm13 =	veq.s32 v63, v4;
	v7 =	vadd.f32 v7, v61;
	v6 =	vsel vm0, v6, v8;
	(pc) =	sbr.rel @p0 .LBB2_30-.Ltmp15, $4  }
0x592: {  	vm14 =	veq.s32 v60, v4;
	v5 =	vadd.f32 v5, v62;
	v6 =	vsel vm13, v9, v6  }
0x593: {  	vm15 =	veq.s32 v58, v4;
	v6 =	vsel vm14, v7, v6  }
0x594: {  	s10 =	sand.u32 $0x3FFFFFF0, s15;
	v5 =	vsel vm15, v5, v6  }
0x595: {  	s8 =	sadd.s32 $0x800, s8;
	s9 =	sadd.s32 $0x800, s9;
	[tilespmem:s10+$0x19400] =	vst v5  }
0x596: {  	s6 =	sadd.s32 $0x1, s6  }
0x597: {  	p0 =	sne.s32 s6, s29  }
.Ltmp16:
0x598: {  	_ = 	snop;
	(pc) =	sbr.rel @p0 .LBB2_1-.Ltmp16, $4  }
0x599: {  	[hbm4b:s26+s1] =	stream.linear.scatter [tilespmem:s5], [sflag:$0x3], $0x190, $0x38;
	[tilespmem:$0x19600] =	vst v63  }
0x59a: {  	_ =	swait.ge [sflag:s30], $0x190  }
0x59b: {  	[sflag:s30] =	ssyncset.done $0x0  }
0x59c: {  	[sflag:s30] =	ssyncadd.s32 $0xFFFFFE70  }
0x59d: {  	_ =	sfence.sel $0x180000  }
0x59e: {  	[bflag:$0x0] =	sbarrier.arrive $0xFFFF  }
0x59f: {  	_ =	strace $0x90000047  }
0x5a0: {  	s0 =	stileid.u32;
	[bflag:$0x2] =	sbarrier.arrive $0xFFFF  }
0x5a1: {  	p0 =	sne.s32 s0, $0x0;
	s0 =	rddreg [dreg:$0x1]  }
0x5a2: {  	s0 =	sadd.s32 @!p0 $0x100000, s0  }
0x5a3: {  	[sflag:s0] =	ssyncadd.tile.s32 @!p0 $0x1;
	_ =	shalt  }
.Lfunc_end2:
_tile_overlayer_lowered:
.L_overlay_start_2:
0x5a4: {  	(tag) =	ssettag $0x2  }
0x5a5: {  	s0 =	rddreg [dreg:$0x0];
	s2 =	stileid.u32  }
0x5a6: {  	s1 =	rddreg [dreg:$0x1];
	p0 =	sne.s32 s2, $0x0  }
0x5a7: {  	s3 =	rddreg [dreg:$0x2];
	[bflag:$0x3] =	sbarrier.arrive $0xFFFF;
	s2 =	simm.s32 @!p0 $0x1C03  }
0x5a8: {  	[timem:s3], [sflag:s2] =	dma.local @!p0 [hbm:s0], s1  }
0x5a9: {  	s0 =	simm.s32 @!p0 $0x3  }
0x5aa: {  	_ =	swait.ge @!p0 [sflag:s0], s1  }
0x5ab: {  	s1 =	ssub.s32 @!p0 $0x0, s1;
	[sflag:s0] =	ssyncset.done @!p0 $0x0  }
0x5ac: {  	[sflag:s0] =	ssyncadd.s32 @!p0 s1  }
0x5ad: {  	[bflag:$0x3] =	sbarrier.arrive $0xFFFF  }
0x5ae: {  	_ =	shalt  }

</sc_bundles>
